<compile_context>
chip_gen: v7x
topology: tpu7x:2x2x1
jax: 0.10.2.dev20260603
libtpu: 0.0.44.dev20260713+nightly
codegen_flags: <defaults>
</compile_context>

<pallas_src>
import jax
import jax.numpy as jnp
from jax import lax
from jax.experimental import pallas as pl
from jax.experimental.pallas import tpu as pltpu
from jax.experimental.pallas import tpu_sc as plsc

B = 16384
S = 64
T = 64
NW = 32
PER_W = B // NW
CHUNK_A = 64
NCHUNK_A = PER_W // CHUNK_A
CHUNK = 32
NCHUNK = PER_W // CHUNK
NGROUP = CHUNK // 16
NPAIR = NCHUNK // 2

_C3 = -0.16666667
_C5 = 8.3333333e-3
_C7 = -1.9841270e-4
_C9 = 2.7557319e-6


def _sin(x):
    x2 = x * x
    q = _C9
    q = q * x2 + _C7
    q = q * x2 + _C5
    q = q * x2 + _C3
    return x * (1.0 + x2 * q)


def _sqrt(x):
    i = plsc.bitcast(x, jnp.int32)
    i = 0x5F3759DF - lax.shift_right_logical(i, 1)
    y = plsc.bitcast(i, jnp.float32)
    y = y * (1.5 - 0.5 * x * y * y)
    y = y * (1.5 - 0.5 * x * y * y)
    y = y * (1.5 - 0.5 * x * y * y)
    return x * y


def _body_a(r1_h, r2_h, p2_h, re_h, ab_h,
            i1_v, i2_v, p2_v, r1r, r2r, abv, sem):
    wid = lax.axis_index("s") * 2 + lax.axis_index("c")
    base = wid * PER_W

    pltpu.sync_copy(r1_h.at[pl.ds(base, PER_W)], i1_v)
    pltpu.sync_copy(r2_h.at[pl.ds(base, PER_W)], i2_v)
    pltpu.sync_copy(p2_h, p2_v)
    p2 = p2_v[...]

    for c in range(NCHUNK_A):
        o = c * CHUNK_A
        cp1 = pltpu.async_copy(re_h.at[i1_v.at[pl.ds(o, CHUNK_A)]], r1r, sem)
        cp2 = pltpu.async_copy(re_h.at[i2_v.at[pl.ds(o, CHUNK_A)]], r2r, sem)
        cp1.wait()
        cp2.wait()

        def row_step(r, _):
            for j in range(8):
                abv[r, pl.ds(j * 16, 16)] = (
                    r1r[r, pl.ds(j * 16, 16)]
                    + p2 * r2r[r, pl.ds(j * 16, 16)])
            return 0

        lax.fori_loop(0, CHUNK_A, row_step, 0)
        pltpu.sync_copy(abv, ab_h.at[pl.ds(base + o, CHUNK_A), :])


def _body_b(r3_h, years_h, months_h, days_h, p3_h, ab_h,
            ret_h, yf_h, yp_h, ya_h, mf_h, mp_h, ma_h, df_h, dp_h, da_h,
            out_h,
            i3_v, yrs_v, mos_v, dys_v, p3_v, out_v,
            abr, r3r, yfr, ypr, yar, mfr, mpr, mar, dfr, dpr, dar,
            abrB, r3rB, yfrB, yprB, yarB, mfrB, mprB, marB, dfrB, dprB, darB,
            sem, sem2, semB, sem2B):
    wid = lax.axis_index("s") * 2 + lax.axis_index("c")
    base = wid * PER_W

    pltpu.sync_copy(r3_h.at[pl.ds(base, PER_W)], i3_v)
    pltpu.sync_copy(years_h.at[pl.ds(base, PER_W)], yrs_v)
    pltpu.sync_copy(months_h.at[pl.ds(base, PER_W)], mos_v)
    pltpu.sync_copy(days_h.at[pl.ds(base, PER_W)], dys_v)
    pltpu.sync_copy(p3_h, p3_v)

    p3 = p3_v[...]
    biota = lax.iota(jnp.int32, 16)
    zf = jnp.zeros((16,), jnp.float32)

    sets = [
        dict(abr=abr, sem=sem, sem2=sem2,
             narrow=[(ret_h, r3r), (yf_h, yfr), (yp_h, ypr), (ya_h, yar),
                     (mf_h, mfr), (mp_h, mpr), (ma_h, mar),
                     (df_h, dfr), (dp_h, dpr), (da_h, dar)]),
        dict(abr=abrB, sem=semB, sem2=sem2B,
             narrow=[(ret_h, r3rB), (yf_h, yfrB), (yp_h, yprB), (ya_h, yarB),
                     (mf_h, mfrB), (mp_h, mprB), (ma_h, marB),
                     (df_h, dfrB), (dp_h, dprB), (da_h, darB)]),
    ]

    def fire(c, st):
        o = c * CHUNK
        pltpu.async_copy(ab_h.at[pl.ds(base + o, CHUNK), :], st["abr"],
                         st["sem"])

        def fire_row(r, _):
            g16 = (r // 16) * 16
            vec = i3_v[pl.ds(o + g16, 16)]
            sel = jnp.take_along_axis(vec, biota * 0 + (r - g16), axis=0)
            ridx = sel[0]
            for th, tb in st["narrow"]:
                pltpu.async_copy(th.at[ridx], tb.at[r], st["sem2"])
            return 0

        lax.fori_loop(0, CHUNK, fire_row, 0)

    def drain(st):
        pltpu.make_async_copy(ab_h.at[pl.ds(0, CHUNK), :], st["abr"],
                              st["sem"]).wait()
        for th, tb in st["narrow"]:
            pltpu.make_async_copy(th.at[pl.ds(0, CHUNK)], tb,
                                  st["sem2"]).wait()

    def compute(o, st):
        abr_c = st["abr"]
        (r3r_c, yfr_c, ypr_c, yar_c, mfr_c, mpr_c, mar_c,
         dfr_c, dpr_c, dar_c) = [tb for _, tb in st["narrow"]]

        def group_step(g, _, abr=abr_c, r3r=r3r_c,
                       yfr=yfr_c, ypr=ypr_c, yar=yar_c, mfr=mfr_c,
                       mpr=mpr_c, mar=mar_c, dfr=dfr_c, dpr=dpr_c,
                       dar=dar_c):
            yv16 = yrs_v[pl.ds(o + g * 16, 16)]
            mv16 = mos_v[pl.ds(o + g * 16, 16)]
            dv16 = dys_v[pl.ds(o + g * 16, 16)]

            def estep(e, acc, g=g, yv16=yv16, mv16=mv16, dv16=dv16):
                el = g * 16 + e
                efull = biota * 0 + e
                yt = jnp.take_along_axis(yv16, efull, axis=0)
                mt = jnp.take_along_axis(mv16, efull, axis=0)
                dt = jnp.take_along_axis(dv16, efull, axis=0)
                ss = zf
                for j in range(4):
                    a_lo = abr[el, pl.ds(j * 16, 16)]
                    c_lo = r3r[el, pl.ds(j * 16, 16)]
                    s_lo = a_lo + p3 * c_lo
                    ss = ss + s_lo * s_lo

                    a_hi = abr[el, pl.ds(S + j * 16, 16)]
                    yfv = yfr[el, pl.ds(j * 16, 16)]
                    ypv = ypr[el, pl.ds(j * 16, 16)]
                    yav = yar[el, pl.ds(j * 16, 16)]
                    mfv = mfr[el, pl.ds(j * 16, 16)]
                    mpv = mpr[el, pl.ds(j * 16, 16)]
                    mav = mar[el, pl.ds(j * 16, 16)]
                    dfv = dfr[el, pl.ds(j * 16, 16)]
                    dpv = dpr[el, pl.ds(j * 16, 16)]
                    dav = dar[el, pl.ds(j * 16, 16)]
                    season = (yav * _sin(yfv * yt + ypv)
                              + mav * _sin(mfv * mt + mpv)
                              + dav * _sin(dfv * dt + dpv))
                    s_hi = a_hi + p3 * season
                    ss = ss + s_hi * s_hi
                s = jnp.sum(ss)
                return jnp.where(biota == efull, zf + s, acc)

            acc = lax.fori_loop(0, 16, estep, zf)
            out_v[pl.ds(o + g * 16, 16)] = -_sqrt(acc)
            return 0

        lax.fori_loop(0, NGROUP, group_step, 0)

    fire(0, sets[0])

    def pair_step(p, _):
        c0 = 2 * p
        fire(c0 + 1, sets[1])
        drain(sets[0])
        compute(c0 * CHUNK, sets[0])

        @pl.when(p < NPAIR - 1)
        def _():
            fire(c0 + 2, sets[0])

        drain(sets[1])
        compute((c0 + 1) * CHUNK, sets[1])
        return 0

    lax.fori_loop(0, NPAIR, pair_step, 0)

    pltpu.sync_copy(out_v, out_h.at[pl.ds(base, PER_W)])


_PARAMS = pltpu.CompilerParams(needs_layout_passes=False,
                               use_tc_tiling_on_sc=True)


@jax.jit
def _run(r1, r2, r3, years, months, days, p2b, p3b, ret, re,
         yf, yp, ya, mf, mp, ma, df, dp, da):
    mesh = plsc.VectorSubcoreMesh(core_axis_name="c", subcore_axis_name="s")
    fa = pl.kernel(
        _body_a,
        out_type=jax.ShapeDtypeStruct((B, S + T), jnp.float32),
        mesh=mesh,
        compiler_params=_PARAMS,
        scratch_types=[
            pltpu.VMEM((PER_W,), jnp.int32),
            pltpu.VMEM((PER_W,), jnp.int32),
            pltpu.VMEM((16,), jnp.float32),
            pltpu.VMEM((CHUNK_A, S + T), jnp.float32),
            pltpu.VMEM((CHUNK_A, S + T), jnp.float32),
            pltpu.VMEM((CHUNK_A, S + T), jnp.float32),
            pltpu.SemaphoreType.DMA,
        ],
    )
    ab = fa(r1, r2, p2b, re)

    fb = pl.kernel(
        _body_b,
        out_type=jax.ShapeDtypeStruct((B,), jnp.float32),
        mesh=mesh,
        compiler_params=_PARAMS,
        scratch_types=[
            pltpu.VMEM((PER_W,), jnp.int32),
            pltpu.VMEM((PER_W,), jnp.float32),
            pltpu.VMEM((PER_W,), jnp.float32),
            pltpu.VMEM((PER_W,), jnp.float32),
            pltpu.VMEM((16,), jnp.float32),
            pltpu.VMEM((PER_W,), jnp.float32),
        ] + [
            pltpu.VMEM((CHUNK, S + T), jnp.float32),
            pltpu.VMEM((CHUNK, S), jnp.float32),
        ] + [pltpu.VMEM((CHUNK, T), jnp.float32)] * 9 + [
            pltpu.VMEM((CHUNK, S + T), jnp.float32),
            pltpu.VMEM((CHUNK, S), jnp.float32),
        ] + [pltpu.VMEM((CHUNK, T), jnp.float32)] * 9 + [
            pltpu.SemaphoreType.DMA,
            pltpu.SemaphoreType.DMA,
            pltpu.SemaphoreType.DMA,
            pltpu.SemaphoreType.DMA,
        ],
    )
    return fb(r3, years, months, days, p3b, ab,
              ret, yf, yp, ya, mf, mp, ma, df, dp, da)


def kernel(r1, r2, r3, years, months, days, p2, p3, rel_embs_t, rel_embs,
           y_freq, y_phi, y_amp, m_freq, m_phi, m_amp, d_freq, d_phi, d_amp):
    p2b = jnp.broadcast_to(p2.astype(jnp.float32), (16,))
    p3b = jnp.broadcast_to(p3.astype(jnp.float32), (16,))
    return _run(r1, r2, r3, years, months, days, p2b, p3b,
                rel_embs_t, rel_embs,
                y_freq, y_phi, y_amp, m_freq, m_phi, m_amp,
                d_freq, d_phi, d_amp)

# --- scband reference (transcript-rebuilt; emitter-appended) ---
"""Pipeline reference for scband-de-triangle-3865470566749 (READ-ONLY COPY).

The authoritative reference and input builder live on the scoring server;
editing this copy changes nothing except your own understanding.
"""

import jax, jax.numpy as jnp
import numpy as np

B = 16384
NR = 100000
NE = 100000
S = 64
T = 64

def setup_inputs(seed: int = 0) -> dict:
    key = jax.random.key(seed)
    ks = jax.random.split(key, 20)
    r1 = jax.random.randint(ks[0], (B,), 0, NR)
    r2 = jax.random.randint(ks[1], (B,), 0, NR)
    r3 = jax.random.randint(ks[2], (B,), 0, NR)
    years = jax.random.uniform(ks[3], (B,), dtype=jnp.float32)
    months = jax.random.uniform(ks[4], (B,), dtype=jnp.float32)
    days = jax.random.uniform(ks[5], (B,), dtype=jnp.float32)
    p2 = jax.random.normal(ks[6], (1,), dtype=jnp.float32)
    p3 = jax.random.normal(ks[7], (1,), dtype=jnp.float32)
    rel_embs_t = jax.random.normal(ks[8], (NR, S), dtype=jnp.float32) * 0.05
    rel_embs = jax.random.normal(ks[9], (NR, S + T), dtype=jnp.float32) * 0.05
    y_freq = jax.random.normal(ks[10], (NE, T), dtype=jnp.float32) * 0.05
    y_phi = jax.random.normal(ks[11], (NE, T), dtype=jnp.float32) * 0.05
    y_amp = jax.random.normal(ks[12], (NE, T), dtype=jnp.float32) * 0.05
    m_freq = jax.random.normal(ks[13], (NE, T), dtype=jnp.float32) * 0.05
    m_phi = jax.random.normal(ks[14], (NE, T), dtype=jnp.float32) * 0.05
    m_amp = jax.random.normal(ks[15], (NE, T), dtype=jnp.float32) * 0.05
    d_freq = jax.random.normal(ks[16], (NE, T), dtype=jnp.float32) * 0.05
    d_phi = jax.random.normal(ks[17], (NE, T), dtype=jnp.float32) * 0.05
    d_amp = jax.random.normal(ks[18], (NE, T), dtype=jnp.float32) * 0.05
    return {"r1": r1, "r2": r2, "r3": r3, "years": years, "months": months, "days": days,
            "p2": p2, "p3": p3, "rel_embs_t": rel_embs_t, "rel_embs": rel_embs,
            "y_freq": y_freq, "y_phi": y_phi, "y_amp": y_amp,
            "m_freq": m_freq, "m_phi": m_phi, "m_amp": m_amp,
            "d_freq": d_freq, "d_phi": d_phi, "d_amp": d_amp}

def reference(r1, r2, r3, years, months, days, p2, p3, rel_embs_t, rel_embs,
              y_freq, y_phi, y_amp, m_freq, m_phi, m_amp, d_freq, d_phi, d_amp):
    years_c = years.reshape(-1, 1)
    months_c = months.reshape(-1, 1)
    days_c = days.reshape(-1, 1)
    r1_emb = jnp.take(rel_embs, r1, axis=0)
    r2_emb = jnp.take(rel_embs, r2, axis=0)
    r3_base = jnp.take(rel_embs_t, r3, axis=0)
    y = jnp.take(y_amp, r3, axis=0) * jnp.sin(jnp.take(y_freq, r3, axis=0) * years_c + jnp.take(y_phi, r3, axis=0))
    m = jnp.take(m_amp, r3, axis=0) * jnp.sin(jnp.take(m_freq, r3, axis=0) * months_c + jnp.take(m_phi, r3, axis=0))
    d = jnp.take(d_amp, r3, axis=0) * jnp.sin(jnp.take(d_freq, r3, axis=0) * days_c + jnp.take(d_phi, r3, axis=0))
    r3_emb = jnp.concatenate([r3_base, y + m + d], axis=1)
    scores = r1_emb + p2 * r2_emb + p3 * r3_emb
    # dropout p=0.0 -> identity
    return -jnp.linalg.norm(scores, axis=1)

if __name__ == "__main__":
    import jax
    _d = setup_inputs()
    print(jax.jit(kernel)(*tuple(_d.values())))

</pallas_src>

<mosaic_0001>
#map = affine_map<(d0, d1) -> (0)>
#map1 = affine_map<(d0, d1) -> (0, 0)>
module attributes {stable_mosaic.version = 14 : i64} {
  func.func @_body_b(%arg0: i32, %arg1: i32, %arg2: memref<16384xi32, #tpu.memory_space<hbm>>, %arg3: memref<16384xf32, #tpu.memory_space<hbm>>, %arg4: memref<16384xf32, #tpu.memory_space<hbm>>, %arg5: memref<16384xf32, #tpu.memory_space<hbm>>, %arg6: memref<16xf32, #tpu.memory_space<hbm>>, %arg7: memref<16384x128xf32, #tpu.memory_space<hbm>>, %arg8: memref<100000x64xf32, #tpu.memory_space<hbm>>, %arg9: memref<100000x64xf32, #tpu.memory_space<hbm>>, %arg10: memref<100000x64xf32, #tpu.memory_space<hbm>>, %arg11: memref<100000x64xf32, #tpu.memory_space<hbm>>, %arg12: memref<100000x64xf32, #tpu.memory_space<hbm>>, %arg13: memref<100000x64xf32, #tpu.memory_space<hbm>>, %arg14: memref<100000x64xf32, #tpu.memory_space<hbm>>, %arg15: memref<100000x64xf32, #tpu.memory_space<hbm>>, %arg16: memref<100000x64xf32, #tpu.memory_space<hbm>>, %arg17: memref<100000x64xf32, #tpu.memory_space<hbm>>, %arg18: memref<16384xf32, #tpu.memory_space<hbm>>, %arg19: memref<512xi32, #tpu.memory_space<vmem>>, %arg20: memref<512xf32, #tpu.memory_space<vmem>>, %arg21: memref<512xf32, #tpu.memory_space<vmem>>, %arg22: memref<512xf32, #tpu.memory_space<vmem>>, %arg23: memref<16xf32, #tpu.memory_space<vmem>>, %arg24: memref<512xf32, #tpu.memory_space<vmem>>, %arg25: memref<32x128xf32, #tpu.memory_space<vmem>>, %arg26: memref<32x64xf32, #tpu.memory_space<vmem>>, %arg27: memref<32x64xf32, #tpu.memory_space<vmem>>, %arg28: memref<32x64xf32, #tpu.memory_space<vmem>>, %arg29: memref<32x64xf32, #tpu.memory_space<vmem>>, %arg30: memref<32x64xf32, #tpu.memory_space<vmem>>, %arg31: memref<32x64xf32, #tpu.memory_space<vmem>>, %arg32: memref<32x64xf32, #tpu.memory_space<vmem>>, %arg33: memref<32x64xf32, #tpu.memory_space<vmem>>, %arg34: memref<32x64xf32, #tpu.memory_space<vmem>>, %arg35: memref<32x64xf32, #tpu.memory_space<vmem>>, %arg36: memref<32x128xf32, #tpu.memory_space<vmem>>, %arg37: memref<32x64xf32, #tpu.memory_space<vmem>>, %arg38: memref<32x64xf32, #tpu.memory_space<vmem>>, %arg39: memref<32x64xf32, #tpu.memory_space<vmem>>, %arg40: memref<32x64xf32, #tpu.memory_space<vmem>>, %arg41: memref<32x64xf32, #tpu.memory_space<vmem>>, %arg42: memref<32x64xf32, #tpu.memory_space<vmem>>, %arg43: memref<32x64xf32, #tpu.memory_space<vmem>>, %arg44: memref<32x64xf32, #tpu.memory_space<vmem>>, %arg45: memref<32x64xf32, #tpu.memory_space<vmem>>, %arg46: memref<32x64xf32, #tpu.memory_space<vmem>>, %arg47: memref<!tpu.dma_semaphore, #tpu.memory_space<semaphore_mem>>, %arg48: memref<!tpu.dma_semaphore, #tpu.memory_space<semaphore_mem>>, %arg49: memref<!tpu.dma_semaphore, #tpu.memory_space<semaphore_mem>>, %arg50: memref<!tpu.dma_semaphore, #tpu.memory_space<semaphore_mem>>) attributes {dimension_semantics = [#tpu.dimension_semantics<core_parallel>, #tpu.dimension_semantics<subcore_parallel>], iteration_bounds = array<i64: 2, 16>, scalar_prefetch = 0 : i64, scratch_operands = 32 : i64, tpu.core_type = #tpu.core_type<sc_vector_subcore>, window_params = [{transform_indices = #map}, {transform_indices = #map}, {transform_indices = #map}, {transform_indices = #map}, {transform_indices = #map}, {transform_indices = #map1}, {transform_indices = #map1}, {transform_indices = #map1}, {transform_indices = #map1}, {transform_indices = #map1}, {transform_indices = #map1}, {transform_indices = #map1}, {transform_indices = #map1}, {transform_indices = #map1}, {transform_indices = #map1}, {transform_indices = #map1}, {transform_indices = #map}]} {
    %mul3A = arith.constant 2 : i32
    %mul3A_0 = arith.muli %arg1, %mul3A : i32
    %add3A = arith.addi %mul3A_0, %arg0 : i32
    %mul3A_1 = arith.constant 512 : i32
    %mul3A_2 = arith.muli %add3A, %mul3A_1 : i32
    "tpu.region"() ({
      %run_scoped3A = tpu.sem_alloc : memref<!tpu.dma_semaphore, #tpu.memory_space<semaphore_mem>>
      %dma_start3A_23 = tpu.memref_slice %arg2[%mul3A_2] : memref<16384xi32, #tpu.memory_space<hbm>> -> memref<512xi32, #tpu.memory_space<hbm>>
      %dma_start3A_24 = tpu.memref_slice %arg2[%mul3A_2] : memref<16384xi32, #tpu.memory_space<hbm>> -> memref<512xi32, #tpu.memory_space<hbm>>
      tpu.enqueue_dma source(%dma_start3A_24 : memref<512xi32, #tpu.memory_space<hbm>>) target(%arg19 : memref<512xi32, #tpu.memory_space<vmem>>) target_semaphore(%run_scoped3A : memref<!tpu.dma_semaphore, #tpu.memory_space<semaphore_mem>>)
      %dma_wait3A = tpu.memref_slice %arg2[%mul3A_2] : memref<16384xi32, #tpu.memory_space<hbm>> -> memref<512xi32, #tpu.memory_space<hbm>>
      %dma_wait3A_25 = tpu.memref_slice %arg2[%mul3A_2] : memref<16384xi32, #tpu.memory_space<hbm>> -> memref<512xi32, #tpu.memory_space<hbm>>
      tpu.wait_dma2 semaphore(%run_scoped3A : memref<!tpu.dma_semaphore, #tpu.memory_space<semaphore_mem>>) src(%dma_wait3A_25 : memref<512xi32, #tpu.memory_space<hbm>>) dst(%arg19 : memref<512xi32, #tpu.memory_space<vmem>>)
      tpu.yield
    }) : () -> ()
    "tpu.region"() ({
      %run_scoped3A = tpu.sem_alloc : memref<!tpu.dma_semaphore, #tpu.memory_space<semaphore_mem>>
      %dma_start3A_23 = tpu.memref_slice %arg3[%mul3A_2] : memref<16384xf32, #tpu.memory_space<hbm>> -> memref<512xf32, #tpu.memory_space<hbm>>
      %dma_start3A_24 = tpu.memref_slice %arg3[%mul3A_2] : memref<16384xf32, #tpu.memory_space<hbm>> -> memref<512xf32, #tpu.memory_space<hbm>>
      tpu.enqueue_dma source(%dma_start3A_24 : memref<512xf32, #tpu.memory_space<hbm>>) target(%arg20 : memref<512xf32, #tpu.memory_space<vmem>>) target_semaphore(%run_scoped3A : memref<!tpu.dma_semaphore, #tpu.memory_space<semaphore_mem>>)
      %dma_wait3A = tpu.memref_slice %arg3[%mul3A_2] : memref<16384xf32, #tpu.memory_space<hbm>> -> memref<512xf32, #tpu.memory_space<hbm>>
      %dma_wait3A_25 = tpu.memref_slice %arg3[%mul3A_2] : memref<16384xf32, #tpu.memory_space<hbm>> -> memref<512xf32, #tpu.memory_space<hbm>>
      tpu.wait_dma2 semaphore(%run_scoped3A : memref<!tpu.dma_semaphore, #tpu.memory_space<semaphore_mem>>) src(%dma_wait3A_25 : memref<512xf32, #tpu.memory_space<hbm>>) dst(%arg20 : memref<512xf32, #tpu.memory_space<vmem>>)
      tpu.yield
    }) : () -> ()
    "tpu.region"() ({
      %run_scoped3A = tpu.sem_alloc : memref<!tpu.dma_semaphore, #tpu.memory_space<semaphore_mem>>
      %dma_start3A_23 = tpu.memref_slice %arg4[%mul3A_2] : memref<16384xf32, #tpu.memory_space<hbm>> -> memref<512xf32, #tpu.memory_space<hbm>>
      %dma_start3A_24 = tpu.memref_slice %arg4[%mul3A_2] : memref<16384xf32, #tpu.memory_space<hbm>> -> memref<512xf32, #tpu.memory_space<hbm>>
      tpu.enqueue_dma source(%dma_start3A_24 : memref<512xf32, #tpu.memory_space<hbm>>) target(%arg21 : memref<512xf32, #tpu.memory_space<vmem>>) target_semaphore(%run_scoped3A : memref<!tpu.dma_semaphore, #tpu.memory_space<semaphore_mem>>)
      %dma_wait3A = tpu.memref_slice %arg4[%mul3A_2] : memref<16384xf32, #tpu.memory_space<hbm>> -> memref<512xf32, #tpu.memory_space<hbm>>
      %dma_wait3A_25 = tpu.memref_slice %arg4[%mul3A_2] : memref<16384xf32, #tpu.memory_space<hbm>> -> memref<512xf32, #tpu.memory_space<hbm>>
      tpu.wait_dma2 semaphore(%run_scoped3A : memref<!tpu.dma_semaphore, #tpu.memory_space<semaphore_mem>>) src(%dma_wait3A_25 : memref<512xf32, #tpu.memory_space<hbm>>) dst(%arg21 : memref<512xf32, #tpu.memory_space<vmem>>)
      tpu.yield
    }) : () -> ()
    "tpu.region"() ({
      %run_scoped3A = tpu.sem_alloc : memref<!tpu.dma_semaphore, #tpu.memory_space<semaphore_mem>>
      %dma_start3A_23 = tpu.memref_slice %arg5[%mul3A_2] : memref<16384xf32, #tpu.memory_space<hbm>> -> memref<512xf32, #tpu.memory_space<hbm>>
      %dma_start3A_24 = tpu.memref_slice %arg5[%mul3A_2] : memref<16384xf32, #tpu.memory_space<hbm>> -> memref<512xf32, #tpu.memory_space<hbm>>
      tpu.enqueue_dma source(%dma_start3A_24 : memref<512xf32, #tpu.memory_space<hbm>>) target(%arg22 : memref<512xf32, #tpu.memory_space<vmem>>) target_semaphore(%run_scoped3A : memref<!tpu.dma_semaphore, #tpu.memory_space<semaphore_mem>>)
      %dma_wait3A = tpu.memref_slice %arg5[%mul3A_2] : memref<16384xf32, #tpu.memory_space<hbm>> -> memref<512xf32, #tpu.memory_space<hbm>>
      %dma_wait3A_25 = tpu.memref_slice %arg5[%mul3A_2] : memref<16384xf32, #tpu.memory_space<hbm>> -> memref<512xf32, #tpu.memory_space<hbm>>
      tpu.wait_dma2 semaphore(%run_scoped3A : memref<!tpu.dma_semaphore, #tpu.memory_space<semaphore_mem>>) src(%dma_wait3A_25 : memref<512xf32, #tpu.memory_space<hbm>>) dst(%arg22 : memref<512xf32, #tpu.memory_space<vmem>>)
      tpu.yield
    }) : () -> ()
    "tpu.region"() ({
      %run_scoped3A = tpu.sem_alloc : memref<!tpu.dma_semaphore, #tpu.memory_space<semaphore_mem>>
      tpu.enqueue_dma source(%arg6 : memref<16xf32, #tpu.memory_space<hbm>>) target(%arg23 : memref<16xf32, #tpu.memory_space<vmem>>) target_semaphore(%run_scoped3A : memref<!tpu.dma_semaphore, #tpu.memory_space<semaphore_mem>>)
      tpu.wait_dma2 semaphore(%run_scoped3A : memref<!tpu.dma_semaphore, #tpu.memory_space<semaphore_mem>>) src(%arg6 : memref<16xf32, #tpu.memory_space<hbm>>) dst(%arg23 : memref<16xf32, #tpu.memory_space<vmem>>)
      tpu.yield
    }) : () -> ()
    %get3A = arith.constant 0 : index
    %get3A_3 = tpu.vector_load %arg23[%get3A] {strides = array<i32>} : memref<16xf32, #tpu.memory_space<vmem>>, vector<16xf32>,
    %iota3A = tpu.iota {dimensions = array<i32: 0>} : vector<16xi32>
    %broadcast_in_dim3A = arith.constant 0.000000e+00 : f32
    %broadcast_in_dim3A_4 = vector.broadcast %broadcast_in_dim3A : f32 to vector<16xf32>
    %add3A_5 = arith.constant 0 : i32
    %add3A_6 = arith.addi %mul3A_2, %add3A_5 : i32
    %dma_start3A = arith.constant 0 : i32
    %dma_start3A_7 = tpu.memref_slice %arg7[%add3A_6, %dma_start3A] : memref<16384x128xf32, #tpu.memory_space<hbm>> -> memref<32x128xf32, #tpu.memory_space<hbm>>
    %dma_start3A_8 = arith.constant 0 : i32
    %dma_start3A_9 = tpu.memref_slice %arg7[%add3A_6, %dma_start3A_8] : memref<16384x128xf32, #tpu.memory_space<hbm>> -> memref<32x128xf32, #tpu.memory_space<hbm>>
    tpu.enqueue_dma source(%dma_start3A_9 : memref<32x128xf32, #tpu.memory_space<hbm>>) target(%arg25 : memref<32x128xf32, #tpu.memory_space<vmem>>) target_semaphore(%arg47 : memref<!tpu.dma_semaphore, #tpu.memory_space<semaphore_mem>>)
    %scan3A = arith.constant 0 : i32
    %scan3A_10 = arith.constant 0 : i32
    %scan3A_11 = arith.constant 32 : i32
    %scan3A_12 = arith.addi %scan3A_10, %scan3A_11 : i32
    %scan3A_13 = arith.constant 1 : i32
    %scan3A_14 = scf.for %scan3A_23 = %scan3A_10 to %scan3A_12 step %scan3A_13 iter_args(%scan3A_24 = %scan3A) -> (i32)  : i32 {
      %jit3A = arith.constant 16 : i32
      %div3A = arith.divsi %scan3A_23, %jit3A : i32
      %sign3A = arith.constant 0 : i32
      %sign3A_25 = arith.cmpi sgt, %scan3A_23, %sign3A : i32
      %sign3A_26 = arith.extui %sign3A_25 : i1 to i32
      %sign3A_27 = arith.constant 0 : i32
      %sign3A_28 = arith.cmpi slt, %scan3A_23, %sign3A_27 : i32
      %sign3A_29 = arith.extui %sign3A_28 : i1 to i32
      %sign3A_30 = arith.subi %sign3A_26, %sign3A_29 : i32
      %sign3A_31 = arith.constant 0 : i32
      %sign3A_32 = arith.cmpi sgt, %jit3A, %sign3A_31 : i32
      %sign3A_33 = arith.extui %sign3A_32 : i1 to i32
      %sign3A_34 = arith.constant 0 : i32
      %sign3A_35 = arith.cmpi slt, %jit3A, %sign3A_34 : i32
      %sign3A_36 = arith.extui %sign3A_35 : i1 to i32
      %sign3A_37 = arith.subi %sign3A_33, %sign3A_36 : i32
      %ne3A = arith.cmpi ne, %sign3A_30, %sign3A_37 : i32
      %rem3A = arith.remsi %scan3A_23, %jit3A : i32
      %ne3A_38 = arith.constant 0 : i32
      %ne3A_39 = arith.cmpi ne, %rem3A, %ne3A_38 : i32
      %and3A = arith.andi %ne3A, %ne3A_39 : i1
      %sub3A = arith.constant 1 : i32
      %sub3A_40 = arith.subi %div3A, %sub3A : i32
      %select_n3A = arith.select %and3A, %sub3A_40, %div3A : i32
      %mul3A_41 = arith.constant 16 : i32
      %mul3A_42 = arith.muli %select_n3A, %mul3A_41 : i32
      %add3A_43 = arith.constant 0 : i32
      %add3A_44 = arith.addi %add3A_43, %mul3A_42 : i32
      %get3A_45 = arith.index_cast %add3A_44 : i32 to index
      %get3A_46 = tpu.vector_load %arg19[%get3A_45] {strides = array<i32>} : memref<512xi32, #tpu.memory_space<vmem>>, vector<16xi32>,
      %mul3A_47 = arith.constant 0 : i32
      %mul3A_48 = vector.broadcast %mul3A_47 : i32 to vector<16xi32>
      %mul3A_49 = arith.muli %iota3A, %mul3A_48 : vector<16xi32>
      %sub3A_50 = arith.subi %scan3A_23, %mul3A_42 : i32
      %add3A_51 = vector.broadcast %sub3A_50 : i32 to vector<16xi32>
      %add3A_52 = arith.addi %mul3A_49, %add3A_51 : vector<16xi32>
      %lt3A = arith.constant 0 : i32
      %lt3A_53 = vector.broadcast %lt3A : i32 to vector<16xi32>
      %lt3A_54 = arith.cmpi slt, %add3A_52, %lt3A_53 : vector<16xi32>
      %add3A_55 = arith.constant 16 : i32
      %add3A_56 = vector.broadcast %add3A_55 : i32 to vector<16xi32>
      %add3A_57 = arith.addi %add3A_52, %add3A_56 : vector<16xi32>
      %select_n3A_58 = arith.select %lt3A_54, %add3A_57, %add3A_52 : vector<16xi1>, vector<16xi32>
      %reshape3A = vector.shape_cast %select_n3A_58 : vector<16xi32> to vector<16x1xi32>
      %gather3A = vector.shape_cast %reshape3A : vector<16x1xi32> to vector<16xi32>
      %gather3A_59 = tpu.dynamic_gather %get3A_46[%gather3A] in [0] : vector<16xi32>, vector<16xi32> -> vector<16xi32>
      %slice3A = vector.extract_strided_slice %gather3A_59 {offsets = [0], sizes = [1], strides = [1]} : vector<16xi32> to vector<1xi32>
      %squeeze3A = vector.extract %slice3A[0] : i32 from vector<1xi32>
      %dma_start3A_60 = arith.constant 0 : i32
      %dma_start3A_61 = tpu.memref_slice %arg26[%scan3A_23, %dma_start3A_60] : memref<32x64xf32, #tpu.memory_space<vmem>> -> memref<1x64xf32, #tpu.memory_space<vmem>>
      %dma_start3A_62 = tpu.memref_squeeze %dma_start3A_61 : memref<1x64xf32, #tpu.memory_space<vmem>> -> memref<64xf32, #tpu.memory_space<vmem>>
      %dma_start3A_63 = arith.constant 0 : i32
      %dma_start3A_64 = tpu.memref_slice %arg8[%squeeze3A, %dma_start3A_63] : memref<100000x64xf32, #tpu.memory_space<hbm>> -> memref<1x64xf32, #tpu.memory_space<hbm>>
      %dma_start3A_65 = tpu.memref_squeeze %dma_start3A_64 : memref<1x64xf32, #tpu.memory_space<hbm>> -> memref<64xf32, #tpu.memory_space<hbm>>
      %dma_start3A_66 = arith.constant 0 : i32
      %dma_start3A_67 = tpu.memref_slice %arg26[%scan3A_23, %dma_start3A_66] : memref<32x64xf32, #tpu.memory_space<vmem>> -> memref<1x64xf32, #tpu.memory_space<vmem>>
      %dma_start3A_68 = tpu.memref_squeeze %dma_start3A_67 : memref<1x64xf32, #tpu.memory_space<vmem>> -> memref<64xf32, #tpu.memory_space<vmem>>
      %dma_start3A_69 = arith.constant 0 : i32
      %dma_start3A_70 = tpu.memref_slice %arg8[%squeeze3A, %dma_start3A_69] : memref<100000x64xf32, #tpu.memory_space<hbm>> -> memref<1x64xf32, #tpu.memory_space<hbm>>
      %dma_start3A_71 = tpu.memref_squeeze %dma_start3A_70 : memref<1x64xf32, #tpu.memory_space<hbm>> -> memref<64xf32, #tpu.memory_space<hbm>>
      tpu.enqueue_dma source(%dma_start3A_71 : memref<64xf32, #tpu.memory_space<hbm>>) target(%dma_start3A_68 : memref<64xf32, #tpu.memory_space<vmem>>) target_semaphore(%arg48 : memref<!tpu.dma_semaphore, #tpu.memory_space<semaphore_mem>>)
      %dma_start3A_72 = arith.constant 0 : i32
      %dma_start3A_73 = tpu.memref_slice %arg27[%scan3A_23, %dma_start3A_72] : memref<32x64xf32, #tpu.memory_space<vmem>> -> memref<1x64xf32, #tpu.memory_space<vmem>>
      %dma_start3A_74 = tpu.memref_squeeze %dma_start3A_73 : memref<1x64xf32, #tpu.memory_space<vmem>> -> memref<64xf32, #tpu.memory_space<vmem>>
      %dma_start3A_75 = arith.constant 0 : i32
      %dma_start3A_76 = tpu.memref_slice %arg9[%squeeze3A, %dma_start3A_75] : memref<100000x64xf32, #tpu.memory_space<hbm>> -> memref<1x64xf32, #tpu.memory_space<hbm>>
      %dma_start3A_77 = tpu.memref_squeeze %dma_start3A_76 : memref<1x64xf32, #tpu.memory_space<hbm>> -> memref<64xf32, #tpu.memory_space<hbm>>
      %dma_start3A_78 = arith.constant 0 : i32
      %dma_start3A_79 = tpu.memref_slice %arg27[%scan3A_23, %dma_start3A_78] : memref<32x64xf32, #tpu.memory_space<vmem>> -> memref<1x64xf32, #tpu.memory_space<vmem>>
      %dma_start3A_80 = tpu.memref_squeeze %dma_start3A_79 : memref<1x64xf32, #tpu.memory_space<vmem>> -> memref<64xf32, #tpu.memory_space<vmem>>
      %dma_start3A_81 = arith.constant 0 : i32
      %dma_start3A_82 = tpu.memref_slice %arg9[%squeeze3A, %dma_start3A_81] : memref<100000x64xf32, #tpu.memory_space<hbm>> -> memref<1x64xf32, #tpu.memory_space<hbm>>
      %dma_start3A_83 = tpu.memref_squeeze %dma_start3A_82 : memref<1x64xf32, #tpu.memory_space<hbm>> -> memref<64xf32, #tpu.memory_space<hbm>>
      tpu.enqueue_dma source(%dma_start3A_83 : memref<64xf32, #tpu.memory_space<hbm>>) target(%dma_start3A_80 : memref<64xf32, #tpu.memory_space<vmem>>) target_semaphore(%arg48 : memref<!tpu.dma_semaphore, #tpu.memory_space<semaphore_mem>>)
      %dma_start3A_84 = arith.constant 0 : i32
      %dma_start3A_85 = tpu.memref_slice %arg28[%scan3A_23, %dma_start3A_84] : memref<32x64xf32, #tpu.memory_space<vmem>> -> memref<1x64xf32, #tpu.memory_space<vmem>>
      %dma_start3A_86 = tpu.memref_squeeze %dma_start3A_85 : memref<1x64xf32, #tpu.memory_space<vmem>> -> memref<64xf32, #tpu.memory_space<vmem>>
      %dma_start3A_87 = arith.constant 0 : i32
      %dma_start3A_88 = tpu.memref_slice %arg10[%squeeze3A, %dma_start3A_87] : memref<100000x64xf32, #tpu.memory_space<hbm>> -> memref<1x64xf32, #tpu.memory_space<hbm>>
      %dma_start3A_89 = tpu.memref_squeeze %dma_start3A_88 : memref<1x64xf32, #tpu.memory_space<hbm>> -> memref<64xf32, #tpu.memory_space<hbm>>
      %dma_start3A_90 = arith.constant 0 : i32
      %dma_start3A_91 = tpu.memref_slice %arg28[%scan3A_23, %dma_start3A_90] : memref<32x64xf32, #tpu.memory_space<vmem>> -> memref<1x64xf32, #tpu.memory_space<vmem>>
      %dma_start3A_92 = tpu.memref_squeeze %dma_start3A_91 : memref<1x64xf32, #tpu.memory_space<vmem>> -> memref<64xf32, #tpu.memory_space<vmem>>
      %dma_start3A_93 = arith.constant 0 : i32
      %dma_start3A_94 = tpu.memref_slice %arg10[%squeeze3A, %dma_start3A_93] : memref<100000x64xf32, #tpu.memory_space<hbm>> -> memref<1x64xf32, #tpu.memory_space<hbm>>
      %dma_start3A_95 = tpu.memref_squeeze %dma_start3A_94 : memref<1x64xf32, #tpu.memory_space<hbm>> -> memref<64xf32, #tpu.memory_space<hbm>>
      tpu.enqueue_dma source(%dma_start3A_95 : memref<64xf32, #tpu.memory_space<hbm>>) target(%dma_start3A_92 : memref<64xf32, #tpu.memory_space<vmem>>) target_semaphore(%arg48 : memref<!tpu.dma_semaphore, #tpu.memory_space<semaphore_mem>>)
      %dma_start3A_96 = arith.constant 0 : i32
      %dma_start3A_97 = tpu.memref_slice %arg29[%scan3A_23, %dma_start3A_96] : memref<32x64xf32, #tpu.memory_space<vmem>> -> memref<1x64xf32, #tpu.memory_space<vmem>>
      %dma_start3A_98 = tpu.memref_squeeze %dma_start3A_97 : memref<1x64xf32, #tpu.memory_space<vmem>> -> memref<64xf32, #tpu.memory_space<vmem>>
      %dma_start3A_99 = arith.constant 0 : i32
      %dma_start3A_100 = tpu.memref_slice %arg11[%squeeze3A, %dma_start3A_99] : memref<100000x64xf32, #tpu.memory_space<hbm>> -> memref<1x64xf32, #tpu.memory_space<hbm>>
      %dma_start3A_101 = tpu.memref_squeeze %dma_start3A_100 : memref<1x64xf32, #tpu.memory_space<hbm>> -> memref<64xf32, #tpu.memory_space<hbm>>
      %dma_start3A_102 = arith.constant 0 : i32
      %dma_start3A_103 = tpu.memref_slice %arg29[%scan3A_23, %dma_start3A_102] : memref<32x64xf32, #tpu.memory_space<vmem>> -> memref<1x64xf32, #tpu.memory_space<vmem>>
      %dma_start3A_104 = tpu.memref_squeeze %dma_start3A_103 : memref<1x64xf32, #tpu.memory_space<vmem>> -> memref<64xf32, #tpu.memory_space<vmem>>
      %dma_start3A_105 = arith.constant 0 : i32
      %dma_start3A_106 = tpu.memref_slice %arg11[%squeeze3A, %dma_start3A_105] : memref<100000x64xf32, #tpu.memory_space<hbm>> -> memref<1x64xf32, #tpu.memory_space<hbm>>
      %dma_start3A_107 = tpu.memref_squeeze %dma_start3A_106 : memref<1x64xf32, #tpu.memory_space<hbm>> -> memref<64xf32, #tpu.memory_space<hbm>>
      tpu.enqueue_dma source(%dma_start3A_107 : memref<64xf32, #tpu.memory_space<hbm>>) target(%dma_start3A_104 : memref<64xf32, #tpu.memory_space<vmem>>) target_semaphore(%arg48 : memref<!tpu.dma_semaphore, #tpu.memory_space<semaphore_mem>>)
      %dma_start3A_108 = arith.constant 0 : i32
      %dma_start3A_109 = tpu.memref_slice %arg30[%scan3A_23, %dma_start3A_108] : memref<32x64xf32, #tpu.memory_space<vmem>> -> memref<1x64xf32, #tpu.memory_space<vmem>>
      %dma_start3A_110 = tpu.memref_squeeze %dma_start3A_109 : memref<1x64xf32, #tpu.memory_space<vmem>> -> memref<64xf32, #tpu.memory_space<vmem>>
      %dma_start3A_111 = arith.constant 0 : i32
      %dma_start3A_112 = tpu.memref_slice %arg12[%squeeze3A, %dma_start3A_111] : memref<100000x64xf32, #tpu.memory_space<hbm>> -> memref<1x64xf32, #tpu.memory_space<hbm>>
      %dma_start3A_113 = tpu.memref_squeeze %dma_start3A_112 : memref<1x64xf32, #tpu.memory_space<hbm>> -> memref<64xf32, #tpu.memory_space<hbm>>
      %dma_start3A_114 = arith.constant 0 : i32
      %dma_start3A_115 = tpu.memref_slice %arg30[%scan3A_23, %dma_start3A_114] : memref<32x64xf32, #tpu.memory_space<vmem>> -> memref<1x64xf32, #tpu.memory_space<vmem>>
      %dma_start3A_116 = tpu.memref_squeeze %dma_start3A_115 : memref<1x64xf32, #tpu.memory_space<vmem>> -> memref<64xf32, #tpu.memory_space<vmem>>
      %dma_start3A_117 = arith.constant 0 : i32
      %dma_start3A_118 = tpu.memref_slice %arg12[%squeeze3A, %dma_start3A_117] : memref<100000x64xf32, #tpu.memory_space<hbm>> -> memref<1x64xf32, #tpu.memory_space<hbm>>
      %dma_start3A_119 = tpu.memref_squeeze %dma_start3A_118 : memref<1x64xf32, #tpu.memory_space<hbm>> -> memref<64xf32, #tpu.memory_space<hbm>>
      tpu.enqueue_dma source(%dma_start3A_119 : memref<64xf32, #tpu.memory_space<hbm>>) target(%dma_start3A_116 : memref<64xf32, #tpu.memory_space<vmem>>) target_semaphore(%arg48 : memref<!tpu.dma_semaphore, #tpu.memory_space<semaphore_mem>>)
      %dma_start3A_120 = arith.constant 0 : i32
      %dma_start3A_121 = tpu.memref_slice %arg31[%scan3A_23, %dma_start3A_120] : memref<32x64xf32, #tpu.memory_space<vmem>> -> memref<1x64xf32, #tpu.memory_space<vmem>>
      %dma_start3A_122 = tpu.memref_squeeze %dma_start3A_121 : memref<1x64xf32, #tpu.memory_space<vmem>> -> memref<64xf32, #tpu.memory_space<vmem>>
      %dma_start3A_123 = arith.constant 0 : i32
      %dma_start3A_124 = tpu.memref_slice %arg13[%squeeze3A, %dma_start3A_123] : memref<100000x64xf32, #tpu.memory_space<hbm>> -> memref<1x64xf32, #tpu.memory_space<hbm>>
      %dma_start3A_125 = tpu.memref_squeeze %dma_start3A_124 : memref<1x64xf32, #tpu.memory_space<hbm>> -> memref<64xf32, #tpu.memory_space<hbm>>
      %dma_start3A_126 = arith.constant 0 : i32
      %dma_start3A_127 = tpu.memref_slice %arg31[%scan3A_23, %dma_start3A_126] : memref<32x64xf32, #tpu.memory_space<vmem>> -> memref<1x64xf32, #tpu.memory_space<vmem>>
      %dma_start3A_128 = tpu.memref_squeeze %dma_start3A_127 : memref<1x64xf32, #tpu.memory_space<vmem>> -> memref<64xf32, #tpu.memory_space<vmem>>
      %dma_start3A_129 = arith.constant 0 : i32
      %dma_start3A_130 = tpu.memref_slice %arg13[%squeeze3A, %dma_start3A_129] : memref<100000x64xf32, #tpu.memory_space<hbm>> -> memref<1x64xf32, #tpu.memory_space<hbm>>
      %dma_start3A_131 = tpu.memref_squeeze %dma_start3A_130 : memref<1x64xf32, #tpu.memory_space<hbm>> -> memref<64xf32, #tpu.memory_space<hbm>>
      tpu.enqueue_dma source(%dma_start3A_131 : memref<64xf32, #tpu.memory_space<hbm>>) target(%dma_start3A_128 : memref<64xf32, #tpu.memory_space<vmem>>) target_semaphore(%arg48 : memref<!tpu.dma_semaphore, #tpu.memory_space<semaphore_mem>>)
      %dma_start3A_132 = arith.constant 0 : i32
      %dma_start3A_133 = tpu.memref_slice %arg32[%scan3A_23, %dma_start3A_132] : memref<32x64xf32, #tpu.memory_space<vmem>> -> memref<1x64xf32, #tpu.memory_space<vmem>>
      %dma_start3A_134 = tpu.memref_squeeze %dma_start3A_133 : memref<1x64xf32, #tpu.memory_space<vmem>> -> memref<64xf32, #tpu.memory_space<vmem>>
      %dma_start3A_135 = arith.constant 0 : i32
      %dma_start3A_136 = tpu.memref_slice %arg14[%squeeze3A, %dma_start3A_135] : memref<100000x64xf32, #tpu.memory_space<hbm>> -> memref<1x64xf32, #tpu.memory_space<hbm>>
      %dma_start3A_137 = tpu.memref_squeeze %dma_start3A_136 : memref<1x64xf32, #tpu.memory_space<hbm>> -> memref<64xf32, #tpu.memory_space<hbm>>
      %dma_start3A_138 = arith.constant 0 : i32
      %dma_start3A_139 = tpu.memref_slice %arg32[%scan3A_23, %dma_start3A_138] : memref<32x64xf32, #tpu.memory_space<vmem>> -> memref<1x64xf32, #tpu.memory_space<vmem>>
      %dma_start3A_140 = tpu.memref_squeeze %dma_start3A_139 : memref<1x64xf32, #tpu.memory_space<vmem>> -> memref<64xf32, #tpu.memory_space<vmem>>
      %dma_start3A_141 = arith.constant 0 : i32
      %dma_start3A_142 = tpu.memref_slice %arg14[%squeeze3A, %dma_start3A_141] : memref<100000x64xf32, #tpu.memory_space<hbm>> -> memref<1x64xf32, #tpu.memory_space<hbm>>
      %dma_start3A_143 = tpu.memref_squeeze %dma_start3A_142 : memref<1x64xf32, #tpu.memory_space<hbm>> -> memref<64xf32, #tpu.memory_space<hbm>>
      tpu.enqueue_dma source(%dma_start3A_143 : memref<64xf32, #tpu.memory_space<hbm>>) target(%dma_start3A_140 : memref<64xf32, #tpu.memory_space<vmem>>) target_semaphore(%arg48 : memref<!tpu.dma_semaphore, #tpu.memory_space<semaphore_mem>>)
      %dma_start3A_144 = arith.constant 0 : i32
      %dma_start3A_145 = tpu.memref_slice %arg33[%scan3A_23, %dma_start3A_144] : memref<32x64xf32, #tpu.memory_space<vmem>> -> memref<1x64xf32, #tpu.memory_space<vmem>>
      %dma_start3A_146 = tpu.memref_squeeze %dma_start3A_145 : memref<1x64xf32, #tpu.memory_space<vmem>> -> memref<64xf32, #tpu.memory_space<vmem>>
      %dma_start3A_147 = arith.constant 0 : i32
      %dma_start3A_148 = tpu.memref_slice %arg15[%squeeze3A, %dma_start3A_147] : memref<100000x64xf32, #tpu.memory_space<hbm>> -> memref<1x64xf32, #tpu.memory_space<hbm>>
      %dma_start3A_149 = tpu.memref_squeeze %dma_start3A_148 : memref<1x64xf32, #tpu.memory_space<hbm>> -> memref<64xf32, #tpu.memory_space<hbm>>
      %dma_start3A_150 = arith.constant 0 : i32
      %dma_start3A_151 = tpu.memref_slice %arg33[%scan3A_23, %dma_start3A_150] : memref<32x64xf32, #tpu.memory_space<vmem>> -> memref<1x64xf32, #tpu.memory_space<vmem>>
      %dma_start3A_152 = tpu.memref_squeeze %dma_start3A_151 : memref<1x64xf32, #tpu.memory_space<vmem>> -> memref<64xf32, #tpu.memory_space<vmem>>
      %dma_start3A_153 = arith.constant 0 : i32
      %dma_start3A_154 = tpu.memref_slice %arg15[%squeeze3A, %dma_start3A_153] : memref<100000x64xf32, #tpu.memory_space<hbm>> -> memref<1x64xf32, #tpu.memory_space<hbm>>
      %dma_start3A_155 = tpu.memref_squeeze %dma_start3A_154 : memref<1x64xf32, #tpu.memory_space<hbm>> -> memref<64xf32, #tpu.memory_space<hbm>>
      tpu.enqueue_dma source(%dma_start3A_155 : memref<64xf32, #tpu.memory_space<hbm>>) target(%dma_start3A_152 : memref<64xf32, #tpu.memory_space<vmem>>) target_semaphore(%arg48 : memref<!tpu.dma_semaphore, #tpu.memory_space<semaphore_mem>>)
      %dma_start3A_156 = arith.constant 0 : i32
      %dma_start3A_157 = tpu.memref_slice %arg34[%scan3A_23, %dma_start3A_156] : memref<32x64xf32, #tpu.memory_space<vmem>> -> memref<1x64xf32, #tpu.memory_space<vmem>>
      %dma_start3A_158 = tpu.memref_squeeze %dma_start3A_157 : memref<1x64xf32, #tpu.memory_space<vmem>> -> memref<64xf32, #tpu.memory_space<vmem>>
      %dma_start3A_159 = arith.constant 0 : i32
      %dma_start3A_160 = tpu.memref_slice %arg16[%squeeze3A, %dma_start3A_159] : memref<100000x64xf32, #tpu.memory_space<hbm>> -> memref<1x64xf32, #tpu.memory_space<hbm>>
      %dma_start3A_161 = tpu.memref_squeeze %dma_start3A_160 : memref<1x64xf32, #tpu.memory_space<hbm>> -> memref<64xf32, #tpu.memory_space<hbm>>
      %dma_start3A_162 = arith.constant 0 : i32
      %dma_start3A_163 = tpu.memref_slice %arg34[%scan3A_23, %dma_start3A_162] : memref<32x64xf32, #tpu.memory_space<vmem>> -> memref<1x64xf32, #tpu.memory_space<vmem>>
      %dma_start3A_164 = tpu.memref_squeeze %dma_start3A_163 : memref<1x64xf32, #tpu.memory_space<vmem>> -> memref<64xf32, #tpu.memory_space<vmem>>
      %dma_start3A_165 = arith.constant 0 : i32
      %dma_start3A_166 = tpu.memref_slice %arg16[%squeeze3A, %dma_start3A_165] : memref<100000x64xf32, #tpu.memory_space<hbm>> -> memref<1x64xf32, #tpu.memory_space<hbm>>
      %dma_start3A_167 = tpu.memref_squeeze %dma_start3A_166 : memref<1x64xf32, #tpu.memory_space<hbm>> -> memref<64xf32, #tpu.memory_space<hbm>>
      tpu.enqueue_dma source(%dma_start3A_167 : memref<64xf32, #tpu.memory_space<hbm>>) target(%dma_start3A_164 : memref<64xf32, #tpu.memory_space<vmem>>) target_semaphore(%arg48 : memref<!tpu.dma_semaphore, #tpu.memory_space<semaphore_mem>>)
      %dma_start3A_168 = arith.constant 0 : i32
      %dma_start3A_169 = tpu.memref_slice %arg35[%scan3A_23, %dma_start3A_168] : memref<32x64xf32, #tpu.memory_space<vmem>> -> memref<1x64xf32, #tpu.memory_space<vmem>>
      %dma_start3A_170 = tpu.memref_squeeze %dma_start3A_169 : memref<1x64xf32, #tpu.memory_space<vmem>> -> memref<64xf32, #tpu.memory_space<vmem>>
      %dma_start3A_171 = arith.constant 0 : i32
      %dma_start3A_172 = tpu.memref_slice %arg17[%squeeze3A, %dma_start3A_171] : memref<100000x64xf32, #tpu.memory_space<hbm>> -> memref<1x64xf32, #tpu.memory_space<hbm>>
      %dma_start3A_173 = tpu.memref_squeeze %dma_start3A_172 : memref<1x64xf32, #tpu.memory_space<hbm>> -> memref<64xf32, #tpu.memory_space<hbm>>
      %dma_start3A_174 = arith.constant 0 : i32
      %dma_start3A_175 = tpu.memref_slice %arg35[%scan3A_23, %dma_start3A_174] : memref<32x64xf32, #tpu.memory_space<vmem>> -> memref<1x64xf32, #tpu.memory_space<vmem>>
      %dma_start3A_176 = tpu.memref_squeeze %dma_start3A_175 : memref<1x64xf32, #tpu.memory_space<vmem>> -> memref<64xf32, #tpu.memory_space<vmem>>
      %dma_start3A_177 = arith.constant 0 : i32
      %dma_start3A_178 = tpu.memref_slice %arg17[%squeeze3A, %dma_start3A_177] : memref<100000x64xf32, #tpu.memory_space<hbm>> -> memref<1x64xf32, #tpu.memory_space<hbm>>
      %dma_start3A_179 = tpu.memref_squeeze %dma_start3A_178 : memref<1x64xf32, #tpu.memory_space<hbm>> -> memref<64xf32, #tpu.memory_space<hbm>>
      tpu.enqueue_dma source(%dma_start3A_179 : memref<64xf32, #tpu.memory_space<hbm>>) target(%dma_start3A_176 : memref<64xf32, #tpu.memory_space<vmem>>) target_semaphore(%arg48 : memref<!tpu.dma_semaphore, #tpu.memory_space<semaphore_mem>>)
      %scan3A_180 = arith.constant 0 : i32
      scf.yield %scan3A_180 : i32
    }
    %scan3A_15 = arith.constant 32 : i32
    %scan3A_16 = arith.constant 0 : i32
    %scan3A_17 = arith.constant 0 : i32
    %scan3A_18 = arith.constant 8 : i32
    %scan3A_19 = arith.addi %scan3A_17, %scan3A_18 : i32
    %scan3A_20 = arith.constant 1 : i32
    %scan3A_21 = scf.for %scan3A_23 = %scan3A_17 to %scan3A_19 step %scan3A_20 iter_args(%scan3A_24 = %scan3A_16) -> (i32)  : i32 {
      %mul3A_25 = arith.constant 2 : i32
      %mul3A_26 = arith.muli %mul3A_25, %scan3A_23 : i32
      %add3A_27 = arith.constant 1 : i32
      %add3A_28 = arith.addi %mul3A_26, %add3A_27 : i32
      %mul3A_29 = arith.constant 32 : i32
      %mul3A_30 = arith.muli %add3A_28, %mul3A_29 : i32
      %add3A_31 = arith.addi %mul3A_2, %mul3A_30 : i32
      %dma_start3A_32 = arith.constant 0 : i32
      %dma_start3A_33 = tpu.memref_slice %arg7[%add3A_31, %dma_start3A_32] : memref<16384x128xf32, #tpu.memory_space<hbm>> -> memref<32x128xf32, #tpu.memory_space<hbm>>
      %dma_start3A_34 = arith.constant 0 : i32
      %dma_start3A_35 = tpu.memref_slice %arg7[%add3A_31, %dma_start3A_34] : memref<16384x128xf32, #tpu.memory_space<hbm>> -> memref<32x128xf32, #tpu.memory_space<hbm>>
      tpu.enqueue_dma source(%dma_start3A_35 : memref<32x128xf32, #tpu.memory_space<hbm>>) target(%arg36 : memref<32x128xf32, #tpu.memory_space<vmem>>) target_semaphore(%arg49 : memref<!tpu.dma_semaphore, #tpu.memory_space<semaphore_mem>>)
      %scan3A_36 = arith.constant 0 : i32
      %scan3A_37 = arith.constant 0 : i32
      %scan3A_38 = arith.constant 32 : i32
      %scan3A_39 = arith.addi %scan3A_37, %scan3A_38 : i32
      %scan3A_40 = arith.constant 1 : i32
      %scan3A_41 = scf.for %scan3A_197 = %scan3A_37 to %scan3A_39 step %scan3A_40 iter_args(%scan3A_198 = %scan3A_36) -> (i32)  : i32 {
        %jit3A = arith.constant 16 : i32
        %div3A = arith.divsi %scan3A_197, %jit3A : i32
        %sign3A = arith.constant 0 : i32
        %sign3A_199 = arith.cmpi sgt, %scan3A_197, %sign3A : i32
        %sign3A_200 = arith.extui %sign3A_199 : i1 to i32
        %sign3A_201 = arith.constant 0 : i32
        %sign3A_202 = arith.cmpi slt, %scan3A_197, %sign3A_201 : i32
        %sign3A_203 = arith.extui %sign3A_202 : i1 to i32
        %sign3A_204 = arith.subi %sign3A_200, %sign3A_203 : i32
        %sign3A_205 = arith.constant 0 : i32
        %sign3A_206 = arith.cmpi sgt, %jit3A, %sign3A_205 : i32
        %sign3A_207 = arith.extui %sign3A_206 : i1 to i32
        %sign3A_208 = arith.constant 0 : i32
        %sign3A_209 = arith.cmpi slt, %jit3A, %sign3A_208 : i32
        %sign3A_210 = arith.extui %sign3A_209 : i1 to i32
        %sign3A_211 = arith.subi %sign3A_207, %sign3A_210 : i32
        %ne3A = arith.cmpi ne, %sign3A_204, %sign3A_211 : i32
        %rem3A = arith.remsi %scan3A_197, %jit3A : i32
        %ne3A_212 = arith.constant 0 : i32
        %ne3A_213 = arith.cmpi ne, %rem3A, %ne3A_212 : i32
        %and3A = arith.andi %ne3A, %ne3A_213 : i1
        %sub3A = arith.constant 1 : i32
        %sub3A_214 = arith.subi %div3A, %sub3A : i32
        %select_n3A = arith.select %and3A, %sub3A_214, %div3A : i32
        %mul3A_215 = arith.constant 16 : i32
        %mul3A_216 = arith.muli %select_n3A, %mul3A_215 : i32
        %add3A_217 = arith.addi %mul3A_30, %mul3A_216 : i32
        %get3A_218 = arith.index_cast %add3A_217 : i32 to index
        %get3A_219 = tpu.vector_load %arg19[%get3A_218] {strides = array<i32>} : memref<512xi32, #tpu.memory_space<vmem>>, vector<16xi32>,
        %mul3A_220 = arith.constant 0 : i32
        %mul3A_221 = vector.broadcast %mul3A_220 : i32 to vector<16xi32>
        %mul3A_222 = arith.muli %iota3A, %mul3A_221 : vector<16xi32>
        %sub3A_223 = arith.subi %scan3A_197, %mul3A_216 : i32
        %add3A_224 = vector.broadcast %sub3A_223 : i32 to vector<16xi32>
        %add3A_225 = arith.addi %mul3A_222, %add3A_224 : vector<16xi32>
        %lt3A_226 = arith.constant 0 : i32
        %lt3A_227 = vector.broadcast %lt3A_226 : i32 to vector<16xi32>
        %lt3A_228 = arith.cmpi slt, %add3A_225, %lt3A_227 : vector<16xi32>
        %add3A_229 = arith.constant 16 : i32
        %add3A_230 = vector.broadcast %add3A_229 : i32 to vector<16xi32>
        %add3A_231 = arith.addi %add3A_225, %add3A_230 : vector<16xi32>
        %select_n3A_232 = arith.select %lt3A_228, %add3A_231, %add3A_225 : vector<16xi1>, vector<16xi32>
        %reshape3A = vector.shape_cast %select_n3A_232 : vector<16xi32> to vector<16x1xi32>
        %gather3A = vector.shape_cast %reshape3A : vector<16x1xi32> to vector<16xi32>
        %gather3A_233 = tpu.dynamic_gather %get3A_219[%gather3A] in [0] : vector<16xi32>, vector<16xi32> -> vector<16xi32>
        %slice3A = vector.extract_strided_slice %gather3A_233 {offsets = [0], sizes = [1], strides = [1]} : vector<16xi32> to vector<1xi32>
        %squeeze3A = vector.extract %slice3A[0] : i32 from vector<1xi32>
        %dma_start3A_234 = arith.constant 0 : i32
        %dma_start3A_235 = tpu.memref_slice %arg37[%scan3A_197, %dma_start3A_234] : memref<32x64xf32, #tpu.memory_space<vmem>> -> memref<1x64xf32, #tpu.memory_space<vmem>>
        %dma_start3A_236 = tpu.memref_squeeze %dma_start3A_235 : memref<1x64xf32, #tpu.memory_space<vmem>> -> memref<64xf32, #tpu.memory_space<vmem>>
        %dma_start3A_237 = arith.constant 0 : i32
        %dma_start3A_238 = tpu.memref_slice %arg8[%squeeze3A, %dma_start3A_237] : memref<100000x64xf32, #tpu.memory_space<hbm>> -> memref<1x64xf32, #tpu.memory_space<hbm>>
        %dma_start3A_239 = tpu.memref_squeeze %dma_start3A_238 : memref<1x64xf32, #tpu.memory_space<hbm>> -> memref<64xf32, #tpu.memory_space<hbm>>
        %dma_start3A_240 = arith.constant 0 : i32
        %dma_start3A_241 = tpu.memref_slice %arg37[%scan3A_197, %dma_start3A_240] : memref<32x64xf32, #tpu.memory_space<vmem>> -> memref<1x64xf32, #tpu.memory_space<vmem>>
        %dma_start3A_242 = tpu.memref_squeeze %dma_start3A_241 : memref<1x64xf32, #tpu.memory_space<vmem>> -> memref<64xf32, #tpu.memory_space<vmem>>
        %dma_start3A_243 = arith.constant 0 : i32
        %dma_start3A_244 = tpu.memref_slice %arg8[%squeeze3A, %dma_start3A_243] : memref<100000x64xf32, #tpu.memory_space<hbm>> -> memref<1x64xf32, #tpu.memory_space<hbm>>
        %dma_start3A_245 = tpu.memref_squeeze %dma_start3A_244 : memref<1x64xf32, #tpu.memory_space<hbm>> -> memref<64xf32, #tpu.memory_space<hbm>>
        tpu.enqueue_dma source(%dma_start3A_245 : memref<64xf32, #tpu.memory_space<hbm>>) target(%dma_start3A_242 : memref<64xf32, #tpu.memory_space<vmem>>) target_semaphore(%arg50 : memref<!tpu.dma_semaphore, #tpu.memory_space<semaphore_mem>>)
        %dma_start3A_246 = arith.constant 0 : i32
        %dma_start3A_247 = tpu.memref_slice %arg38[%scan3A_197, %dma_start3A_246] : memref<32x64xf32, #tpu.memory_space<vmem>> -> memref<1x64xf32, #tpu.memory_space<vmem>>
        %dma_start3A_248 = tpu.memref_squeeze %dma_start3A_247 : memref<1x64xf32, #tpu.memory_space<vmem>> -> memref<64xf32, #tpu.memory_space<vmem>>
        %dma_start3A_249 = arith.constant 0 : i32
        %dma_start3A_250 = tpu.memref_slice %arg9[%squeeze3A, %dma_start3A_249] : memref<100000x64xf32, #tpu.memory_space<hbm>> -> memref<1x64xf32, #tpu.memory_space<hbm>>
        %dma_start3A_251 = tpu.memref_squeeze %dma_start3A_250 : memref<1x64xf32, #tpu.memory_space<hbm>> -> memref<64xf32, #tpu.memory_space<hbm>>
        %dma_start3A_252 = arith.constant 0 : i32
        %dma_start3A_253 = tpu.memref_slice %arg38[%scan3A_197, %dma_start3A_252] : memref<32x64xf32, #tpu.memory_space<vmem>> -> memref<1x64xf32, #tpu.memory_space<vmem>>
        %dma_start3A_254 = tpu.memref_squeeze %dma_start3A_253 : memref<1x64xf32, #tpu.memory_space<vmem>> -> memref<64xf32, #tpu.memory_space<vmem>>
        %dma_start3A_255 = arith.constant 0 : i32
        %dma_start3A_256 = tpu.memref_slice %arg9[%squeeze3A, %dma_start3A_255] : memref<100000x64xf32, #tpu.memory_space<hbm>> -> memref<1x64xf32, #tpu.memory_space<hbm>>
        %dma_start3A_257 = tpu.memref_squeeze %dma_start3A_256 : memref<1x64xf32, #tpu.memory_space<hbm>> -> memref<64xf32, #tpu.memory_space<hbm>>
        tpu.enqueue_dma source(%dma_start3A_257 : memref<64xf32, #tpu.memory_space<hbm>>) target(%dma_start3A_254 : memref<64xf32, #tpu.memory_space<vmem>>) target_semaphore(%arg50 : memref<!tpu.dma_semaphore, #tpu.memory_space<semaphore_mem>>)
        %dma_start3A_258 = arith.constant 0 : i32
        %dma_start3A_259 = tpu.memref_slice %arg39[%scan3A_197, %dma_start3A_258] : memref<32x64xf32, #tpu.memory_space<vmem>> -> memref<1x64xf32, #tpu.memory_space<vmem>>
        %dma_start3A_260 = tpu.memref_squeeze %dma_start3A_259 : memref<1x64xf32, #tpu.memory_space<vmem>> -> memref<64xf32, #tpu.memory_space<vmem>>
        %dma_start3A_261 = arith.constant 0 : i32
        %dma_start3A_262 = tpu.memref_slice %arg10[%squeeze3A, %dma_start3A_261] : memref<100000x64xf32, #tpu.memory_space<hbm>> -> memref<1x64xf32, #tpu.memory_space<hbm>>
        %dma_start3A_263 = tpu.memref_squeeze %dma_start3A_262 : memref<1x64xf32, #tpu.memory_space<hbm>> -> memref<64xf32, #tpu.memory_space<hbm>>
        %dma_start3A_264 = arith.constant 0 : i32
        %dma_start3A_265 = tpu.memref_slice %arg39[%scan3A_197, %dma_start3A_264] : memref<32x64xf32, #tpu.memory_space<vmem>> -> memref<1x64xf32, #tpu.memory_space<vmem>>
        %dma_start3A_266 = tpu.memref_squeeze %dma_start3A_265 : memref<1x64xf32, #tpu.memory_space<vmem>> -> memref<64xf32, #tpu.memory_space<vmem>>
        %dma_start3A_267 = arith.constant 0 : i32
        %dma_start3A_268 = tpu.memref_slice %arg10[%squeeze3A, %dma_start3A_267] : memref<100000x64xf32, #tpu.memory_space<hbm>> -> memref<1x64xf32, #tpu.memory_space<hbm>>
        %dma_start3A_269 = tpu.memref_squeeze %dma_start3A_268 : memref<1x64xf32, #tpu.memory_space<hbm>> -> memref<64xf32, #tpu.memory_space<hbm>>
        tpu.enqueue_dma source(%dma_start3A_269 : memref<64xf32, #tpu.memory_space<hbm>>) target(%dma_start3A_266 : memref<64xf32, #tpu.memory_space<vmem>>) target_semaphore(%arg50 : memref<!tpu.dma_semaphore, #tpu.memory_space<semaphore_mem>>)
        %dma_start3A_270 = arith.constant 0 : i32
        %dma_start3A_271 = tpu.memref_slice %arg40[%scan3A_197, %dma_start3A_270] : memref<32x64xf32, #tpu.memory_space<vmem>> -> memref<1x64xf32, #tpu.memory_space<vmem>>
        %dma_start3A_272 = tpu.memref_squeeze %dma_start3A_271 : memref<1x64xf32, #tpu.memory_space<vmem>> -> memref<64xf32, #tpu.memory_space<vmem>>
        %dma_start3A_273 = arith.constant 0 : i32
        %dma_start3A_274 = tpu.memref_slice %arg11[%squeeze3A, %dma_start3A_273] : memref<100000x64xf32, #tpu.memory_space<hbm>> -> memref<1x64xf32, #tpu.memory_space<hbm>>
        %dma_start3A_275 = tpu.memref_squeeze %dma_start3A_274 : memref<1x64xf32, #tpu.memory_space<hbm>> -> memref<64xf32, #tpu.memory_space<hbm>>
        %dma_start3A_276 = arith.constant 0 : i32
        %dma_start3A_277 = tpu.memref_slice %arg40[%scan3A_197, %dma_start3A_276] : memref<32x64xf32, #tpu.memory_space<vmem>> -> memref<1x64xf32, #tpu.memory_space<vmem>>
        %dma_start3A_278 = tpu.memref_squeeze %dma_start3A_277 : memref<1x64xf32, #tpu.memory_space<vmem>> -> memref<64xf32, #tpu.memory_space<vmem>>
        %dma_start3A_279 = arith.constant 0 : i32
        %dma_start3A_280 = tpu.memref_slice %arg11[%squeeze3A, %dma_start3A_279] : memref<100000x64xf32, #tpu.memory_space<hbm>> -> memref<1x64xf32, #tpu.memory_space<hbm>>
        %dma_start3A_281 = tpu.memref_squeeze %dma_start3A_280 : memref<1x64xf32, #tpu.memory_space<hbm>> -> memref<64xf32, #tpu.memory_space<hbm>>
        tpu.enqueue_dma source(%dma_start3A_281 : memref<64xf32, #tpu.memory_space<hbm>>) target(%dma_start3A_278 : memref<64xf32, #tpu.memory_space<vmem>>) target_semaphore(%arg50 : memref<!tpu.dma_semaphore, #tpu.memory_space<semaphore_mem>>)
        %dma_start3A_282 = arith.constant 0 : i32
        %dma_start3A_283 = tpu.memref_slice %arg41[%scan3A_197, %dma_start3A_282] : memref<32x64xf32, #tpu.memory_space<vmem>> -> memref<1x64xf32, #tpu.memory_space<vmem>>
        %dma_start3A_284 = tpu.memref_squeeze %dma_start3A_283 : memref<1x64xf32, #tpu.memory_space<vmem>> -> memref<64xf32, #tpu.memory_space<vmem>>
        %dma_start3A_285 = arith.constant 0 : i32
        %dma_start3A_286 = tpu.memref_slice %arg12[%squeeze3A, %dma_start3A_285] : memref<100000x64xf32, #tpu.memory_space<hbm>> -> memref<1x64xf32, #tpu.memory_space<hbm>>
        %dma_start3A_287 = tpu.memref_squeeze %dma_start3A_286 : memref<1x64xf32, #tpu.memory_space<hbm>> -> memref<64xf32, #tpu.memory_space<hbm>>
        %dma_start3A_288 = arith.constant 0 : i32
        %dma_start3A_289 = tpu.memref_slice %arg41[%scan3A_197, %dma_start3A_288] : memref<32x64xf32, #tpu.memory_space<vmem>> -> memref<1x64xf32, #tpu.memory_space<vmem>>
        %dma_start3A_290 = tpu.memref_squeeze %dma_start3A_289 : memref<1x64xf32, #tpu.memory_space<vmem>> -> memref<64xf32, #tpu.memory_space<vmem>>
        %dma_start3A_291 = arith.constant 0 : i32
        %dma_start3A_292 = tpu.memref_slice %arg12[%squeeze3A, %dma_start3A_291] : memref<100000x64xf32, #tpu.memory_space<hbm>> -> memref<1x64xf32, #tpu.memory_space<hbm>>
        %dma_start3A_293 = tpu.memref_squeeze %dma_start3A_292 : memref<1x64xf32, #tpu.memory_space<hbm>> -> memref<64xf32, #tpu.memory_space<hbm>>
        tpu.enqueue_dma source(%dma_start3A_293 : memref<64xf32, #tpu.memory_space<hbm>>) target(%dma_start3A_290 : memref<64xf32, #tpu.memory_space<vmem>>) target_semaphore(%arg50 : memref<!tpu.dma_semaphore, #tpu.memory_space<semaphore_mem>>)
        %dma_start3A_294 = arith.constant 0 : i32
        %dma_start3A_295 = tpu.memref_slice %arg42[%scan3A_197, %dma_start3A_294] : memref<32x64xf32, #tpu.memory_space<vmem>> -> memref<1x64xf32, #tpu.memory_space<vmem>>
        %dma_start3A_296 = tpu.memref_squeeze %dma_start3A_295 : memref<1x64xf32, #tpu.memory_space<vmem>> -> memref<64xf32, #tpu.memory_space<vmem>>
        %dma_start3A_297 = arith.constant 0 : i32
        %dma_start3A_298 = tpu.memref_slice %arg13[%squeeze3A, %dma_start3A_297] : memref<100000x64xf32, #tpu.memory_space<hbm>> -> memref<1x64xf32, #tpu.memory_space<hbm>>
        %dma_start3A_299 = tpu.memref_squeeze %dma_start3A_298 : memref<1x64xf32, #tpu.memory_space<hbm>> -> memref<64xf32, #tpu.memory_space<hbm>>
        %dma_start3A_300 = arith.constant 0 : i32
        %dma_start3A_301 = tpu.memref_slice %arg42[%scan3A_197, %dma_start3A_300] : memref<32x64xf32, #tpu.memory_space<vmem>> -> memref<1x64xf32, #tpu.memory_space<vmem>>
        %dma_start3A_302 = tpu.memref_squeeze %dma_start3A_301 : memref<1x64xf32, #tpu.memory_space<vmem>> -> memref<64xf32, #tpu.memory_space<vmem>>
        %dma_start3A_303 = arith.constant 0 : i32
        %dma_start3A_304 = tpu.memref_slice %arg13[%squeeze3A, %dma_start3A_303] : memref<100000x64xf32, #tpu.memory_space<hbm>> -> memref<1x64xf32, #tpu.memory_space<hbm>>
        %dma_start3A_305 = tpu.memref_squeeze %dma_start3A_304 : memref<1x64xf32, #tpu.memory_space<hbm>> -> memref<64xf32, #tpu.memory_space<hbm>>
        tpu.enqueue_dma source(%dma_start3A_305 : memref<64xf32, #tpu.memory_space<hbm>>) target(%dma_start3A_302 : memref<64xf32, #tpu.memory_space<vmem>>) target_semaphore(%arg50 : memref<!tpu.dma_semaphore, #tpu.memory_space<semaphore_mem>>)
        %dma_start3A_306 = arith.constant 0 : i32
        %dma_start3A_307 = tpu.memref_slice %arg43[%scan3A_197, %dma_start3A_306] : memref<32x64xf32, #tpu.memory_space<vmem>> -> memref<1x64xf32, #tpu.memory_space<vmem>>
        %dma_start3A_308 = tpu.memref_squeeze %dma_start3A_307 : memref<1x64xf32, #tpu.memory_space<vmem>> -> memref<64xf32, #tpu.memory_space<vmem>>
        %dma_start3A_309 = arith.constant 0 : i32
        %dma_start3A_310 = tpu.memref_slice %arg14[%squeeze3A, %dma_start3A_309] : memref<100000x64xf32, #tpu.memory_space<hbm>> -> memref<1x64xf32, #tpu.memory_space<hbm>>
        %dma_start3A_311 = tpu.memref_squeeze %dma_start3A_310 : memref<1x64xf32, #tpu.memory_space<hbm>> -> memref<64xf32, #tpu.memory_space<hbm>>
        %dma_start3A_312 = arith.constant 0 : i32
        %dma_start3A_313 = tpu.memref_slice %arg43[%scan3A_197, %dma_start3A_312] : memref<32x64xf32, #tpu.memory_space<vmem>> -> memref<1x64xf32, #tpu.memory_space<vmem>>
        %dma_start3A_314 = tpu.memref_squeeze %dma_start3A_313 : memref<1x64xf32, #tpu.memory_space<vmem>> -> memref<64xf32, #tpu.memory_space<vmem>>
        %dma_start3A_315 = arith.constant 0 : i32
        %dma_start3A_316 = tpu.memref_slice %arg14[%squeeze3A, %dma_start3A_315] : memref<100000x64xf32, #tpu.memory_space<hbm>> -> memref<1x64xf32, #tpu.memory_space<hbm>>
        %dma_start3A_317 = tpu.memref_squeeze %dma_start3A_316 : memref<1x64xf32, #tpu.memory_space<hbm>> -> memref<64xf32, #tpu.memory_space<hbm>>
        tpu.enqueue_dma source(%dma_start3A_317 : memref<64xf32, #tpu.memory_space<hbm>>) target(%dma_start3A_314 : memref<64xf32, #tpu.memory_space<vmem>>) target_semaphore(%arg50 : memref<!tpu.dma_semaphore, #tpu.memory_space<semaphore_mem>>)
        %dma_start3A_318 = arith.constant 0 : i32
        %dma_start3A_319 = tpu.memref_slice %arg44[%scan3A_197, %dma_start3A_318] : memref<32x64xf32, #tpu.memory_space<vmem>> -> memref<1x64xf32, #tpu.memory_space<vmem>>
        %dma_start3A_320 = tpu.memref_squeeze %dma_start3A_319 : memref<1x64xf32, #tpu.memory_space<vmem>> -> memref<64xf32, #tpu.memory_space<vmem>>
        %dma_start3A_321 = arith.constant 0 : i32
        %dma_start3A_322 = tpu.memref_slice %arg15[%squeeze3A, %dma_start3A_321] : memref<100000x64xf32, #tpu.memory_space<hbm>> -> memref<1x64xf32, #tpu.memory_space<hbm>>
        %dma_start3A_323 = tpu.memref_squeeze %dma_start3A_322 : memref<1x64xf32, #tpu.memory_space<hbm>> -> memref<64xf32, #tpu.memory_space<hbm>>
        %dma_start3A_324 = arith.constant 0 : i32
        %dma_start3A_325 = tpu.memref_slice %arg44[%scan3A_197, %dma_start3A_324] : memref<32x64xf32, #tpu.memory_space<vmem>> -> memref<1x64xf32, #tpu.memory_space<vmem>>
        %dma_start3A_326 = tpu.memref_squeeze %dma_start3A_325 : memref<1x64xf32, #tpu.memory_space<vmem>> -> memref<64xf32, #tpu.memory_space<vmem>>
        %dma_start3A_327 = arith.constant 0 : i32
        %dma_start3A_328 = tpu.memref_slice %arg15[%squeeze3A, %dma_start3A_327] : memref<100000x64xf32, #tpu.memory_space<hbm>> -> memref<1x64xf32, #tpu.memory_space<hbm>>
        %dma_start3A_329 = tpu.memref_squeeze %dma_start3A_328 : memref<1x64xf32, #tpu.memory_space<hbm>> -> memref<64xf32, #tpu.memory_space<hbm>>
        tpu.enqueue_dma source(%dma_start3A_329 : memref<64xf32, #tpu.memory_space<hbm>>) target(%dma_start3A_326 : memref<64xf32, #tpu.memory_space<vmem>>) target_semaphore(%arg50 : memref<!tpu.dma_semaphore, #tpu.memory_space<semaphore_mem>>)
        %dma_start3A_330 = arith.constant 0 : i32
        %dma_start3A_331 = tpu.memref_slice %arg45[%scan3A_197, %dma_start3A_330] : memref<32x64xf32, #tpu.memory_space<vmem>> -> memref<1x64xf32, #tpu.memory_space<vmem>>
        %dma_start3A_332 = tpu.memref_squeeze %dma_start3A_331 : memref<1x64xf32, #tpu.memory_space<vmem>> -> memref<64xf32, #tpu.memory_space<vmem>>
        %dma_start3A_333 = arith.constant 0 : i32
        %dma_start3A_334 = tpu.memref_slice %arg16[%squeeze3A, %dma_start3A_333] : memref<100000x64xf32, #tpu.memory_space<hbm>> -> memref<1x64xf32, #tpu.memory_space<hbm>>
        %dma_start3A_335 = tpu.memref_squeeze %dma_start3A_334 : memref<1x64xf32, #tpu.memory_space<hbm>> -> memref<64xf32, #tpu.memory_space<hbm>>
        %dma_start3A_336 = arith.constant 0 : i32
        %dma_start3A_337 = tpu.memref_slice %arg45[%scan3A_197, %dma_start3A_336] : memref<32x64xf32, #tpu.memory_space<vmem>> -> memref<1x64xf32, #tpu.memory_space<vmem>>
        %dma_start3A_338 = tpu.memref_squeeze %dma_start3A_337 : memref<1x64xf32, #tpu.memory_space<vmem>> -> memref<64xf32, #tpu.memory_space<vmem>>
        %dma_start3A_339 = arith.constant 0 : i32
        %dma_start3A_340 = tpu.memref_slice %arg16[%squeeze3A, %dma_start3A_339] : memref<100000x64xf32, #tpu.memory_space<hbm>> -> memref<1x64xf32, #tpu.memory_space<hbm>>
        %dma_start3A_341 = tpu.memref_squeeze %dma_start3A_340 : memref<1x64xf32, #tpu.memory_space<hbm>> -> memref<64xf32, #tpu.memory_space<hbm>>
        tpu.enqueue_dma source(%dma_start3A_341 : memref<64xf32, #tpu.memory_space<hbm>>) target(%dma_start3A_338 : memref<64xf32, #tpu.memory_space<vmem>>) target_semaphore(%arg50 : memref<!tpu.dma_semaphore, #tpu.memory_space<semaphore_mem>>)
        %dma_start3A_342 = arith.constant 0 : i32
        %dma_start3A_343 = tpu.memref_slice %arg46[%scan3A_197, %dma_start3A_342] : memref<32x64xf32, #tpu.memory_space<vmem>> -> memref<1x64xf32, #tpu.memory_space<vmem>>
        %dma_start3A_344 = tpu.memref_squeeze %dma_start3A_343 : memref<1x64xf32, #tpu.memory_space<vmem>> -> memref<64xf32, #tpu.memory_space<vmem>>
        %dma_start3A_345 = arith.constant 0 : i32
        %dma_start3A_346 = tpu.memref_slice %arg17[%squeeze3A, %dma_start3A_345] : memref<100000x64xf32, #tpu.memory_space<hbm>> -> memref<1x64xf32, #tpu.memory_space<hbm>>
        %dma_start3A_347 = tpu.memref_squeeze %dma_start3A_346 : memref<1x64xf32, #tpu.memory_space<hbm>> -> memref<64xf32, #tpu.memory_space<hbm>>
        %dma_start3A_348 = arith.constant 0 : i32
        %dma_start3A_349 = tpu.memref_slice %arg46[%scan3A_197, %dma_start3A_348] : memref<32x64xf32, #tpu.memory_space<vmem>> -> memref<1x64xf32, #tpu.memory_space<vmem>>
        %dma_start3A_350 = tpu.memref_squeeze %dma_start3A_349 : memref<1x64xf32, #tpu.memory_space<vmem>> -> memref<64xf32, #tpu.memory_space<vmem>>
        %dma_start3A_351 = arith.constant 0 : i32
        %dma_start3A_352 = tpu.memref_slice %arg17[%squeeze3A, %dma_start3A_351] : memref<100000x64xf32, #tpu.memory_space<hbm>> -> memref<1x64xf32, #tpu.memory_space<hbm>>
        %dma_start3A_353 = tpu.memref_squeeze %dma_start3A_352 : memref<1x64xf32, #tpu.memory_space<hbm>> -> memref<64xf32, #tpu.memory_space<hbm>>
        tpu.enqueue_dma source(%dma_start3A_353 : memref<64xf32, #tpu.memory_space<hbm>>) target(%dma_start3A_350 : memref<64xf32, #tpu.memory_space<vmem>>) target_semaphore(%arg50 : memref<!tpu.dma_semaphore, #tpu.memory_space<semaphore_mem>>)
        %scan3A_354 = arith.constant 0 : i32
        scf.yield %scan3A_354 : i32
      }
      %scan3A_42 = arith.constant 32 : i32
      %dma_wait3A = arith.constant 0 : i32
      %dma_wait3A_43 = arith.constant 0 : i32
      %dma_wait3A_44 = tpu.memref_slice %arg7[%dma_wait3A, %dma_wait3A_43] : memref<16384x128xf32, #tpu.memory_space<hbm>> -> memref<32x128xf32, #tpu.memory_space<hbm>>
      %dma_wait3A_45 = arith.constant 0 : i32
      %dma_wait3A_46 = arith.constant 0 : i32
      %dma_wait3A_47 = tpu.memref_slice %arg7[%dma_wait3A_45, %dma_wait3A_46] : memref<16384x128xf32, #tpu.memory_space<hbm>> -> memref<32x128xf32, #tpu.memory_space<hbm>>
      tpu.wait_dma2 semaphore(%arg47 : memref<!tpu.dma_semaphore, #tpu.memory_space<semaphore_mem>>) src(%dma_wait3A_47 : memref<32x128xf32, #tpu.memory_space<hbm>>) dst(%arg25 : memref<32x128xf32, #tpu.memory_space<vmem>>)
      %dma_wait3A_48 = arith.constant 0 : i32
      %dma_wait3A_49 = arith.constant 0 : i32
      %dma_wait3A_50 = tpu.memref_slice %arg8[%dma_wait3A_48, %dma_wait3A_49] : memref<100000x64xf32, #tpu.memory_space<hbm>> -> memref<32x64xf32, #tpu.memory_space<hbm>>
      %dma_wait3A_51 = arith.constant 0 : i32
      %dma_wait3A_52 = arith.constant 0 : i32
      %dma_wait3A_53 = tpu.memref_slice %arg8[%dma_wait3A_51, %dma_wait3A_52] : memref<100000x64xf32, #tpu.memory_space<hbm>> -> memref<32x64xf32, #tpu.memory_space<hbm>>
      tpu.wait_dma2 semaphore(%arg48 : memref<!tpu.dma_semaphore, #tpu.memory_space<semaphore_mem>>) src(%dma_wait3A_53 : memref<32x64xf32, #tpu.memory_space<hbm>>) dst(%arg26 : memref<32x64xf32, #tpu.memory_space<vmem>>)
      %dma_wait3A_54 = arith.constant 0 : i32
      %dma_wait3A_55 = arith.constant 0 : i32
      %dma_wait3A_56 = tpu.memref_slice %arg9[%dma_wait3A_54, %dma_wait3A_55] : memref<100000x64xf32, #tpu.memory_space<hbm>> -> memref<32x64xf32, #tpu.memory_space<hbm>>
      %dma_wait3A_57 = arith.constant 0 : i32
      %dma_wait3A_58 = arith.constant 0 : i32
      %dma_wait3A_59 = tpu.memref_slice %arg9[%dma_wait3A_57, %dma_wait3A_58] : memref<100000x64xf32, #tpu.memory_space<hbm>> -> memref<32x64xf32, #tpu.memory_space<hbm>>
      tpu.wait_dma2 semaphore(%arg48 : memref<!tpu.dma_semaphore, #tpu.memory_space<semaphore_mem>>) src(%dma_wait3A_59 : memref<32x64xf32, #tpu.memory_space<hbm>>) dst(%arg27 : memref<32x64xf32, #tpu.memory_space<vmem>>)
      %dma_wait3A_60 = arith.constant 0 : i32
      %dma_wait3A_61 = arith.constant 0 : i32
      %dma_wait3A_62 = tpu.memref_slice %arg10[%dma_wait3A_60, %dma_wait3A_61] : memref<100000x64xf32, #tpu.memory_space<hbm>> -> memref<32x64xf32, #tpu.memory_space<hbm>>
      %dma_wait3A_63 = arith.constant 0 : i32
      %dma_wait3A_64 = arith.constant 0 : i32
      %dma_wait3A_65 = tpu.memref_slice %arg10[%dma_wait3A_63, %dma_wait3A_64] : memref<100000x64xf32, #tpu.memory_space<hbm>> -> memref<32x64xf32, #tpu.memory_space<hbm>>
      tpu.wait_dma2 semaphore(%arg48 : memref<!tpu.dma_semaphore, #tpu.memory_space<semaphore_mem>>) src(%dma_wait3A_65 : memref<32x64xf32, #tpu.memory_space<hbm>>) dst(%arg28 : memref<32x64xf32, #tpu.memory_space<vmem>>)
      %dma_wait3A_66 = arith.constant 0 : i32
      %dma_wait3A_67 = arith.constant 0 : i32
      %dma_wait3A_68 = tpu.memref_slice %arg11[%dma_wait3A_66, %dma_wait3A_67] : memref<100000x64xf32, #tpu.memory_space<hbm>> -> memref<32x64xf32, #tpu.memory_space<hbm>>
      %dma_wait3A_69 = arith.constant 0 : i32
      %dma_wait3A_70 = arith.constant 0 : i32
      %dma_wait3A_71 = tpu.memref_slice %arg11[%dma_wait3A_69, %dma_wait3A_70] : memref<100000x64xf32, #tpu.memory_space<hbm>> -> memref<32x64xf32, #tpu.memory_space<hbm>>
      tpu.wait_dma2 semaphore(%arg48 : memref<!tpu.dma_semaphore, #tpu.memory_space<semaphore_mem>>) src(%dma_wait3A_71 : memref<32x64xf32, #tpu.memory_space<hbm>>) dst(%arg29 : memref<32x64xf32, #tpu.memory_space<vmem>>)
      %dma_wait3A_72 = arith.constant 0 : i32
      %dma_wait3A_73 = arith.constant 0 : i32
      %dma_wait3A_74 = tpu.memref_slice %arg12[%dma_wait3A_72, %dma_wait3A_73] : memref<100000x64xf32, #tpu.memory_space<hbm>> -> memref<32x64xf32, #tpu.memory_space<hbm>>
      %dma_wait3A_75 = arith.constant 0 : i32
      %dma_wait3A_76 = arith.constant 0 : i32
      %dma_wait3A_77 = tpu.memref_slice %arg12[%dma_wait3A_75, %dma_wait3A_76] : memref<100000x64xf32, #tpu.memory_space<hbm>> -> memref<32x64xf32, #tpu.memory_space<hbm>>
      tpu.wait_dma2 semaphore(%arg48 : memref<!tpu.dma_semaphore, #tpu.memory_space<semaphore_mem>>) src(%dma_wait3A_77 : memref<32x64xf32, #tpu.memory_space<hbm>>) dst(%arg30 : memref<32x64xf32, #tpu.memory_space<vmem>>)
      %dma_wait3A_78 = arith.constant 0 : i32
      %dma_wait3A_79 = arith.constant 0 : i32
      %dma_wait3A_80 = tpu.memref_slice %arg13[%dma_wait3A_78, %dma_wait3A_79] : memref<100000x64xf32, #tpu.memory_space<hbm>> -> memref<32x64xf32, #tpu.memory_space<hbm>>
      %dma_wait3A_81 = arith.constant 0 : i32
      %dma_wait3A_82 = arith.constant 0 : i32
      %dma_wait3A_83 = tpu.memref_slice %arg13[%dma_wait3A_81, %dma_wait3A_82] : memref<100000x64xf32, #tpu.memory_space<hbm>> -> memref<32x64xf32, #tpu.memory_space<hbm>>
      tpu.wait_dma2 semaphore(%arg48 : memref<!tpu.dma_semaphore, #tpu.memory_space<semaphore_mem>>) src(%dma_wait3A_83 : memref<32x64xf32, #tpu.memory_space<hbm>>) dst(%arg31 : memref<32x64xf32, #tpu.memory_space<vmem>>)
      %dma_wait3A_84 = arith.constant 0 : i32
      %dma_wait3A_85 = arith.constant 0 : i32
      %dma_wait3A_86 = tpu.memref_slice %arg14[%dma_wait3A_84, %dma_wait3A_85] : memref<100000x64xf32, #tpu.memory_space<hbm>> -> memref<32x64xf32, #tpu.memory_space<hbm>>
      %dma_wait3A_87 = arith.constant 0 : i32
      %dma_wait3A_88 = arith.constant 0 : i32
      %dma_wait3A_89 = tpu.memref_slice %arg14[%dma_wait3A_87, %dma_wait3A_88] : memref<100000x64xf32, #tpu.memory_space<hbm>> -> memref<32x64xf32, #tpu.memory_space<hbm>>
      tpu.wait_dma2 semaphore(%arg48 : memref<!tpu.dma_semaphore, #tpu.memory_space<semaphore_mem>>) src(%dma_wait3A_89 : memref<32x64xf32, #tpu.memory_space<hbm>>) dst(%arg32 : memref<32x64xf32, #tpu.memory_space<vmem>>)
      %dma_wait3A_90 = arith.constant 0 : i32
      %dma_wait3A_91 = arith.constant 0 : i32
      %dma_wait3A_92 = tpu.memref_slice %arg15[%dma_wait3A_90, %dma_wait3A_91] : memref<100000x64xf32, #tpu.memory_space<hbm>> -> memref<32x64xf32, #tpu.memory_space<hbm>>
      %dma_wait3A_93 = arith.constant 0 : i32
      %dma_wait3A_94 = arith.constant 0 : i32
      %dma_wait3A_95 = tpu.memref_slice %arg15[%dma_wait3A_93, %dma_wait3A_94] : memref<100000x64xf32, #tpu.memory_space<hbm>> -> memref<32x64xf32, #tpu.memory_space<hbm>>
      tpu.wait_dma2 semaphore(%arg48 : memref<!tpu.dma_semaphore, #tpu.memory_space<semaphore_mem>>) src(%dma_wait3A_95 : memref<32x64xf32, #tpu.memory_space<hbm>>) dst(%arg33 : memref<32x64xf32, #tpu.memory_space<vmem>>)
      %dma_wait3A_96 = arith.constant 0 : i32
      %dma_wait3A_97 = arith.constant 0 : i32
      %dma_wait3A_98 = tpu.memref_slice %arg16[%dma_wait3A_96, %dma_wait3A_97] : memref<100000x64xf32, #tpu.memory_space<hbm>> -> memref<32x64xf32, #tpu.memory_space<hbm>>
      %dma_wait3A_99 = arith.constant 0 : i32
      %dma_wait3A_100 = arith.constant 0 : i32
      %dma_wait3A_101 = tpu.memref_slice %arg16[%dma_wait3A_99, %dma_wait3A_100] : memref<100000x64xf32, #tpu.memory_space<hbm>> -> memref<32x64xf32, #tpu.memory_space<hbm>>
      tpu.wait_dma2 semaphore(%arg48 : memref<!tpu.dma_semaphore, #tpu.memory_space<semaphore_mem>>) src(%dma_wait3A_101 : memref<32x64xf32, #tpu.memory_space<hbm>>) dst(%arg34 : memref<32x64xf32, #tpu.memory_space<vmem>>)
      %dma_wait3A_102 = arith.constant 0 : i32
      %dma_wait3A_103 = arith.constant 0 : i32
      %dma_wait3A_104 = tpu.memref_slice %arg17[%dma_wait3A_102, %dma_wait3A_103] : memref<100000x64xf32, #tpu.memory_space<hbm>> -> memref<32x64xf32, #tpu.memory_space<hbm>>
      %dma_wait3A_105 = arith.constant 0 : i32
      %dma_wait3A_106 = arith.constant 0 : i32
      %dma_wait3A_107 = tpu.memref_slice %arg17[%dma_wait3A_105, %dma_wait3A_106] : memref<100000x64xf32, #tpu.memory_space<hbm>> -> memref<32x64xf32, #tpu.memory_space<hbm>>
      tpu.wait_dma2 semaphore(%arg48 : memref<!tpu.dma_semaphore, #tpu.memory_space<semaphore_mem>>) src(%dma_wait3A_107 : memref<32x64xf32, #tpu.memory_space<hbm>>) dst(%arg35 : memref<32x64xf32, #tpu.memory_space<vmem>>)
      %mul3A_108 = arith.constant 32 : i32
      %mul3A_109 = arith.muli %mul3A_26, %mul3A_108 : i32
      %scan3A_110 = arith.constant 0 : i32
      %scan3A_111 = arith.constant 0 : i32
      %scan3A_112 = arith.constant 2 : i32
      %scan3A_113 = arith.addi %scan3A_111, %scan3A_112 : i32
      %scan3A_114 = arith.constant 1 : i32
      %scan3A_115 = scf.for %scan3A_197 = %scan3A_111 to %scan3A_113 step %scan3A_114 iter_args(%scan3A_198 = %scan3A_110) -> (i32)  : i32 {
        %mul3A_199 = arith.constant 16 : i32
        %mul3A_200 = arith.muli %scan3A_197, %mul3A_199 : i32
        %add3A_201 = arith.addi %mul3A_109, %mul3A_200 : i32
        %get3A_202 = arith.index_cast %add3A_201 : i32 to index
        %get3A_203 = tpu.vector_load %arg20[%get3A_202] {strides = array<i32>} : memref<512xf32, #tpu.memory_space<vmem>>, vector<16xf32>,
        %mul3A_204 = arith.constant 16 : i32
        %mul3A_205 = arith.muli %scan3A_197, %mul3A_204 : i32
        %add3A_206 = arith.addi %mul3A_109, %mul3A_205 : i32
        %get3A_207 = arith.index_cast %add3A_206 : i32 to index
        %get3A_208 = tpu.vector_load %arg21[%get3A_207] {strides = array<i32>} : memref<512xf32, #tpu.memory_space<vmem>>, vector<16xf32>,
        %mul3A_209 = arith.constant 16 : i32
        %mul3A_210 = arith.muli %scan3A_197, %mul3A_209 : i32
        %add3A_211 = arith.addi %mul3A_109, %mul3A_210 : i32
        %get3A_212 = arith.index_cast %add3A_211 : i32 to index
        %get3A_213 = tpu.vector_load %arg22[%get3A_212] {strides = array<i32>} : memref<512xf32, #tpu.memory_space<vmem>>, vector<16xf32>,
        %scan3A_214 = arith.constant 0 : i32
        %scan3A_215 = arith.constant 16 : i32
        %scan3A_216 = arith.addi %scan3A_214, %scan3A_215 : i32
        %scan3A_217 = arith.constant 1 : i32
        %scan3A_218 = scf.for %scan3A_260 = %scan3A_214 to %scan3A_216 step %scan3A_217 iter_args(%scan3A_261 = %broadcast_in_dim3A_4) -> (vector<16xf32>)  : i32 {
          %mul3A_262 = arith.constant 16 : i32
          %mul3A_263 = arith.muli %scan3A_197, %mul3A_262 : i32
          %add3A_264 = arith.addi %mul3A_263, %scan3A_260 : i32
          %mul3A_265 = arith.constant 0 : i32
          %mul3A_266 = vector.broadcast %mul3A_265 : i32 to vector<16xi32>
          %mul3A_267 = arith.muli %iota3A, %mul3A_266 : vector<16xi32>
          %add3A_268 = vector.broadcast %scan3A_260 : i32 to vector<16xi32>
          %add3A_269 = arith.addi %mul3A_267, %add3A_268 : vector<16xi32>
          %lt3A_270 = arith.constant 0 : i32
          %lt3A_271 = vector.broadcast %lt3A_270 : i32 to vector<16xi32>
          %lt3A_272 = arith.cmpi slt, %add3A_269, %lt3A_271 : vector<16xi32>
          %add3A_273 = arith.constant 16 : i32
          %add3A_274 = vector.broadcast %add3A_273 : i32 to vector<16xi32>
          %add3A_275 = arith.addi %add3A_269, %add3A_274 : vector<16xi32>
          %select_n3A = arith.select %lt3A_272, %add3A_275, %add3A_269 : vector<16xi1>, vector<16xi32>
          %reshape3A = vector.shape_cast %select_n3A : vector<16xi32> to vector<16x1xi32>
          %gather3A = vector.shape_cast %reshape3A : vector<16x1xi32> to vector<16xi32>
          %gather3A_276 = tpu.dynamic_gather %get3A_203[%gather3A] in [0] : vector<16xf32>, vector<16xi32> -> vector<16xf32>
          %lt3A_277 = arith.constant 0 : i32
          %lt3A_278 = vector.broadcast %lt3A_277 : i32 to vector<16xi32>
          %lt3A_279 = arith.cmpi slt, %add3A_269, %lt3A_278 : vector<16xi32>
          %add3A_280 = arith.constant 16 : i32
          %add3A_281 = vector.broadcast %add3A_280 : i32 to vector<16xi32>
          %add3A_282 = arith.addi %add3A_269, %add3A_281 : vector<16xi32>
          %select_n3A_283 = arith.select %lt3A_279, %add3A_282, %add3A_269 : vector<16xi1>, vector<16xi32>
          %reshape3A_284 = vector.shape_cast %select_n3A_283 : vector<16xi32> to vector<16x1xi32>
          %gather3A_285 = vector.shape_cast %reshape3A_284 : vector<16x1xi32> to vector<16xi32>
          %gather3A_286 = tpu.dynamic_gather %get3A_208[%gather3A_285] in [0] : vector<16xf32>, vector<16xi32> -> vector<16xf32>
          %lt3A_287 = arith.constant 0 : i32
          %lt3A_288 = vector.broadcast %lt3A_287 : i32 to vector<16xi32>
          %lt3A_289 = arith.cmpi slt, %add3A_269, %lt3A_288 : vector<16xi32>
          %add3A_290 = arith.constant 16 : i32
          %add3A_291 = vector.broadcast %add3A_290 : i32 to vector<16xi32>
          %add3A_292 = arith.addi %add3A_269, %add3A_291 : vector<16xi32>
          %select_n3A_293 = arith.select %lt3A_289, %add3A_292, %add3A_269 : vector<16xi1>, vector<16xi32>
          %reshape3A_294 = vector.shape_cast %select_n3A_293 : vector<16xi32> to vector<16x1xi32>
          %gather3A_295 = vector.shape_cast %reshape3A_294 : vector<16x1xi32> to vector<16xi32>
          %gather3A_296 = tpu.dynamic_gather %get3A_213[%gather3A_295] in [0] : vector<16xf32>, vector<16xi32> -> vector<16xf32>
          %get3A_297 = arith.index_cast %add3A_264 : i32 to index
          %get3A_298 = arith.constant 0 : index
          %get3A_299 = tpu.vector_load %arg25[%get3A_297, %get3A_298] {strides = array<i32>} : memref<32x128xf32, #tpu.memory_space<vmem>>, vector<16xf32>,
          %get3A_300 = arith.index_cast %add3A_264 : i32 to index
          %get3A_301 = arith.constant 0 : index
          %get3A_302 = tpu.vector_load %arg26[%get3A_300, %get3A_301] {strides = array<i32>} : memref<32x64xf32, #tpu.memory_space<vmem>>, vector<16xf32>,
          %mul3A_303 = arith.mulf %get3A_3, %get3A_302 : vector<16xf32>
          %add3A_304 = arith.addf %get3A_299, %mul3A_303 : vector<16xf32>
          %mul3A_305 = arith.mulf %add3A_304, %add3A_304 : vector<16xf32>
          %add3A_306 = arith.addf %broadcast_in_dim3A_4, %mul3A_305 : vector<16xf32>
          %get3A_307 = arith.index_cast %add3A_264 : i32 to index
          %get3A_308 = arith.constant 64 : index
          %get3A_309 = tpu.vector_load %arg25[%get3A_307, %get3A_308] {strides = array<i32>} : memref<32x128xf32, #tpu.memory_space<vmem>>, vector<16xf32>,
          %get3A_310 = arith.index_cast %add3A_264 : i32 to index
          %get3A_311 = arith.constant 0 : index
          %get3A_312 = tpu.vector_load %arg27[%get3A_310, %get3A_311] {strides = array<i32>} : memref<32x64xf32, #tpu.memory_space<vmem>>, vector<16xf32>,
          %get3A_313 = arith.index_cast %add3A_264 : i32 to index
          %get3A_314 = arith.constant 0 : index
          %get3A_315 = tpu.vector_load %arg28[%get3A_313, %get3A_314] {strides = array<i32>} : memref<32x64xf32, #tpu.memory_space<vmem>>, vector<16xf32>,
          %get3A_316 = arith.index_cast %add3A_264 : i32 to index
          %get3A_317 = arith.constant 0 : index
          %get3A_318 = tpu.vector_load %arg29[%get3A_316, %get3A_317] {strides = array<i32>} : memref<32x64xf32, #tpu.memory_space<vmem>>, vector<16xf32>,
          %get3A_319 = arith.index_cast %add3A_264 : i32 to index
          %get3A_320 = arith.constant 0 : index
          %get3A_321 = tpu.vector_load %arg30[%get3A_319, %get3A_320] {strides = array<i32>} : memref<32x64xf32, #tpu.memory_space<vmem>>, vector<16xf32>,
          %get3A_322 = arith.index_cast %add3A_264 : i32 to index
          %get3A_323 = arith.constant 0 : index
          %get3A_324 = tpu.vector_load %arg31[%get3A_322, %get3A_323] {strides = array<i32>} : memref<32x64xf32, #tpu.memory_space<vmem>>, vector<16xf32>,
          %get3A_325 = arith.index_cast %add3A_264 : i32 to index
          %get3A_326 = arith.constant 0 : index
          %get3A_327 = tpu.vector_load %arg32[%get3A_325, %get3A_326] {strides = array<i32>} : memref<32x64xf32, #tpu.memory_space<vmem>>, vector<16xf32>,
          %get3A_328 = arith.index_cast %add3A_264 : i32 to index
          %get3A_329 = arith.constant 0 : index
          %get3A_330 = tpu.vector_load %arg33[%get3A_328, %get3A_329] {strides = array<i32>} : memref<32x64xf32, #tpu.memory_space<vmem>>, vector<16xf32>,
          %get3A_331 = arith.index_cast %add3A_264 : i32 to index
          %get3A_332 = arith.constant 0 : index
          %get3A_333 = tpu.vector_load %arg34[%get3A_331, %get3A_332] {strides = array<i32>} : memref<32x64xf32, #tpu.memory_space<vmem>>, vector<16xf32>,
          %get3A_334 = arith.index_cast %add3A_264 : i32 to index
          %get3A_335 = arith.constant 0 : index
          %get3A_336 = tpu.vector_load %arg35[%get3A_334, %get3A_335] {strides = array<i32>} : memref<32x64xf32, #tpu.memory_space<vmem>>, vector<16xf32>,
          %mul3A_337 = arith.mulf %get3A_312, %gather3A_276 : vector<16xf32>
          %add3A_338 = arith.addf %mul3A_337, %get3A_315 : vector<16xf32>
          %mul3A_339 = arith.mulf %add3A_338, %add3A_338 : vector<16xf32>
          %mul3A_340 = arith.constant 2.75573188E-6 : f32
          %mul3A_341 = vector.broadcast %mul3A_340 : f32 to vector<16xf32>
          %mul3A_342 = arith.mulf %mul3A_341, %mul3A_339 : vector<16xf32>
          %add3A_343 = arith.constant -1.98412701E-4 : f32
          %add3A_344 = vector.broadcast %add3A_343 : f32 to vector<16xf32>
          %add3A_345 = arith.addf %mul3A_342, %add3A_344 : vector<16xf32>
          %mul3A_346 = arith.mulf %add3A_345, %mul3A_339 : vector<16xf32>
          %add3A_347 = arith.constant 0.00833333284 : f32
          %add3A_348 = vector.broadcast %add3A_347 : f32 to vector<16xf32>
          %add3A_349 = arith.addf %mul3A_346, %add3A_348 : vector<16xf32>
          %mul3A_350 = arith.mulf %add3A_349, %mul3A_339 : vector<16xf32>
          %add3A_351 = arith.constant -0.166666672 : f32
          %add3A_352 = vector.broadcast %add3A_351 : f32 to vector<16xf32>
          %add3A_353 = arith.addf %mul3A_350, %add3A_352 : vector<16xf32>
          %mul3A_354 = arith.mulf %mul3A_339, %add3A_353 : vector<16xf32>
          %add3A_355 = arith.constant 1.000000e+00 : f32
          %add3A_356 = vector.broadcast %add3A_355 : f32 to vector<16xf32>
          %add3A_357 = arith.addf %add3A_356, %mul3A_354 : vector<16xf32>
          %mul3A_358 = arith.mulf %add3A_338, %add3A_357 : vector<16xf32>
          %mul3A_359 = arith.mulf %get3A_318, %mul3A_358 : vector<16xf32>
          %mul3A_360 = arith.mulf %get3A_321, %gather3A_286 : vector<16xf32>
          %add3A_361 = arith.addf %mul3A_360, %get3A_324 : vector<16xf32>
          %mul3A_362 = arith.mulf %add3A_361, %add3A_361 : vector<16xf32>
          %mul3A_363 = arith.constant 2.75573188E-6 : f32
          %mul3A_364 = vector.broadcast %mul3A_363 : f32 to vector<16xf32>
          %mul3A_365 = arith.mulf %mul3A_364, %mul3A_362 : vector<16xf32>
          %add3A_366 = arith.constant -1.98412701E-4 : f32
          %add3A_367 = vector.broadcast %add3A_366 : f32 to vector<16xf32>
          %add3A_368 = arith.addf %mul3A_365, %add3A_367 : vector<16xf32>
          %mul3A_369 = arith.mulf %add3A_368, %mul3A_362 : vector<16xf32>
          %add3A_370 = arith.constant 0.00833333284 : f32
          %add3A_371 = vector.broadcast %add3A_370 : f32 to vector<16xf32>
          %add3A_372 = arith.addf %mul3A_369, %add3A_371 : vector<16xf32>
          %mul3A_373 = arith.mulf %add3A_372, %mul3A_362 : vector<16xf32>
          %add3A_374 = arith.constant -0.166666672 : f32
          %add3A_375 = vector.broadcast %add3A_374 : f32 to vector<16xf32>
          %add3A_376 = arith.addf %mul3A_373, %add3A_375 : vector<16xf32>
          %mul3A_377 = arith.mulf %mul3A_362, %add3A_376 : vector<16xf32>
          %add3A_378 = arith.constant 1.000000e+00 : f32
          %add3A_379 = vector.broadcast %add3A_378 : f32 to vector<16xf32>
          %add3A_380 = arith.addf %add3A_379, %mul3A_377 : vector<16xf32>
          %mul3A_381 = arith.mulf %add3A_361, %add3A_380 : vector<16xf32>
          %mul3A_382 = arith.mulf %get3A_327, %mul3A_381 : vector<16xf32>
          %add3A_383 = arith.addf %mul3A_359, %mul3A_382 : vector<16xf32>
          %mul3A_384 = arith.mulf %get3A_330, %gather3A_296 : vector<16xf32>
          %add3A_385 = arith.addf %mul3A_384, %get3A_333 : vector<16xf32>
          %mul3A_386 = arith.mulf %add3A_385, %add3A_385 : vector<16xf32>
          %mul3A_387 = arith.constant 2.75573188E-6 : f32
          %mul3A_388 = vector.broadcast %mul3A_387 : f32 to vector<16xf32>
          %mul3A_389 = arith.mulf %mul3A_388, %mul3A_386 : vector<16xf32>
          %add3A_390 = arith.constant -1.98412701E-4 : f32
          %add3A_391 = vector.broadcast %add3A_390 : f32 to vector<16xf32>
          %add3A_392 = arith.addf %mul3A_389, %add3A_391 : vector<16xf32>
          %mul3A_393 = arith.mulf %add3A_392, %mul3A_386 : vector<16xf32>
          %add3A_394 = arith.constant 0.00833333284 : f32
          %add3A_395 = vector.broadcast %add3A_394 : f32 to vector<16xf32>
          %add3A_396 = arith.addf %mul3A_393, %add3A_395 : vector<16xf32>
          %mul3A_397 = arith.mulf %add3A_396, %mul3A_386 : vector<16xf32>
          %add3A_398 = arith.constant -0.166666672 : f32
          %add3A_399 = vector.broadcast %add3A_398 : f32 to vector<16xf32>
          %add3A_400 = arith.addf %mul3A_397, %add3A_399 : vector<16xf32>
          %mul3A_401 = arith.mulf %mul3A_386, %add3A_400 : vector<16xf32>
          %add3A_402 = arith.constant 1.000000e+00 : f32
          %add3A_403 = vector.broadcast %add3A_402 : f32 to vector<16xf32>
          %add3A_404 = arith.addf %add3A_403, %mul3A_401 : vector<16xf32>
          %mul3A_405 = arith.mulf %add3A_385, %add3A_404 : vector<16xf32>
          %mul3A_406 = arith.mulf %get3A_336, %mul3A_405 : vector<16xf32>
          %add3A_407 = arith.addf %add3A_383, %mul3A_406 : vector<16xf32>
          %mul3A_408 = arith.mulf %get3A_3, %add3A_407 : vector<16xf32>
          %add3A_409 = arith.addf %get3A_309, %mul3A_408 : vector<16xf32>
          %mul3A_410 = arith.mulf %add3A_409, %add3A_409 : vector<16xf32>
          %add3A_411 = arith.addf %add3A_306, %mul3A_410 : vector<16xf32>
          %get3A_412 = arith.index_cast %add3A_264 : i32 to index
          %get3A_413 = arith.constant 16 : index
          %get3A_414 = tpu.vector_load %arg25[%get3A_412, %get3A_413] {strides = array<i32>} : memref<32x128xf32, #tpu.memory_space<vmem>>, vector<16xf32>,
          %get3A_415 = arith.index_cast %add3A_264 : i32 to index
          %get3A_416 = arith.constant 16 : index
          %get3A_417 = tpu.vector_load %arg26[%get3A_415, %get3A_416] {strides = array<i32>} : memref<32x64xf32, #tpu.memory_space<vmem>>, vector<16xf32>,
          %mul3A_418 = arith.mulf %get3A_3, %get3A_417 : vector<16xf32>
          %add3A_419 = arith.addf %get3A_414, %mul3A_418 : vector<16xf32>
          %mul3A_420 = arith.mulf %add3A_419, %add3A_419 : vector<16xf32>
          %add3A_421 = arith.addf %add3A_411, %mul3A_420 : vector<16xf32>
          %get3A_422 = arith.index_cast %add3A_264 : i32 to index
          %get3A_423 = arith.constant 80 : index
          %get3A_424 = tpu.vector_load %arg25[%get3A_422, %get3A_423] {strides = array<i32>} : memref<32x128xf32, #tpu.memory_space<vmem>>, vector<16xf32>,
          %get3A_425 = arith.index_cast %add3A_264 : i32 to index
          %get3A_426 = arith.constant 16 : index
          %get3A_427 = tpu.vector_load %arg27[%get3A_425, %get3A_426] {strides = array<i32>} : memref<32x64xf32, #tpu.memory_space<vmem>>, vector<16xf32>,
          %get3A_428 = arith.index_cast %add3A_264 : i32 to index
          %get3A_429 = arith.constant 16 : index
          %get3A_430 = tpu.vector_load %arg28[%get3A_428, %get3A_429] {strides = array<i32>} : memref<32x64xf32, #tpu.memory_space<vmem>>, vector<16xf32>,
          %get3A_431 = arith.index_cast %add3A_264 : i32 to index
          %get3A_432 = arith.constant 16 : index
          %get3A_433 = tpu.vector_load %arg29[%get3A_431, %get3A_432] {strides = array<i32>} : memref<32x64xf32, #tpu.memory_space<vmem>>, vector<16xf32>,
          %get3A_434 = arith.index_cast %add3A_264 : i32 to index
          %get3A_435 = arith.constant 16 : index
          %get3A_436 = tpu.vector_load %arg30[%get3A_434, %get3A_435] {strides = array<i32>} : memref<32x64xf32, #tpu.memory_space<vmem>>, vector<16xf32>,
          %get3A_437 = arith.index_cast %add3A_264 : i32 to index
          %get3A_438 = arith.constant 16 : index
          %get3A_439 = tpu.vector_load %arg31[%get3A_437, %get3A_438] {strides = array<i32>} : memref<32x64xf32, #tpu.memory_space<vmem>>, vector<16xf32>,
          %get3A_440 = arith.index_cast %add3A_264 : i32 to index
          %get3A_441 = arith.constant 16 : index
          %get3A_442 = tpu.vector_load %arg32[%get3A_440, %get3A_441] {strides = array<i32>} : memref<32x64xf32, #tpu.memory_space<vmem>>, vector<16xf32>,
          %get3A_443 = arith.index_cast %add3A_264 : i32 to index
          %get3A_444 = arith.constant 16 : index
          %get3A_445 = tpu.vector_load %arg33[%get3A_443, %get3A_444] {strides = array<i32>} : memref<32x64xf32, #tpu.memory_space<vmem>>, vector<16xf32>,
          %get3A_446 = arith.index_cast %add3A_264 : i32 to index
          %get3A_447 = arith.constant 16 : index
          %get3A_448 = tpu.vector_load %arg34[%get3A_446, %get3A_447] {strides = array<i32>} : memref<32x64xf32, #tpu.memory_space<vmem>>, vector<16xf32>,
          %get3A_449 = arith.index_cast %add3A_264 : i32 to index
          %get3A_450 = arith.constant 16 : index
          %get3A_451 = tpu.vector_load %arg35[%get3A_449, %get3A_450] {strides = array<i32>} : memref<32x64xf32, #tpu.memory_space<vmem>>, vector<16xf32>,
          %mul3A_452 = arith.mulf %get3A_427, %gather3A_276 : vector<16xf32>
          %add3A_453 = arith.addf %mul3A_452, %get3A_430 : vector<16xf32>
          %mul3A_454 = arith.mulf %add3A_453, %add3A_453 : vector<16xf32>
          %mul3A_455 = arith.constant 2.75573188E-6 : f32
          %mul3A_456 = vector.broadcast %mul3A_455 : f32 to vector<16xf32>
          %mul3A_457 = arith.mulf %mul3A_456, %mul3A_454 : vector<16xf32>
          %add3A_458 = arith.constant -1.98412701E-4 : f32
          %add3A_459 = vector.broadcast %add3A_458 : f32 to vector<16xf32>
          %add3A_460 = arith.addf %mul3A_457, %add3A_459 : vector<16xf32>
          %mul3A_461 = arith.mulf %add3A_460, %mul3A_454 : vector<16xf32>
          %add3A_462 = arith.constant 0.00833333284 : f32
          %add3A_463 = vector.broadcast %add3A_462 : f32 to vector<16xf32>
          %add3A_464 = arith.addf %mul3A_461, %add3A_463 : vector<16xf32>
          %mul3A_465 = arith.mulf %add3A_464, %mul3A_454 : vector<16xf32>
          %add3A_466 = arith.constant -0.166666672 : f32
          %add3A_467 = vector.broadcast %add3A_466 : f32 to vector<16xf32>
          %add3A_468 = arith.addf %mul3A_465, %add3A_467 : vector<16xf32>
          %mul3A_469 = arith.mulf %mul3A_454, %add3A_468 : vector<16xf32>
          %add3A_470 = arith.constant 1.000000e+00 : f32
          %add3A_471 = vector.broadcast %add3A_470 : f32 to vector<16xf32>
          %add3A_472 = arith.addf %add3A_471, %mul3A_469 : vector<16xf32>
          %mul3A_473 = arith.mulf %add3A_453, %add3A_472 : vector<16xf32>
          %mul3A_474 = arith.mulf %get3A_433, %mul3A_473 : vector<16xf32>
          %mul3A_475 = arith.mulf %get3A_436, %gather3A_286 : vector<16xf32>
          %add3A_476 = arith.addf %mul3A_475, %get3A_439 : vector<16xf32>
          %mul3A_477 = arith.mulf %add3A_476, %add3A_476 : vector<16xf32>
          %mul3A_478 = arith.constant 2.75573188E-6 : f32
          %mul3A_479 = vector.broadcast %mul3A_478 : f32 to vector<16xf32>
          %mul3A_480 = arith.mulf %mul3A_479, %mul3A_477 : vector<16xf32>
          %add3A_481 = arith.constant -1.98412701E-4 : f32
          %add3A_482 = vector.broadcast %add3A_481 : f32 to vector<16xf32>
          %add3A_483 = arith.addf %mul3A_480, %add3A_482 : vector<16xf32>
          %mul3A_484 = arith.mulf %add3A_483, %mul3A_477 : vector<16xf32>
          %add3A_485 = arith.constant 0.00833333284 : f32
          %add3A_486 = vector.broadcast %add3A_485 : f32 to vector<16xf32>
          %add3A_487 = arith.addf %mul3A_484, %add3A_486 : vector<16xf32>
          %mul3A_488 = arith.mulf %add3A_487, %mul3A_477 : vector<16xf32>
          %add3A_489 = arith.constant -0.166666672 : f32
          %add3A_490 = vector.broadcast %add3A_489 : f32 to vector<16xf32>
          %add3A_491 = arith.addf %mul3A_488, %add3A_490 : vector<16xf32>
          %mul3A_492 = arith.mulf %mul3A_477, %add3A_491 : vector<16xf32>
          %add3A_493 = arith.constant 1.000000e+00 : f32
          %add3A_494 = vector.broadcast %add3A_493 : f32 to vector<16xf32>
          %add3A_495 = arith.addf %add3A_494, %mul3A_492 : vector<16xf32>
          %mul3A_496 = arith.mulf %add3A_476, %add3A_495 : vector<16xf32>
          %mul3A_497 = arith.mulf %get3A_442, %mul3A_496 : vector<16xf32>
          %add3A_498 = arith.addf %mul3A_474, %mul3A_497 : vector<16xf32>
          %mul3A_499 = arith.mulf %get3A_445, %gather3A_296 : vector<16xf32>
          %add3A_500 = arith.addf %mul3A_499, %get3A_448 : vector<16xf32>
          %mul3A_501 = arith.mulf %add3A_500, %add3A_500 : vector<16xf32>
          %mul3A_502 = arith.constant 2.75573188E-6 : f32
          %mul3A_503 = vector.broadcast %mul3A_502 : f32 to vector<16xf32>
          %mul3A_504 = arith.mulf %mul3A_503, %mul3A_501 : vector<16xf32>
          %add3A_505 = arith.constant -1.98412701E-4 : f32
          %add3A_506 = vector.broadcast %add3A_505 : f32 to vector<16xf32>
          %add3A_507 = arith.addf %mul3A_504, %add3A_506 : vector<16xf32>
          %mul3A_508 = arith.mulf %add3A_507, %mul3A_501 : vector<16xf32>
          %add3A_509 = arith.constant 0.00833333284 : f32
          %add3A_510 = vector.broadcast %add3A_509 : f32 to vector<16xf32>
          %add3A_511 = arith.addf %mul3A_508, %add3A_510 : vector<16xf32>
          %mul3A_512 = arith.mulf %add3A_511, %mul3A_501 : vector<16xf32>
          %add3A_513 = arith.constant -0.166666672 : f32
          %add3A_514 = vector.broadcast %add3A_513 : f32 to vector<16xf32>
          %add3A_515 = arith.addf %mul3A_512, %add3A_514 : vector<16xf32>
          %mul3A_516 = arith.mulf %mul3A_501, %add3A_515 : vector<16xf32>
          %add3A_517 = arith.constant 1.000000e+00 : f32
          %add3A_518 = vector.broadcast %add3A_517 : f32 to vector<16xf32>
          %add3A_519 = arith.addf %add3A_518, %mul3A_516 : vector<16xf32>
          %mul3A_520 = arith.mulf %add3A_500, %add3A_519 : vector<16xf32>
          %mul3A_521 = arith.mulf %get3A_451, %mul3A_520 : vector<16xf32>
          %add3A_522 = arith.addf %add3A_498, %mul3A_521 : vector<16xf32>
          %mul3A_523 = arith.mulf %get3A_3, %add3A_522 : vector<16xf32>
          %add3A_524 = arith.addf %get3A_424, %mul3A_523 : vector<16xf32>
          %mul3A_525 = arith.mulf %add3A_524, %add3A_524 : vector<16xf32>
          %add3A_526 = arith.addf %add3A_421, %mul3A_525 : vector<16xf32>
          %get3A_527 = arith.index_cast %add3A_264 : i32 to index
          %get3A_528 = arith.constant 32 : index
          %get3A_529 = tpu.vector_load %arg25[%get3A_527, %get3A_528] {strides = array<i32>} : memref<32x128xf32, #tpu.memory_space<vmem>>, vector<16xf32>,
          %get3A_530 = arith.index_cast %add3A_264 : i32 to index
          %get3A_531 = arith.constant 32 : index
          %get3A_532 = tpu.vector_load %arg26[%get3A_530, %get3A_531] {strides = array<i32>} : memref<32x64xf32, #tpu.memory_space<vmem>>, vector<16xf32>,
          %mul3A_533 = arith.mulf %get3A_3, %get3A_532 : vector<16xf32>
          %add3A_534 = arith.addf %get3A_529, %mul3A_533 : vector<16xf32>
          %mul3A_535 = arith.mulf %add3A_534, %add3A_534 : vector<16xf32>
          %add3A_536 = arith.addf %add3A_526, %mul3A_535 : vector<16xf32>
          %get3A_537 = arith.index_cast %add3A_264 : i32 to index
          %get3A_538 = arith.constant 96 : index
          %get3A_539 = tpu.vector_load %arg25[%get3A_537, %get3A_538] {strides = array<i32>} : memref<32x128xf32, #tpu.memory_space<vmem>>, vector<16xf32>,
          %get3A_540 = arith.index_cast %add3A_264 : i32 to index
          %get3A_541 = arith.constant 32 : index
          %get3A_542 = tpu.vector_load %arg27[%get3A_540, %get3A_541] {strides = array<i32>} : memref<32x64xf32, #tpu.memory_space<vmem>>, vector<16xf32>,
          %get3A_543 = arith.index_cast %add3A_264 : i32 to index
          %get3A_544 = arith.constant 32 : index
          %get3A_545 = tpu.vector_load %arg28[%get3A_543, %get3A_544] {strides = array<i32>} : memref<32x64xf32, #tpu.memory_space<vmem>>, vector<16xf32>,
          %get3A_546 = arith.index_cast %add3A_264 : i32 to index
          %get3A_547 = arith.constant 32 : index
          %get3A_548 = tpu.vector_load %arg29[%get3A_546, %get3A_547] {strides = array<i32>} : memref<32x64xf32, #tpu.memory_space<vmem>>, vector<16xf32>,
          %get3A_549 = arith.index_cast %add3A_264 : i32 to index
          %get3A_550 = arith.constant 32 : index
          %get3A_551 = tpu.vector_load %arg30[%get3A_549, %get3A_550] {strides = array<i32>} : memref<32x64xf32, #tpu.memory_space<vmem>>, vector<16xf32>,
          %get3A_552 = arith.index_cast %add3A_264 : i32 to index
          %get3A_553 = arith.constant 32 : index
          %get3A_554 = tpu.vector_load %arg31[%get3A_552, %get3A_553] {strides = array<i32>} : memref<32x64xf32, #tpu.memory_space<vmem>>, vector<16xf32>,
          %get3A_555 = arith.index_cast %add3A_264 : i32 to index
          %get3A_556 = arith.constant 32 : index
          %get3A_557 = tpu.vector_load %arg32[%get3A_555, %get3A_556] {strides = array<i32>} : memref<32x64xf32, #tpu.memory_space<vmem>>, vector<16xf32>,
          %get3A_558 = arith.index_cast %add3A_264 : i32 to index
          %get3A_559 = arith.constant 32 : index
          %get3A_560 = tpu.vector_load %arg33[%get3A_558, %get3A_559] {strides = array<i32>} : memref<32x64xf32, #tpu.memory_space<vmem>>, vector<16xf32>,
          %get3A_561 = arith.index_cast %add3A_264 : i32 to index
          %get3A_562 = arith.constant 32 : index
          %get3A_563 = tpu.vector_load %arg34[%get3A_561, %get3A_562] {strides = array<i32>} : memref<32x64xf32, #tpu.memory_space<vmem>>, vector<16xf32>,
          %get3A_564 = arith.index_cast %add3A_264 : i32 to index
          %get3A_565 = arith.constant 32 : index
          %get3A_566 = tpu.vector_load %arg35[%get3A_564, %get3A_565] {strides = array<i32>} : memref<32x64xf32, #tpu.memory_space<vmem>>, vector<16xf32>,
          %mul3A_567 = arith.mulf %get3A_542, %gather3A_276 : vector<16xf32>
          %add3A_568 = arith.addf %mul3A_567, %get3A_545 : vector<16xf32>
          %mul3A_569 = arith.mulf %add3A_568, %add3A_568 : vector<16xf32>
          %mul3A_570 = arith.constant 2.75573188E-6 : f32
          %mul3A_571 = vector.broadcast %mul3A_570 : f32 to vector<16xf32>
          %mul3A_572 = arith.mulf %mul3A_571, %mul3A_569 : vector<16xf32>
          %add3A_573 = arith.constant -1.98412701E-4 : f32
          %add3A_574 = vector.broadcast %add3A_573 : f32 to vector<16xf32>
          %add3A_575 = arith.addf %mul3A_572, %add3A_574 : vector<16xf32>
          %mul3A_576 = arith.mulf %add3A_575, %mul3A_569 : vector<16xf32>
          %add3A_577 = arith.constant 0.00833333284 : f32
          %add3A_578 = vector.broadcast %add3A_577 : f32 to vector<16xf32>
          %add3A_579 = arith.addf %mul3A_576, %add3A_578 : vector<16xf32>
          %mul3A_580 = arith.mulf %add3A_579, %mul3A_569 : vector<16xf32>
          %add3A_581 = arith.constant -0.166666672 : f32
          %add3A_582 = vector.broadcast %add3A_581 : f32 to vector<16xf32>
          %add3A_583 = arith.addf %mul3A_580, %add3A_582 : vector<16xf32>
          %mul3A_584 = arith.mulf %mul3A_569, %add3A_583 : vector<16xf32>
          %add3A_585 = arith.constant 1.000000e+00 : f32
          %add3A_586 = vector.broadcast %add3A_585 : f32 to vector<16xf32>
          %add3A_587 = arith.addf %add3A_586, %mul3A_584 : vector<16xf32>
          %mul3A_588 = arith.mulf %add3A_568, %add3A_587 : vector<16xf32>
          %mul3A_589 = arith.mulf %get3A_548, %mul3A_588 : vector<16xf32>
          %mul3A_590 = arith.mulf %get3A_551, %gather3A_286 : vector<16xf32>
          %add3A_591 = arith.addf %mul3A_590, %get3A_554 : vector<16xf32>
          %mul3A_592 = arith.mulf %add3A_591, %add3A_591 : vector<16xf32>
          %mul3A_593 = arith.constant 2.75573188E-6 : f32
          %mul3A_594 = vector.broadcast %mul3A_593 : f32 to vector<16xf32>
          %mul3A_595 = arith.mulf %mul3A_594, %mul3A_592 : vector<16xf32>
          %add3A_596 = arith.constant -1.98412701E-4 : f32
          %add3A_597 = vector.broadcast %add3A_596 : f32 to vector<16xf32>
          %add3A_598 = arith.addf %mul3A_595, %add3A_597 : vector<16xf32>
          %mul3A_599 = arith.mulf %add3A_598, %mul3A_592 : vector<16xf32>
          %add3A_600 = arith.constant 0.00833333284 : f32
          %add3A_601 = vector.broadcast %add3A_600 : f32 to vector<16xf32>
          %add3A_602 = arith.addf %mul3A_599, %add3A_601 : vector<16xf32>
          %mul3A_603 = arith.mulf %add3A_602, %mul3A_592 : vector<16xf32>
          %add3A_604 = arith.constant -0.166666672 : f32
          %add3A_605 = vector.broadcast %add3A_604 : f32 to vector<16xf32>
          %add3A_606 = arith.addf %mul3A_603, %add3A_605 : vector<16xf32>
          %mul3A_607 = arith.mulf %mul3A_592, %add3A_606 : vector<16xf32>
          %add3A_608 = arith.constant 1.000000e+00 : f32
          %add3A_609 = vector.broadcast %add3A_608 : f32 to vector<16xf32>
          %add3A_610 = arith.addf %add3A_609, %mul3A_607 : vector<16xf32>
          %mul3A_611 = arith.mulf %add3A_591, %add3A_610 : vector<16xf32>
          %mul3A_612 = arith.mulf %get3A_557, %mul3A_611 : vector<16xf32>
          %add3A_613 = arith.addf %mul3A_589, %mul3A_612 : vector<16xf32>
          %mul3A_614 = arith.mulf %get3A_560, %gather3A_296 : vector<16xf32>
          %add3A_615 = arith.addf %mul3A_614, %get3A_563 : vector<16xf32>
          %mul3A_616 = arith.mulf %add3A_615, %add3A_615 : vector<16xf32>
          %mul3A_617 = arith.constant 2.75573188E-6 : f32
          %mul3A_618 = vector.broadcast %mul3A_617 : f32 to vector<16xf32>
          %mul3A_619 = arith.mulf %mul3A_618, %mul3A_616 : vector<16xf32>
          %add3A_620 = arith.constant -1.98412701E-4 : f32
          %add3A_621 = vector.broadcast %add3A_620 : f32 to vector<16xf32>
          %add3A_622 = arith.addf %mul3A_619, %add3A_621 : vector<16xf32>
          %mul3A_623 = arith.mulf %add3A_622, %mul3A_616 : vector<16xf32>
          %add3A_624 = arith.constant 0.00833333284 : f32
          %add3A_625 = vector.broadcast %add3A_624 : f32 to vector<16xf32>
          %add3A_626 = arith.addf %mul3A_623, %add3A_625 : vector<16xf32>
          %mul3A_627 = arith.mulf %add3A_626, %mul3A_616 : vector<16xf32>
          %add3A_628 = arith.constant -0.166666672 : f32
          %add3A_629 = vector.broadcast %add3A_628 : f32 to vector<16xf32>
          %add3A_630 = arith.addf %mul3A_627, %add3A_629 : vector<16xf32>
          %mul3A_631 = arith.mulf %mul3A_616, %add3A_630 : vector<16xf32>
          %add3A_632 = arith.constant 1.000000e+00 : f32
          %add3A_633 = vector.broadcast %add3A_632 : f32 to vector<16xf32>
          %add3A_634 = arith.addf %add3A_633, %mul3A_631 : vector<16xf32>
          %mul3A_635 = arith.mulf %add3A_615, %add3A_634 : vector<16xf32>
          %mul3A_636 = arith.mulf %get3A_566, %mul3A_635 : vector<16xf32>
          %add3A_637 = arith.addf %add3A_613, %mul3A_636 : vector<16xf32>
          %mul3A_638 = arith.mulf %get3A_3, %add3A_637 : vector<16xf32>
          %add3A_639 = arith.addf %get3A_539, %mul3A_638 : vector<16xf32>
          %mul3A_640 = arith.mulf %add3A_639, %add3A_639 : vector<16xf32>
          %add3A_641 = arith.addf %add3A_536, %mul3A_640 : vector<16xf32>
          %get3A_642 = arith.index_cast %add3A_264 : i32 to index
          %get3A_643 = arith.constant 48 : index
          %get3A_644 = tpu.vector_load %arg25[%get3A_642, %get3A_643] {strides = array<i32>} : memref<32x128xf32, #tpu.memory_space<vmem>>, vector<16xf32>,
          %get3A_645 = arith.index_cast %add3A_264 : i32 to index
          %get3A_646 = arith.constant 48 : index
          %get3A_647 = tpu.vector_load %arg26[%get3A_645, %get3A_646] {strides = array<i32>} : memref<32x64xf32, #tpu.memory_space<vmem>>, vector<16xf32>,
          %mul3A_648 = arith.mulf %get3A_3, %get3A_647 : vector<16xf32>
          %add3A_649 = arith.addf %get3A_644, %mul3A_648 : vector<16xf32>
          %mul3A_650 = arith.mulf %add3A_649, %add3A_649 : vector<16xf32>
          %add3A_651 = arith.addf %add3A_641, %mul3A_650 : vector<16xf32>
          %get3A_652 = arith.index_cast %add3A_264 : i32 to index
          %get3A_653 = arith.constant 112 : index
          %get3A_654 = tpu.vector_load %arg25[%get3A_652, %get3A_653] {strides = array<i32>} : memref<32x128xf32, #tpu.memory_space<vmem>>, vector<16xf32>,
          %get3A_655 = arith.index_cast %add3A_264 : i32 to index
          %get3A_656 = arith.constant 48 : index
          %get3A_657 = tpu.vector_load %arg27[%get3A_655, %get3A_656] {strides = array<i32>} : memref<32x64xf32, #tpu.memory_space<vmem>>, vector<16xf32>,
          %get3A_658 = arith.index_cast %add3A_264 : i32 to index
          %get3A_659 = arith.constant 48 : index
          %get3A_660 = tpu.vector_load %arg28[%get3A_658, %get3A_659] {strides = array<i32>} : memref<32x64xf32, #tpu.memory_space<vmem>>, vector<16xf32>,
          %get3A_661 = arith.index_cast %add3A_264 : i32 to index
          %get3A_662 = arith.constant 48 : index
          %get3A_663 = tpu.vector_load %arg29[%get3A_661, %get3A_662] {strides = array<i32>} : memref<32x64xf32, #tpu.memory_space<vmem>>, vector<16xf32>,
          %get3A_664 = arith.index_cast %add3A_264 : i32 to index
          %get3A_665 = arith.constant 48 : index
          %get3A_666 = tpu.vector_load %arg30[%get3A_664, %get3A_665] {strides = array<i32>} : memref<32x64xf32, #tpu.memory_space<vmem>>, vector<16xf32>,
          %get3A_667 = arith.index_cast %add3A_264 : i32 to index
          %get3A_668 = arith.constant 48 : index
          %get3A_669 = tpu.vector_load %arg31[%get3A_667, %get3A_668] {strides = array<i32>} : memref<32x64xf32, #tpu.memory_space<vmem>>, vector<16xf32>,
          %get3A_670 = arith.index_cast %add3A_264 : i32 to index
          %get3A_671 = arith.constant 48 : index
          %get3A_672 = tpu.vector_load %arg32[%get3A_670, %get3A_671] {strides = array<i32>} : memref<32x64xf32, #tpu.memory_space<vmem>>, vector<16xf32>,
          %get3A_673 = arith.index_cast %add3A_264 : i32 to index
          %get3A_674 = arith.constant 48 : index
          %get3A_675 = tpu.vector_load %arg33[%get3A_673, %get3A_674] {strides = array<i32>} : memref<32x64xf32, #tpu.memory_space<vmem>>, vector<16xf32>,
          %get3A_676 = arith.index_cast %add3A_264 : i32 to index
          %get3A_677 = arith.constant 48 : index
          %get3A_678 = tpu.vector_load %arg34[%get3A_676, %get3A_677] {strides = array<i32>} : memref<32x64xf32, #tpu.memory_space<vmem>>, vector<16xf32>,
          %get3A_679 = arith.index_cast %add3A_264 : i32 to index
          %get3A_680 = arith.constant 48 : index
          %get3A_681 = tpu.vector_load %arg35[%get3A_679, %get3A_680] {strides = array<i32>} : memref<32x64xf32, #tpu.memory_space<vmem>>, vector<16xf32>,
          %mul3A_682 = arith.mulf %get3A_657, %gather3A_276 : vector<16xf32>
          %add3A_683 = arith.addf %mul3A_682, %get3A_660 : vector<16xf32>
          %mul3A_684 = arith.mulf %add3A_683, %add3A_683 : vector<16xf32>
          %mul3A_685 = arith.constant 2.75573188E-6 : f32
          %mul3A_686 = vector.broadcast %mul3A_685 : f32 to vector<16xf32>
          %mul3A_687 = arith.mulf %mul3A_686, %mul3A_684 : vector<16xf32>
          %add3A_688 = arith.constant -1.98412701E-4 : f32
          %add3A_689 = vector.broadcast %add3A_688 : f32 to vector<16xf32>
          %add3A_690 = arith.addf %mul3A_687, %add3A_689 : vector<16xf32>
          %mul3A_691 = arith.mulf %add3A_690, %mul3A_684 : vector<16xf32>
          %add3A_692 = arith.constant 0.00833333284 : f32
          %add3A_693 = vector.broadcast %add3A_692 : f32 to vector<16xf32>
          %add3A_694 = arith.addf %mul3A_691, %add3A_693 : vector<16xf32>
          %mul3A_695 = arith.mulf %add3A_694, %mul3A_684 : vector<16xf32>
          %add3A_696 = arith.constant -0.166666672 : f32
          %add3A_697 = vector.broadcast %add3A_696 : f32 to vector<16xf32>
          %add3A_698 = arith.addf %mul3A_695, %add3A_697 : vector<16xf32>
          %mul3A_699 = arith.mulf %mul3A_684, %add3A_698 : vector<16xf32>
          %add3A_700 = arith.constant 1.000000e+00 : f32
          %add3A_701 = vector.broadcast %add3A_700 : f32 to vector<16xf32>
          %add3A_702 = arith.addf %add3A_701, %mul3A_699 : vector<16xf32>
          %mul3A_703 = arith.mulf %add3A_683, %add3A_702 : vector<16xf32>
          %mul3A_704 = arith.mulf %get3A_663, %mul3A_703 : vector<16xf32>
          %mul3A_705 = arith.mulf %get3A_666, %gather3A_286 : vector<16xf32>
          %add3A_706 = arith.addf %mul3A_705, %get3A_669 : vector<16xf32>
          %mul3A_707 = arith.mulf %add3A_706, %add3A_706 : vector<16xf32>
          %mul3A_708 = arith.constant 2.75573188E-6 : f32
          %mul3A_709 = vector.broadcast %mul3A_708 : f32 to vector<16xf32>
          %mul3A_710 = arith.mulf %mul3A_709, %mul3A_707 : vector<16xf32>
          %add3A_711 = arith.constant -1.98412701E-4 : f32
          %add3A_712 = vector.broadcast %add3A_711 : f32 to vector<16xf32>
          %add3A_713 = arith.addf %mul3A_710, %add3A_712 : vector<16xf32>
          %mul3A_714 = arith.mulf %add3A_713, %mul3A_707 : vector<16xf32>
          %add3A_715 = arith.constant 0.00833333284 : f32
          %add3A_716 = vector.broadcast %add3A_715 : f32 to vector<16xf32>
          %add3A_717 = arith.addf %mul3A_714, %add3A_716 : vector<16xf32>
          %mul3A_718 = arith.mulf %add3A_717, %mul3A_707 : vector<16xf32>
          %add3A_719 = arith.constant -0.166666672 : f32
          %add3A_720 = vector.broadcast %add3A_719 : f32 to vector<16xf32>
          %add3A_721 = arith.addf %mul3A_718, %add3A_720 : vector<16xf32>
          %mul3A_722 = arith.mulf %mul3A_707, %add3A_721 : vector<16xf32>
          %add3A_723 = arith.constant 1.000000e+00 : f32
          %add3A_724 = vector.broadcast %add3A_723 : f32 to vector<16xf32>
          %add3A_725 = arith.addf %add3A_724, %mul3A_722 : vector<16xf32>
          %mul3A_726 = arith.mulf %add3A_706, %add3A_725 : vector<16xf32>
          %mul3A_727 = arith.mulf %get3A_672, %mul3A_726 : vector<16xf32>
          %add3A_728 = arith.addf %mul3A_704, %mul3A_727 : vector<16xf32>
          %mul3A_729 = arith.mulf %get3A_675, %gather3A_296 : vector<16xf32>
          %add3A_730 = arith.addf %mul3A_729, %get3A_678 : vector<16xf32>
          %mul3A_731 = arith.mulf %add3A_730, %add3A_730 : vector<16xf32>
          %mul3A_732 = arith.constant 2.75573188E-6 : f32
          %mul3A_733 = vector.broadcast %mul3A_732 : f32 to vector<16xf32>
          %mul3A_734 = arith.mulf %mul3A_733, %mul3A_731 : vector<16xf32>
          %add3A_735 = arith.constant -1.98412701E-4 : f32
          %add3A_736 = vector.broadcast %add3A_735 : f32 to vector<16xf32>
          %add3A_737 = arith.addf %mul3A_734, %add3A_736 : vector<16xf32>
          %mul3A_738 = arith.mulf %add3A_737, %mul3A_731 : vector<16xf32>
          %add3A_739 = arith.constant 0.00833333284 : f32
          %add3A_740 = vector.broadcast %add3A_739 : f32 to vector<16xf32>
          %add3A_741 = arith.addf %mul3A_738, %add3A_740 : vector<16xf32>
          %mul3A_742 = arith.mulf %add3A_741, %mul3A_731 : vector<16xf32>
          %add3A_743 = arith.constant -0.166666672 : f32
          %add3A_744 = vector.broadcast %add3A_743 : f32 to vector<16xf32>
          %add3A_745 = arith.addf %mul3A_742, %add3A_744 : vector<16xf32>
          %mul3A_746 = arith.mulf %mul3A_731, %add3A_745 : vector<16xf32>
          %add3A_747 = arith.constant 1.000000e+00 : f32
          %add3A_748 = vector.broadcast %add3A_747 : f32 to vector<16xf32>
          %add3A_749 = arith.addf %add3A_748, %mul3A_746 : vector<16xf32>
          %mul3A_750 = arith.mulf %add3A_730, %add3A_749 : vector<16xf32>
          %mul3A_751 = arith.mulf %get3A_681, %mul3A_750 : vector<16xf32>
          %add3A_752 = arith.addf %add3A_728, %mul3A_751 : vector<16xf32>
          %mul3A_753 = arith.mulf %get3A_3, %add3A_752 : vector<16xf32>
          %add3A_754 = arith.addf %get3A_654, %mul3A_753 : vector<16xf32>
          %mul3A_755 = arith.mulf %add3A_754, %add3A_754 : vector<16xf32>
          %add3A_756 = arith.addf %add3A_651, %mul3A_755 : vector<16xf32>
          %reduce_sum3A = arith.constant true
          %reduce_sum3A_757 = vector.broadcast %reduce_sum3A : i1 to vector<16xi1>
          %reduce_sum3A_758 = tpu.scan <sum>, %add3A_756 masked %reduce_sum3A_757 : vector<16xf32>, vector<16xi1> -> vector<16xf32>
          %reduce_sum3A_759 = vector.extract %reduce_sum3A_758[15] : f32 from vector<16xf32>
          %eq3A = arith.cmpi eq, %iota3A, %add3A_269 : vector<16xi32>
          %add3A_760 = vector.broadcast %reduce_sum3A_759 : f32 to vector<16xf32>
          %add3A_761 = arith.addf %broadcast_in_dim3A_4, %add3A_760 : vector<16xf32>
          %select_n3A_762 = arith.select %eq3A, %add3A_761, %scan3A_261 : vector<16xi1>, vector<16xf32>
          scf.yield %select_n3A_762 : vector<16xf32>
        }
        %scan3A_219 = arith.constant 16 : i32
        %bitcast3A = vector.bitcast %scan3A_218 : vector<16xf32> to vector<16xi32>
        %shift_right_logical3A = arith.constant 1 : i32
        %shift_right_logical3A_220 = vector.broadcast %shift_right_logical3A : i32 to vector<16xi32>
        %shift_right_logical3A_221 = arith.shrui %bitcast3A, %shift_right_logical3A_220 : vector<16xi32>
        %sub3A = arith.constant 1597463007 : i32
        %sub3A_222 = vector.broadcast %sub3A : i32 to vector<16xi32>
        %sub3A_223 = arith.subi %sub3A_222, %shift_right_logical3A_221 : vector<16xi32>
        %bitcast3A_224 = vector.bitcast %sub3A_223 : vector<16xi32> to vector<16xf32>
        %mul3A_225 = arith.constant 5.000000e-01 : f32
        %mul3A_226 = vector.broadcast %mul3A_225 : f32 to vector<16xf32>
        %mul3A_227 = arith.mulf %mul3A_226, %scan3A_218 : vector<16xf32>
        %mul3A_228 = arith.mulf %mul3A_227, %bitcast3A_224 : vector<16xf32>
        %mul3A_229 = arith.mulf %mul3A_228, %bitcast3A_224 : vector<16xf32>
        %sub3A_230 = arith.constant 1.500000e+00 : f32
        %sub3A_231 = vector.broadcast %sub3A_230 : f32 to vector<16xf32>
        %sub3A_232 = arith.subf %sub3A_231, %mul3A_229 : vector<16xf32>
        %mul3A_233 = arith.mulf %bitcast3A_224, %sub3A_232 : vector<16xf32>
        %mul3A_234 = arith.constant 5.000000e-01 : f32
        %mul3A_235 = vector.broadcast %mul3A_234 : f32 to vector<16xf32>
        %mul3A_236 = arith.mulf %mul3A_235, %scan3A_218 : vector<16xf32>
        %mul3A_237 = arith.mulf %mul3A_236, %mul3A_233 : vector<16xf32>
        %mul3A_238 = arith.mulf %mul3A_237, %mul3A_233 : vector<16xf32>
        %sub3A_239 = arith.constant 1.500000e+00 : f32
        %sub3A_240 = vector.broadcast %sub3A_239 : f32 to vector<16xf32>
        %sub3A_241 = arith.subf %sub3A_240, %mul3A_238 : vector<16xf32>
        %mul3A_242 = arith.mulf %mul3A_233, %sub3A_241 : vector<16xf32>
        %mul3A_243 = arith.constant 5.000000e-01 : f32
        %mul3A_244 = vector.broadcast %mul3A_243 : f32 to vector<16xf32>
        %mul3A_245 = arith.mulf %mul3A_244, %scan3A_218 : vector<16xf32>
        %mul3A_246 = arith.mulf %mul3A_245, %mul3A_242 : vector<16xf32>
        %mul3A_247 = arith.mulf %mul3A_246, %mul3A_242 : vector<16xf32>
        %sub3A_248 = arith.constant 1.500000e+00 : f32
        %sub3A_249 = vector.broadcast %sub3A_248 : f32 to vector<16xf32>
        %sub3A_250 = arith.subf %sub3A_249, %mul3A_247 : vector<16xf32>
        %mul3A_251 = arith.mulf %mul3A_242, %sub3A_250 : vector<16xf32>
        %mul3A_252 = arith.mulf %scan3A_218, %mul3A_251 : vector<16xf32>
        %neg3A = arith.constant 0.000000e+00 : f32
        %neg3A_253 = vector.broadcast %neg3A : f32 to vector<16xf32>
        %neg3A_254 = arith.subf %neg3A_253, %mul3A_252 : vector<16xf32>
        %mul3A_255 = arith.constant 16 : i32
        %mul3A_256 = arith.muli %scan3A_197, %mul3A_255 : i32
        %add3A_257 = arith.addi %mul3A_109, %mul3A_256 : i32
        %swap3A = arith.index_cast %add3A_257 : i32 to index
        %swap3A_258 = tpu.vector_load %arg24[%swap3A] {strides = array<i32>} : memref<512xf32, #tpu.memory_space<vmem>>, vector<16xf32>,
        tpu.vector_store %arg24[%swap3A], %neg3A_254 {strides = array<i32>} : memref<512xf32, #tpu.memory_space<vmem>>, vector<16xf32>,
        %scan3A_259 = arith.constant 0 : i32
        scf.yield %scan3A_259 : i32
      }
      %scan3A_116 = arith.constant 2 : i32
      %lt3A = arith.constant 7 : i32
      %lt3A_117 = arith.cmpi slt, %scan3A_23, %lt3A : i32
      %convert_element_type3A = arith.extui %lt3A_117 : i1 to i32
      %cond3A = arith.constant 0 : i32
      %cond3A_118 = arith.cmpi ne, %convert_element_type3A, %cond3A : i32
      scf.if %cond3A_118 {
        %add3A_197 = arith.constant 2 : i32
        %add3A_198 = arith.addi %mul3A_26, %add3A_197 : i32
        %mul3A_199 = arith.constant 32 : i32
        %mul3A_200 = arith.muli %add3A_198, %mul3A_199 : i32
        %add3A_201 = arith.addi %mul3A_2, %mul3A_200 : i32
        %dma_start3A_202 = arith.constant 0 : i32
        %dma_start3A_203 = tpu.memref_slice %arg7[%add3A_201, %dma_start3A_202] : memref<16384x128xf32, #tpu.memory_space<hbm>> -> memref<32x128xf32, #tpu.memory_space<hbm>>
        %dma_start3A_204 = arith.constant 0 : i32
        %dma_start3A_205 = tpu.memref_slice %arg7[%add3A_201, %dma_start3A_204] : memref<16384x128xf32, #tpu.memory_space<hbm>> -> memref<32x128xf32, #tpu.memory_space<hbm>>
        tpu.enqueue_dma source(%dma_start3A_205 : memref<32x128xf32, #tpu.memory_space<hbm>>) target(%arg25 : memref<32x128xf32, #tpu.memory_space<vmem>>) target_semaphore(%arg47 : memref<!tpu.dma_semaphore, #tpu.memory_space<semaphore_mem>>)
        %scan3A_206 = arith.constant 0 : i32
        %scan3A_207 = arith.constant 0 : i32
        %scan3A_208 = arith.constant 32 : i32
        %scan3A_209 = arith.addi %scan3A_207, %scan3A_208 : i32
        %scan3A_210 = arith.constant 1 : i32
        %scan3A_211 = scf.for %scan3A_213 = %scan3A_207 to %scan3A_209 step %scan3A_210 iter_args(%scan3A_214 = %scan3A_206) -> (i32)  : i32 {
          %jit3A = arith.constant 16 : i32
          %div3A = arith.divsi %scan3A_213, %jit3A : i32
          %sign3A = arith.constant 0 : i32
          %sign3A_215 = arith.cmpi sgt, %scan3A_213, %sign3A : i32
          %sign3A_216 = arith.extui %sign3A_215 : i1 to i32
          %sign3A_217 = arith.constant 0 : i32
          %sign3A_218 = arith.cmpi slt, %scan3A_213, %sign3A_217 : i32
          %sign3A_219 = arith.extui %sign3A_218 : i1 to i32
          %sign3A_220 = arith.subi %sign3A_216, %sign3A_219 : i32
          %sign3A_221 = arith.constant 0 : i32
          %sign3A_222 = arith.cmpi sgt, %jit3A, %sign3A_221 : i32
          %sign3A_223 = arith.extui %sign3A_222 : i1 to i32
          %sign3A_224 = arith.constant 0 : i32
          %sign3A_225 = arith.cmpi slt, %jit3A, %sign3A_224 : i32
          %sign3A_226 = arith.extui %sign3A_225 : i1 to i32
          %sign3A_227 = arith.subi %sign3A_223, %sign3A_226 : i32
          %ne3A = arith.cmpi ne, %sign3A_220, %sign3A_227 : i32
          %rem3A = arith.remsi %scan3A_213, %jit3A : i32
          %ne3A_228 = arith.constant 0 : i32
          %ne3A_229 = arith.cmpi ne, %rem3A, %ne3A_228 : i32
          %and3A = arith.andi %ne3A, %ne3A_229 : i1
          %sub3A = arith.constant 1 : i32
          %sub3A_230 = arith.subi %div3A, %sub3A : i32
          %select_n3A = arith.select %and3A, %sub3A_230, %div3A : i32
          %mul3A_231 = arith.constant 16 : i32
          %mul3A_232 = arith.muli %select_n3A, %mul3A_231 : i32
          %add3A_233 = arith.addi %mul3A_200, %mul3A_232 : i32
          %get3A_234 = arith.index_cast %add3A_233 : i32 to index
          %get3A_235 = tpu.vector_load %arg19[%get3A_234] {strides = array<i32>} : memref<512xi32, #tpu.memory_space<vmem>>, vector<16xi32>,
          %mul3A_236 = arith.constant 0 : i32
          %mul3A_237 = vector.broadcast %mul3A_236 : i32 to vector<16xi32>
          %mul3A_238 = arith.muli %iota3A, %mul3A_237 : vector<16xi32>
          %sub3A_239 = arith.subi %scan3A_213, %mul3A_232 : i32
          %add3A_240 = vector.broadcast %sub3A_239 : i32 to vector<16xi32>
          %add3A_241 = arith.addi %mul3A_238, %add3A_240 : vector<16xi32>
          %lt3A_242 = arith.constant 0 : i32
          %lt3A_243 = vector.broadcast %lt3A_242 : i32 to vector<16xi32>
          %lt3A_244 = arith.cmpi slt, %add3A_241, %lt3A_243 : vector<16xi32>
          %add3A_245 = arith.constant 16 : i32
          %add3A_246 = vector.broadcast %add3A_245 : i32 to vector<16xi32>
          %add3A_247 = arith.addi %add3A_241, %add3A_246 : vector<16xi32>
          %select_n3A_248 = arith.select %lt3A_244, %add3A_247, %add3A_241 : vector<16xi1>, vector<16xi32>
          %reshape3A = vector.shape_cast %select_n3A_248 : vector<16xi32> to vector<16x1xi32>
          %gather3A = vector.shape_cast %reshape3A : vector<16x1xi32> to vector<16xi32>
          %gather3A_249 = tpu.dynamic_gather %get3A_235[%gather3A] in [0] : vector<16xi32>, vector<16xi32> -> vector<16xi32>
          %slice3A = vector.extract_strided_slice %gather3A_249 {offsets = [0], sizes = [1], strides = [1]} : vector<16xi32> to vector<1xi32>
          %squeeze3A = vector.extract %slice3A[0] : i32 from vector<1xi32>
          %dma_start3A_250 = arith.constant 0 : i32
          %dma_start3A_251 = tpu.memref_slice %arg26[%scan3A_213, %dma_start3A_250] : memref<32x64xf32, #tpu.memory_space<vmem>> -> memref<1x64xf32, #tpu.memory_space<vmem>>
          %dma_start3A_252 = tpu.memref_squeeze %dma_start3A_251 : memref<1x64xf32, #tpu.memory_space<vmem>> -> memref<64xf32, #tpu.memory_space<vmem>>
          %dma_start3A_253 = arith.constant 0 : i32
          %dma_start3A_254 = tpu.memref_slice %arg8[%squeeze3A, %dma_start3A_253] : memref<100000x64xf32, #tpu.memory_space<hbm>> -> memref<1x64xf32, #tpu.memory_space<hbm>>
          %dma_start3A_255 = tpu.memref_squeeze %dma_start3A_254 : memref<1x64xf32, #tpu.memory_space<hbm>> -> memref<64xf32, #tpu.memory_space<hbm>>
          %dma_start3A_256 = arith.constant 0 : i32
          %dma_start3A_257 = tpu.memref_slice %arg26[%scan3A_213, %dma_start3A_256] : memref<32x64xf32, #tpu.memory_space<vmem>> -> memref<1x64xf32, #tpu.memory_space<vmem>>
          %dma_start3A_258 = tpu.memref_squeeze %dma_start3A_257 : memref<1x64xf32, #tpu.memory_space<vmem>> -> memref<64xf32, #tpu.memory_space<vmem>>
          %dma_start3A_259 = arith.constant 0 : i32
          %dma_start3A_260 = tpu.memref_slice %arg8[%squeeze3A, %dma_start3A_259] : memref<100000x64xf32, #tpu.memory_space<hbm>> -> memref<1x64xf32, #tpu.memory_space<hbm>>
          %dma_start3A_261 = tpu.memref_squeeze %dma_start3A_260 : memref<1x64xf32, #tpu.memory_space<hbm>> -> memref<64xf32, #tpu.memory_space<hbm>>
          tpu.enqueue_dma source(%dma_start3A_261 : memref<64xf32, #tpu.memory_space<hbm>>) target(%dma_start3A_258 : memref<64xf32, #tpu.memory_space<vmem>>) target_semaphore(%arg48 : memref<!tpu.dma_semaphore, #tpu.memory_space<semaphore_mem>>)
          %dma_start3A_262 = arith.constant 0 : i32
          %dma_start3A_263 = tpu.memref_slice %arg27[%scan3A_213, %dma_start3A_262] : memref<32x64xf32, #tpu.memory_space<vmem>> -> memref<1x64xf32, #tpu.memory_space<vmem>>
          %dma_start3A_264 = tpu.memref_squeeze %dma_start3A_263 : memref<1x64xf32, #tpu.memory_space<vmem>> -> memref<64xf32, #tpu.memory_space<vmem>>
          %dma_start3A_265 = arith.constant 0 : i32
          %dma_start3A_266 = tpu.memref_slice %arg9[%squeeze3A, %dma_start3A_265] : memref<100000x64xf32, #tpu.memory_space<hbm>> -> memref<1x64xf32, #tpu.memory_space<hbm>>
          %dma_start3A_267 = tpu.memref_squeeze %dma_start3A_266 : memref<1x64xf32, #tpu.memory_space<hbm>> -> memref<64xf32, #tpu.memory_space<hbm>>
          %dma_start3A_268 = arith.constant 0 : i32
          %dma_start3A_269 = tpu.memref_slice %arg27[%scan3A_213, %dma_start3A_268] : memref<32x64xf32, #tpu.memory_space<vmem>> -> memref<1x64xf32, #tpu.memory_space<vmem>>
          %dma_start3A_270 = tpu.memref_squeeze %dma_start3A_269 : memref<1x64xf32, #tpu.memory_space<vmem>> -> memref<64xf32, #tpu.memory_space<vmem>>
          %dma_start3A_271 = arith.constant 0 : i32
          %dma_start3A_272 = tpu.memref_slice %arg9[%squeeze3A, %dma_start3A_271] : memref<100000x64xf32, #tpu.memory_space<hbm>> -> memref<1x64xf32, #tpu.memory_space<hbm>>
          %dma_start3A_273 = tpu.memref_squeeze %dma_start3A_272 : memref<1x64xf32, #tpu.memory_space<hbm>> -> memref<64xf32, #tpu.memory_space<hbm>>
          tpu.enqueue_dma source(%dma_start3A_273 : memref<64xf32, #tpu.memory_space<hbm>>) target(%dma_start3A_270 : memref<64xf32, #tpu.memory_space<vmem>>) target_semaphore(%arg48 : memref<!tpu.dma_semaphore, #tpu.memory_space<semaphore_mem>>)
          %dma_start3A_274 = arith.constant 0 : i32
          %dma_start3A_275 = tpu.memref_slice %arg28[%scan3A_213, %dma_start3A_274] : memref<32x64xf32, #tpu.memory_space<vmem>> -> memref<1x64xf32, #tpu.memory_space<vmem>>
          %dma_start3A_276 = tpu.memref_squeeze %dma_start3A_275 : memref<1x64xf32, #tpu.memory_space<vmem>> -> memref<64xf32, #tpu.memory_space<vmem>>
          %dma_start3A_277 = arith.constant 0 : i32
          %dma_start3A_278 = tpu.memref_slice %arg10[%squeeze3A, %dma_start3A_277] : memref<100000x64xf32, #tpu.memory_space<hbm>> -> memref<1x64xf32, #tpu.memory_space<hbm>>
          %dma_start3A_279 = tpu.memref_squeeze %dma_start3A_278 : memref<1x64xf32, #tpu.memory_space<hbm>> -> memref<64xf32, #tpu.memory_space<hbm>>
          %dma_start3A_280 = arith.constant 0 : i32
          %dma_start3A_281 = tpu.memref_slice %arg28[%scan3A_213, %dma_start3A_280] : memref<32x64xf32, #tpu.memory_space<vmem>> -> memref<1x64xf32, #tpu.memory_space<vmem>>
          %dma_start3A_282 = tpu.memref_squeeze %dma_start3A_281 : memref<1x64xf32, #tpu.memory_space<vmem>> -> memref<64xf32, #tpu.memory_space<vmem>>
          %dma_start3A_283 = arith.constant 0 : i32
          %dma_start3A_284 = tpu.memref_slice %arg10[%squeeze3A, %dma_start3A_283] : memref<100000x64xf32, #tpu.memory_space<hbm>> -> memref<1x64xf32, #tpu.memory_space<hbm>>
          %dma_start3A_285 = tpu.memref_squeeze %dma_start3A_284 : memref<1x64xf32, #tpu.memory_space<hbm>> -> memref<64xf32, #tpu.memory_space<hbm>>
          tpu.enqueue_dma source(%dma_start3A_285 : memref<64xf32, #tpu.memory_space<hbm>>) target(%dma_start3A_282 : memref<64xf32, #tpu.memory_space<vmem>>) target_semaphore(%arg48 : memref<!tpu.dma_semaphore, #tpu.memory_space<semaphore_mem>>)
          %dma_start3A_286 = arith.constant 0 : i32
          %dma_start3A_287 = tpu.memref_slice %arg29[%scan3A_213, %dma_start3A_286] : memref<32x64xf32, #tpu.memory_space<vmem>> -> memref<1x64xf32, #tpu.memory_space<vmem>>
          %dma_start3A_288 = tpu.memref_squeeze %dma_start3A_287 : memref<1x64xf32, #tpu.memory_space<vmem>> -> memref<64xf32, #tpu.memory_space<vmem>>
          %dma_start3A_289 = arith.constant 0 : i32
          %dma_start3A_290 = tpu.memref_slice %arg11[%squeeze3A, %dma_start3A_289] : memref<100000x64xf32, #tpu.memory_space<hbm>> -> memref<1x64xf32, #tpu.memory_space<hbm>>
          %dma_start3A_291 = tpu.memref_squeeze %dma_start3A_290 : memref<1x64xf32, #tpu.memory_space<hbm>> -> memref<64xf32, #tpu.memory_space<hbm>>
          %dma_start3A_292 = arith.constant 0 : i32
          %dma_start3A_293 = tpu.memref_slice %arg29[%scan3A_213, %dma_start3A_292] : memref<32x64xf32, #tpu.memory_space<vmem>> -> memref<1x64xf32, #tpu.memory_space<vmem>>
          %dma_start3A_294 = tpu.memref_squeeze %dma_start3A_293 : memref<1x64xf32, #tpu.memory_space<vmem>> -> memref<64xf32, #tpu.memory_space<vmem>>
          %dma_start3A_295 = arith.constant 0 : i32
          %dma_start3A_296 = tpu.memref_slice %arg11[%squeeze3A, %dma_start3A_295] : memref<100000x64xf32, #tpu.memory_space<hbm>> -> memref<1x64xf32, #tpu.memory_space<hbm>>
          %dma_start3A_297 = tpu.memref_squeeze %dma_start3A_296 : memref<1x64xf32, #tpu.memory_space<hbm>> -> memref<64xf32, #tpu.memory_space<hbm>>
          tpu.enqueue_dma source(%dma_start3A_297 : memref<64xf32, #tpu.memory_space<hbm>>) target(%dma_start3A_294 : memref<64xf32, #tpu.memory_space<vmem>>) target_semaphore(%arg48 : memref<!tpu.dma_semaphore, #tpu.memory_space<semaphore_mem>>)
          %dma_start3A_298 = arith.constant 0 : i32
          %dma_start3A_299 = tpu.memref_slice %arg30[%scan3A_213, %dma_start3A_298] : memref<32x64xf32, #tpu.memory_space<vmem>> -> memref<1x64xf32, #tpu.memory_space<vmem>>
          %dma_start3A_300 = tpu.memref_squeeze %dma_start3A_299 : memref<1x64xf32, #tpu.memory_space<vmem>> -> memref<64xf32, #tpu.memory_space<vmem>>
          %dma_start3A_301 = arith.constant 0 : i32
          %dma_start3A_302 = tpu.memref_slice %arg12[%squeeze3A, %dma_start3A_301] : memref<100000x64xf32, #tpu.memory_space<hbm>> -> memref<1x64xf32, #tpu.memory_space<hbm>>
          %dma_start3A_303 = tpu.memref_squeeze %dma_start3A_302 : memref<1x64xf32, #tpu.memory_space<hbm>> -> memref<64xf32, #tpu.memory_space<hbm>>
          %dma_start3A_304 = arith.constant 0 : i32
          %dma_start3A_305 = tpu.memref_slice %arg30[%scan3A_213, %dma_start3A_304] : memref<32x64xf32, #tpu.memory_space<vmem>> -> memref<1x64xf32, #tpu.memory_space<vmem>>
          %dma_start3A_306 = tpu.memref_squeeze %dma_start3A_305 : memref<1x64xf32, #tpu.memory_space<vmem>> -> memref<64xf32, #tpu.memory_space<vmem>>
          %dma_start3A_307 = arith.constant 0 : i32
          %dma_start3A_308 = tpu.memref_slice %arg12[%squeeze3A, %dma_start3A_307] : memref<100000x64xf32, #tpu.memory_space<hbm>> -> memref<1x64xf32, #tpu.memory_space<hbm>>
          %dma_start3A_309 = tpu.memref_squeeze %dma_start3A_308 : memref<1x64xf32, #tpu.memory_space<hbm>> -> memref<64xf32, #tpu.memory_space<hbm>>
          tpu.enqueue_dma source(%dma_start3A_309 : memref<64xf32, #tpu.memory_space<hbm>>) target(%dma_start3A_306 : memref<64xf32, #tpu.memory_space<vmem>>) target_semaphore(%arg48 : memref<!tpu.dma_semaphore, #tpu.memory_space<semaphore_mem>>)
          %dma_start3A_310 = arith.constant 0 : i32
          %dma_start3A_311 = tpu.memref_slice %arg31[%scan3A_213, %dma_start3A_310] : memref<32x64xf32, #tpu.memory_space<vmem>> -> memref<1x64xf32, #tpu.memory_space<vmem>>
          %dma_start3A_312 = tpu.memref_squeeze %dma_start3A_311 : memref<1x64xf32, #tpu.memory_space<vmem>> -> memref<64xf32, #tpu.memory_space<vmem>>
          %dma_start3A_313 = arith.constant 0 : i32
          %dma_start3A_314 = tpu.memref_slice %arg13[%squeeze3A, %dma_start3A_313] : memref<100000x64xf32, #tpu.memory_space<hbm>> -> memref<1x64xf32, #tpu.memory_space<hbm>>
          %dma_start3A_315 = tpu.memref_squeeze %dma_start3A_314 : memref<1x64xf32, #tpu.memory_space<hbm>> -> memref<64xf32, #tpu.memory_space<hbm>>
          %dma_start3A_316 = arith.constant 0 : i32
          %dma_start3A_317 = tpu.memref_slice %arg31[%scan3A_213, %dma_start3A_316] : memref<32x64xf32, #tpu.memory_space<vmem>> -> memref<1x64xf32, #tpu.memory_space<vmem>>
          %dma_start3A_318 = tpu.memref_squeeze %dma_start3A_317 : memref<1x64xf32, #tpu.memory_space<vmem>> -> memref<64xf32, #tpu.memory_space<vmem>>
          %dma_start3A_319 = arith.constant 0 : i32
          %dma_start3A_320 = tpu.memref_slice %arg13[%squeeze3A, %dma_start3A_319] : memref<100000x64xf32, #tpu.memory_space<hbm>> -> memref<1x64xf32, #tpu.memory_space<hbm>>
          %dma_start3A_321 = tpu.memref_squeeze %dma_start3A_320 : memref<1x64xf32, #tpu.memory_space<hbm>> -> memref<64xf32, #tpu.memory_space<hbm>>
          tpu.enqueue_dma source(%dma_start3A_321 : memref<64xf32, #tpu.memory_space<hbm>>) target(%dma_start3A_318 : memref<64xf32, #tpu.memory_space<vmem>>) target_semaphore(%arg48 : memref<!tpu.dma_semaphore, #tpu.memory_space<semaphore_mem>>)
          %dma_start3A_322 = arith.constant 0 : i32
          %dma_start3A_323 = tpu.memref_slice %arg32[%scan3A_213, %dma_start3A_322] : memref<32x64xf32, #tpu.memory_space<vmem>> -> memref<1x64xf32, #tpu.memory_space<vmem>>
          %dma_start3A_324 = tpu.memref_squeeze %dma_start3A_323 : memref<1x64xf32, #tpu.memory_space<vmem>> -> memref<64xf32, #tpu.memory_space<vmem>>
          %dma_start3A_325 = arith.constant 0 : i32
          %dma_start3A_326 = tpu.memref_slice %arg14[%squeeze3A, %dma_start3A_325] : memref<100000x64xf32, #tpu.memory_space<hbm>> -> memref<1x64xf32, #tpu.memory_space<hbm>>
          %dma_start3A_327 = tpu.memref_squeeze %dma_start3A_326 : memref<1x64xf32, #tpu.memory_space<hbm>> -> memref<64xf32, #tpu.memory_space<hbm>>
          %dma_start3A_328 = arith.constant 0 : i32
          %dma_start3A_329 = tpu.memref_slice %arg32[%scan3A_213, %dma_start3A_328] : memref<32x64xf32, #tpu.memory_space<vmem>> -> memref<1x64xf32, #tpu.memory_space<vmem>>
          %dma_start3A_330 = tpu.memref_squeeze %dma_start3A_329 : memref<1x64xf32, #tpu.memory_space<vmem>> -> memref<64xf32, #tpu.memory_space<vmem>>
          %dma_start3A_331 = arith.constant 0 : i32
          %dma_start3A_332 = tpu.memref_slice %arg14[%squeeze3A, %dma_start3A_331] : memref<100000x64xf32, #tpu.memory_space<hbm>> -> memref<1x64xf32, #tpu.memory_space<hbm>>
          %dma_start3A_333 = tpu.memref_squeeze %dma_start3A_332 : memref<1x64xf32, #tpu.memory_space<hbm>> -> memref<64xf32, #tpu.memory_space<hbm>>
          tpu.enqueue_dma source(%dma_start3A_333 : memref<64xf32, #tpu.memory_space<hbm>>) target(%dma_start3A_330 : memref<64xf32, #tpu.memory_space<vmem>>) target_semaphore(%arg48 : memref<!tpu.dma_semaphore, #tpu.memory_space<semaphore_mem>>)
          %dma_start3A_334 = arith.constant 0 : i32
          %dma_start3A_335 = tpu.memref_slice %arg33[%scan3A_213, %dma_start3A_334] : memref<32x64xf32, #tpu.memory_space<vmem>> -> memref<1x64xf32, #tpu.memory_space<vmem>>
          %dma_start3A_336 = tpu.memref_squeeze %dma_start3A_335 : memref<1x64xf32, #tpu.memory_space<vmem>> -> memref<64xf32, #tpu.memory_space<vmem>>
          %dma_start3A_337 = arith.constant 0 : i32
          %dma_start3A_338 = tpu.memref_slice %arg15[%squeeze3A, %dma_start3A_337] : memref<100000x64xf32, #tpu.memory_space<hbm>> -> memref<1x64xf32, #tpu.memory_space<hbm>>
          %dma_start3A_339 = tpu.memref_squeeze %dma_start3A_338 : memref<1x64xf32, #tpu.memory_space<hbm>> -> memref<64xf32, #tpu.memory_space<hbm>>
          %dma_start3A_340 = arith.constant 0 : i32
          %dma_start3A_341 = tpu.memref_slice %arg33[%scan3A_213, %dma_start3A_340] : memref<32x64xf32, #tpu.memory_space<vmem>> -> memref<1x64xf32, #tpu.memory_space<vmem>>
          %dma_start3A_342 = tpu.memref_squeeze %dma_start3A_341 : memref<1x64xf32, #tpu.memory_space<vmem>> -> memref<64xf32, #tpu.memory_space<vmem>>
          %dma_start3A_343 = arith.constant 0 : i32
          %dma_start3A_344 = tpu.memref_slice %arg15[%squeeze3A, %dma_start3A_343] : memref<100000x64xf32, #tpu.memory_space<hbm>> -> memref<1x64xf32, #tpu.memory_space<hbm>>
          %dma_start3A_345 = tpu.memref_squeeze %dma_start3A_344 : memref<1x64xf32, #tpu.memory_space<hbm>> -> memref<64xf32, #tpu.memory_space<hbm>>
          tpu.enqueue_dma source(%dma_start3A_345 : memref<64xf32, #tpu.memory_space<hbm>>) target(%dma_start3A_342 : memref<64xf32, #tpu.memory_space<vmem>>) target_semaphore(%arg48 : memref<!tpu.dma_semaphore, #tpu.memory_space<semaphore_mem>>)
          %dma_start3A_346 = arith.constant 0 : i32
          %dma_start3A_347 = tpu.memref_slice %arg34[%scan3A_213, %dma_start3A_346] : memref<32x64xf32, #tpu.memory_space<vmem>> -> memref<1x64xf32, #tpu.memory_space<vmem>>
          %dma_start3A_348 = tpu.memref_squeeze %dma_start3A_347 : memref<1x64xf32, #tpu.memory_space<vmem>> -> memref<64xf32, #tpu.memory_space<vmem>>
          %dma_start3A_349 = arith.constant 0 : i32
          %dma_start3A_350 = tpu.memref_slice %arg16[%squeeze3A, %dma_start3A_349] : memref<100000x64xf32, #tpu.memory_space<hbm>> -> memref<1x64xf32, #tpu.memory_space<hbm>>
          %dma_start3A_351 = tpu.memref_squeeze %dma_start3A_350 : memref<1x64xf32, #tpu.memory_space<hbm>> -> memref<64xf32, #tpu.memory_space<hbm>>
          %dma_start3A_352 = arith.constant 0 : i32
          %dma_start3A_353 = tpu.memref_slice %arg34[%scan3A_213, %dma_start3A_352] : memref<32x64xf32, #tpu.memory_space<vmem>> -> memref<1x64xf32, #tpu.memory_space<vmem>>
          %dma_start3A_354 = tpu.memref_squeeze %dma_start3A_353 : memref<1x64xf32, #tpu.memory_space<vmem>> -> memref<64xf32, #tpu.memory_space<vmem>>
          %dma_start3A_355 = arith.constant 0 : i32
          %dma_start3A_356 = tpu.memref_slice %arg16[%squeeze3A, %dma_start3A_355] : memref<100000x64xf32, #tpu.memory_space<hbm>> -> memref<1x64xf32, #tpu.memory_space<hbm>>
          %dma_start3A_357 = tpu.memref_squeeze %dma_start3A_356 : memref<1x64xf32, #tpu.memory_space<hbm>> -> memref<64xf32, #tpu.memory_space<hbm>>
          tpu.enqueue_dma source(%dma_start3A_357 : memref<64xf32, #tpu.memory_space<hbm>>) target(%dma_start3A_354 : memref<64xf32, #tpu.memory_space<vmem>>) target_semaphore(%arg48 : memref<!tpu.dma_semaphore, #tpu.memory_space<semaphore_mem>>)
          %dma_start3A_358 = arith.constant 0 : i32
          %dma_start3A_359 = tpu.memref_slice %arg35[%scan3A_213, %dma_start3A_358] : memref<32x64xf32, #tpu.memory_space<vmem>> -> memref<1x64xf32, #tpu.memory_space<vmem>>
          %dma_start3A_360 = tpu.memref_squeeze %dma_start3A_359 : memref<1x64xf32, #tpu.memory_space<vmem>> -> memref<64xf32, #tpu.memory_space<vmem>>
          %dma_start3A_361 = arith.constant 0 : i32
          %dma_start3A_362 = tpu.memref_slice %arg17[%squeeze3A, %dma_start3A_361] : memref<100000x64xf32, #tpu.memory_space<hbm>> -> memref<1x64xf32, #tpu.memory_space<hbm>>
          %dma_start3A_363 = tpu.memref_squeeze %dma_start3A_362 : memref<1x64xf32, #tpu.memory_space<hbm>> -> memref<64xf32, #tpu.memory_space<hbm>>
          %dma_start3A_364 = arith.constant 0 : i32
          %dma_start3A_365 = tpu.memref_slice %arg35[%scan3A_213, %dma_start3A_364] : memref<32x64xf32, #tpu.memory_space<vmem>> -> memref<1x64xf32, #tpu.memory_space<vmem>>
          %dma_start3A_366 = tpu.memref_squeeze %dma_start3A_365 : memref<1x64xf32, #tpu.memory_space<vmem>> -> memref<64xf32, #tpu.memory_space<vmem>>
          %dma_start3A_367 = arith.constant 0 : i32
          %dma_start3A_368 = tpu.memref_slice %arg17[%squeeze3A, %dma_start3A_367] : memref<100000x64xf32, #tpu.memory_space<hbm>> -> memref<1x64xf32, #tpu.memory_space<hbm>>
          %dma_start3A_369 = tpu.memref_squeeze %dma_start3A_368 : memref<1x64xf32, #tpu.memory_space<hbm>> -> memref<64xf32, #tpu.memory_space<hbm>>
          tpu.enqueue_dma source(%dma_start3A_369 : memref<64xf32, #tpu.memory_space<hbm>>) target(%dma_start3A_366 : memref<64xf32, #tpu.memory_space<vmem>>) target_semaphore(%arg48 : memref<!tpu.dma_semaphore, #tpu.memory_space<semaphore_mem>>)
          %scan3A_370 = arith.constant 0 : i32
          scf.yield %scan3A_370 : i32
        }
        %scan3A_212 = arith.constant 32 : i32
      } else {
      }
      %dma_wait3A_119 = arith.constant 0 : i32
      %dma_wait3A_120 = arith.constant 0 : i32
      %dma_wait3A_121 = tpu.memref_slice %arg7[%dma_wait3A_119, %dma_wait3A_120] : memref<16384x128xf32, #tpu.memory_space<hbm>> -> memref<32x128xf32, #tpu.memory_space<hbm>>
      %dma_wait3A_122 = arith.constant 0 : i32
      %dma_wait3A_123 = arith.constant 0 : i32
      %dma_wait3A_124 = tpu.memref_slice %arg7[%dma_wait3A_122, %dma_wait3A_123] : memref<16384x128xf32, #tpu.memory_space<hbm>> -> memref<32x128xf32, #tpu.memory_space<hbm>>
      tpu.wait_dma2 semaphore(%arg49 : memref<!tpu.dma_semaphore, #tpu.memory_space<semaphore_mem>>) src(%dma_wait3A_124 : memref<32x128xf32, #tpu.memory_space<hbm>>) dst(%arg36 : memref<32x128xf32, #tpu.memory_space<vmem>>)
      %dma_wait3A_125 = arith.constant 0 : i32
      %dma_wait3A_126 = arith.constant 0 : i32
      %dma_wait3A_127 = tpu.memref_slice %arg8[%dma_wait3A_125, %dma_wait3A_126] : memref<100000x64xf32, #tpu.memory_space<hbm>> -> memref<32x64xf32, #tpu.memory_space<hbm>>
      %dma_wait3A_128 = arith.constant 0 : i32
      %dma_wait3A_129 = arith.constant 0 : i32
      %dma_wait3A_130 = tpu.memref_slice %arg8[%dma_wait3A_128, %dma_wait3A_129] : memref<100000x64xf32, #tpu.memory_space<hbm>> -> memref<32x64xf32, #tpu.memory_space<hbm>>
      tpu.wait_dma2 semaphore(%arg50 : memref<!tpu.dma_semaphore, #tpu.memory_space<semaphore_mem>>) src(%dma_wait3A_130 : memref<32x64xf32, #tpu.memory_space<hbm>>) dst(%arg37 : memref<32x64xf32, #tpu.memory_space<vmem>>)
      %dma_wait3A_131 = arith.constant 0 : i32
      %dma_wait3A_132 = arith.constant 0 : i32
      %dma_wait3A_133 = tpu.memref_slice %arg9[%dma_wait3A_131, %dma_wait3A_132] : memref<100000x64xf32, #tpu.memory_space<hbm>> -> memref<32x64xf32, #tpu.memory_space<hbm>>
      %dma_wait3A_134 = arith.constant 0 : i32
      %dma_wait3A_135 = arith.constant 0 : i32
      %dma_wait3A_136 = tpu.memref_slice %arg9[%dma_wait3A_134, %dma_wait3A_135] : memref<100000x64xf32, #tpu.memory_space<hbm>> -> memref<32x64xf32, #tpu.memory_space<hbm>>
      tpu.wait_dma2 semaphore(%arg50 : memref<!tpu.dma_semaphore, #tpu.memory_space<semaphore_mem>>) src(%dma_wait3A_136 : memref<32x64xf32, #tpu.memory_space<hbm>>) dst(%arg38 : memref<32x64xf32, #tpu.memory_space<vmem>>)
      %dma_wait3A_137 = arith.constant 0 : i32
      %dma_wait3A_138 = arith.constant 0 : i32
      %dma_wait3A_139 = tpu.memref_slice %arg10[%dma_wait3A_137, %dma_wait3A_138] : memref<100000x64xf32, #tpu.memory_space<hbm>> -> memref<32x64xf32, #tpu.memory_space<hbm>>
      %dma_wait3A_140 = arith.constant 0 : i32
      %dma_wait3A_141 = arith.constant 0 : i32
      %dma_wait3A_142 = tpu.memref_slice %arg10[%dma_wait3A_140, %dma_wait3A_141] : memref<100000x64xf32, #tpu.memory_space<hbm>> -> memref<32x64xf32, #tpu.memory_space<hbm>>
      tpu.wait_dma2 semaphore(%arg50 : memref<!tpu.dma_semaphore, #tpu.memory_space<semaphore_mem>>) src(%dma_wait3A_142 : memref<32x64xf32, #tpu.memory_space<hbm>>) dst(%arg39 : memref<32x64xf32, #tpu.memory_space<vmem>>)
      %dma_wait3A_143 = arith.constant 0 : i32
      %dma_wait3A_144 = arith.constant 0 : i32
      %dma_wait3A_145 = tpu.memref_slice %arg11[%dma_wait3A_143, %dma_wait3A_144] : memref<100000x64xf32, #tpu.memory_space<hbm>> -> memref<32x64xf32, #tpu.memory_space<hbm>>
      %dma_wait3A_146 = arith.constant 0 : i32
      %dma_wait3A_147 = arith.constant 0 : i32
      %dma_wait3A_148 = tpu.memref_slice %arg11[%dma_wait3A_146, %dma_wait3A_147] : memref<100000x64xf32, #tpu.memory_space<hbm>> -> memref<32x64xf32, #tpu.memory_space<hbm>>
      tpu.wait_dma2 semaphore(%arg50 : memref<!tpu.dma_semaphore, #tpu.memory_space<semaphore_mem>>) src(%dma_wait3A_148 : memref<32x64xf32, #tpu.memory_space<hbm>>) dst(%arg40 : memref<32x64xf32, #tpu.memory_space<vmem>>)
      %dma_wait3A_149 = arith.constant 0 : i32
      %dma_wait3A_150 = arith.constant 0 : i32
      %dma_wait3A_151 = tpu.memref_slice %arg12[%dma_wait3A_149, %dma_wait3A_150] : memref<100000x64xf32, #tpu.memory_space<hbm>> -> memref<32x64xf32, #tpu.memory_space<hbm>>
      %dma_wait3A_152 = arith.constant 0 : i32
      %dma_wait3A_153 = arith.constant 0 : i32
      %dma_wait3A_154 = tpu.memref_slice %arg12[%dma_wait3A_152, %dma_wait3A_153] : memref<100000x64xf32, #tpu.memory_space<hbm>> -> memref<32x64xf32, #tpu.memory_space<hbm>>
      tpu.wait_dma2 semaphore(%arg50 : memref<!tpu.dma_semaphore, #tpu.memory_space<semaphore_mem>>) src(%dma_wait3A_154 : memref<32x64xf32, #tpu.memory_space<hbm>>) dst(%arg41 : memref<32x64xf32, #tpu.memory_space<vmem>>)
      %dma_wait3A_155 = arith.constant 0 : i32
      %dma_wait3A_156 = arith.constant 0 : i32
      %dma_wait3A_157 = tpu.memref_slice %arg13[%dma_wait3A_155, %dma_wait3A_156] : memref<100000x64xf32, #tpu.memory_space<hbm>> -> memref<32x64xf32, #tpu.memory_space<hbm>>
      %dma_wait3A_158 = arith.constant 0 : i32
      %dma_wait3A_159 = arith.constant 0 : i32
      %dma_wait3A_160 = tpu.memref_slice %arg13[%dma_wait3A_158, %dma_wait3A_159] : memref<100000x64xf32, #tpu.memory_space<hbm>> -> memref<32x64xf32, #tpu.memory_space<hbm>>
      tpu.wait_dma2 semaphore(%arg50 : memref<!tpu.dma_semaphore, #tpu.memory_space<semaphore_mem>>) src(%dma_wait3A_160 : memref<32x64xf32, #tpu.memory_space<hbm>>) dst(%arg42 : memref<32x64xf32, #tpu.memory_space<vmem>>)
      %dma_wait3A_161 = arith.constant 0 : i32
      %dma_wait3A_162 = arith.constant 0 : i32
      %dma_wait3A_163 = tpu.memref_slice %arg14[%dma_wait3A_161, %dma_wait3A_162] : memref<100000x64xf32, #tpu.memory_space<hbm>> -> memref<32x64xf32, #tpu.memory_space<hbm>>
      %dma_wait3A_164 = arith.constant 0 : i32
      %dma_wait3A_165 = arith.constant 0 : i32
      %dma_wait3A_166 = tpu.memref_slice %arg14[%dma_wait3A_164, %dma_wait3A_165] : memref<100000x64xf32, #tpu.memory_space<hbm>> -> memref<32x64xf32, #tpu.memory_space<hbm>>
      tpu.wait_dma2 semaphore(%arg50 : memref<!tpu.dma_semaphore, #tpu.memory_space<semaphore_mem>>) src(%dma_wait3A_166 : memref<32x64xf32, #tpu.memory_space<hbm>>) dst(%arg43 : memref<32x64xf32, #tpu.memory_space<vmem>>)
      %dma_wait3A_167 = arith.constant 0 : i32
      %dma_wait3A_168 = arith.constant 0 : i32
      %dma_wait3A_169 = tpu.memref_slice %arg15[%dma_wait3A_167, %dma_wait3A_168] : memref<100000x64xf32, #tpu.memory_space<hbm>> -> memref<32x64xf32, #tpu.memory_space<hbm>>
      %dma_wait3A_170 = arith.constant 0 : i32
      %dma_wait3A_171 = arith.constant 0 : i32
      %dma_wait3A_172 = tpu.memref_slice %arg15[%dma_wait3A_170, %dma_wait3A_171] : memref<100000x64xf32, #tpu.memory_space<hbm>> -> memref<32x64xf32, #tpu.memory_space<hbm>>
      tpu.wait_dma2 semaphore(%arg50 : memref<!tpu.dma_semaphore, #tpu.memory_space<semaphore_mem>>) src(%dma_wait3A_172 : memref<32x64xf32, #tpu.memory_space<hbm>>) dst(%arg44 : memref<32x64xf32, #tpu.memory_space<vmem>>)
      %dma_wait3A_173 = arith.constant 0 : i32
      %dma_wait3A_174 = arith.constant 0 : i32
      %dma_wait3A_175 = tpu.memref_slice %arg16[%dma_wait3A_173, %dma_wait3A_174] : memref<100000x64xf32, #tpu.memory_space<hbm>> -> memref<32x64xf32, #tpu.memory_space<hbm>>
      %dma_wait3A_176 = arith.constant 0 : i32
      %dma_wait3A_177 = arith.constant 0 : i32
      %dma_wait3A_178 = tpu.memref_slice %arg16[%dma_wait3A_176, %dma_wait3A_177] : memref<100000x64xf32, #tpu.memory_space<hbm>> -> memref<32x64xf32, #tpu.memory_space<hbm>>
      tpu.wait_dma2 semaphore(%arg50 : memref<!tpu.dma_semaphore, #tpu.memory_space<semaphore_mem>>) src(%dma_wait3A_178 : memref<32x64xf32, #tpu.memory_space<hbm>>) dst(%arg45 : memref<32x64xf32, #tpu.memory_space<vmem>>)
      %dma_wait3A_179 = arith.constant 0 : i32
      %dma_wait3A_180 = arith.constant 0 : i32
      %dma_wait3A_181 = tpu.memref_slice %arg17[%dma_wait3A_179, %dma_wait3A_180] : memref<100000x64xf32, #tpu.memory_space<hbm>> -> memref<32x64xf32, #tpu.memory_space<hbm>>
      %dma_wait3A_182 = arith.constant 0 : i32
      %dma_wait3A_183 = arith.constant 0 : i32
      %dma_wait3A_184 = tpu.memref_slice %arg17[%dma_wait3A_182, %dma_wait3A_183] : memref<100000x64xf32, #tpu.memory_space<hbm>> -> memref<32x64xf32, #tpu.memory_space<hbm>>
      tpu.wait_dma2 semaphore(%arg50 : memref<!tpu.dma_semaphore, #tpu.memory_space<semaphore_mem>>) src(%dma_wait3A_184 : memref<32x64xf32, #tpu.memory_space<hbm>>) dst(%arg46 : memref<32x64xf32, #tpu.memory_space<vmem>>)
      %add3A_185 = arith.constant 1 : i32
      %add3A_186 = arith.addi %mul3A_26, %add3A_185 : i32
      %mul3A_187 = arith.constant 32 : i32
      %mul3A_188 = arith.muli %add3A_186, %mul3A_187 : i32
      %scan3A_189 = arith.constant 0 : i32
      %scan3A_190 = arith.constant 0 : i32
      %scan3A_191 = arith.constant 2 : i32
      %scan3A_192 = arith.addi %scan3A_190, %scan3A_191 : i32
      %scan3A_193 = arith.constant 1 : i32
      %scan3A_194 = scf.for %scan3A_197 = %scan3A_190 to %scan3A_192 step %scan3A_193 iter_args(%scan3A_198 = %scan3A_189) -> (i32)  : i32 {
        %mul3A_199 = arith.constant 16 : i32
        %mul3A_200 = arith.muli %scan3A_197, %mul3A_199 : i32
        %add3A_201 = arith.addi %mul3A_188, %mul3A_200 : i32
        %get3A_202 = arith.index_cast %add3A_201 : i32 to index
        %get3A_203 = tpu.vector_load %arg20[%get3A_202] {strides = array<i32>} : memref<512xf32, #tpu.memory_space<vmem>>, vector<16xf32>,
        %mul3A_204 = arith.constant 16 : i32
        %mul3A_205 = arith.muli %scan3A_197, %mul3A_204 : i32
        %add3A_206 = arith.addi %mul3A_188, %mul3A_205 : i32
        %get3A_207 = arith.index_cast %add3A_206 : i32 to index
        %get3A_208 = tpu.vector_load %arg21[%get3A_207] {strides = array<i32>} : memref<512xf32, #tpu.memory_space<vmem>>, vector<16xf32>,
        %mul3A_209 = arith.constant 16 : i32
        %mul3A_210 = arith.muli %scan3A_197, %mul3A_209 : i32
        %add3A_211 = arith.addi %mul3A_188, %mul3A_210 : i32
        %get3A_212 = arith.index_cast %add3A_211 : i32 to index
        %get3A_213 = tpu.vector_load %arg22[%get3A_212] {strides = array<i32>} : memref<512xf32, #tpu.memory_space<vmem>>, vector<16xf32>,
        %scan3A_214 = arith.constant 0 : i32
        %scan3A_215 = arith.constant 16 : i32
        %scan3A_216 = arith.addi %scan3A_214, %scan3A_215 : i32
        %scan3A_217 = arith.constant 1 : i32
        %scan3A_218 = scf.for %scan3A_260 = %scan3A_214 to %scan3A_216 step %scan3A_217 iter_args(%scan3A_261 = %broadcast_in_dim3A_4) -> (vector<16xf32>)  : i32 {
          %mul3A_262 = arith.constant 16 : i32
          %mul3A_263 = arith.muli %scan3A_197, %mul3A_262 : i32
          %add3A_264 = arith.addi %mul3A_263, %scan3A_260 : i32
          %mul3A_265 = arith.constant 0 : i32
          %mul3A_266 = vector.broadcast %mul3A_265 : i32 to vector<16xi32>
          %mul3A_267 = arith.muli %iota3A, %mul3A_266 : vector<16xi32>
          %add3A_268 = vector.broadcast %scan3A_260 : i32 to vector<16xi32>
          %add3A_269 = arith.addi %mul3A_267, %add3A_268 : vector<16xi32>
          %lt3A_270 = arith.constant 0 : i32
          %lt3A_271 = vector.broadcast %lt3A_270 : i32 to vector<16xi32>
          %lt3A_272 = arith.cmpi slt, %add3A_269, %lt3A_271 : vector<16xi32>
          %add3A_273 = arith.constant 16 : i32
          %add3A_274 = vector.broadcast %add3A_273 : i32 to vector<16xi32>
          %add3A_275 = arith.addi %add3A_269, %add3A_274 : vector<16xi32>
          %select_n3A = arith.select %lt3A_272, %add3A_275, %add3A_269 : vector<16xi1>, vector<16xi32>
          %reshape3A = vector.shape_cast %select_n3A : vector<16xi32> to vector<16x1xi32>
          %gather3A = vector.shape_cast %reshape3A : vector<16x1xi32> to vector<16xi32>
          %gather3A_276 = tpu.dynamic_gather %get3A_203[%gather3A] in [0] : vector<16xf32>, vector<16xi32> -> vector<16xf32>
          %lt3A_277 = arith.constant 0 : i32
          %lt3A_278 = vector.broadcast %lt3A_277 : i32 to vector<16xi32>
          %lt3A_279 = arith.cmpi slt, %add3A_269, %lt3A_278 : vector<16xi32>
          %add3A_280 = arith.constant 16 : i32
          %add3A_281 = vector.broadcast %add3A_280 : i32 to vector<16xi32>
          %add3A_282 = arith.addi %add3A_269, %add3A_281 : vector<16xi32>
          %select_n3A_283 = arith.select %lt3A_279, %add3A_282, %add3A_269 : vector<16xi1>, vector<16xi32>
          %reshape3A_284 = vector.shape_cast %select_n3A_283 : vector<16xi32> to vector<16x1xi32>
          %gather3A_285 = vector.shape_cast %reshape3A_284 : vector<16x1xi32> to vector<16xi32>
          %gather3A_286 = tpu.dynamic_gather %get3A_208[%gather3A_285] in [0] : vector<16xf32>, vector<16xi32> -> vector<16xf32>
          %lt3A_287 = arith.constant 0 : i32
          %lt3A_288 = vector.broadcast %lt3A_287 : i32 to vector<16xi32>
          %lt3A_289 = arith.cmpi slt, %add3A_269, %lt3A_288 : vector<16xi32>
          %add3A_290 = arith.constant 16 : i32
          %add3A_291 = vector.broadcast %add3A_290 : i32 to vector<16xi32>
          %add3A_292 = arith.addi %add3A_269, %add3A_291 : vector<16xi32>
          %select_n3A_293 = arith.select %lt3A_289, %add3A_292, %add3A_269 : vector<16xi1>, vector<16xi32>
          %reshape3A_294 = vector.shape_cast %select_n3A_293 : vector<16xi32> to vector<16x1xi32>
          %gather3A_295 = vector.shape_cast %reshape3A_294 : vector<16x1xi32> to vector<16xi32>
          %gather3A_296 = tpu.dynamic_gather %get3A_213[%gather3A_295] in [0] : vector<16xf32>, vector<16xi32> -> vector<16xf32>
          %get3A_297 = arith.index_cast %add3A_264 : i32 to index
          %get3A_298 = arith.constant 0 : index
          %get3A_299 = tpu.vector_load %arg36[%get3A_297, %get3A_298] {strides = array<i32>} : memref<32x128xf32, #tpu.memory_space<vmem>>, vector<16xf32>,
          %get3A_300 = arith.index_cast %add3A_264 : i32 to index
          %get3A_301 = arith.constant 0 : index
          %get3A_302 = tpu.vector_load %arg37[%get3A_300, %get3A_301] {strides = array<i32>} : memref<32x64xf32, #tpu.memory_space<vmem>>, vector<16xf32>,
          %mul3A_303 = arith.mulf %get3A_3, %get3A_302 : vector<16xf32>
          %add3A_304 = arith.addf %get3A_299, %mul3A_303 : vector<16xf32>
          %mul3A_305 = arith.mulf %add3A_304, %add3A_304 : vector<16xf32>
          %add3A_306 = arith.addf %broadcast_in_dim3A_4, %mul3A_305 : vector<16xf32>
          %get3A_307 = arith.index_cast %add3A_264 : i32 to index
          %get3A_308 = arith.constant 64 : index
          %get3A_309 = tpu.vector_load %arg36[%get3A_307, %get3A_308] {strides = array<i32>} : memref<32x128xf32, #tpu.memory_space<vmem>>, vector<16xf32>,
          %get3A_310 = arith.index_cast %add3A_264 : i32 to index
          %get3A_311 = arith.constant 0 : index
          %get3A_312 = tpu.vector_load %arg38[%get3A_310, %get3A_311] {strides = array<i32>} : memref<32x64xf32, #tpu.memory_space<vmem>>, vector<16xf32>,
          %get3A_313 = arith.index_cast %add3A_264 : i32 to index
          %get3A_314 = arith.constant 0 : index
          %get3A_315 = tpu.vector_load %arg39[%get3A_313, %get3A_314] {strides = array<i32>} : memref<32x64xf32, #tpu.memory_space<vmem>>, vector<16xf32>,
          %get3A_316 = arith.index_cast %add3A_264 : i32 to index
          %get3A_317 = arith.constant 0 : index
          %get3A_318 = tpu.vector_load %arg40[%get3A_316, %get3A_317] {strides = array<i32>} : memref<32x64xf32, #tpu.memory_space<vmem>>, vector<16xf32>,
          %get3A_319 = arith.index_cast %add3A_264 : i32 to index
          %get3A_320 = arith.constant 0 : index
          %get3A_321 = tpu.vector_load %arg41[%get3A_319, %get3A_320] {strides = array<i32>} : memref<32x64xf32, #tpu.memory_space<vmem>>, vector<16xf32>,
          %get3A_322 = arith.index_cast %add3A_264 : i32 to index
          %get3A_323 = arith.constant 0 : index
          %get3A_324 = tpu.vector_load %arg42[%get3A_322, %get3A_323] {strides = array<i32>} : memref<32x64xf32, #tpu.memory_space<vmem>>, vector<16xf32>,
          %get3A_325 = arith.index_cast %add3A_264 : i32 to index
          %get3A_326 = arith.constant 0 : index
          %get3A_327 = tpu.vector_load %arg43[%get3A_325, %get3A_326] {strides = array<i32>} : memref<32x64xf32, #tpu.memory_space<vmem>>, vector<16xf32>,
          %get3A_328 = arith.index_cast %add3A_264 : i32 to index
          %get3A_329 = arith.constant 0 : index
          %get3A_330 = tpu.vector_load %arg44[%get3A_328, %get3A_329] {strides = array<i32>} : memref<32x64xf32, #tpu.memory_space<vmem>>, vector<16xf32>,
          %get3A_331 = arith.index_cast %add3A_264 : i32 to index
          %get3A_332 = arith.constant 0 : index
          %get3A_333 = tpu.vector_load %arg45[%get3A_331, %get3A_332] {strides = array<i32>} : memref<32x64xf32, #tpu.memory_space<vmem>>, vector<16xf32>,
          %get3A_334 = arith.index_cast %add3A_264 : i32 to index
          %get3A_335 = arith.constant 0 : index
          %get3A_336 = tpu.vector_load %arg46[%get3A_334, %get3A_335] {strides = array<i32>} : memref<32x64xf32, #tpu.memory_space<vmem>>, vector<16xf32>,
          %mul3A_337 = arith.mulf %get3A_312, %gather3A_276 : vector<16xf32>
          %add3A_338 = arith.addf %mul3A_337, %get3A_315 : vector<16xf32>
          %mul3A_339 = arith.mulf %add3A_338, %add3A_338 : vector<16xf32>
          %mul3A_340 = arith.constant 2.75573188E-6 : f32
          %mul3A_341 = vector.broadcast %mul3A_340 : f32 to vector<16xf32>
          %mul3A_342 = arith.mulf %mul3A_341, %mul3A_339 : vector<16xf32>
          %add3A_343 = arith.constant -1.98412701E-4 : f32
          %add3A_344 = vector.broadcast %add3A_343 : f32 to vector<16xf32>
          %add3A_345 = arith.addf %mul3A_342, %add3A_344 : vector<16xf32>
          %mul3A_346 = arith.mulf %add3A_345, %mul3A_339 : vector<16xf32>
          %add3A_347 = arith.constant 0.00833333284 : f32
          %add3A_348 = vector.broadcast %add3A_347 : f32 to vector<16xf32>
          %add3A_349 = arith.addf %mul3A_346, %add3A_348 : vector<16xf32>
          %mul3A_350 = arith.mulf %add3A_349, %mul3A_339 : vector<16xf32>
          %add3A_351 = arith.constant -0.166666672 : f32
          %add3A_352 = vector.broadcast %add3A_351 : f32 to vector<16xf32>
          %add3A_353 = arith.addf %mul3A_350, %add3A_352 : vector<16xf32>
          %mul3A_354 = arith.mulf %mul3A_339, %add3A_353 : vector<16xf32>
          %add3A_355 = arith.constant 1.000000e+00 : f32
          %add3A_356 = vector.broadcast %add3A_355 : f32 to vector<16xf32>
          %add3A_357 = arith.addf %add3A_356, %mul3A_354 : vector<16xf32>
          %mul3A_358 = arith.mulf %add3A_338, %add3A_357 : vector<16xf32>
          %mul3A_359 = arith.mulf %get3A_318, %mul3A_358 : vector<16xf32>
          %mul3A_360 = arith.mulf %get3A_321, %gather3A_286 : vector<16xf32>
          %add3A_361 = arith.addf %mul3A_360, %get3A_324 : vector<16xf32>
          %mul3A_362 = arith.mulf %add3A_361, %add3A_361 : vector<16xf32>
          %mul3A_363 = arith.constant 2.75573188E-6 : f32
          %mul3A_364 = vector.broadcast %mul3A_363 : f32 to vector<16xf32>
          %mul3A_365 = arith.mulf %mul3A_364, %mul3A_362 : vector<16xf32>
          %add3A_366 = arith.constant -1.98412701E-4 : f32
          %add3A_367 = vector.broadcast %add3A_366 : f32 to vector<16xf32>
          %add3A_368 = arith.addf %mul3A_365, %add3A_367 : vector<16xf32>
          %mul3A_369 = arith.mulf %add3A_368, %mul3A_362 : vector<16xf32>
          %add3A_370 = arith.constant 0.00833333284 : f32
          %add3A_371 = vector.broadcast %add3A_370 : f32 to vector<16xf32>
          %add3A_372 = arith.addf %mul3A_369, %add3A_371 : vector<16xf32>
          %mul3A_373 = arith.mulf %add3A_372, %mul3A_362 : vector<16xf32>
          %add3A_374 = arith.constant -0.166666672 : f32
          %add3A_375 = vector.broadcast %add3A_374 : f32 to vector<16xf32>
          %add3A_376 = arith.addf %mul3A_373, %add3A_375 : vector<16xf32>
          %mul3A_377 = arith.mulf %mul3A_362, %add3A_376 : vector<16xf32>
          %add3A_378 = arith.constant 1.000000e+00 : f32
          %add3A_379 = vector.broadcast %add3A_378 : f32 to vector<16xf32>
          %add3A_380 = arith.addf %add3A_379, %mul3A_377 : vector<16xf32>
          %mul3A_381 = arith.mulf %add3A_361, %add3A_380 : vector<16xf32>
          %mul3A_382 = arith.mulf %get3A_327, %mul3A_381 : vector<16xf32>
          %add3A_383 = arith.addf %mul3A_359, %mul3A_382 : vector<16xf32>
          %mul3A_384 = arith.mulf %get3A_330, %gather3A_296 : vector<16xf32>
          %add3A_385 = arith.addf %mul3A_384, %get3A_333 : vector<16xf32>
          %mul3A_386 = arith.mulf %add3A_385, %add3A_385 : vector<16xf32>
          %mul3A_387 = arith.constant 2.75573188E-6 : f32
          %mul3A_388 = vector.broadcast %mul3A_387 : f32 to vector<16xf32>
          %mul3A_389 = arith.mulf %mul3A_388, %mul3A_386 : vector<16xf32>
          %add3A_390 = arith.constant -1.98412701E-4 : f32
          %add3A_391 = vector.broadcast %add3A_390 : f32 to vector<16xf32>
          %add3A_392 = arith.addf %mul3A_389, %add3A_391 : vector<16xf32>
          %mul3A_393 = arith.mulf %add3A_392, %mul3A_386 : vector<16xf32>
          %add3A_394 = arith.constant 0.00833333284 : f32
          %add3A_395 = vector.broadcast %add3A_394 : f32 to vector<16xf32>
          %add3A_396 = arith.addf %mul3A_393, %add3A_395 : vector<16xf32>
          %mul3A_397 = arith.mulf %add3A_396, %mul3A_386 : vector<16xf32>
          %add3A_398 = arith.constant -0.166666672 : f32
          %add3A_399 = vector.broadcast %add3A_398 : f32 to vector<16xf32>
          %add3A_400 = arith.addf %mul3A_397, %add3A_399 : vector<16xf32>
          %mul3A_401 = arith.mulf %mul3A_386, %add3A_400 : vector<16xf32>
          %add3A_402 = arith.constant 1.000000e+00 : f32
          %add3A_403 = vector.broadcast %add3A_402 : f32 to vector<16xf32>
          %add3A_404 = arith.addf %add3A_403, %mul3A_401 : vector<16xf32>
          %mul3A_405 = arith.mulf %add3A_385, %add3A_404 : vector<16xf32>
          %mul3A_406 = arith.mulf %get3A_336, %mul3A_405 : vector<16xf32>
          %add3A_407 = arith.addf %add3A_383, %mul3A_406 : vector<16xf32>
          %mul3A_408 = arith.mulf %get3A_3, %add3A_407 : vector<16xf32>
          %add3A_409 = arith.addf %get3A_309, %mul3A_408 : vector<16xf32>
          %mul3A_410 = arith.mulf %add3A_409, %add3A_409 : vector<16xf32>
          %add3A_411 = arith.addf %add3A_306, %mul3A_410 : vector<16xf32>
          %get3A_412 = arith.index_cast %add3A_264 : i32 to index
          %get3A_413 = arith.constant 16 : index
          %get3A_414 = tpu.vector_load %arg36[%get3A_412, %get3A_413] {strides = array<i32>} : memref<32x128xf32, #tpu.memory_space<vmem>>, vector<16xf32>,
          %get3A_415 = arith.index_cast %add3A_264 : i32 to index
          %get3A_416 = arith.constant 16 : index
          %get3A_417 = tpu.vector_load %arg37[%get3A_415, %get3A_416] {strides = array<i32>} : memref<32x64xf32, #tpu.memory_space<vmem>>, vector<16xf32>,
          %mul3A_418 = arith.mulf %get3A_3, %get3A_417 : vector<16xf32>
          %add3A_419 = arith.addf %get3A_414, %mul3A_418 : vector<16xf32>
          %mul3A_420 = arith.mulf %add3A_419, %add3A_419 : vector<16xf32>
          %add3A_421 = arith.addf %add3A_411, %mul3A_420 : vector<16xf32>
          %get3A_422 = arith.index_cast %add3A_264 : i32 to index
          %get3A_423 = arith.constant 80 : index
          %get3A_424 = tpu.vector_load %arg36[%get3A_422, %get3A_423] {strides = array<i32>} : memref<32x128xf32, #tpu.memory_space<vmem>>, vector<16xf32>,
          %get3A_425 = arith.index_cast %add3A_264 : i32 to index
          %get3A_426 = arith.constant 16 : index
          %get3A_427 = tpu.vector_load %arg38[%get3A_425, %get3A_426] {strides = array<i32>} : memref<32x64xf32, #tpu.memory_space<vmem>>, vector<16xf32>,
          %get3A_428 = arith.index_cast %add3A_264 : i32 to index
          %get3A_429 = arith.constant 16 : index
          %get3A_430 = tpu.vector_load %arg39[%get3A_428, %get3A_429] {strides = array<i32>} : memref<32x64xf32, #tpu.memory_space<vmem>>, vector<16xf32>,
          %get3A_431 = arith.index_cast %add3A_264 : i32 to index
          %get3A_432 = arith.constant 16 : index
          %get3A_433 = tpu.vector_load %arg40[%get3A_431, %get3A_432] {strides = array<i32>} : memref<32x64xf32, #tpu.memory_space<vmem>>, vector<16xf32>,
          %get3A_434 = arith.index_cast %add3A_264 : i32 to index
          %get3A_435 = arith.constant 16 : index
          %get3A_436 = tpu.vector_load %arg41[%get3A_434, %get3A_435] {strides = array<i32>} : memref<32x64xf32, #tpu.memory_space<vmem>>, vector<16xf32>,
          %get3A_437 = arith.index_cast %add3A_264 : i32 to index
          %get3A_438 = arith.constant 16 : index
          %get3A_439 = tpu.vector_load %arg42[%get3A_437, %get3A_438] {strides = array<i32>} : memref<32x64xf32, #tpu.memory_space<vmem>>, vector<16xf32>,
          %get3A_440 = arith.index_cast %add3A_264 : i32 to index
          %get3A_441 = arith.constant 16 : index
          %get3A_442 = tpu.vector_load %arg43[%get3A_440, %get3A_441] {strides = array<i32>} : memref<32x64xf32, #tpu.memory_space<vmem>>, vector<16xf32>,
          %get3A_443 = arith.index_cast %add3A_264 : i32 to index
          %get3A_444 = arith.constant 16 : index
          %get3A_445 = tpu.vector_load %arg44[%get3A_443, %get3A_444] {strides = array<i32>} : memref<32x64xf32, #tpu.memory_space<vmem>>, vector<16xf32>,
          %get3A_446 = arith.index_cast %add3A_264 : i32 to index
          %get3A_447 = arith.constant 16 : index
          %get3A_448 = tpu.vector_load %arg45[%get3A_446, %get3A_447] {strides = array<i32>} : memref<32x64xf32, #tpu.memory_space<vmem>>, vector<16xf32>,
          %get3A_449 = arith.index_cast %add3A_264 : i32 to index
          %get3A_450 = arith.constant 16 : index
          %get3A_451 = tpu.vector_load %arg46[%get3A_449, %get3A_450] {strides = array<i32>} : memref<32x64xf32, #tpu.memory_space<vmem>>, vector<16xf32>,
          %mul3A_452 = arith.mulf %get3A_427, %gather3A_276 : vector<16xf32>
          %add3A_453 = arith.addf %mul3A_452, %get3A_430 : vector<16xf32>
          %mul3A_454 = arith.mulf %add3A_453, %add3A_453 : vector<16xf32>
          %mul3A_455 = arith.constant 2.75573188E-6 : f32
          %mul3A_456 = vector.broadcast %mul3A_455 : f32 to vector<16xf32>
          %mul3A_457 = arith.mulf %mul3A_456, %mul3A_454 : vector<16xf32>
          %add3A_458 = arith.constant -1.98412701E-4 : f32
          %add3A_459 = vector.broadcast %add3A_458 : f32 to vector<16xf32>
          %add3A_460 = arith.addf %mul3A_457, %add3A_459 : vector<16xf32>
          %mul3A_461 = arith.mulf %add3A_460, %mul3A_454 : vector<16xf32>
          %add3A_462 = arith.constant 0.00833333284 : f32
          %add3A_463 = vector.broadcast %add3A_462 : f32 to vector<16xf32>
          %add3A_464 = arith.addf %mul3A_461, %add3A_463 : vector<16xf32>
          %mul3A_465 = arith.mulf %add3A_464, %mul3A_454 : vector<16xf32>
          %add3A_466 = arith.constant -0.166666672 : f32
          %add3A_467 = vector.broadcast %add3A_466 : f32 to vector<16xf32>
          %add3A_468 = arith.addf %mul3A_465, %add3A_467 : vector<16xf32>
          %mul3A_469 = arith.mulf %mul3A_454, %add3A_468 : vector<16xf32>
          %add3A_470 = arith.constant 1.000000e+00 : f32
          %add3A_471 = vector.broadcast %add3A_470 : f32 to vector<16xf32>
          %add3A_472 = arith.addf %add3A_471, %mul3A_469 : vector<16xf32>
          %mul3A_473 = arith.mulf %add3A_453, %add3A_472 : vector<16xf32>
          %mul3A_474 = arith.mulf %get3A_433, %mul3A_473 : vector<16xf32>
          %mul3A_475 = arith.mulf %get3A_436, %gather3A_286 : vector<16xf32>
          %add3A_476 = arith.addf %mul3A_475, %get3A_439 : vector<16xf32>
          %mul3A_477 = arith.mulf %add3A_476, %add3A_476 : vector<16xf32>
          %mul3A_478 = arith.constant 2.75573188E-6 : f32
          %mul3A_479 = vector.broadcast %mul3A_478 : f32 to vector<16xf32>
          %mul3A_480 = arith.mulf %mul3A_479, %mul3A_477 : vector<16xf32>
          %add3A_481 = arith.constant -1.98412701E-4 : f32
          %add3A_482 = vector.broadcast %add3A_481 : f32 to vector<16xf32>
          %add3A_483 = arith.addf %mul3A_480, %add3A_482 : vector<16xf32>
          %mul3A_484 = arith.mulf %add3A_483, %mul3A_477 : vector<16xf32>
          %add3A_485 = arith.constant 0.00833333284 : f32
          %add3A_486 = vector.broadcast %add3A_485 : f32 to vector<16xf32>
          %add3A_487 = arith.addf %mul3A_484, %add3A_486 : vector<16xf32>
          %mul3A_488 = arith.mulf %add3A_487, %mul3A_477 : vector<16xf32>
          %add3A_489 = arith.constant -0.166666672 : f32
          %add3A_490 = vector.broadcast %add3A_489 : f32 to vector<16xf32>
          %add3A_491 = arith.addf %mul3A_488, %add3A_490 : vector<16xf32>
          %mul3A_492 = arith.mulf %mul3A_477, %add3A_491 : vector<16xf32>
          %add3A_493 = arith.constant 1.000000e+00 : f32
          %add3A_494 = vector.broadcast %add3A_493 : f32 to vector<16xf32>
          %add3A_495 = arith.addf %add3A_494, %mul3A_492 : vector<16xf32>
          %mul3A_496 = arith.mulf %add3A_476, %add3A_495 : vector<16xf32>
          %mul3A_497 = arith.mulf %get3A_442, %mul3A_496 : vector<16xf32>
          %add3A_498 = arith.addf %mul3A_474, %mul3A_497 : vector<16xf32>
          %mul3A_499 = arith.mulf %get3A_445, %gather3A_296 : vector<16xf32>
          %add3A_500 = arith.addf %mul3A_499, %get3A_448 : vector<16xf32>
          %mul3A_501 = arith.mulf %add3A_500, %add3A_500 : vector<16xf32>
          %mul3A_502 = arith.constant 2.75573188E-6 : f32
          %mul3A_503 = vector.broadcast %mul3A_502 : f32 to vector<16xf32>
          %mul3A_504 = arith.mulf %mul3A_503, %mul3A_501 : vector<16xf32>
          %add3A_505 = arith.constant -1.98412701E-4 : f32
          %add3A_506 = vector.broadcast %add3A_505 : f32 to vector<16xf32>
          %add3A_507 = arith.addf %mul3A_504, %add3A_506 : vector<16xf32>
          %mul3A_508 = arith.mulf %add3A_507, %mul3A_501 : vector<16xf32>
          %add3A_509 = arith.constant 0.00833333284 : f32
          %add3A_510 = vector.broadcast %add3A_509 : f32 to vector<16xf32>
          %add3A_511 = arith.addf %mul3A_508, %add3A_510 : vector<16xf32>
          %mul3A_512 = arith.mulf %add3A_511, %mul3A_501 : vector<16xf32>
          %add3A_513 = arith.constant -0.166666672 : f32
          %add3A_514 = vector.broadcast %add3A_513 : f32 to vector<16xf32>
          %add3A_515 = arith.addf %mul3A_512, %add3A_514 : vector<16xf32>
          %mul3A_516 = arith.mulf %mul3A_501, %add3A_515 : vector<16xf32>
          %add3A_517 = arith.constant 1.000000e+00 : f32
          %add3A_518 = vector.broadcast %add3A_517 : f32 to vector<16xf32>
          %add3A_519 = arith.addf %add3A_518, %mul3A_516 : vector<16xf32>
          %mul3A_520 = arith.mulf %add3A_500, %add3A_519 : vector<16xf32>
          %mul3A_521 = arith.mulf %get3A_451, %mul3A_520 : vector<16xf32>
          %add3A_522 = arith.addf %add3A_498, %mul3A_521 : vector<16xf32>
          %mul3A_523 = arith.mulf %get3A_3, %add3A_522 : vector<16xf32>
          %add3A_524 = arith.addf %get3A_424, %mul3A_523 : vector<16xf32>
          %mul3A_525 = arith.mulf %add3A_524, %add3A_524 : vector<16xf32>
          %add3A_526 = arith.addf %add3A_421, %mul3A_525 : vector<16xf32>
          %get3A_527 = arith.index_cast %add3A_264 : i32 to index
          %get3A_528 = arith.constant 32 : index
          %get3A_529 = tpu.vector_load %arg36[%get3A_527, %get3A_528] {strides = array<i32>} : memref<32x128xf32, #tpu.memory_space<vmem>>, vector<16xf32>,
          %get3A_530 = arith.index_cast %add3A_264 : i32 to index
          %get3A_531 = arith.constant 32 : index
          %get3A_532 = tpu.vector_load %arg37[%get3A_530, %get3A_531] {strides = array<i32>} : memref<32x64xf32, #tpu.memory_space<vmem>>, vector<16xf32>,
          %mul3A_533 = arith.mulf %get3A_3, %get3A_532 : vector<16xf32>
          %add3A_534 = arith.addf %get3A_529, %mul3A_533 : vector<16xf32>
          %mul3A_535 = arith.mulf %add3A_534, %add3A_534 : vector<16xf32>
          %add3A_536 = arith.addf %add3A_526, %mul3A_535 : vector<16xf32>
          %get3A_537 = arith.index_cast %add3A_264 : i32 to index
          %get3A_538 = arith.constant 96 : index
          %get3A_539 = tpu.vector_load %arg36[%get3A_537, %get3A_538] {strides = array<i32>} : memref<32x128xf32, #tpu.memory_space<vmem>>, vector<16xf32>,
          %get3A_540 = arith.index_cast %add3A_264 : i32 to index
          %get3A_541 = arith.constant 32 : index
          %get3A_542 = tpu.vector_load %arg38[%get3A_540, %get3A_541] {strides = array<i32>} : memref<32x64xf32, #tpu.memory_space<vmem>>, vector<16xf32>,
          %get3A_543 = arith.index_cast %add3A_264 : i32 to index
          %get3A_544 = arith.constant 32 : index
          %get3A_545 = tpu.vector_load %arg39[%get3A_543, %get3A_544] {strides = array<i32>} : memref<32x64xf32, #tpu.memory_space<vmem>>, vector<16xf32>,
          %get3A_546 = arith.index_cast %add3A_264 : i32 to index
          %get3A_547 = arith.constant 32 : index
          %get3A_548 = tpu.vector_load %arg40[%get3A_546, %get3A_547] {strides = array<i32>} : memref<32x64xf32, #tpu.memory_space<vmem>>, vector<16xf32>,
          %get3A_549 = arith.index_cast %add3A_264 : i32 to index
          %get3A_550 = arith.constant 32 : index
          %get3A_551 = tpu.vector_load %arg41[%get3A_549, %get3A_550] {strides = array<i32>} : memref<32x64xf32, #tpu.memory_space<vmem>>, vector<16xf32>,
          %get3A_552 = arith.index_cast %add3A_264 : i32 to index
          %get3A_553 = arith.constant 32 : index
          %get3A_554 = tpu.vector_load %arg42[%get3A_552, %get3A_553] {strides = array<i32>} : memref<32x64xf32, #tpu.memory_space<vmem>>, vector<16xf32>,
          %get3A_555 = arith.index_cast %add3A_264 : i32 to index
          %get3A_556 = arith.constant 32 : index
          %get3A_557 = tpu.vector_load %arg43[%get3A_555, %get3A_556] {strides = array<i32>} : memref<32x64xf32, #tpu.memory_space<vmem>>, vector<16xf32>,
          %get3A_558 = arith.index_cast %add3A_264 : i32 to index
          %get3A_559 = arith.constant 32 : index
          %get3A_560 = tpu.vector_load %arg44[%get3A_558, %get3A_559] {strides = array<i32>} : memref<32x64xf32, #tpu.memory_space<vmem>>, vector<16xf32>,
          %get3A_561 = arith.index_cast %add3A_264 : i32 to index
          %get3A_562 = arith.constant 32 : index
          %get3A_563 = tpu.vector_load %arg45[%get3A_561, %get3A_562] {strides = array<i32>} : memref<32x64xf32, #tpu.memory_space<vmem>>, vector<16xf32>,
          %get3A_564 = arith.index_cast %add3A_264 : i32 to index
          %get3A_565 = arith.constant 32 : index
          %get3A_566 = tpu.vector_load %arg46[%get3A_564, %get3A_565] {strides = array<i32>} : memref<32x64xf32, #tpu.memory_space<vmem>>, vector<16xf32>,
          %mul3A_567 = arith.mulf %get3A_542, %gather3A_276 : vector<16xf32>
          %add3A_568 = arith.addf %mul3A_567, %get3A_545 : vector<16xf32>
          %mul3A_569 = arith.mulf %add3A_568, %add3A_568 : vector<16xf32>
          %mul3A_570 = arith.constant 2.75573188E-6 : f32
          %mul3A_571 = vector.broadcast %mul3A_570 : f32 to vector<16xf32>
          %mul3A_572 = arith.mulf %mul3A_571, %mul3A_569 : vector<16xf32>
          %add3A_573 = arith.constant -1.98412701E-4 : f32
          %add3A_574 = vector.broadcast %add3A_573 : f32 to vector<16xf32>
          %add3A_575 = arith.addf %mul3A_572, %add3A_574 : vector<16xf32>
          %mul3A_576 = arith.mulf %add3A_575, %mul3A_569 : vector<16xf32>
          %add3A_577 = arith.constant 0.00833333284 : f32
          %add3A_578 = vector.broadcast %add3A_577 : f32 to vector<16xf32>
          %add3A_579 = arith.addf %mul3A_576, %add3A_578 : vector<16xf32>
          %mul3A_580 = arith.mulf %add3A_579, %mul3A_569 : vector<16xf32>
          %add3A_581 = arith.constant -0.166666672 : f32
          %add3A_582 = vector.broadcast %add3A_581 : f32 to vector<16xf32>
          %add3A_583 = arith.addf %mul3A_580, %add3A_582 : vector<16xf32>
          %mul3A_584 = arith.mulf %mul3A_569, %add3A_583 : vector<16xf32>
          %add3A_585 = arith.constant 1.000000e+00 : f32
          %add3A_586 = vector.broadcast %add3A_585 : f32 to vector<16xf32>
          %add3A_587 = arith.addf %add3A_586, %mul3A_584 : vector<16xf32>
          %mul3A_588 = arith.mulf %add3A_568, %add3A_587 : vector<16xf32>
          %mul3A_589 = arith.mulf %get3A_548, %mul3A_588 : vector<16xf32>
          %mul3A_590 = arith.mulf %get3A_551, %gather3A_286 : vector<16xf32>
          %add3A_591 = arith.addf %mul3A_590, %get3A_554 : vector<16xf32>
          %mul3A_592 = arith.mulf %add3A_591, %add3A_591 : vector<16xf32>
          %mul3A_593 = arith.constant 2.75573188E-6 : f32
          %mul3A_594 = vector.broadcast %mul3A_593 : f32 to vector<16xf32>
          %mul3A_595 = arith.mulf %mul3A_594, %mul3A_592 : vector<16xf32>
          %add3A_596 = arith.constant -1.98412701E-4 : f32
          %add3A_597 = vector.broadcast %add3A_596 : f32 to vector<16xf32>
          %add3A_598 = arith.addf %mul3A_595, %add3A_597 : vector<16xf32>
          %mul3A_599 = arith.mulf %add3A_598, %mul3A_592 : vector<16xf32>
          %add3A_600 = arith.constant 0.00833333284 : f32
          %add3A_601 = vector.broadcast %add3A_600 : f32 to vector<16xf32>
          %add3A_602 = arith.addf %mul3A_599, %add3A_601 : vector<16xf32>
          %mul3A_603 = arith.mulf %add3A_602, %mul3A_592 : vector<16xf32>
          %add3A_604 = arith.constant -0.166666672 : f32
          %add3A_605 = vector.broadcast %add3A_604 : f32 to vector<16xf32>
          %add3A_606 = arith.addf %mul3A_603, %add3A_605 : vector<16xf32>
          %mul3A_607 = arith.mulf %mul3A_592, %add3A_606 : vector<16xf32>
          %add3A_608 = arith.constant 1.000000e+00 : f32
          %add3A_609 = vector.broadcast %add3A_608 : f32 to vector<16xf32>
          %add3A_610 = arith.addf %add3A_609, %mul3A_607 : vector<16xf32>
          %mul3A_611 = arith.mulf %add3A_591, %add3A_610 : vector<16xf32>
          %mul3A_612 = arith.mulf %get3A_557, %mul3A_611 : vector<16xf32>
          %add3A_613 = arith.addf %mul3A_589, %mul3A_612 : vector<16xf32>
          %mul3A_614 = arith.mulf %get3A_560, %gather3A_296 : vector<16xf32>
          %add3A_615 = arith.addf %mul3A_614, %get3A_563 : vector<16xf32>
          %mul3A_616 = arith.mulf %add3A_615, %add3A_615 : vector<16xf32>
          %mul3A_617 = arith.constant 2.75573188E-6 : f32
          %mul3A_618 = vector.broadcast %mul3A_617 : f32 to vector<16xf32>
          %mul3A_619 = arith.mulf %mul3A_618, %mul3A_616 : vector<16xf32>
          %add3A_620 = arith.constant -1.98412701E-4 : f32
          %add3A_621 = vector.broadcast %add3A_620 : f32 to vector<16xf32>
          %add3A_622 = arith.addf %mul3A_619, %add3A_621 : vector<16xf32>
          %mul3A_623 = arith.mulf %add3A_622, %mul3A_616 : vector<16xf32>
          %add3A_624 = arith.constant 0.00833333284 : f32
          %add3A_625 = vector.broadcast %add3A_624 : f32 to vector<16xf32>
          %add3A_626 = arith.addf %mul3A_623, %add3A_625 : vector<16xf32>
          %mul3A_627 = arith.mulf %add3A_626, %mul3A_616 : vector<16xf32>
          %add3A_628 = arith.constant -0.166666672 : f32
          %add3A_629 = vector.broadcast %add3A_628 : f32 to vector<16xf32>
          %add3A_630 = arith.addf %mul3A_627, %add3A_629 : vector<16xf32>
          %mul3A_631 = arith.mulf %mul3A_616, %add3A_630 : vector<16xf32>
          %add3A_632 = arith.constant 1.000000e+00 : f32
          %add3A_633 = vector.broadcast %add3A_632 : f32 to vector<16xf32>
          %add3A_634 = arith.addf %add3A_633, %mul3A_631 : vector<16xf32>
          %mul3A_635 = arith.mulf %add3A_615, %add3A_634 : vector<16xf32>
          %mul3A_636 = arith.mulf %get3A_566, %mul3A_635 : vector<16xf32>
          %add3A_637 = arith.addf %add3A_613, %mul3A_636 : vector<16xf32>
          %mul3A_638 = arith.mulf %get3A_3, %add3A_637 : vector<16xf32>
          %add3A_639 = arith.addf %get3A_539, %mul3A_638 : vector<16xf32>
          %mul3A_640 = arith.mulf %add3A_639, %add3A_639 : vector<16xf32>
          %add3A_641 = arith.addf %add3A_536, %mul3A_640 : vector<16xf32>
          %get3A_642 = arith.index_cast %add3A_264 : i32 to index
          %get3A_643 = arith.constant 48 : index
          %get3A_644 = tpu.vector_load %arg36[%get3A_642, %get3A_643] {strides = array<i32>} : memref<32x128xf32, #tpu.memory_space<vmem>>, vector<16xf32>,
          %get3A_645 = arith.index_cast %add3A_264 : i32 to index
          %get3A_646 = arith.constant 48 : index
          %get3A_647 = tpu.vector_load %arg37[%get3A_645, %get3A_646] {strides = array<i32>} : memref<32x64xf32, #tpu.memory_space<vmem>>, vector<16xf32>,
          %mul3A_648 = arith.mulf %get3A_3, %get3A_647 : vector<16xf32>
          %add3A_649 = arith.addf %get3A_644, %mul3A_648 : vector<16xf32>
          %mul3A_650 = arith.mulf %add3A_649, %add3A_649 : vector<16xf32>
          %add3A_651 = arith.addf %add3A_641, %mul3A_650 : vector<16xf32>
          %get3A_652 = arith.index_cast %add3A_264 : i32 to index
          %get3A_653 = arith.constant 112 : index
          %get3A_654 = tpu.vector_load %arg36[%get3A_652, %get3A_653] {strides = array<i32>} : memref<32x128xf32, #tpu.memory_space<vmem>>, vector<16xf32>,
          %get3A_655 = arith.index_cast %add3A_264 : i32 to index
          %get3A_656 = arith.constant 48 : index
          %get3A_657 = tpu.vector_load %arg38[%get3A_655, %get3A_656] {strides = array<i32>} : memref<32x64xf32, #tpu.memory_space<vmem>>, vector<16xf32>,
          %get3A_658 = arith.index_cast %add3A_264 : i32 to index
          %get3A_659 = arith.constant 48 : index
          %get3A_660 = tpu.vector_load %arg39[%get3A_658, %get3A_659] {strides = array<i32>} : memref<32x64xf32, #tpu.memory_space<vmem>>, vector<16xf32>,
          %get3A_661 = arith.index_cast %add3A_264 : i32 to index
          %get3A_662 = arith.constant 48 : index
          %get3A_663 = tpu.vector_load %arg40[%get3A_661, %get3A_662] {strides = array<i32>} : memref<32x64xf32, #tpu.memory_space<vmem>>, vector<16xf32>,
          %get3A_664 = arith.index_cast %add3A_264 : i32 to index
          %get3A_665 = arith.constant 48 : index
          %get3A_666 = tpu.vector_load %arg41[%get3A_664, %get3A_665] {strides = array<i32>} : memref<32x64xf32, #tpu.memory_space<vmem>>, vector<16xf32>,
          %get3A_667 = arith.index_cast %add3A_264 : i32 to index
          %get3A_668 = arith.constant 48 : index
          %get3A_669 = tpu.vector_load %arg42[%get3A_667, %get3A_668] {strides = array<i32>} : memref<32x64xf32, #tpu.memory_space<vmem>>, vector<16xf32>,
          %get3A_670 = arith.index_cast %add3A_264 : i32 to index
          %get3A_671 = arith.constant 48 : index
          %get3A_672 = tpu.vector_load %arg43[%get3A_670, %get3A_671] {strides = array<i32>} : memref<32x64xf32, #tpu.memory_space<vmem>>, vector<16xf32>,
          %get3A_673 = arith.index_cast %add3A_264 : i32 to index
          %get3A_674 = arith.constant 48 : index
          %get3A_675 = tpu.vector_load %arg44[%get3A_673, %get3A_674] {strides = array<i32>} : memref<32x64xf32, #tpu.memory_space<vmem>>, vector<16xf32>,
          %get3A_676 = arith.index_cast %add3A_264 : i32 to index
          %get3A_677 = arith.constant 48 : index
          %get3A_678 = tpu.vector_load %arg45[%get3A_676, %get3A_677] {strides = array<i32>} : memref<32x64xf32, #tpu.memory_space<vmem>>, vector<16xf32>,
          %get3A_679 = arith.index_cast %add3A_264 : i32 to index
          %get3A_680 = arith.constant 48 : index
          %get3A_681 = tpu.vector_load %arg46[%get3A_679, %get3A_680] {strides = array<i32>} : memref<32x64xf32, #tpu.memory_space<vmem>>, vector<16xf32>,
          %mul3A_682 = arith.mulf %get3A_657, %gather3A_276 : vector<16xf32>
          %add3A_683 = arith.addf %mul3A_682, %get3A_660 : vector<16xf32>
          %mul3A_684 = arith.mulf %add3A_683, %add3A_683 : vector<16xf32>
          %mul3A_685 = arith.constant 2.75573188E-6 : f32
          %mul3A_686 = vector.broadcast %mul3A_685 : f32 to vector<16xf32>
          %mul3A_687 = arith.mulf %mul3A_686, %mul3A_684 : vector<16xf32>
          %add3A_688 = arith.constant -1.98412701E-4 : f32
          %add3A_689 = vector.broadcast %add3A_688 : f32 to vector<16xf32>
          %add3A_690 = arith.addf %mul3A_687, %add3A_689 : vector<16xf32>
          %mul3A_691 = arith.mulf %add3A_690, %mul3A_684 : vector<16xf32>
          %add3A_692 = arith.constant 0.00833333284 : f32
          %add3A_693 = vector.broadcast %add3A_692 : f32 to vector<16xf32>
          %add3A_694 = arith.addf %mul3A_691, %add3A_693 : vector<16xf32>
          %mul3A_695 = arith.mulf %add3A_694, %mul3A_684 : vector<16xf32>
          %add3A_696 = arith.constant -0.166666672 : f32
          %add3A_697 = vector.broadcast %add3A_696 : f32 to vector<16xf32>
          %add3A_698 = arith.addf %mul3A_695, %add3A_697 : vector<16xf32>
          %mul3A_699 = arith.mulf %mul3A_684, %add3A_698 : vector<16xf32>
          %add3A_700 = arith.constant 1.000000e+00 : f32
          %add3A_701 = vector.broadcast %add3A_700 : f32 to vector<16xf32>
          %add3A_702 = arith.addf %add3A_701, %mul3A_699 : vector<16xf32>
          %mul3A_703 = arith.mulf %add3A_683, %add3A_702 : vector<16xf32>
          %mul3A_704 = arith.mulf %get3A_663, %mul3A_703 : vector<16xf32>
          %mul3A_705 = arith.mulf %get3A_666, %gather3A_286 : vector<16xf32>
          %add3A_706 = arith.addf %mul3A_705, %get3A_669 : vector<16xf32>
          %mul3A_707 = arith.mulf %add3A_706, %add3A_706 : vector<16xf32>
          %mul3A_708 = arith.constant 2.75573188E-6 : f32
          %mul3A_709 = vector.broadcast %mul3A_708 : f32 to vector<16xf32>
          %mul3A_710 = arith.mulf %mul3A_709, %mul3A_707 : vector<16xf32>
          %add3A_711 = arith.constant -1.98412701E-4 : f32
          %add3A_712 = vector.broadcast %add3A_711 : f32 to vector<16xf32>
          %add3A_713 = arith.addf %mul3A_710, %add3A_712 : vector<16xf32>
          %mul3A_714 = arith.mulf %add3A_713, %mul3A_707 : vector<16xf32>
          %add3A_715 = arith.constant 0.00833333284 : f32
          %add3A_716 = vector.broadcast %add3A_715 : f32 to vector<16xf32>
          %add3A_717 = arith.addf %mul3A_714, %add3A_716 : vector<16xf32>
          %mul3A_718 = arith.mulf %add3A_717, %mul3A_707 : vector<16xf32>
          %add3A_719 = arith.constant -0.166666672 : f32
          %add3A_720 = vector.broadcast %add3A_719 : f32 to vector<16xf32>
          %add3A_721 = arith.addf %mul3A_718, %add3A_720 : vector<16xf32>
          %mul3A_722 = arith.mulf %mul3A_707, %add3A_721 : vector<16xf32>
          %add3A_723 = arith.constant 1.000000e+00 : f32
          %add3A_724 = vector.broadcast %add3A_723 : f32 to vector<16xf32>
          %add3A_725 = arith.addf %add3A_724, %mul3A_722 : vector<16xf32>
          %mul3A_726 = arith.mulf %add3A_706, %add3A_725 : vector<16xf32>
          %mul3A_727 = arith.mulf %get3A_672, %mul3A_726 : vector<16xf32>
          %add3A_728 = arith.addf %mul3A_704, %mul3A_727 : vector<16xf32>
          %mul3A_729 = arith.mulf %get3A_675, %gather3A_296 : vector<16xf32>
          %add3A_730 = arith.addf %mul3A_729, %get3A_678 : vector<16xf32>
          %mul3A_731 = arith.mulf %add3A_730, %add3A_730 : vector<16xf32>
          %mul3A_732 = arith.constant 2.75573188E-6 : f32
          %mul3A_733 = vector.broadcast %mul3A_732 : f32 to vector<16xf32>
          %mul3A_734 = arith.mulf %mul3A_733, %mul3A_731 : vector<16xf32>
          %add3A_735 = arith.constant -1.98412701E-4 : f32
          %add3A_736 = vector.broadcast %add3A_735 : f32 to vector<16xf32>
          %add3A_737 = arith.addf %mul3A_734, %add3A_736 : vector<16xf32>
          %mul3A_738 = arith.mulf %add3A_737, %mul3A_731 : vector<16xf32>
          %add3A_739 = arith.constant 0.00833333284 : f32
          %add3A_740 = vector.broadcast %add3A_739 : f32 to vector<16xf32>
          %add3A_741 = arith.addf %mul3A_738, %add3A_740 : vector<16xf32>
          %mul3A_742 = arith.mulf %add3A_741, %mul3A_731 : vector<16xf32>
          %add3A_743 = arith.constant -0.166666672 : f32
          %add3A_744 = vector.broadcast %add3A_743 : f32 to vector<16xf32>
          %add3A_745 = arith.addf %mul3A_742, %add3A_744 : vector<16xf32>
          %mul3A_746 = arith.mulf %mul3A_731, %add3A_745 : vector<16xf32>
          %add3A_747 = arith.constant 1.000000e+00 : f32
          %add3A_748 = vector.broadcast %add3A_747 : f32 to vector<16xf32>
          %add3A_749 = arith.addf %add3A_748, %mul3A_746 : vector<16xf32>
          %mul3A_750 = arith.mulf %add3A_730, %add3A_749 : vector<16xf32>
          %mul3A_751 = arith.mulf %get3A_681, %mul3A_750 : vector<16xf32>
          %add3A_752 = arith.addf %add3A_728, %mul3A_751 : vector<16xf32>
          %mul3A_753 = arith.mulf %get3A_3, %add3A_752 : vector<16xf32>
          %add3A_754 = arith.addf %get3A_654, %mul3A_753 : vector<16xf32>
          %mul3A_755 = arith.mulf %add3A_754, %add3A_754 : vector<16xf32>
          %add3A_756 = arith.addf %add3A_651, %mul3A_755 : vector<16xf32>
          %reduce_sum3A = arith.constant true
          %reduce_sum3A_757 = vector.broadcast %reduce_sum3A : i1 to vector<16xi1>
          %reduce_sum3A_758 = tpu.scan <sum>, %add3A_756 masked %reduce_sum3A_757 : vector<16xf32>, vector<16xi1> -> vector<16xf32>
          %reduce_sum3A_759 = vector.extract %reduce_sum3A_758[15] : f32 from vector<16xf32>
          %eq3A = arith.cmpi eq, %iota3A, %add3A_269 : vector<16xi32>
          %add3A_760 = vector.broadcast %reduce_sum3A_759 : f32 to vector<16xf32>
          %add3A_761 = arith.addf %broadcast_in_dim3A_4, %add3A_760 : vector<16xf32>
          %select_n3A_762 = arith.select %eq3A, %add3A_761, %scan3A_261 : vector<16xi1>, vector<16xf32>
          scf.yield %select_n3A_762 : vector<16xf32>
        }
        %scan3A_219 = arith.constant 16 : i32
        %bitcast3A = vector.bitcast %scan3A_218 : vector<16xf32> to vector<16xi32>
        %shift_right_logical3A = arith.constant 1 : i32
        %shift_right_logical3A_220 = vector.broadcast %shift_right_logical3A : i32 to vector<16xi32>
        %shift_right_logical3A_221 = arith.shrui %bitcast3A, %shift_right_logical3A_220 : vector<16xi32>
        %sub3A = arith.constant 1597463007 : i32
        %sub3A_222 = vector.broadcast %sub3A : i32 to vector<16xi32>
        %sub3A_223 = arith.subi %sub3A_222, %shift_right_logical3A_221 : vector<16xi32>
        %bitcast3A_224 = vector.bitcast %sub3A_223 : vector<16xi32> to vector<16xf32>
        %mul3A_225 = arith.constant 5.000000e-01 : f32
        %mul3A_226 = vector.broadcast %mul3A_225 : f32 to vector<16xf32>
        %mul3A_227 = arith.mulf %mul3A_226, %scan3A_218 : vector<16xf32>
        %mul3A_228 = arith.mulf %mul3A_227, %bitcast3A_224 : vector<16xf32>
        %mul3A_229 = arith.mulf %mul3A_228, %bitcast3A_224 : vector<16xf32>
        %sub3A_230 = arith.constant 1.500000e+00 : f32
        %sub3A_231 = vector.broadcast %sub3A_230 : f32 to vector<16xf32>
        %sub3A_232 = arith.subf %sub3A_231, %mul3A_229 : vector<16xf32>
        %mul3A_233 = arith.mulf %bitcast3A_224, %sub3A_232 : vector<16xf32>
        %mul3A_234 = arith.constant 5.000000e-01 : f32
        %mul3A_235 = vector.broadcast %mul3A_234 : f32 to vector<16xf32>
        %mul3A_236 = arith.mulf %mul3A_235, %scan3A_218 : vector<16xf32>
        %mul3A_237 = arith.mulf %mul3A_236, %mul3A_233 : vector<16xf32>
        %mul3A_238 = arith.mulf %mul3A_237, %mul3A_233 : vector<16xf32>
        %sub3A_239 = arith.constant 1.500000e+00 : f32
        %sub3A_240 = vector.broadcast %sub3A_239 : f32 to vector<16xf32>
        %sub3A_241 = arith.subf %sub3A_240, %mul3A_238 : vector<16xf32>
        %mul3A_242 = arith.mulf %mul3A_233, %sub3A_241 : vector<16xf32>
        %mul3A_243 = arith.constant 5.000000e-01 : f32
        %mul3A_244 = vector.broadcast %mul3A_243 : f32 to vector<16xf32>
        %mul3A_245 = arith.mulf %mul3A_244, %scan3A_218 : vector<16xf32>
        %mul3A_246 = arith.mulf %mul3A_245, %mul3A_242 : vector<16xf32>
        %mul3A_247 = arith.mulf %mul3A_246, %mul3A_242 : vector<16xf32>
        %sub3A_248 = arith.constant 1.500000e+00 : f32
        %sub3A_249 = vector.broadcast %sub3A_248 : f32 to vector<16xf32>
        %sub3A_250 = arith.subf %sub3A_249, %mul3A_247 : vector<16xf32>
        %mul3A_251 = arith.mulf %mul3A_242, %sub3A_250 : vector<16xf32>
        %mul3A_252 = arith.mulf %scan3A_218, %mul3A_251 : vector<16xf32>
        %neg3A = arith.constant 0.000000e+00 : f32
        %neg3A_253 = vector.broadcast %neg3A : f32 to vector<16xf32>
        %neg3A_254 = arith.subf %neg3A_253, %mul3A_252 : vector<16xf32>
        %mul3A_255 = arith.constant 16 : i32
        %mul3A_256 = arith.muli %scan3A_197, %mul3A_255 : i32
        %add3A_257 = arith.addi %mul3A_188, %mul3A_256 : i32
        %swap3A = arith.index_cast %add3A_257 : i32 to index
        %swap3A_258 = tpu.vector_load %arg24[%swap3A] {strides = array<i32>} : memref<512xf32, #tpu.memory_space<vmem>>, vector<16xf32>,
        tpu.vector_store %arg24[%swap3A], %neg3A_254 {strides = array<i32>} : memref<512xf32, #tpu.memory_space<vmem>>, vector<16xf32>,
        %scan3A_259 = arith.constant 0 : i32
        scf.yield %scan3A_259 : i32
      }
      %scan3A_195 = arith.constant 2 : i32
      %scan3A_196 = arith.constant 0 : i32
      scf.yield %scan3A_196 : i32
    }
    %scan3A_22 = arith.constant 8 : i32
    "tpu.region"() ({
      %run_scoped3A = tpu.sem_alloc : memref<!tpu.dma_semaphore, #tpu.memory_space<semaphore_mem>>
      %dma_start3A_23 = tpu.memref_slice %arg18[%mul3A_2] : memref<16384xf32, #tpu.memory_space<hbm>> -> memref<512xf32, #tpu.memory_space<hbm>>
      %dma_start3A_24 = tpu.memref_slice %arg18[%mul3A_2] : memref<16384xf32, #tpu.memory_space<hbm>> -> memref<512xf32, #tpu.memory_space<hbm>>
      tpu.enqueue_dma source(%arg24 : memref<512xf32, #tpu.memory_space<vmem>>) target(%dma_start3A_24 : memref<512xf32, #tpu.memory_space<hbm>>) target_semaphore(%run_scoped3A : memref<!tpu.dma_semaphore, #tpu.memory_space<semaphore_mem>>)
      %dma_wait3A = tpu.memref_slice %arg18[%mul3A_2] : memref<16384xf32, #tpu.memory_space<hbm>> -> memref<512xf32, #tpu.memory_space<hbm>>
      %dma_wait3A_25 = tpu.memref_slice %arg18[%mul3A_2] : memref<16384xf32, #tpu.memory_space<hbm>> -> memref<512xf32, #tpu.memory_space<hbm>>
      tpu.wait_dma2 semaphore(%run_scoped3A : memref<!tpu.dma_semaphore, #tpu.memory_space<semaphore_mem>>) src(%arg24 : memref<512xf32, #tpu.memory_space<vmem>>) dst(%dma_wait3A_25 : memref<512xf32, #tpu.memory_space<hbm>>)
      tpu.yield
    }) : () -> ()
    return
  }
}

#map = affine_map<(d0, d1) -> (0)>
#map1 = affine_map<(d0, d1) -> (0, 0)>
module attributes {stable_mosaic.version = 14 : i64} {
  func.func @_body_a(%arg0: i32, %arg1: i32, %arg2: memref<16384xi32, #tpu.memory_space<hbm>>, %arg3: memref<16384xi32, #tpu.memory_space<hbm>>, %arg4: memref<16xf32, #tpu.memory_space<hbm>>, %arg5: memref<100000x128xf32, #tpu.memory_space<hbm>>, %arg6: memref<16384x128xf32, #tpu.memory_space<hbm>>, %arg7: memref<512xi32, #tpu.memory_space<vmem>>, %arg8: memref<512xi32, #tpu.memory_space<vmem>>, %arg9: memref<16xf32, #tpu.memory_space<vmem>>, %arg10: memref<64x128xf32, #tpu.memory_space<vmem>>, %arg11: memref<64x128xf32, #tpu.memory_space<vmem>>, %arg12: memref<64x128xf32, #tpu.memory_space<vmem>>, %arg13: memref<!tpu.dma_semaphore, #tpu.memory_space<semaphore_mem>>) attributes {dimension_semantics = [#tpu.dimension_semantics<core_parallel>, #tpu.dimension_semantics<subcore_parallel>], iteration_bounds = array<i64: 2, 16>, scalar_prefetch = 0 : i64, scratch_operands = 7 : i64, tpu.core_type = #tpu.core_type<sc_vector_subcore>, window_params = [{transform_indices = #map}, {transform_indices = #map}, {transform_indices = #map}, {transform_indices = #map1}, {transform_indices = #map1}]} {
    %mul3A = arith.constant 2 : i32
    %mul3A_0 = arith.muli %arg1, %mul3A : i32
    %add3A = arith.addi %mul3A_0, %arg0 : i32
    %mul3A_1 = arith.constant 512 : i32
    %mul3A_2 = arith.muli %add3A, %mul3A_1 : i32
    "tpu.region"() ({
      %run_scoped3A = tpu.sem_alloc : memref<!tpu.dma_semaphore, #tpu.memory_space<semaphore_mem>>
      %dma_start3A_233 = tpu.memref_slice %arg2[%mul3A_2] : memref<16384xi32, #tpu.memory_space<hbm>> -> memref<512xi32, #tpu.memory_space<hbm>>
      %dma_start3A_234 = tpu.memref_slice %arg2[%mul3A_2] : memref<16384xi32, #tpu.memory_space<hbm>> -> memref<512xi32, #tpu.memory_space<hbm>>
      tpu.enqueue_dma source(%dma_start3A_234 : memref<512xi32, #tpu.memory_space<hbm>>) target(%arg7 : memref<512xi32, #tpu.memory_space<vmem>>) target_semaphore(%run_scoped3A : memref<!tpu.dma_semaphore, #tpu.memory_space<semaphore_mem>>)
      %dma_wait3A_235 = tpu.memref_slice %arg2[%mul3A_2] : memref<16384xi32, #tpu.memory_space<hbm>> -> memref<512xi32, #tpu.memory_space<hbm>>
      %dma_wait3A_236 = tpu.memref_slice %arg2[%mul3A_2] : memref<16384xi32, #tpu.memory_space<hbm>> -> memref<512xi32, #tpu.memory_space<hbm>>
      tpu.wait_dma2 semaphore(%run_scoped3A : memref<!tpu.dma_semaphore, #tpu.memory_space<semaphore_mem>>) src(%dma_wait3A_236 : memref<512xi32, #tpu.memory_space<hbm>>) dst(%arg7 : memref<512xi32, #tpu.memory_space<vmem>>)
      tpu.yield
    }) : () -> ()
    "tpu.region"() ({
      %run_scoped3A = tpu.sem_alloc : memref<!tpu.dma_semaphore, #tpu.memory_space<semaphore_mem>>
      %dma_start3A_233 = tpu.memref_slice %arg3[%mul3A_2] : memref<16384xi32, #tpu.memory_space<hbm>> -> memref<512xi32, #tpu.memory_space<hbm>>
      %dma_start3A_234 = tpu.memref_slice %arg3[%mul3A_2] : memref<16384xi32, #tpu.memory_space<hbm>> -> memref<512xi32, #tpu.memory_space<hbm>>
      tpu.enqueue_dma source(%dma_start3A_234 : memref<512xi32, #tpu.memory_space<hbm>>) target(%arg8 : memref<512xi32, #tpu.memory_space<vmem>>) target_semaphore(%run_scoped3A : memref<!tpu.dma_semaphore, #tpu.memory_space<semaphore_mem>>)
      %dma_wait3A_235 = tpu.memref_slice %arg3[%mul3A_2] : memref<16384xi32, #tpu.memory_space<hbm>> -> memref<512xi32, #tpu.memory_space<hbm>>
      %dma_wait3A_236 = tpu.memref_slice %arg3[%mul3A_2] : memref<16384xi32, #tpu.memory_space<hbm>> -> memref<512xi32, #tpu.memory_space<hbm>>
      tpu.wait_dma2 semaphore(%run_scoped3A : memref<!tpu.dma_semaphore, #tpu.memory_space<semaphore_mem>>) src(%dma_wait3A_236 : memref<512xi32, #tpu.memory_space<hbm>>) dst(%arg8 : memref<512xi32, #tpu.memory_space<vmem>>)
      tpu.yield
    }) : () -> ()
    "tpu.region"() ({
      %run_scoped3A = tpu.sem_alloc : memref<!tpu.dma_semaphore, #tpu.memory_space<semaphore_mem>>
      tpu.enqueue_dma source(%arg4 : memref<16xf32, #tpu.memory_space<hbm>>) target(%arg9 : memref<16xf32, #tpu.memory_space<vmem>>) target_semaphore(%run_scoped3A : memref<!tpu.dma_semaphore, #tpu.memory_space<semaphore_mem>>)
      tpu.wait_dma2 semaphore(%run_scoped3A : memref<!tpu.dma_semaphore, #tpu.memory_space<semaphore_mem>>) src(%arg4 : memref<16xf32, #tpu.memory_space<hbm>>) dst(%arg9 : memref<16xf32, #tpu.memory_space<vmem>>)
      tpu.yield
    }) : () -> ()
    %get3A = arith.constant 0 : index
    %get3A_3 = tpu.vector_load %arg9[%get3A] {strides = array<i32>} : memref<16xf32, #tpu.memory_space<vmem>>, vector<16xf32>,
    %dma_start3A = arith.constant 0 : i32
    %dma_start3A_4 = tpu.memref_slice %arg7[%dma_start3A] : memref<512xi32, #tpu.memory_space<vmem>> -> memref<64xi32, #tpu.memory_space<vmem>>
    %dma_start3A_5 = arith.constant 0 : i32
    %dma_start3A_6 = arith.constant 0 : i32
    %dma_start3A_7 = tpu.memref_slice %arg5[%dma_start3A_5, %dma_start3A_6] : memref<100000x128xf32, #tpu.memory_space<hbm>> -> memref<100000x128xf32, #tpu.memory_space<hbm>>
    tpu.enqueue_indirect_dma source(%dma_start3A_7 : memref<100000x128xf32, #tpu.memory_space<hbm>>) target(%arg10 : memref<64x128xf32, #tpu.memory_space<vmem>>) offsets(%dma_start3A_4 : memref<64xi32, #tpu.memory_space<vmem>>) semaphore(%arg13 : memref<!tpu.dma_semaphore, #tpu.memory_space<semaphore_mem>>)
    %dma_start3A_8 = arith.constant 0 : i32
    %dma_start3A_9 = tpu.memref_slice %arg8[%dma_start3A_8] : memref<512xi32, #tpu.memory_space<vmem>> -> memref<64xi32, #tpu.memory_space<vmem>>
    %dma_start3A_10 = arith.constant 0 : i32
    %dma_start3A_11 = arith.constant 0 : i32
    %dma_start3A_12 = tpu.memref_slice %arg5[%dma_start3A_10, %dma_start3A_11] : memref<100000x128xf32, #tpu.memory_space<hbm>> -> memref<100000x128xf32, #tpu.memory_space<hbm>>
    tpu.enqueue_indirect_dma source(%dma_start3A_12 : memref<100000x128xf32, #tpu.memory_space<hbm>>) target(%arg11 : memref<64x128xf32, #tpu.memory_space<vmem>>) offsets(%dma_start3A_9 : memref<64xi32, #tpu.memory_space<vmem>>) semaphore(%arg13 : memref<!tpu.dma_semaphore, #tpu.memory_space<semaphore_mem>>)
    %dma_wait3A = arith.constant 0 : i32
    %dma_wait3A_13 = tpu.memref_slice %arg7[%dma_wait3A] : memref<512xi32, #tpu.memory_space<vmem>> -> memref<64xi32, #tpu.memory_space<vmem>>
    %dma_wait3A_14 = arith.constant 0 : i32
    %dma_wait3A_15 = arith.constant 0 : i32
    %dma_wait3A_16 = tpu.memref_slice %arg5[%dma_wait3A_14, %dma_wait3A_15] : memref<100000x128xf32, #tpu.memory_space<hbm>> -> memref<100000x128xf32, #tpu.memory_space<hbm>>
    tpu.wait_indirect_dma semaphore(%arg13 : memref<!tpu.dma_semaphore, #tpu.memory_space<semaphore_mem>>) src(%dma_wait3A_16 : memref<100000x128xf32, #tpu.memory_space<hbm>>) dst(%arg10 : memref<64x128xf32, #tpu.memory_space<vmem>>)
    %dma_wait3A_17 = arith.constant 0 : i32
    %dma_wait3A_18 = tpu.memref_slice %arg8[%dma_wait3A_17] : memref<512xi32, #tpu.memory_space<vmem>> -> memref<64xi32, #tpu.memory_space<vmem>>
    %dma_wait3A_19 = arith.constant 0 : i32
    %dma_wait3A_20 = arith.constant 0 : i32
    %dma_wait3A_21 = tpu.memref_slice %arg5[%dma_wait3A_19, %dma_wait3A_20] : memref<100000x128xf32, #tpu.memory_space<hbm>> -> memref<100000x128xf32, #tpu.memory_space<hbm>>
    tpu.wait_indirect_dma semaphore(%arg13 : memref<!tpu.dma_semaphore, #tpu.memory_space<semaphore_mem>>) src(%dma_wait3A_21 : memref<100000x128xf32, #tpu.memory_space<hbm>>) dst(%arg11 : memref<64x128xf32, #tpu.memory_space<vmem>>)
    %scan3A = arith.constant 0 : i32
    %scan3A_22 = arith.constant 0 : i32
    %scan3A_23 = arith.constant 64 : i32
    %scan3A_24 = arith.addi %scan3A_22, %scan3A_23 : i32
    %scan3A_25 = arith.constant 1 : i32
    %scan3A_26 = scf.for %scan3A_233 = %scan3A_22 to %scan3A_24 step %scan3A_25 iter_args(%scan3A_234 = %scan3A) -> (i32)  : i32 {
      %get3A_235 = arith.index_cast %scan3A_233 : i32 to index
      %get3A_236 = arith.constant 0 : index
      %get3A_237 = tpu.vector_load %arg10[%get3A_235, %get3A_236] {strides = array<i32>} : memref<64x128xf32, #tpu.memory_space<vmem>>, vector<16xf32>,
      %get3A_238 = arith.index_cast %scan3A_233 : i32 to index
      %get3A_239 = arith.constant 0 : index
      %get3A_240 = tpu.vector_load %arg11[%get3A_238, %get3A_239] {strides = array<i32>} : memref<64x128xf32, #tpu.memory_space<vmem>>, vector<16xf32>,
      %mul3A_241 = arith.mulf %get3A_3, %get3A_240 : vector<16xf32>
      %add3A_242 = arith.addf %get3A_237, %mul3A_241 : vector<16xf32>
      %swap3A = arith.index_cast %scan3A_233 : i32 to index
      %swap3A_243 = arith.constant 0 : index
      %swap3A_244 = tpu.vector_load %arg12[%swap3A, %swap3A_243] {strides = array<i32>} : memref<64x128xf32, #tpu.memory_space<vmem>>, vector<16xf32>,
      tpu.vector_store %arg12[%swap3A, %swap3A_243], %add3A_242 {strides = array<i32>} : memref<64x128xf32, #tpu.memory_space<vmem>>, vector<16xf32>,
      %get3A_245 = arith.index_cast %scan3A_233 : i32 to index
      %get3A_246 = arith.constant 16 : index
      %get3A_247 = tpu.vector_load %arg10[%get3A_245, %get3A_246] {strides = array<i32>} : memref<64x128xf32, #tpu.memory_space<vmem>>, vector<16xf32>,
      %get3A_248 = arith.index_cast %scan3A_233 : i32 to index
      %get3A_249 = arith.constant 16 : index
      %get3A_250 = tpu.vector_load %arg11[%get3A_248, %get3A_249] {strides = array<i32>} : memref<64x128xf32, #tpu.memory_space<vmem>>, vector<16xf32>,
      %mul3A_251 = arith.mulf %get3A_3, %get3A_250 : vector<16xf32>
      %add3A_252 = arith.addf %get3A_247, %mul3A_251 : vector<16xf32>
      %swap3A_253 = arith.index_cast %scan3A_233 : i32 to index
      %swap3A_254 = arith.constant 16 : index
      %swap3A_255 = tpu.vector_load %arg12[%swap3A_253, %swap3A_254] {strides = array<i32>} : memref<64x128xf32, #tpu.memory_space<vmem>>, vector<16xf32>,
      tpu.vector_store %arg12[%swap3A_253, %swap3A_254], %add3A_252 {strides = array<i32>} : memref<64x128xf32, #tpu.memory_space<vmem>>, vector<16xf32>,
      %get3A_256 = arith.index_cast %scan3A_233 : i32 to index
      %get3A_257 = arith.constant 32 : index
      %get3A_258 = tpu.vector_load %arg10[%get3A_256, %get3A_257] {strides = array<i32>} : memref<64x128xf32, #tpu.memory_space<vmem>>, vector<16xf32>,
      %get3A_259 = arith.index_cast %scan3A_233 : i32 to index
      %get3A_260 = arith.constant 32 : index
      %get3A_261 = tpu.vector_load %arg11[%get3A_259, %get3A_260] {strides = array<i32>} : memref<64x128xf32, #tpu.memory_space<vmem>>, vector<16xf32>,
      %mul3A_262 = arith.mulf %get3A_3, %get3A_261 : vector<16xf32>
      %add3A_263 = arith.addf %get3A_258, %mul3A_262 : vector<16xf32>
      %swap3A_264 = arith.index_cast %scan3A_233 : i32 to index
      %swap3A_265 = arith.constant 32 : index
      %swap3A_266 = tpu.vector_load %arg12[%swap3A_264, %swap3A_265] {strides = array<i32>} : memref<64x128xf32, #tpu.memory_space<vmem>>, vector<16xf32>,
      tpu.vector_store %arg12[%swap3A_264, %swap3A_265], %add3A_263 {strides = array<i32>} : memref<64x128xf32, #tpu.memory_space<vmem>>, vector<16xf32>,
      %get3A_267 = arith.index_cast %scan3A_233 : i32 to index
      %get3A_268 = arith.constant 48 : index
      %get3A_269 = tpu.vector_load %arg10[%get3A_267, %get3A_268] {strides = array<i32>} : memref<64x128xf32, #tpu.memory_space<vmem>>, vector<16xf32>,
      %get3A_270 = arith.index_cast %scan3A_233 : i32 to index
      %get3A_271 = arith.constant 48 : index
      %get3A_272 = tpu.vector_load %arg11[%get3A_270, %get3A_271] {strides = array<i32>} : memref<64x128xf32, #tpu.memory_space<vmem>>, vector<16xf32>,
      %mul3A_273 = arith.mulf %get3A_3, %get3A_272 : vector<16xf32>
      %add3A_274 = arith.addf %get3A_269, %mul3A_273 : vector<16xf32>
      %swap3A_275 = arith.index_cast %scan3A_233 : i32 to index
      %swap3A_276 = arith.constant 48 : index
      %swap3A_277 = tpu.vector_load %arg12[%swap3A_275, %swap3A_276] {strides = array<i32>} : memref<64x128xf32, #tpu.memory_space<vmem>>, vector<16xf32>,
      tpu.vector_store %arg12[%swap3A_275, %swap3A_276], %add3A_274 {strides = array<i32>} : memref<64x128xf32, #tpu.memory_space<vmem>>, vector<16xf32>,
      %get3A_278 = arith.index_cast %scan3A_233 : i32 to index
      %get3A_279 = arith.constant 64 : index
      %get3A_280 = tpu.vector_load %arg10[%get3A_278, %get3A_279] {strides = array<i32>} : memref<64x128xf32, #tpu.memory_space<vmem>>, vector<16xf32>,
      %get3A_281 = arith.index_cast %scan3A_233 : i32 to index
      %get3A_282 = arith.constant 64 : index
      %get3A_283 = tpu.vector_load %arg11[%get3A_281, %get3A_282] {strides = array<i32>} : memref<64x128xf32, #tpu.memory_space<vmem>>, vector<16xf32>,
      %mul3A_284 = arith.mulf %get3A_3, %get3A_283 : vector<16xf32>
      %add3A_285 = arith.addf %get3A_280, %mul3A_284 : vector<16xf32>
      %swap3A_286 = arith.index_cast %scan3A_233 : i32 to index
      %swap3A_287 = arith.constant 64 : index
      %swap3A_288 = tpu.vector_load %arg12[%swap3A_286, %swap3A_287] {strides = array<i32>} : memref<64x128xf32, #tpu.memory_space<vmem>>, vector<16xf32>,
      tpu.vector_store %arg12[%swap3A_286, %swap3A_287], %add3A_285 {strides = array<i32>} : memref<64x128xf32, #tpu.memory_space<vmem>>, vector<16xf32>,
      %get3A_289 = arith.index_cast %scan3A_233 : i32 to index
      %get3A_290 = arith.constant 80 : index
      %get3A_291 = tpu.vector_load %arg10[%get3A_289, %get3A_290] {strides = array<i32>} : memref<64x128xf32, #tpu.memory_space<vmem>>, vector<16xf32>,
      %get3A_292 = arith.index_cast %scan3A_233 : i32 to index
      %get3A_293 = arith.constant 80 : index
      %get3A_294 = tpu.vector_load %arg11[%get3A_292, %get3A_293] {strides = array<i32>} : memref<64x128xf32, #tpu.memory_space<vmem>>, vector<16xf32>,
      %mul3A_295 = arith.mulf %get3A_3, %get3A_294 : vector<16xf32>
      %add3A_296 = arith.addf %get3A_291, %mul3A_295 : vector<16xf32>
      %swap3A_297 = arith.index_cast %scan3A_233 : i32 to index
      %swap3A_298 = arith.constant 80 : index
      %swap3A_299 = tpu.vector_load %arg12[%swap3A_297, %swap3A_298] {strides = array<i32>} : memref<64x128xf32, #tpu.memory_space<vmem>>, vector<16xf32>,
      tpu.vector_store %arg12[%swap3A_297, %swap3A_298], %add3A_296 {strides = array<i32>} : memref<64x128xf32, #tpu.memory_space<vmem>>, vector<16xf32>,
      %get3A_300 = arith.index_cast %scan3A_233 : i32 to index
      %get3A_301 = arith.constant 96 : index
      %get3A_302 = tpu.vector_load %arg10[%get3A_300, %get3A_301] {strides = array<i32>} : memref<64x128xf32, #tpu.memory_space<vmem>>, vector<16xf32>,
      %get3A_303 = arith.index_cast %scan3A_233 : i32 to index
      %get3A_304 = arith.constant 96 : index
      %get3A_305 = tpu.vector_load %arg11[%get3A_303, %get3A_304] {strides = array<i32>} : memref<64x128xf32, #tpu.memory_space<vmem>>, vector<16xf32>,
      %mul3A_306 = arith.mulf %get3A_3, %get3A_305 : vector<16xf32>
      %add3A_307 = arith.addf %get3A_302, %mul3A_306 : vector<16xf32>
      %swap3A_308 = arith.index_cast %scan3A_233 : i32 to index
      %swap3A_309 = arith.constant 96 : index
      %swap3A_310 = tpu.vector_load %arg12[%swap3A_308, %swap3A_309] {strides = array<i32>} : memref<64x128xf32, #tpu.memory_space<vmem>>, vector<16xf32>,
      tpu.vector_store %arg12[%swap3A_308, %swap3A_309], %add3A_307 {strides = array<i32>} : memref<64x128xf32, #tpu.memory_space<vmem>>, vector<16xf32>,
      %get3A_311 = arith.index_cast %scan3A_233 : i32 to index
      %get3A_312 = arith.constant 112 : index
      %get3A_313 = tpu.vector_load %arg10[%get3A_311, %get3A_312] {strides = array<i32>} : memref<64x128xf32, #tpu.memory_space<vmem>>, vector<16xf32>,
      %get3A_314 = arith.index_cast %scan3A_233 : i32 to index
      %get3A_315 = arith.constant 112 : index
      %get3A_316 = tpu.vector_load %arg11[%get3A_314, %get3A_315] {strides = array<i32>} : memref<64x128xf32, #tpu.memory_space<vmem>>, vector<16xf32>,
      %mul3A_317 = arith.mulf %get3A_3, %get3A_316 : vector<16xf32>
      %add3A_318 = arith.addf %get3A_313, %mul3A_317 : vector<16xf32>
      %swap3A_319 = arith.index_cast %scan3A_233 : i32 to index
      %swap3A_320 = arith.constant 112 : index
      %swap3A_321 = tpu.vector_load %arg12[%swap3A_319, %swap3A_320] {strides = array<i32>} : memref<64x128xf32, #tpu.memory_space<vmem>>, vector<16xf32>,
      tpu.vector_store %arg12[%swap3A_319, %swap3A_320], %add3A_318 {strides = array<i32>} : memref<64x128xf32, #tpu.memory_space<vmem>>, vector<16xf32>,
      %scan3A_322 = arith.constant 0 : i32
      scf.yield %scan3A_322 : i32
    }
    %scan3A_27 = arith.constant 64 : i32
    %add3A_28 = arith.constant 0 : i32
    %add3A_29 = arith.addi %mul3A_2, %add3A_28 : i32
    "tpu.region"() ({
      %run_scoped3A = tpu.sem_alloc : memref<!tpu.dma_semaphore, #tpu.memory_space<semaphore_mem>>
      %dma_start3A_233 = arith.constant 0 : i32
      %dma_start3A_234 = tpu.memref_slice %arg6[%add3A_29, %dma_start3A_233] : memref<16384x128xf32, #tpu.memory_space<hbm>> -> memref<64x128xf32, #tpu.memory_space<hbm>>
      %dma_start3A_235 = arith.constant 0 : i32
      %dma_start3A_236 = tpu.memref_slice %arg6[%add3A_29, %dma_start3A_235] : memref<16384x128xf32, #tpu.memory_space<hbm>> -> memref<64x128xf32, #tpu.memory_space<hbm>>
      tpu.enqueue_dma source(%arg12 : memref<64x128xf32, #tpu.memory_space<vmem>>) target(%dma_start3A_236 : memref<64x128xf32, #tpu.memory_space<hbm>>) target_semaphore(%run_scoped3A : memref<!tpu.dma_semaphore, #tpu.memory_space<semaphore_mem>>)
      %dma_wait3A_237 = arith.constant 0 : i32
      %dma_wait3A_238 = tpu.memref_slice %arg6[%add3A_29, %dma_wait3A_237] : memref<16384x128xf32, #tpu.memory_space<hbm>> -> memref<64x128xf32, #tpu.memory_space<hbm>>
      %dma_wait3A_239 = arith.constant 0 : i32
      %dma_wait3A_240 = tpu.memref_slice %arg6[%add3A_29, %dma_wait3A_239] : memref<16384x128xf32, #tpu.memory_space<hbm>> -> memref<64x128xf32, #tpu.memory_space<hbm>>
      tpu.wait_dma2 semaphore(%run_scoped3A : memref<!tpu.dma_semaphore, #tpu.memory_space<semaphore_mem>>) src(%arg12 : memref<64x128xf32, #tpu.memory_space<vmem>>) dst(%dma_wait3A_240 : memref<64x128xf32, #tpu.memory_space<hbm>>)
      tpu.yield
    }) : () -> ()
    %dma_start3A_30 = arith.constant 64 : i32
    %dma_start3A_31 = tpu.memref_slice %arg7[%dma_start3A_30] : memref<512xi32, #tpu.memory_space<vmem>> -> memref<64xi32, #tpu.memory_space<vmem>>
    %dma_start3A_32 = arith.constant 0 : i32
    %dma_start3A_33 = arith.constant 0 : i32
    %dma_start3A_34 = tpu.memref_slice %arg5[%dma_start3A_32, %dma_start3A_33] : memref<100000x128xf32, #tpu.memory_space<hbm>> -> memref<100000x128xf32, #tpu.memory_space<hbm>>
    tpu.enqueue_indirect_dma source(%dma_start3A_34 : memref<100000x128xf32, #tpu.memory_space<hbm>>) target(%arg10 : memref<64x128xf32, #tpu.memory_space<vmem>>) offsets(%dma_start3A_31 : memref<64xi32, #tpu.memory_space<vmem>>) semaphore(%arg13 : memref<!tpu.dma_semaphore, #tpu.memory_space<semaphore_mem>>)
    %dma_start3A_35 = arith.constant 64 : i32
    %dma_start3A_36 = tpu.memref_slice %arg8[%dma_start3A_35] : memref<512xi32, #tpu.memory_space<vmem>> -> memref<64xi32, #tpu.memory_space<vmem>>
    %dma_start3A_37 = arith.constant 0 : i32
    %dma_start3A_38 = arith.constant 0 : i32
    %dma_start3A_39 = tpu.memref_slice %arg5[%dma_start3A_37, %dma_start3A_38] : memref<100000x128xf32, #tpu.memory_space<hbm>> -> memref<100000x128xf32, #tpu.memory_space<hbm>>
    tpu.enqueue_indirect_dma source(%dma_start3A_39 : memref<100000x128xf32, #tpu.memory_space<hbm>>) target(%arg11 : memref<64x128xf32, #tpu.memory_space<vmem>>) offsets(%dma_start3A_36 : memref<64xi32, #tpu.memory_space<vmem>>) semaphore(%arg13 : memref<!tpu.dma_semaphore, #tpu.memory_space<semaphore_mem>>)
    %dma_wait3A_40 = arith.constant 64 : i32
    %dma_wait3A_41 = tpu.memref_slice %arg7[%dma_wait3A_40] : memref<512xi32, #tpu.memory_space<vmem>> -> memref<64xi32, #tpu.memory_space<vmem>>
    %dma_wait3A_42 = arith.constant 0 : i32
    %dma_wait3A_43 = arith.constant 0 : i32
    %dma_wait3A_44 = tpu.memref_slice %arg5[%dma_wait3A_42, %dma_wait3A_43] : memref<100000x128xf32, #tpu.memory_space<hbm>> -> memref<100000x128xf32, #tpu.memory_space<hbm>>
    tpu.wait_indirect_dma semaphore(%arg13 : memref<!tpu.dma_semaphore, #tpu.memory_space<semaphore_mem>>) src(%dma_wait3A_44 : memref<100000x128xf32, #tpu.memory_space<hbm>>) dst(%arg10 : memref<64x128xf32, #tpu.memory_space<vmem>>)
    %dma_wait3A_45 = arith.constant 64 : i32
    %dma_wait3A_46 = tpu.memref_slice %arg8[%dma_wait3A_45] : memref<512xi32, #tpu.memory_space<vmem>> -> memref<64xi32, #tpu.memory_space<vmem>>
    %dma_wait3A_47 = arith.constant 0 : i32
    %dma_wait3A_48 = arith.constant 0 : i32
    %dma_wait3A_49 = tpu.memref_slice %arg5[%dma_wait3A_47, %dma_wait3A_48] : memref<100000x128xf32, #tpu.memory_space<hbm>> -> memref<100000x128xf32, #tpu.memory_space<hbm>>
    tpu.wait_indirect_dma semaphore(%arg13 : memref<!tpu.dma_semaphore, #tpu.memory_space<semaphore_mem>>) src(%dma_wait3A_49 : memref<100000x128xf32, #tpu.memory_space<hbm>>) dst(%arg11 : memref<64x128xf32, #tpu.memory_space<vmem>>)
    %scan3A_50 = arith.constant 0 : i32
    %scan3A_51 = arith.constant 0 : i32
    %scan3A_52 = arith.constant 64 : i32
    %scan3A_53 = arith.addi %scan3A_51, %scan3A_52 : i32
    %scan3A_54 = arith.constant 1 : i32
    %scan3A_55 = scf.for %scan3A_233 = %scan3A_51 to %scan3A_53 step %scan3A_54 iter_args(%scan3A_234 = %scan3A_50) -> (i32)  : i32 {
      %get3A_235 = arith.index_cast %scan3A_233 : i32 to index
      %get3A_236 = arith.constant 0 : index
      %get3A_237 = tpu.vector_load %arg10[%get3A_235, %get3A_236] {strides = array<i32>} : memref<64x128xf32, #tpu.memory_space<vmem>>, vector<16xf32>,
      %get3A_238 = arith.index_cast %scan3A_233 : i32 to index
      %get3A_239 = arith.constant 0 : index
      %get3A_240 = tpu.vector_load %arg11[%get3A_238, %get3A_239] {strides = array<i32>} : memref<64x128xf32, #tpu.memory_space<vmem>>, vector<16xf32>,
      %mul3A_241 = arith.mulf %get3A_3, %get3A_240 : vector<16xf32>
      %add3A_242 = arith.addf %get3A_237, %mul3A_241 : vector<16xf32>
      %swap3A = arith.index_cast %scan3A_233 : i32 to index
      %swap3A_243 = arith.constant 0 : index
      %swap3A_244 = tpu.vector_load %arg12[%swap3A, %swap3A_243] {strides = array<i32>} : memref<64x128xf32, #tpu.memory_space<vmem>>, vector<16xf32>,
      tpu.vector_store %arg12[%swap3A, %swap3A_243], %add3A_242 {strides = array<i32>} : memref<64x128xf32, #tpu.memory_space<vmem>>, vector<16xf32>,
      %get3A_245 = arith.index_cast %scan3A_233 : i32 to index
      %get3A_246 = arith.constant 16 : index
      %get3A_247 = tpu.vector_load %arg10[%get3A_245, %get3A_246] {strides = array<i32>} : memref<64x128xf32, #tpu.memory_space<vmem>>, vector<16xf32>,
      %get3A_248 = arith.index_cast %scan3A_233 : i32 to index
      %get3A_249 = arith.constant 16 : index
      %get3A_250 = tpu.vector_load %arg11[%get3A_248, %get3A_249] {strides = array<i32>} : memref<64x128xf32, #tpu.memory_space<vmem>>, vector<16xf32>,
      %mul3A_251 = arith.mulf %get3A_3, %get3A_250 : vector<16xf32>
      %add3A_252 = arith.addf %get3A_247, %mul3A_251 : vector<16xf32>
      %swap3A_253 = arith.index_cast %scan3A_233 : i32 to index
      %swap3A_254 = arith.constant 16 : index
      %swap3A_255 = tpu.vector_load %arg12[%swap3A_253, %swap3A_254] {strides = array<i32>} : memref<64x128xf32, #tpu.memory_space<vmem>>, vector<16xf32>,
      tpu.vector_store %arg12[%swap3A_253, %swap3A_254], %add3A_252 {strides = array<i32>} : memref<64x128xf32, #tpu.memory_space<vmem>>, vector<16xf32>,
      %get3A_256 = arith.index_cast %scan3A_233 : i32 to index
      %get3A_257 = arith.constant 32 : index
      %get3A_258 = tpu.vector_load %arg10[%get3A_256, %get3A_257] {strides = array<i32>} : memref<64x128xf32, #tpu.memory_space<vmem>>, vector<16xf32>,
      %get3A_259 = arith.index_cast %scan3A_233 : i32 to index
      %get3A_260 = arith.constant 32 : index
      %get3A_261 = tpu.vector_load %arg11[%get3A_259, %get3A_260] {strides = array<i32>} : memref<64x128xf32, #tpu.memory_space<vmem>>, vector<16xf32>,
      %mul3A_262 = arith.mulf %get3A_3, %get3A_261 : vector<16xf32>
      %add3A_263 = arith.addf %get3A_258, %mul3A_262 : vector<16xf32>
      %swap3A_264 = arith.index_cast %scan3A_233 : i32 to index
      %swap3A_265 = arith.constant 32 : index
      %swap3A_266 = tpu.vector_load %arg12[%swap3A_264, %swap3A_265] {strides = array<i32>} : memref<64x128xf32, #tpu.memory_space<vmem>>, vector<16xf32>,
      tpu.vector_store %arg12[%swap3A_264, %swap3A_265], %add3A_263 {strides = array<i32>} : memref<64x128xf32, #tpu.memory_space<vmem>>, vector<16xf32>,
      %get3A_267 = arith.index_cast %scan3A_233 : i32 to index
      %get3A_268 = arith.constant 48 : index
      %get3A_269 = tpu.vector_load %arg10[%get3A_267, %get3A_268] {strides = array<i32>} : memref<64x128xf32, #tpu.memory_space<vmem>>, vector<16xf32>,
      %get3A_270 = arith.index_cast %scan3A_233 : i32 to index
      %get3A_271 = arith.constant 48 : index
      %get3A_272 = tpu.vector_load %arg11[%get3A_270, %get3A_271] {strides = array<i32>} : memref<64x128xf32, #tpu.memory_space<vmem>>, vector<16xf32>,
      %mul3A_273 = arith.mulf %get3A_3, %get3A_272 : vector<16xf32>
      %add3A_274 = arith.addf %get3A_269, %mul3A_273 : vector<16xf32>
      %swap3A_275 = arith.index_cast %scan3A_233 : i32 to index
      %swap3A_276 = arith.constant 48 : index
      %swap3A_277 = tpu.vector_load %arg12[%swap3A_275, %swap3A_276] {strides = array<i32>} : memref<64x128xf32, #tpu.memory_space<vmem>>, vector<16xf32>,
      tpu.vector_store %arg12[%swap3A_275, %swap3A_276], %add3A_274 {strides = array<i32>} : memref<64x128xf32, #tpu.memory_space<vmem>>, vector<16xf32>,
      %get3A_278 = arith.index_cast %scan3A_233 : i32 to index
      %get3A_279 = arith.constant 64 : index
      %get3A_280 = tpu.vector_load %arg10[%get3A_278, %get3A_279] {strides = array<i32>} : memref<64x128xf32, #tpu.memory_space<vmem>>, vector<16xf32>,
      %get3A_281 = arith.index_cast %scan3A_233 : i32 to index
      %get3A_282 = arith.constant 64 : index
      %get3A_283 = tpu.vector_load %arg11[%get3A_281, %get3A_282] {strides = array<i32>} : memref<64x128xf32, #tpu.memory_space<vmem>>, vector<16xf32>,
      %mul3A_284 = arith.mulf %get3A_3, %get3A_283 : vector<16xf32>
      %add3A_285 = arith.addf %get3A_280, %mul3A_284 : vector<16xf32>
      %swap3A_286 = arith.index_cast %scan3A_233 : i32 to index
      %swap3A_287 = arith.constant 64 : index
      %swap3A_288 = tpu.vector_load %arg12[%swap3A_286, %swap3A_287] {strides = array<i32>} : memref<64x128xf32, #tpu.memory_space<vmem>>, vector<16xf32>,
      tpu.vector_store %arg12[%swap3A_286, %swap3A_287], %add3A_285 {strides = array<i32>} : memref<64x128xf32, #tpu.memory_space<vmem>>, vector<16xf32>,
      %get3A_289 = arith.index_cast %scan3A_233 : i32 to index
      %get3A_290 = arith.constant 80 : index
      %get3A_291 = tpu.vector_load %arg10[%get3A_289, %get3A_290] {strides = array<i32>} : memref<64x128xf32, #tpu.memory_space<vmem>>, vector<16xf32>,
      %get3A_292 = arith.index_cast %scan3A_233 : i32 to index
      %get3A_293 = arith.constant 80 : index
      %get3A_294 = tpu.vector_load %arg11[%get3A_292, %get3A_293] {strides = array<i32>} : memref<64x128xf32, #tpu.memory_space<vmem>>, vector<16xf32>,
      %mul3A_295 = arith.mulf %get3A_3, %get3A_294 : vector<16xf32>
      %add3A_296 = arith.addf %get3A_291, %mul3A_295 : vector<16xf32>
      %swap3A_297 = arith.index_cast %scan3A_233 : i32 to index
      %swap3A_298 = arith.constant 80 : index
      %swap3A_299 = tpu.vector_load %arg12[%swap3A_297, %swap3A_298] {strides = array<i32>} : memref<64x128xf32, #tpu.memory_space<vmem>>, vector<16xf32>,
      tpu.vector_store %arg12[%swap3A_297, %swap3A_298], %add3A_296 {strides = array<i32>} : memref<64x128xf32, #tpu.memory_space<vmem>>, vector<16xf32>,
      %get3A_300 = arith.index_cast %scan3A_233 : i32 to index
      %get3A_301 = arith.constant 96 : index
      %get3A_302 = tpu.vector_load %arg10[%get3A_300, %get3A_301] {strides = array<i32>} : memref<64x128xf32, #tpu.memory_space<vmem>>, vector<16xf32>,
      %get3A_303 = arith.index_cast %scan3A_233 : i32 to index
      %get3A_304 = arith.constant 96 : index
      %get3A_305 = tpu.vector_load %arg11[%get3A_303, %get3A_304] {strides = array<i32>} : memref<64x128xf32, #tpu.memory_space<vmem>>, vector<16xf32>,
      %mul3A_306 = arith.mulf %get3A_3, %get3A_305 : vector<16xf32>
      %add3A_307 = arith.addf %get3A_302, %mul3A_306 : vector<16xf32>
      %swap3A_308 = arith.index_cast %scan3A_233 : i32 to index
      %swap3A_309 = arith.constant 96 : index
      %swap3A_310 = tpu.vector_load %arg12[%swap3A_308, %swap3A_309] {strides = array<i32>} : memref<64x128xf32, #tpu.memory_space<vmem>>, vector<16xf32>,
      tpu.vector_store %arg12[%swap3A_308, %swap3A_309], %add3A_307 {strides = array<i32>} : memref<64x128xf32, #tpu.memory_space<vmem>>, vector<16xf32>,
      %get3A_311 = arith.index_cast %scan3A_233 : i32 to index
      %get3A_312 = arith.constant 112 : index
      %get3A_313 = tpu.vector_load %arg10[%get3A_311, %get3A_312] {strides = array<i32>} : memref<64x128xf32, #tpu.memory_space<vmem>>, vector<16xf32>,
      %get3A_314 = arith.index_cast %scan3A_233 : i32 to index
      %get3A_315 = arith.constant 112 : index
      %get3A_316 = tpu.vector_load %arg11[%get3A_314, %get3A_315] {strides = array<i32>} : memref<64x128xf32, #tpu.memory_space<vmem>>, vector<16xf32>,
      %mul3A_317 = arith.mulf %get3A_3, %get3A_316 : vector<16xf32>
      %add3A_318 = arith.addf %get3A_313, %mul3A_317 : vector<16xf32>
      %swap3A_319 = arith.index_cast %scan3A_233 : i32 to index
      %swap3A_320 = arith.constant 112 : index
      %swap3A_321 = tpu.vector_load %arg12[%swap3A_319, %swap3A_320] {strides = array<i32>} : memref<64x128xf32, #tpu.memory_space<vmem>>, vector<16xf32>,
      tpu.vector_store %arg12[%swap3A_319, %swap3A_320], %add3A_318 {strides = array<i32>} : memref<64x128xf32, #tpu.memory_space<vmem>>, vector<16xf32>,
      %scan3A_322 = arith.constant 0 : i32
      scf.yield %scan3A_322 : i32
    }
    %scan3A_56 = arith.constant 64 : i32
    %add3A_57 = arith.constant 64 : i32
    %add3A_58 = arith.addi %mul3A_2, %add3A_57 : i32
    "tpu.region"() ({
      %run_scoped3A = tpu.sem_alloc : memref<!tpu.dma_semaphore, #tpu.memory_space<semaphore_mem>>
      %dma_start3A_233 = arith.constant 0 : i32
      %dma_start3A_234 = tpu.memref_slice %arg6[%add3A_58, %dma_start3A_233] : memref<16384x128xf32, #tpu.memory_space<hbm>> -> memref<64x128xf32, #tpu.memory_space<hbm>>
      %dma_start3A_235 = arith.constant 0 : i32
      %dma_start3A_236 = tpu.memref_slice %arg6[%add3A_58, %dma_start3A_235] : memref<16384x128xf32, #tpu.memory_space<hbm>> -> memref<64x128xf32, #tpu.memory_space<hbm>>
      tpu.enqueue_dma source(%arg12 : memref<64x128xf32, #tpu.memory_space<vmem>>) target(%dma_start3A_236 : memref<64x128xf32, #tpu.memory_space<hbm>>) target_semaphore(%run_scoped3A : memref<!tpu.dma_semaphore, #tpu.memory_space<semaphore_mem>>)
      %dma_wait3A_237 = arith.constant 0 : i32
      %dma_wait3A_238 = tpu.memref_slice %arg6[%add3A_58, %dma_wait3A_237] : memref<16384x128xf32, #tpu.memory_space<hbm>> -> memref<64x128xf32, #tpu.memory_space<hbm>>
      %dma_wait3A_239 = arith.constant 0 : i32
      %dma_wait3A_240 = tpu.memref_slice %arg6[%add3A_58, %dma_wait3A_239] : memref<16384x128xf32, #tpu.memory_space<hbm>> -> memref<64x128xf32, #tpu.memory_space<hbm>>
      tpu.wait_dma2 semaphore(%run_scoped3A : memref<!tpu.dma_semaphore, #tpu.memory_space<semaphore_mem>>) src(%arg12 : memref<64x128xf32, #tpu.memory_space<vmem>>) dst(%dma_wait3A_240 : memref<64x128xf32, #tpu.memory_space<hbm>>)
      tpu.yield
    }) : () -> ()
    %dma_start3A_59 = arith.constant 128 : i32
    %dma_start3A_60 = tpu.memref_slice %arg7[%dma_start3A_59] : memref<512xi32, #tpu.memory_space<vmem>> -> memref<64xi32, #tpu.memory_space<vmem>>
    %dma_start3A_61 = arith.constant 0 : i32
    %dma_start3A_62 = arith.constant 0 : i32
    %dma_start3A_63 = tpu.memref_slice %arg5[%dma_start3A_61, %dma_start3A_62] : memref<100000x128xf32, #tpu.memory_space<hbm>> -> memref<100000x128xf32, #tpu.memory_space<hbm>>
    tpu.enqueue_indirect_dma source(%dma_start3A_63 : memref<100000x128xf32, #tpu.memory_space<hbm>>) target(%arg10 : memref<64x128xf32, #tpu.memory_space<vmem>>) offsets(%dma_start3A_60 : memref<64xi32, #tpu.memory_space<vmem>>) semaphore(%arg13 : memref<!tpu.dma_semaphore, #tpu.memory_space<semaphore_mem>>)
    %dma_start3A_64 = arith.constant 128 : i32
    %dma_start3A_65 = tpu.memref_slice %arg8[%dma_start3A_64] : memref<512xi32, #tpu.memory_space<vmem>> -> memref<64xi32, #tpu.memory_space<vmem>>
    %dma_start3A_66 = arith.constant 0 : i32
    %dma_start3A_67 = arith.constant 0 : i32
    %dma_start3A_68 = tpu.memref_slice %arg5[%dma_start3A_66, %dma_start3A_67] : memref<100000x128xf32, #tpu.memory_space<hbm>> -> memref<100000x128xf32, #tpu.memory_space<hbm>>
    tpu.enqueue_indirect_dma source(%dma_start3A_68 : memref<100000x128xf32, #tpu.memory_space<hbm>>) target(%arg11 : memref<64x128xf32, #tpu.memory_space<vmem>>) offsets(%dma_start3A_65 : memref<64xi32, #tpu.memory_space<vmem>>) semaphore(%arg13 : memref<!tpu.dma_semaphore, #tpu.memory_space<semaphore_mem>>)
    %dma_wait3A_69 = arith.constant 128 : i32
    %dma_wait3A_70 = tpu.memref_slice %arg7[%dma_wait3A_69] : memref<512xi32, #tpu.memory_space<vmem>> -> memref<64xi32, #tpu.memory_space<vmem>>
    %dma_wait3A_71 = arith.constant 0 : i32
    %dma_wait3A_72 = arith.constant 0 : i32
    %dma_wait3A_73 = tpu.memref_slice %arg5[%dma_wait3A_71, %dma_wait3A_72] : memref<100000x128xf32, #tpu.memory_space<hbm>> -> memref<100000x128xf32, #tpu.memory_space<hbm>>
    tpu.wait_indirect_dma semaphore(%arg13 : memref<!tpu.dma_semaphore, #tpu.memory_space<semaphore_mem>>) src(%dma_wait3A_73 : memref<100000x128xf32, #tpu.memory_space<hbm>>) dst(%arg10 : memref<64x128xf32, #tpu.memory_space<vmem>>)
    %dma_wait3A_74 = arith.constant 128 : i32
    %dma_wait3A_75 = tpu.memref_slice %arg8[%dma_wait3A_74] : memref<512xi32, #tpu.memory_space<vmem>> -> memref<64xi32, #tpu.memory_space<vmem>>
    %dma_wait3A_76 = arith.constant 0 : i32
    %dma_wait3A_77 = arith.constant 0 : i32
    %dma_wait3A_78 = tpu.memref_slice %arg5[%dma_wait3A_76, %dma_wait3A_77] : memref<100000x128xf32, #tpu.memory_space<hbm>> -> memref<100000x128xf32, #tpu.memory_space<hbm>>
    tpu.wait_indirect_dma semaphore(%arg13 : memref<!tpu.dma_semaphore, #tpu.memory_space<semaphore_mem>>) src(%dma_wait3A_78 : memref<100000x128xf32, #tpu.memory_space<hbm>>) dst(%arg11 : memref<64x128xf32, #tpu.memory_space<vmem>>)
    %scan3A_79 = arith.constant 0 : i32
    %scan3A_80 = arith.constant 0 : i32
    %scan3A_81 = arith.constant 64 : i32
    %scan3A_82 = arith.addi %scan3A_80, %scan3A_81 : i32
    %scan3A_83 = arith.constant 1 : i32
    %scan3A_84 = scf.for %scan3A_233 = %scan3A_80 to %scan3A_82 step %scan3A_83 iter_args(%scan3A_234 = %scan3A_79) -> (i32)  : i32 {
      %get3A_235 = arith.index_cast %scan3A_233 : i32 to index
      %get3A_236 = arith.constant 0 : index
      %get3A_237 = tpu.vector_load %arg10[%get3A_235, %get3A_236] {strides = array<i32>} : memref<64x128xf32, #tpu.memory_space<vmem>>, vector<16xf32>,
      %get3A_238 = arith.index_cast %scan3A_233 : i32 to index
      %get3A_239 = arith.constant 0 : index
      %get3A_240 = tpu.vector_load %arg11[%get3A_238, %get3A_239] {strides = array<i32>} : memref<64x128xf32, #tpu.memory_space<vmem>>, vector<16xf32>,
      %mul3A_241 = arith.mulf %get3A_3, %get3A_240 : vector<16xf32>
      %add3A_242 = arith.addf %get3A_237, %mul3A_241 : vector<16xf32>
      %swap3A = arith.index_cast %scan3A_233 : i32 to index
      %swap3A_243 = arith.constant 0 : index
      %swap3A_244 = tpu.vector_load %arg12[%swap3A, %swap3A_243] {strides = array<i32>} : memref<64x128xf32, #tpu.memory_space<vmem>>, vector<16xf32>,
      tpu.vector_store %arg12[%swap3A, %swap3A_243], %add3A_242 {strides = array<i32>} : memref<64x128xf32, #tpu.memory_space<vmem>>, vector<16xf32>,
      %get3A_245 = arith.index_cast %scan3A_233 : i32 to index
      %get3A_246 = arith.constant 16 : index
      %get3A_247 = tpu.vector_load %arg10[%get3A_245, %get3A_246] {strides = array<i32>} : memref<64x128xf32, #tpu.memory_space<vmem>>, vector<16xf32>,
      %get3A_248 = arith.index_cast %scan3A_233 : i32 to index
      %get3A_249 = arith.constant 16 : index
      %get3A_250 = tpu.vector_load %arg11[%get3A_248, %get3A_249] {strides = array<i32>} : memref<64x128xf32, #tpu.memory_space<vmem>>, vector<16xf32>,
      %mul3A_251 = arith.mulf %get3A_3, %get3A_250 : vector<16xf32>
      %add3A_252 = arith.addf %get3A_247, %mul3A_251 : vector<16xf32>
      %swap3A_253 = arith.index_cast %scan3A_233 : i32 to index
      %swap3A_254 = arith.constant 16 : index
      %swap3A_255 = tpu.vector_load %arg12[%swap3A_253, %swap3A_254] {strides = array<i32>} : memref<64x128xf32, #tpu.memory_space<vmem>>, vector<16xf32>,
      tpu.vector_store %arg12[%swap3A_253, %swap3A_254], %add3A_252 {strides = array<i32>} : memref<64x128xf32, #tpu.memory_space<vmem>>, vector<16xf32>,
      %get3A_256 = arith.index_cast %scan3A_233 : i32 to index
      %get3A_257 = arith.constant 32 : index
      %get3A_258 = tpu.vector_load %arg10[%get3A_256, %get3A_257] {strides = array<i32>} : memref<64x128xf32, #tpu.memory_space<vmem>>, vector<16xf32>,
      %get3A_259 = arith.index_cast %scan3A_233 : i32 to index
      %get3A_260 = arith.constant 32 : index
      %get3A_261 = tpu.vector_load %arg11[%get3A_259, %get3A_260] {strides = array<i32>} : memref<64x128xf32, #tpu.memory_space<vmem>>, vector<16xf32>,
      %mul3A_262 = arith.mulf %get3A_3, %get3A_261 : vector<16xf32>
      %add3A_263 = arith.addf %get3A_258, %mul3A_262 : vector<16xf32>
      %swap3A_264 = arith.index_cast %scan3A_233 : i32 to index
      %swap3A_265 = arith.constant 32 : index
      %swap3A_266 = tpu.vector_load %arg12[%swap3A_264, %swap3A_265] {strides = array<i32>} : memref<64x128xf32, #tpu.memory_space<vmem>>, vector<16xf32>,
      tpu.vector_store %arg12[%swap3A_264, %swap3A_265], %add3A_263 {strides = array<i32>} : memref<64x128xf32, #tpu.memory_space<vmem>>, vector<16xf32>,
      %get3A_267 = arith.index_cast %scan3A_233 : i32 to index
      %get3A_268 = arith.constant 48 : index
      %get3A_269 = tpu.vector_load %arg10[%get3A_267, %get3A_268] {strides = array<i32>} : memref<64x128xf32, #tpu.memory_space<vmem>>, vector<16xf32>,
      %get3A_270 = arith.index_cast %scan3A_233 : i32 to index
      %get3A_271 = arith.constant 48 : index
      %get3A_272 = tpu.vector_load %arg11[%get3A_270, %get3A_271] {strides = array<i32>} : memref<64x128xf32, #tpu.memory_space<vmem>>, vector<16xf32>,
      %mul3A_273 = arith.mulf %get3A_3, %get3A_272 : vector<16xf32>
      %add3A_274 = arith.addf %get3A_269, %mul3A_273 : vector<16xf32>
      %swap3A_275 = arith.index_cast %scan3A_233 : i32 to index
      %swap3A_276 = arith.constant 48 : index
      %swap3A_277 = tpu.vector_load %arg12[%swap3A_275, %swap3A_276] {strides = array<i32>} : memref<64x128xf32, #tpu.memory_space<vmem>>, vector<16xf32>,
      tpu.vector_store %arg12[%swap3A_275, %swap3A_276], %add3A_274 {strides = array<i32>} : memref<64x128xf32, #tpu.memory_space<vmem>>, vector<16xf32>,
      %get3A_278 = arith.index_cast %scan3A_233 : i32 to index
      %get3A_279 = arith.constant 64 : index
      %get3A_280 = tpu.vector_load %arg10[%get3A_278, %get3A_279] {strides = array<i32>} : memref<64x128xf32, #tpu.memory_space<vmem>>, vector<16xf32>,
      %get3A_281 = arith.index_cast %scan3A_233 : i32 to index
      %get3A_282 = arith.constant 64 : index
      %get3A_283 = tpu.vector_load %arg11[%get3A_281, %get3A_282] {strides = array<i32>} : memref<64x128xf32, #tpu.memory_space<vmem>>, vector<16xf32>,
      %mul3A_284 = arith.mulf %get3A_3, %get3A_283 : vector<16xf32>
      %add3A_285 = arith.addf %get3A_280, %mul3A_284 : vector<16xf32>
      %swap3A_286 = arith.index_cast %scan3A_233 : i32 to index
      %swap3A_287 = arith.constant 64 : index
      %swap3A_288 = tpu.vector_load %arg12[%swap3A_286, %swap3A_287] {strides = array<i32>} : memref<64x128xf32, #tpu.memory_space<vmem>>, vector<16xf32>,
      tpu.vector_store %arg12[%swap3A_286, %swap3A_287], %add3A_285 {strides = array<i32>} : memref<64x128xf32, #tpu.memory_space<vmem>>, vector<16xf32>,
      %get3A_289 = arith.index_cast %scan3A_233 : i32 to index
      %get3A_290 = arith.constant 80 : index
      %get3A_291 = tpu.vector_load %arg10[%get3A_289, %get3A_290] {strides = array<i32>} : memref<64x128xf32, #tpu.memory_space<vmem>>, vector<16xf32>,
      %get3A_292 = arith.index_cast %scan3A_233 : i32 to index
      %get3A_293 = arith.constant 80 : index
      %get3A_294 = tpu.vector_load %arg11[%get3A_292, %get3A_293] {strides = array<i32>} : memref<64x128xf32, #tpu.memory_space<vmem>>, vector<16xf32>,
      %mul3A_295 = arith.mulf %get3A_3, %get3A_294 : vector<16xf32>
      %add3A_296 = arith.addf %get3A_291, %mul3A_295 : vector<16xf32>
      %swap3A_297 = arith.index_cast %scan3A_233 : i32 to index
      %swap3A_298 = arith.constant 80 : index
      %swap3A_299 = tpu.vector_load %arg12[%swap3A_297, %swap3A_298] {strides = array<i32>} : memref<64x128xf32, #tpu.memory_space<vmem>>, vector<16xf32>,
      tpu.vector_store %arg12[%swap3A_297, %swap3A_298], %add3A_296 {strides = array<i32>} : memref<64x128xf32, #tpu.memory_space<vmem>>, vector<16xf32>,
      %get3A_300 = arith.index_cast %scan3A_233 : i32 to index
      %get3A_301 = arith.constant 96 : index
      %get3A_302 = tpu.vector_load %arg10[%get3A_300, %get3A_301] {strides = array<i32>} : memref<64x128xf32, #tpu.memory_space<vmem>>, vector<16xf32>,
      %get3A_303 = arith.index_cast %scan3A_233 : i32 to index
      %get3A_304 = arith.constant 96 : index
      %get3A_305 = tpu.vector_load %arg11[%get3A_303, %get3A_304] {strides = array<i32>} : memref<64x128xf32, #tpu.memory_space<vmem>>, vector<16xf32>,
      %mul3A_306 = arith.mulf %get3A_3, %get3A_305 : vector<16xf32>
      %add3A_307 = arith.addf %get3A_302, %mul3A_306 : vector<16xf32>
      %swap3A_308 = arith.index_cast %scan3A_233 : i32 to index
      %swap3A_309 = arith.constant 96 : index
      %swap3A_310 = tpu.vector_load %arg12[%swap3A_308, %swap3A_309] {strides = array<i32>} : memref<64x128xf32, #tpu.memory_space<vmem>>, vector<16xf32>,
      tpu.vector_store %arg12[%swap3A_308, %swap3A_309], %add3A_307 {strides = array<i32>} : memref<64x128xf32, #tpu.memory_space<vmem>>, vector<16xf32>,
      %get3A_311 = arith.index_cast %scan3A_233 : i32 to index
      %get3A_312 = arith.constant 112 : index
      %get3A_313 = tpu.vector_load %arg10[%get3A_311, %get3A_312] {strides = array<i32>} : memref<64x128xf32, #tpu.memory_space<vmem>>, vector<16xf32>,
      %get3A_314 = arith.index_cast %scan3A_233 : i32 to index
      %get3A_315 = arith.constant 112 : index
      %get3A_316 = tpu.vector_load %arg11[%get3A_314, %get3A_315] {strides = array<i32>} : memref<64x128xf32, #tpu.memory_space<vmem>>, vector<16xf32>,
      %mul3A_317 = arith.mulf %get3A_3, %get3A_316 : vector<16xf32>
      %add3A_318 = arith.addf %get3A_313, %mul3A_317 : vector<16xf32>
      %swap3A_319 = arith.index_cast %scan3A_233 : i32 to index
      %swap3A_320 = arith.constant 112 : index
      %swap3A_321 = tpu.vector_load %arg12[%swap3A_319, %swap3A_320] {strides = array<i32>} : memref<64x128xf32, #tpu.memory_space<vmem>>, vector<16xf32>,
      tpu.vector_store %arg12[%swap3A_319, %swap3A_320], %add3A_318 {strides = array<i32>} : memref<64x128xf32, #tpu.memory_space<vmem>>, vector<16xf32>,
      %scan3A_322 = arith.constant 0 : i32
      scf.yield %scan3A_322 : i32
    }
    %scan3A_85 = arith.constant 64 : i32
    %add3A_86 = arith.constant 128 : i32
    %add3A_87 = arith.addi %mul3A_2, %add3A_86 : i32
    "tpu.region"() ({
      %run_scoped3A = tpu.sem_alloc : memref<!tpu.dma_semaphore, #tpu.memory_space<semaphore_mem>>
      %dma_start3A_233 = arith.constant 0 : i32
      %dma_start3A_234 = tpu.memref_slice %arg6[%add3A_87, %dma_start3A_233] : memref<16384x128xf32, #tpu.memory_space<hbm>> -> memref<64x128xf32, #tpu.memory_space<hbm>>
      %dma_start3A_235 = arith.constant 0 : i32
      %dma_start3A_236 = tpu.memref_slice %arg6[%add3A_87, %dma_start3A_235] : memref<16384x128xf32, #tpu.memory_space<hbm>> -> memref<64x128xf32, #tpu.memory_space<hbm>>
      tpu.enqueue_dma source(%arg12 : memref<64x128xf32, #tpu.memory_space<vmem>>) target(%dma_start3A_236 : memref<64x128xf32, #tpu.memory_space<hbm>>) target_semaphore(%run_scoped3A : memref<!tpu.dma_semaphore, #tpu.memory_space<semaphore_mem>>)
      %dma_wait3A_237 = arith.constant 0 : i32
      %dma_wait3A_238 = tpu.memref_slice %arg6[%add3A_87, %dma_wait3A_237] : memref<16384x128xf32, #tpu.memory_space<hbm>> -> memref<64x128xf32, #tpu.memory_space<hbm>>
      %dma_wait3A_239 = arith.constant 0 : i32
      %dma_wait3A_240 = tpu.memref_slice %arg6[%add3A_87, %dma_wait3A_239] : memref<16384x128xf32, #tpu.memory_space<hbm>> -> memref<64x128xf32, #tpu.memory_space<hbm>>
      tpu.wait_dma2 semaphore(%run_scoped3A : memref<!tpu.dma_semaphore, #tpu.memory_space<semaphore_mem>>) src(%arg12 : memref<64x128xf32, #tpu.memory_space<vmem>>) dst(%dma_wait3A_240 : memref<64x128xf32, #tpu.memory_space<hbm>>)
      tpu.yield
    }) : () -> ()
    %dma_start3A_88 = arith.constant 192 : i32
    %dma_start3A_89 = tpu.memref_slice %arg7[%dma_start3A_88] : memref<512xi32, #tpu.memory_space<vmem>> -> memref<64xi32, #tpu.memory_space<vmem>>
    %dma_start3A_90 = arith.constant 0 : i32
    %dma_start3A_91 = arith.constant 0 : i32
    %dma_start3A_92 = tpu.memref_slice %arg5[%dma_start3A_90, %dma_start3A_91] : memref<100000x128xf32, #tpu.memory_space<hbm>> -> memref<100000x128xf32, #tpu.memory_space<hbm>>
    tpu.enqueue_indirect_dma source(%dma_start3A_92 : memref<100000x128xf32, #tpu.memory_space<hbm>>) target(%arg10 : memref<64x128xf32, #tpu.memory_space<vmem>>) offsets(%dma_start3A_89 : memref<64xi32, #tpu.memory_space<vmem>>) semaphore(%arg13 : memref<!tpu.dma_semaphore, #tpu.memory_space<semaphore_mem>>)
    %dma_start3A_93 = arith.constant 192 : i32
    %dma_start3A_94 = tpu.memref_slice %arg8[%dma_start3A_93] : memref<512xi32, #tpu.memory_space<vmem>> -> memref<64xi32, #tpu.memory_space<vmem>>
    %dma_start3A_95 = arith.constant 0 : i32
    %dma_start3A_96 = arith.constant 0 : i32
    %dma_start3A_97 = tpu.memref_slice %arg5[%dma_start3A_95, %dma_start3A_96] : memref<100000x128xf32, #tpu.memory_space<hbm>> -> memref<100000x128xf32, #tpu.memory_space<hbm>>
    tpu.enqueue_indirect_dma source(%dma_start3A_97 : memref<100000x128xf32, #tpu.memory_space<hbm>>) target(%arg11 : memref<64x128xf32, #tpu.memory_space<vmem>>) offsets(%dma_start3A_94 : memref<64xi32, #tpu.memory_space<vmem>>) semaphore(%arg13 : memref<!tpu.dma_semaphore, #tpu.memory_space<semaphore_mem>>)
    %dma_wait3A_98 = arith.constant 192 : i32
    %dma_wait3A_99 = tpu.memref_slice %arg7[%dma_wait3A_98] : memref<512xi32, #tpu.memory_space<vmem>> -> memref<64xi32, #tpu.memory_space<vmem>>
    %dma_wait3A_100 = arith.constant 0 : i32
    %dma_wait3A_101 = arith.constant 0 : i32
    %dma_wait3A_102 = tpu.memref_slice %arg5[%dma_wait3A_100, %dma_wait3A_101] : memref<100000x128xf32, #tpu.memory_space<hbm>> -> memref<100000x128xf32, #tpu.memory_space<hbm>>
    tpu.wait_indirect_dma semaphore(%arg13 : memref<!tpu.dma_semaphore, #tpu.memory_space<semaphore_mem>>) src(%dma_wait3A_102 : memref<100000x128xf32, #tpu.memory_space<hbm>>) dst(%arg10 : memref<64x128xf32, #tpu.memory_space<vmem>>)
    %dma_wait3A_103 = arith.constant 192 : i32
    %dma_wait3A_104 = tpu.memref_slice %arg8[%dma_wait3A_103] : memref<512xi32, #tpu.memory_space<vmem>> -> memref<64xi32, #tpu.memory_space<vmem>>
    %dma_wait3A_105 = arith.constant 0 : i32
    %dma_wait3A_106 = arith.constant 0 : i32
    %dma_wait3A_107 = tpu.memref_slice %arg5[%dma_wait3A_105, %dma_wait3A_106] : memref<100000x128xf32, #tpu.memory_space<hbm>> -> memref<100000x128xf32, #tpu.memory_space<hbm>>
    tpu.wait_indirect_dma semaphore(%arg13 : memref<!tpu.dma_semaphore, #tpu.memory_space<semaphore_mem>>) src(%dma_wait3A_107 : memref<100000x128xf32, #tpu.memory_space<hbm>>) dst(%arg11 : memref<64x128xf32, #tpu.memory_space<vmem>>)
    %scan3A_108 = arith.constant 0 : i32
    %scan3A_109 = arith.constant 0 : i32
    %scan3A_110 = arith.constant 64 : i32
    %scan3A_111 = arith.addi %scan3A_109, %scan3A_110 : i32
    %scan3A_112 = arith.constant 1 : i32
    %scan3A_113 = scf.for %scan3A_233 = %scan3A_109 to %scan3A_111 step %scan3A_112 iter_args(%scan3A_234 = %scan3A_108) -> (i32)  : i32 {
      %get3A_235 = arith.index_cast %scan3A_233 : i32 to index
      %get3A_236 = arith.constant 0 : index
      %get3A_237 = tpu.vector_load %arg10[%get3A_235, %get3A_236] {strides = array<i32>} : memref<64x128xf32, #tpu.memory_space<vmem>>, vector<16xf32>,
      %get3A_238 = arith.index_cast %scan3A_233 : i32 to index
      %get3A_239 = arith.constant 0 : index
      %get3A_240 = tpu.vector_load %arg11[%get3A_238, %get3A_239] {strides = array<i32>} : memref<64x128xf32, #tpu.memory_space<vmem>>, vector<16xf32>,
      %mul3A_241 = arith.mulf %get3A_3, %get3A_240 : vector<16xf32>
      %add3A_242 = arith.addf %get3A_237, %mul3A_241 : vector<16xf32>
      %swap3A = arith.index_cast %scan3A_233 : i32 to index
      %swap3A_243 = arith.constant 0 : index
      %swap3A_244 = tpu.vector_load %arg12[%swap3A, %swap3A_243] {strides = array<i32>} : memref<64x128xf32, #tpu.memory_space<vmem>>, vector<16xf32>,
      tpu.vector_store %arg12[%swap3A, %swap3A_243], %add3A_242 {strides = array<i32>} : memref<64x128xf32, #tpu.memory_space<vmem>>, vector<16xf32>,
      %get3A_245 = arith.index_cast %scan3A_233 : i32 to index
      %get3A_246 = arith.constant 16 : index
      %get3A_247 = tpu.vector_load %arg10[%get3A_245, %get3A_246] {strides = array<i32>} : memref<64x128xf32, #tpu.memory_space<vmem>>, vector<16xf32>,
      %get3A_248 = arith.index_cast %scan3A_233 : i32 to index
      %get3A_249 = arith.constant 16 : index
      %get3A_250 = tpu.vector_load %arg11[%get3A_248, %get3A_249] {strides = array<i32>} : memref<64x128xf32, #tpu.memory_space<vmem>>, vector<16xf32>,
      %mul3A_251 = arith.mulf %get3A_3, %get3A_250 : vector<16xf32>
      %add3A_252 = arith.addf %get3A_247, %mul3A_251 : vector<16xf32>
      %swap3A_253 = arith.index_cast %scan3A_233 : i32 to index
      %swap3A_254 = arith.constant 16 : index
      %swap3A_255 = tpu.vector_load %arg12[%swap3A_253, %swap3A_254] {strides = array<i32>} : memref<64x128xf32, #tpu.memory_space<vmem>>, vector<16xf32>,
      tpu.vector_store %arg12[%swap3A_253, %swap3A_254], %add3A_252 {strides = array<i32>} : memref<64x128xf32, #tpu.memory_space<vmem>>, vector<16xf32>,
      %get3A_256 = arith.index_cast %scan3A_233 : i32 to index
      %get3A_257 = arith.constant 32 : index
      %get3A_258 = tpu.vector_load %arg10[%get3A_256, %get3A_257] {strides = array<i32>} : memref<64x128xf32, #tpu.memory_space<vmem>>, vector<16xf32>,
      %get3A_259 = arith.index_cast %scan3A_233 : i32 to index
      %get3A_260 = arith.constant 32 : index
      %get3A_261 = tpu.vector_load %arg11[%get3A_259, %get3A_260] {strides = array<i32>} : memref<64x128xf32, #tpu.memory_space<vmem>>, vector<16xf32>,
      %mul3A_262 = arith.mulf %get3A_3, %get3A_261 : vector<16xf32>
      %add3A_263 = arith.addf %get3A_258, %mul3A_262 : vector<16xf32>
      %swap3A_264 = arith.index_cast %scan3A_233 : i32 to index
      %swap3A_265 = arith.constant 32 : index
      %swap3A_266 = tpu.vector_load %arg12[%swap3A_264, %swap3A_265] {strides = array<i32>} : memref<64x128xf32, #tpu.memory_space<vmem>>, vector<16xf32>,
      tpu.vector_store %arg12[%swap3A_264, %swap3A_265], %add3A_263 {strides = array<i32>} : memref<64x128xf32, #tpu.memory_space<vmem>>, vector<16xf32>,
      %get3A_267 = arith.index_cast %scan3A_233 : i32 to index
      %get3A_268 = arith.constant 48 : index
      %get3A_269 = tpu.vector_load %arg10[%get3A_267, %get3A_268] {strides = array<i32>} : memref<64x128xf32, #tpu.memory_space<vmem>>, vector<16xf32>,
      %get3A_270 = arith.index_cast %scan3A_233 : i32 to index
      %get3A_271 = arith.constant 48 : index
      %get3A_272 = tpu.vector_load %arg11[%get3A_270, %get3A_271] {strides = array<i32>} : memref<64x128xf32, #tpu.memory_space<vmem>>, vector<16xf32>,
      %mul3A_273 = arith.mulf %get3A_3, %get3A_272 : vector<16xf32>
      %add3A_274 = arith.addf %get3A_269, %mul3A_273 : vector<16xf32>
      %swap3A_275 = arith.index_cast %scan3A_233 : i32 to index
      %swap3A_276 = arith.constant 48 : index
      %swap3A_277 = tpu.vector_load %arg12[%swap3A_275, %swap3A_276] {strides = array<i32>} : memref<64x128xf32, #tpu.memory_space<vmem>>, vector<16xf32>,
      tpu.vector_store %arg12[%swap3A_275, %swap3A_276], %add3A_274 {strides = array<i32>} : memref<64x128xf32, #tpu.memory_space<vmem>>, vector<16xf32>,
      %get3A_278 = arith.index_cast %scan3A_233 : i32 to index
      %get3A_279 = arith.constant 64 : index
      %get3A_280 = tpu.vector_load %arg10[%get3A_278, %get3A_279] {strides = array<i32>} : memref<64x128xf32, #tpu.memory_space<vmem>>, vector<16xf32>,
      %get3A_281 = arith.index_cast %scan3A_233 : i32 to index
      %get3A_282 = arith.constant 64 : index
      %get3A_283 = tpu.vector_load %arg11[%get3A_281, %get3A_282] {strides = array<i32>} : memref<64x128xf32, #tpu.memory_space<vmem>>, vector<16xf32>,
      %mul3A_284 = arith.mulf %get3A_3, %get3A_283 : vector<16xf32>
      %add3A_285 = arith.addf %get3A_280, %mul3A_284 : vector<16xf32>
      %swap3A_286 = arith.index_cast %scan3A_233 : i32 to index
      %swap3A_287 = arith.constant 64 : index
      %swap3A_288 = tpu.vector_load %arg12[%swap3A_286, %swap3A_287] {strides = array<i32>} : memref<64x128xf32, #tpu.memory_space<vmem>>, vector<16xf32>,
      tpu.vector_store %arg12[%swap3A_286, %swap3A_287], %add3A_285 {strides = array<i32>} : memref<64x128xf32, #tpu.memory_space<vmem>>, vector<16xf32>,
      %get3A_289 = arith.index_cast %scan3A_233 : i32 to index
      %get3A_290 = arith.constant 80 : index
      %get3A_291 = tpu.vector_load %arg10[%get3A_289, %get3A_290] {strides = array<i32>} : memref<64x128xf32, #tpu.memory_space<vmem>>, vector<16xf32>,
      %get3A_292 = arith.index_cast %scan3A_233 : i32 to index
      %get3A_293 = arith.constant 80 : index
      %get3A_294 = tpu.vector_load %arg11[%get3A_292, %get3A_293] {strides = array<i32>} : memref<64x128xf32, #tpu.memory_space<vmem>>, vector<16xf32>,
      %mul3A_295 = arith.mulf %get3A_3, %get3A_294 : vector<16xf32>
      %add3A_296 = arith.addf %get3A_291, %mul3A_295 : vector<16xf32>
      %swap3A_297 = arith.index_cast %scan3A_233 : i32 to index
      %swap3A_298 = arith.constant 80 : index
      %swap3A_299 = tpu.vector_load %arg12[%swap3A_297, %swap3A_298] {strides = array<i32>} : memref<64x128xf32, #tpu.memory_space<vmem>>, vector<16xf32>,
      tpu.vector_store %arg12[%swap3A_297, %swap3A_298], %add3A_296 {strides = array<i32>} : memref<64x128xf32, #tpu.memory_space<vmem>>, vector<16xf32>,
      %get3A_300 = arith.index_cast %scan3A_233 : i32 to index
      %get3A_301 = arith.constant 96 : index
      %get3A_302 = tpu.vector_load %arg10[%get3A_300, %get3A_301] {strides = array<i32>} : memref<64x128xf32, #tpu.memory_space<vmem>>, vector<16xf32>,
      %get3A_303 = arith.index_cast %scan3A_233 : i32 to index
      %get3A_304 = arith.constant 96 : index
      %get3A_305 = tpu.vector_load %arg11[%get3A_303, %get3A_304] {strides = array<i32>} : memref<64x128xf32, #tpu.memory_space<vmem>>, vector<16xf32>,
      %mul3A_306 = arith.mulf %get3A_3, %get3A_305 : vector<16xf32>
      %add3A_307 = arith.addf %get3A_302, %mul3A_306 : vector<16xf32>
      %swap3A_308 = arith.index_cast %scan3A_233 : i32 to index
      %swap3A_309 = arith.constant 96 : index
      %swap3A_310 = tpu.vector_load %arg12[%swap3A_308, %swap3A_309] {strides = array<i32>} : memref<64x128xf32, #tpu.memory_space<vmem>>, vector<16xf32>,
      tpu.vector_store %arg12[%swap3A_308, %swap3A_309], %add3A_307 {strides = array<i32>} : memref<64x128xf32, #tpu.memory_space<vmem>>, vector<16xf32>,
      %get3A_311 = arith.index_cast %scan3A_233 : i32 to index
      %get3A_312 = arith.constant 112 : index
      %get3A_313 = tpu.vector_load %arg10[%get3A_311, %get3A_312] {strides = array<i32>} : memref<64x128xf32, #tpu.memory_space<vmem>>, vector<16xf32>,
      %get3A_314 = arith.index_cast %scan3A_233 : i32 to index
      %get3A_315 = arith.constant 112 : index
      %get3A_316 = tpu.vector_load %arg11[%get3A_314, %get3A_315] {strides = array<i32>} : memref<64x128xf32, #tpu.memory_space<vmem>>, vector<16xf32>,
      %mul3A_317 = arith.mulf %get3A_3, %get3A_316 : vector<16xf32>
      %add3A_318 = arith.addf %get3A_313, %mul3A_317 : vector<16xf32>
      %swap3A_319 = arith.index_cast %scan3A_233 : i32 to index
      %swap3A_320 = arith.constant 112 : index
      %swap3A_321 = tpu.vector_load %arg12[%swap3A_319, %swap3A_320] {strides = array<i32>} : memref<64x128xf32, #tpu.memory_space<vmem>>, vector<16xf32>,
      tpu.vector_store %arg12[%swap3A_319, %swap3A_320], %add3A_318 {strides = array<i32>} : memref<64x128xf32, #tpu.memory_space<vmem>>, vector<16xf32>,
      %scan3A_322 = arith.constant 0 : i32
      scf.yield %scan3A_322 : i32
    }
    %scan3A_114 = arith.constant 64 : i32
    %add3A_115 = arith.constant 192 : i32
    %add3A_116 = arith.addi %mul3A_2, %add3A_115 : i32
    "tpu.region"() ({
      %run_scoped3A = tpu.sem_alloc : memref<!tpu.dma_semaphore, #tpu.memory_space<semaphore_mem>>
      %dma_start3A_233 = arith.constant 0 : i32
      %dma_start3A_234 = tpu.memref_slice %arg6[%add3A_116, %dma_start3A_233] : memref<16384x128xf32, #tpu.memory_space<hbm>> -> memref<64x128xf32, #tpu.memory_space<hbm>>
      %dma_start3A_235 = arith.constant 0 : i32
      %dma_start3A_236 = tpu.memref_slice %arg6[%add3A_116, %dma_start3A_235] : memref<16384x128xf32, #tpu.memory_space<hbm>> -> memref<64x128xf32, #tpu.memory_space<hbm>>
      tpu.enqueue_dma source(%arg12 : memref<64x128xf32, #tpu.memory_space<vmem>>) target(%dma_start3A_236 : memref<64x128xf32, #tpu.memory_space<hbm>>) target_semaphore(%run_scoped3A : memref<!tpu.dma_semaphore, #tpu.memory_space<semaphore_mem>>)
      %dma_wait3A_237 = arith.constant 0 : i32
      %dma_wait3A_238 = tpu.memref_slice %arg6[%add3A_116, %dma_wait3A_237] : memref<16384x128xf32, #tpu.memory_space<hbm>> -> memref<64x128xf32, #tpu.memory_space<hbm>>
      %dma_wait3A_239 = arith.constant 0 : i32
      %dma_wait3A_240 = tpu.memref_slice %arg6[%add3A_116, %dma_wait3A_239] : memref<16384x128xf32, #tpu.memory_space<hbm>> -> memref<64x128xf32, #tpu.memory_space<hbm>>
      tpu.wait_dma2 semaphore(%run_scoped3A : memref<!tpu.dma_semaphore, #tpu.memory_space<semaphore_mem>>) src(%arg12 : memref<64x128xf32, #tpu.memory_space<vmem>>) dst(%dma_wait3A_240 : memref<64x128xf32, #tpu.memory_space<hbm>>)
      tpu.yield
    }) : () -> ()
    %dma_start3A_117 = arith.constant 256 : i32
    %dma_start3A_118 = tpu.memref_slice %arg7[%dma_start3A_117] : memref<512xi32, #tpu.memory_space<vmem>> -> memref<64xi32, #tpu.memory_space<vmem>>
    %dma_start3A_119 = arith.constant 0 : i32
    %dma_start3A_120 = arith.constant 0 : i32
    %dma_start3A_121 = tpu.memref_slice %arg5[%dma_start3A_119, %dma_start3A_120] : memref<100000x128xf32, #tpu.memory_space<hbm>> -> memref<100000x128xf32, #tpu.memory_space<hbm>>
    tpu.enqueue_indirect_dma source(%dma_start3A_121 : memref<100000x128xf32, #tpu.memory_space<hbm>>) target(%arg10 : memref<64x128xf32, #tpu.memory_space<vmem>>) offsets(%dma_start3A_118 : memref<64xi32, #tpu.memory_space<vmem>>) semaphore(%arg13 : memref<!tpu.dma_semaphore, #tpu.memory_space<semaphore_mem>>)
    %dma_start3A_122 = arith.constant 256 : i32
    %dma_start3A_123 = tpu.memref_slice %arg8[%dma_start3A_122] : memref<512xi32, #tpu.memory_space<vmem>> -> memref<64xi32, #tpu.memory_space<vmem>>
    %dma_start3A_124 = arith.constant 0 : i32
    %dma_start3A_125 = arith.constant 0 : i32
    %dma_start3A_126 = tpu.memref_slice %arg5[%dma_start3A_124, %dma_start3A_125] : memref<100000x128xf32, #tpu.memory_space<hbm>> -> memref<100000x128xf32, #tpu.memory_space<hbm>>
    tpu.enqueue_indirect_dma source(%dma_start3A_126 : memref<100000x128xf32, #tpu.memory_space<hbm>>) target(%arg11 : memref<64x128xf32, #tpu.memory_space<vmem>>) offsets(%dma_start3A_123 : memref<64xi32, #tpu.memory_space<vmem>>) semaphore(%arg13 : memref<!tpu.dma_semaphore, #tpu.memory_space<semaphore_mem>>)
    %dma_wait3A_127 = arith.constant 256 : i32
    %dma_wait3A_128 = tpu.memref_slice %arg7[%dma_wait3A_127] : memref<512xi32, #tpu.memory_space<vmem>> -> memref<64xi32, #tpu.memory_space<vmem>>
    %dma_wait3A_129 = arith.constant 0 : i32
    %dma_wait3A_130 = arith.constant 0 : i32
    %dma_wait3A_131 = tpu.memref_slice %arg5[%dma_wait3A_129, %dma_wait3A_130] : memref<100000x128xf32, #tpu.memory_space<hbm>> -> memref<100000x128xf32, #tpu.memory_space<hbm>>
    tpu.wait_indirect_dma semaphore(%arg13 : memref<!tpu.dma_semaphore, #tpu.memory_space<semaphore_mem>>) src(%dma_wait3A_131 : memref<100000x128xf32, #tpu.memory_space<hbm>>) dst(%arg10 : memref<64x128xf32, #tpu.memory_space<vmem>>)
    %dma_wait3A_132 = arith.constant 256 : i32
    %dma_wait3A_133 = tpu.memref_slice %arg8[%dma_wait3A_132] : memref<512xi32, #tpu.memory_space<vmem>> -> memref<64xi32, #tpu.memory_space<vmem>>
    %dma_wait3A_134 = arith.constant 0 : i32
    %dma_wait3A_135 = arith.constant 0 : i32
    %dma_wait3A_136 = tpu.memref_slice %arg5[%dma_wait3A_134, %dma_wait3A_135] : memref<100000x128xf32, #tpu.memory_space<hbm>> -> memref<100000x128xf32, #tpu.memory_space<hbm>>
    tpu.wait_indirect_dma semaphore(%arg13 : memref<!tpu.dma_semaphore, #tpu.memory_space<semaphore_mem>>) src(%dma_wait3A_136 : memref<100000x128xf32, #tpu.memory_space<hbm>>) dst(%arg11 : memref<64x128xf32, #tpu.memory_space<vmem>>)
    %scan3A_137 = arith.constant 0 : i32
    %scan3A_138 = arith.constant 0 : i32
    %scan3A_139 = arith.constant 64 : i32
    %scan3A_140 = arith.addi %scan3A_138, %scan3A_139 : i32
    %scan3A_141 = arith.constant 1 : i32
    %scan3A_142 = scf.for %scan3A_233 = %scan3A_138 to %scan3A_140 step %scan3A_141 iter_args(%scan3A_234 = %scan3A_137) -> (i32)  : i32 {
      %get3A_235 = arith.index_cast %scan3A_233 : i32 to index
      %get3A_236 = arith.constant 0 : index
      %get3A_237 = tpu.vector_load %arg10[%get3A_235, %get3A_236] {strides = array<i32>} : memref<64x128xf32, #tpu.memory_space<vmem>>, vector<16xf32>,
      %get3A_238 = arith.index_cast %scan3A_233 : i32 to index
      %get3A_239 = arith.constant 0 : index
      %get3A_240 = tpu.vector_load %arg11[%get3A_238, %get3A_239] {strides = array<i32>} : memref<64x128xf32, #tpu.memory_space<vmem>>, vector<16xf32>,
      %mul3A_241 = arith.mulf %get3A_3, %get3A_240 : vector<16xf32>
      %add3A_242 = arith.addf %get3A_237, %mul3A_241 : vector<16xf32>
      %swap3A = arith.index_cast %scan3A_233 : i32 to index
      %swap3A_243 = arith.constant 0 : index
      %swap3A_244 = tpu.vector_load %arg12[%swap3A, %swap3A_243] {strides = array<i32>} : memref<64x128xf32, #tpu.memory_space<vmem>>, vector<16xf32>,
      tpu.vector_store %arg12[%swap3A, %swap3A_243], %add3A_242 {strides = array<i32>} : memref<64x128xf32, #tpu.memory_space<vmem>>, vector<16xf32>,
      %get3A_245 = arith.index_cast %scan3A_233 : i32 to index
      %get3A_246 = arith.constant 16 : index
      %get3A_247 = tpu.vector_load %arg10[%get3A_245, %get3A_246] {strides = array<i32>} : memref<64x128xf32, #tpu.memory_space<vmem>>, vector<16xf32>,
      %get3A_248 = arith.index_cast %scan3A_233 : i32 to index
      %get3A_249 = arith.constant 16 : index
      %get3A_250 = tpu.vector_load %arg11[%get3A_248, %get3A_249] {strides = array<i32>} : memref<64x128xf32, #tpu.memory_space<vmem>>, vector<16xf32>,
      %mul3A_251 = arith.mulf %get3A_3, %get3A_250 : vector<16xf32>
      %add3A_252 = arith.addf %get3A_247, %mul3A_251 : vector<16xf32>
      %swap3A_253 = arith.index_cast %scan3A_233 : i32 to index
      %swap3A_254 = arith.constant 16 : index
      %swap3A_255 = tpu.vector_load %arg12[%swap3A_253, %swap3A_254] {strides = array<i32>} : memref<64x128xf32, #tpu.memory_space<vmem>>, vector<16xf32>,
      tpu.vector_store %arg12[%swap3A_253, %swap3A_254], %add3A_252 {strides = array<i32>} : memref<64x128xf32, #tpu.memory_space<vmem>>, vector<16xf32>,
      %get3A_256 = arith.index_cast %scan3A_233 : i32 to index
      %get3A_257 = arith.constant 32 : index
      %get3A_258 = tpu.vector_load %arg10[%get3A_256, %get3A_257] {strides = array<i32>} : memref<64x128xf32, #tpu.memory_space<vmem>>, vector<16xf32>,
      %get3A_259 = arith.index_cast %scan3A_233 : i32 to index
      %get3A_260 = arith.constant 32 : index
      %get3A_261 = tpu.vector_load %arg11[%get3A_259, %get3A_260] {strides = array<i32>} : memref<64x128xf32, #tpu.memory_space<vmem>>, vector<16xf32>,
      %mul3A_262 = arith.mulf %get3A_3, %get3A_261 : vector<16xf32>
      %add3A_263 = arith.addf %get3A_258, %mul3A_262 : vector<16xf32>
      %swap3A_264 = arith.index_cast %scan3A_233 : i32 to index
      %swap3A_265 = arith.constant 32 : index
      %swap3A_266 = tpu.vector_load %arg12[%swap3A_264, %swap3A_265] {strides = array<i32>} : memref<64x128xf32, #tpu.memory_space<vmem>>, vector<16xf32>,
      tpu.vector_store %arg12[%swap3A_264, %swap3A_265], %add3A_263 {strides = array<i32>} : memref<64x128xf32, #tpu.memory_space<vmem>>, vector<16xf32>,
      %get3A_267 = arith.index_cast %scan3A_233 : i32 to index
      %get3A_268 = arith.constant 48 : index
      %get3A_269 = tpu.vector_load %arg10[%get3A_267, %get3A_268] {strides = array<i32>} : memref<64x128xf32, #tpu.memory_space<vmem>>, vector<16xf32>,
      %get3A_270 = arith.index_cast %scan3A_233 : i32 to index
      %get3A_271 = arith.constant 48 : index
      %get3A_272 = tpu.vector_load %arg11[%get3A_270, %get3A_271] {strides = array<i32>} : memref<64x128xf32, #tpu.memory_space<vmem>>, vector<16xf32>,
      %mul3A_273 = arith.mulf %get3A_3, %get3A_272 : vector<16xf32>
      %add3A_274 = arith.addf %get3A_269, %mul3A_273 : vector<16xf32>
      %swap3A_275 = arith.index_cast %scan3A_233 : i32 to index
      %swap3A_276 = arith.constant 48 : index
      %swap3A_277 = tpu.vector_load %arg12[%swap3A_275, %swap3A_276] {strides = array<i32>} : memref<64x128xf32, #tpu.memory_space<vmem>>, vector<16xf32>,
      tpu.vector_store %arg12[%swap3A_275, %swap3A_276], %add3A_274 {strides = array<i32>} : memref<64x128xf32, #tpu.memory_space<vmem>>, vector<16xf32>,
      %get3A_278 = arith.index_cast %scan3A_233 : i32 to index
      %get3A_279 = arith.constant 64 : index
      %get3A_280 = tpu.vector_load %arg10[%get3A_278, %get3A_279] {strides = array<i32>} : memref<64x128xf32, #tpu.memory_space<vmem>>, vector<16xf32>,
      %get3A_281 = arith.index_cast %scan3A_233 : i32 to index
      %get3A_282 = arith.constant 64 : index
      %get3A_283 = tpu.vector_load %arg11[%get3A_281, %get3A_282] {strides = array<i32>} : memref<64x128xf32, #tpu.memory_space<vmem>>, vector<16xf32>,
      %mul3A_284 = arith.mulf %get3A_3, %get3A_283 : vector<16xf32>
      %add3A_285 = arith.addf %get3A_280, %mul3A_284 : vector<16xf32>
      %swap3A_286 = arith.index_cast %scan3A_233 : i32 to index
      %swap3A_287 = arith.constant 64 : index
      %swap3A_288 = tpu.vector_load %arg12[%swap3A_286, %swap3A_287] {strides = array<i32>} : memref<64x128xf32, #tpu.memory_space<vmem>>, vector<16xf32>,
      tpu.vector_store %arg12[%swap3A_286, %swap3A_287], %add3A_285 {strides = array<i32>} : memref<64x128xf32, #tpu.memory_space<vmem>>, vector<16xf32>,
      %get3A_289 = arith.index_cast %scan3A_233 : i32 to index
      %get3A_290 = arith.constant 80 : index
      %get3A_291 = tpu.vector_load %arg10[%get3A_289, %get3A_290] {strides = array<i32>} : memref<64x128xf32, #tpu.memory_space<vmem>>, vector<16xf32>,
      %get3A_292 = arith.index_cast %scan3A_233 : i32 to index
      %get3A_293 = arith.constant 80 : index
      %get3A_294 = tpu.vector_load %arg11[%get3A_292, %get3A_293] {strides = array<i32>} : memref<64x128xf32, #tpu.memory_space<vmem>>, vector<16xf32>,
      %mul3A_295 = arith.mulf %get3A_3, %get3A_294 : vector<16xf32>
      %add3A_296 = arith.addf %get3A_291, %mul3A_295 : vector<16xf32>
      %swap3A_297 = arith.index_cast %scan3A_233 : i32 to index
      %swap3A_298 = arith.constant 80 : index
      %swap3A_299 = tpu.vector_load %arg12[%swap3A_297, %swap3A_298] {strides = array<i32>} : memref<64x128xf32, #tpu.memory_space<vmem>>, vector<16xf32>,
      tpu.vector_store %arg12[%swap3A_297, %swap3A_298], %add3A_296 {strides = array<i32>} : memref<64x128xf32, #tpu.memory_space<vmem>>, vector<16xf32>,
      %get3A_300 = arith.index_cast %scan3A_233 : i32 to index
      %get3A_301 = arith.constant 96 : index
      %get3A_302 = tpu.vector_load %arg10[%get3A_300, %get3A_301] {strides = array<i32>} : memref<64x128xf32, #tpu.memory_space<vmem>>, vector<16xf32>,
      %get3A_303 = arith.index_cast %scan3A_233 : i32 to index
      %get3A_304 = arith.constant 96 : index
      %get3A_305 = tpu.vector_load %arg11[%get3A_303, %get3A_304] {strides = array<i32>} : memref<64x128xf32, #tpu.memory_space<vmem>>, vector<16xf32>,
      %mul3A_306 = arith.mulf %get3A_3, %get3A_305 : vector<16xf32>
      %add3A_307 = arith.addf %get3A_302, %mul3A_306 : vector<16xf32>
      %swap3A_308 = arith.index_cast %scan3A_233 : i32 to index
      %swap3A_309 = arith.constant 96 : index
      %swap3A_310 = tpu.vector_load %arg12[%swap3A_308, %swap3A_309] {strides = array<i32>} : memref<64x128xf32, #tpu.memory_space<vmem>>, vector<16xf32>,
      tpu.vector_store %arg12[%swap3A_308, %swap3A_309], %add3A_307 {strides = array<i32>} : memref<64x128xf32, #tpu.memory_space<vmem>>, vector<16xf32>,
      %get3A_311 = arith.index_cast %scan3A_233 : i32 to index
      %get3A_312 = arith.constant 112 : index
      %get3A_313 = tpu.vector_load %arg10[%get3A_311, %get3A_312] {strides = array<i32>} : memref<64x128xf32, #tpu.memory_space<vmem>>, vector<16xf32>,
      %get3A_314 = arith.index_cast %scan3A_233 : i32 to index
      %get3A_315 = arith.constant 112 : index
      %get3A_316 = tpu.vector_load %arg11[%get3A_314, %get3A_315] {strides = array<i32>} : memref<64x128xf32, #tpu.memory_space<vmem>>, vector<16xf32>,
      %mul3A_317 = arith.mulf %get3A_3, %get3A_316 : vector<16xf32>
      %add3A_318 = arith.addf %get3A_313, %mul3A_317 : vector<16xf32>
      %swap3A_319 = arith.index_cast %scan3A_233 : i32 to index
      %swap3A_320 = arith.constant 112 : index
      %swap3A_321 = tpu.vector_load %arg12[%swap3A_319, %swap3A_320] {strides = array<i32>} : memref<64x128xf32, #tpu.memory_space<vmem>>, vector<16xf32>,
      tpu.vector_store %arg12[%swap3A_319, %swap3A_320], %add3A_318 {strides = array<i32>} : memref<64x128xf32, #tpu.memory_space<vmem>>, vector<16xf32>,
      %scan3A_322 = arith.constant 0 : i32
      scf.yield %scan3A_322 : i32
    }
    %scan3A_143 = arith.constant 64 : i32
    %add3A_144 = arith.constant 256 : i32
    %add3A_145 = arith.addi %mul3A_2, %add3A_144 : i32
    "tpu.region"() ({
      %run_scoped3A = tpu.sem_alloc : memref<!tpu.dma_semaphore, #tpu.memory_space<semaphore_mem>>
      %dma_start3A_233 = arith.constant 0 : i32
      %dma_start3A_234 = tpu.memref_slice %arg6[%add3A_145, %dma_start3A_233] : memref<16384x128xf32, #tpu.memory_space<hbm>> -> memref<64x128xf32, #tpu.memory_space<hbm>>
      %dma_start3A_235 = arith.constant 0 : i32
      %dma_start3A_236 = tpu.memref_slice %arg6[%add3A_145, %dma_start3A_235] : memref<16384x128xf32, #tpu.memory_space<hbm>> -> memref<64x128xf32, #tpu.memory_space<hbm>>
      tpu.enqueue_dma source(%arg12 : memref<64x128xf32, #tpu.memory_space<vmem>>) target(%dma_start3A_236 : memref<64x128xf32, #tpu.memory_space<hbm>>) target_semaphore(%run_scoped3A : memref<!tpu.dma_semaphore, #tpu.memory_space<semaphore_mem>>)
      %dma_wait3A_237 = arith.constant 0 : i32
      %dma_wait3A_238 = tpu.memref_slice %arg6[%add3A_145, %dma_wait3A_237] : memref<16384x128xf32, #tpu.memory_space<hbm>> -> memref<64x128xf32, #tpu.memory_space<hbm>>
      %dma_wait3A_239 = arith.constant 0 : i32
      %dma_wait3A_240 = tpu.memref_slice %arg6[%add3A_145, %dma_wait3A_239] : memref<16384x128xf32, #tpu.memory_space<hbm>> -> memref<64x128xf32, #tpu.memory_space<hbm>>
      tpu.wait_dma2 semaphore(%run_scoped3A : memref<!tpu.dma_semaphore, #tpu.memory_space<semaphore_mem>>) src(%arg12 : memref<64x128xf32, #tpu.memory_space<vmem>>) dst(%dma_wait3A_240 : memref<64x128xf32, #tpu.memory_space<hbm>>)
      tpu.yield
    }) : () -> ()
    %dma_start3A_146 = arith.constant 320 : i32
    %dma_start3A_147 = tpu.memref_slice %arg7[%dma_start3A_146] : memref<512xi32, #tpu.memory_space<vmem>> -> memref<64xi32, #tpu.memory_space<vmem>>
    %dma_start3A_148 = arith.constant 0 : i32
    %dma_start3A_149 = arith.constant 0 : i32
    %dma_start3A_150 = tpu.memref_slice %arg5[%dma_start3A_148, %dma_start3A_149] : memref<100000x128xf32, #tpu.memory_space<hbm>> -> memref<100000x128xf32, #tpu.memory_space<hbm>>
    tpu.enqueue_indirect_dma source(%dma_start3A_150 : memref<100000x128xf32, #tpu.memory_space<hbm>>) target(%arg10 : memref<64x128xf32, #tpu.memory_space<vmem>>) offsets(%dma_start3A_147 : memref<64xi32, #tpu.memory_space<vmem>>) semaphore(%arg13 : memref<!tpu.dma_semaphore, #tpu.memory_space<semaphore_mem>>)
    %dma_start3A_151 = arith.constant 320 : i32
    %dma_start3A_152 = tpu.memref_slice %arg8[%dma_start3A_151] : memref<512xi32, #tpu.memory_space<vmem>> -> memref<64xi32, #tpu.memory_space<vmem>>
    %dma_start3A_153 = arith.constant 0 : i32
    %dma_start3A_154 = arith.constant 0 : i32
    %dma_start3A_155 = tpu.memref_slice %arg5[%dma_start3A_153, %dma_start3A_154] : memref<100000x128xf32, #tpu.memory_space<hbm>> -> memref<100000x128xf32, #tpu.memory_space<hbm>>
    tpu.enqueue_indirect_dma source(%dma_start3A_155 : memref<100000x128xf32, #tpu.memory_space<hbm>>) target(%arg11 : memref<64x128xf32, #tpu.memory_space<vmem>>) offsets(%dma_start3A_152 : memref<64xi32, #tpu.memory_space<vmem>>) semaphore(%arg13 : memref<!tpu.dma_semaphore, #tpu.memory_space<semaphore_mem>>)
    %dma_wait3A_156 = arith.constant 320 : i32
    %dma_wait3A_157 = tpu.memref_slice %arg7[%dma_wait3A_156] : memref<512xi32, #tpu.memory_space<vmem>> -> memref<64xi32, #tpu.memory_space<vmem>>
    %dma_wait3A_158 = arith.constant 0 : i32
    %dma_wait3A_159 = arith.constant 0 : i32
    %dma_wait3A_160 = tpu.memref_slice %arg5[%dma_wait3A_158, %dma_wait3A_159] : memref<100000x128xf32, #tpu.memory_space<hbm>> -> memref<100000x128xf32, #tpu.memory_space<hbm>>
    tpu.wait_indirect_dma semaphore(%arg13 : memref<!tpu.dma_semaphore, #tpu.memory_space<semaphore_mem>>) src(%dma_wait3A_160 : memref<100000x128xf32, #tpu.memory_space<hbm>>) dst(%arg10 : memref<64x128xf32, #tpu.memory_space<vmem>>)
    %dma_wait3A_161 = arith.constant 320 : i32
    %dma_wait3A_162 = tpu.memref_slice %arg8[%dma_wait3A_161] : memref<512xi32, #tpu.memory_space<vmem>> -> memref<64xi32, #tpu.memory_space<vmem>>
    %dma_wait3A_163 = arith.constant 0 : i32
    %dma_wait3A_164 = arith.constant 0 : i32
    %dma_wait3A_165 = tpu.memref_slice %arg5[%dma_wait3A_163, %dma_wait3A_164] : memref<100000x128xf32, #tpu.memory_space<hbm>> -> memref<100000x128xf32, #tpu.memory_space<hbm>>
    tpu.wait_indirect_dma semaphore(%arg13 : memref<!tpu.dma_semaphore, #tpu.memory_space<semaphore_mem>>) src(%dma_wait3A_165 : memref<100000x128xf32, #tpu.memory_space<hbm>>) dst(%arg11 : memref<64x128xf32, #tpu.memory_space<vmem>>)
    %scan3A_166 = arith.constant 0 : i32
    %scan3A_167 = arith.constant 0 : i32
    %scan3A_168 = arith.constant 64 : i32
    %scan3A_169 = arith.addi %scan3A_167, %scan3A_168 : i32
    %scan3A_170 = arith.constant 1 : i32
    %scan3A_171 = scf.for %scan3A_233 = %scan3A_167 to %scan3A_169 step %scan3A_170 iter_args(%scan3A_234 = %scan3A_166) -> (i32)  : i32 {
      %get3A_235 = arith.index_cast %scan3A_233 : i32 to index
      %get3A_236 = arith.constant 0 : index
      %get3A_237 = tpu.vector_load %arg10[%get3A_235, %get3A_236] {strides = array<i32>} : memref<64x128xf32, #tpu.memory_space<vmem>>, vector<16xf32>,
      %get3A_238 = arith.index_cast %scan3A_233 : i32 to index
      %get3A_239 = arith.constant 0 : index
      %get3A_240 = tpu.vector_load %arg11[%get3A_238, %get3A_239] {strides = array<i32>} : memref<64x128xf32, #tpu.memory_space<vmem>>, vector<16xf32>,
      %mul3A_241 = arith.mulf %get3A_3, %get3A_240 : vector<16xf32>
      %add3A_242 = arith.addf %get3A_237, %mul3A_241 : vector<16xf32>
      %swap3A = arith.index_cast %scan3A_233 : i32 to index
      %swap3A_243 = arith.constant 0 : index
      %swap3A_244 = tpu.vector_load %arg12[%swap3A, %swap3A_243] {strides = array<i32>} : memref<64x128xf32, #tpu.memory_space<vmem>>, vector<16xf32>,
      tpu.vector_store %arg12[%swap3A, %swap3A_243], %add3A_242 {strides = array<i32>} : memref<64x128xf32, #tpu.memory_space<vmem>>, vector<16xf32>,
      %get3A_245 = arith.index_cast %scan3A_233 : i32 to index
      %get3A_246 = arith.constant 16 : index
      %get3A_247 = tpu.vector_load %arg10[%get3A_245, %get3A_246] {strides = array<i32>} : memref<64x128xf32, #tpu.memory_space<vmem>>, vector<16xf32>,
      %get3A_248 = arith.index_cast %scan3A_233 : i32 to index
      %get3A_249 = arith.constant 16 : index
      %get3A_250 = tpu.vector_load %arg11[%get3A_248, %get3A_249] {strides = array<i32>} : memref<64x128xf32, #tpu.memory_space<vmem>>, vector<16xf32>,
      %mul3A_251 = arith.mulf %get3A_3, %get3A_250 : vector<16xf32>
      %add3A_252 = arith.addf %get3A_247, %mul3A_251 : vector<16xf32>
      %swap3A_253 = arith.index_cast %scan3A_233 : i32 to index
      %swap3A_254 = arith.constant 16 : index
      %swap3A_255 = tpu.vector_load %arg12[%swap3A_253, %swap3A_254] {strides = array<i32>} : memref<64x128xf32, #tpu.memory_space<vmem>>, vector<16xf32>,
      tpu.vector_store %arg12[%swap3A_253, %swap3A_254], %add3A_252 {strides = array<i32>} : memref<64x128xf32, #tpu.memory_space<vmem>>, vector<16xf32>,
      %get3A_256 = arith.index_cast %scan3A_233 : i32 to index
      %get3A_257 = arith.constant 32 : index
      %get3A_258 = tpu.vector_load %arg10[%get3A_256, %get3A_257] {strides = array<i32>} : memref<64x128xf32, #tpu.memory_space<vmem>>, vector<16xf32>,
      %get3A_259 = arith.index_cast %scan3A_233 : i32 to index
      %get3A_260 = arith.constant 32 : index
      %get3A_261 = tpu.vector_load %arg11[%get3A_259, %get3A_260] {strides = array<i32>} : memref<64x128xf32, #tpu.memory_space<vmem>>, vector<16xf32>,
      %mul3A_262 = arith.mulf %get3A_3, %get3A_261 : vector<16xf32>
      %add3A_263 = arith.addf %get3A_258, %mul3A_262 : vector<16xf32>
      %swap3A_264 = arith.index_cast %scan3A_233 : i32 to index
      %swap3A_265 = arith.constant 32 : index
      %swap3A_266 = tpu.vector_load %arg12[%swap3A_264, %swap3A_265] {strides = array<i32>} : memref<64x128xf32, #tpu.memory_space<vmem>>, vector<16xf32>,
      tpu.vector_store %arg12[%swap3A_264, %swap3A_265], %add3A_263 {strides = array<i32>} : memref<64x128xf32, #tpu.memory_space<vmem>>, vector<16xf32>,
      %get3A_267 = arith.index_cast %scan3A_233 : i32 to index
      %get3A_268 = arith.constant 48 : index
      %get3A_269 = tpu.vector_load %arg10[%get3A_267, %get3A_268] {strides = array<i32>} : memref<64x128xf32, #tpu.memory_space<vmem>>, vector<16xf32>,
      %get3A_270 = arith.index_cast %scan3A_233 : i32 to index
      %get3A_271 = arith.constant 48 : index
      %get3A_272 = tpu.vector_load %arg11[%get3A_270, %get3A_271] {strides = array<i32>} : memref<64x128xf32, #tpu.memory_space<vmem>>, vector<16xf32>,
      %mul3A_273 = arith.mulf %get3A_3, %get3A_272 : vector<16xf32>
      %add3A_274 = arith.addf %get3A_269, %mul3A_273 : vector<16xf32>
      %swap3A_275 = arith.index_cast %scan3A_233 : i32 to index
      %swap3A_276 = arith.constant 48 : index
      %swap3A_277 = tpu.vector_load %arg12[%swap3A_275, %swap3A_276] {strides = array<i32>} : memref<64x128xf32, #tpu.memory_space<vmem>>, vector<16xf32>,
      tpu.vector_store %arg12[%swap3A_275, %swap3A_276], %add3A_274 {strides = array<i32>} : memref<64x128xf32, #tpu.memory_space<vmem>>, vector<16xf32>,
      %get3A_278 = arith.index_cast %scan3A_233 : i32 to index
      %get3A_279 = arith.constant 64 : index
      %get3A_280 = tpu.vector_load %arg10[%get3A_278, %get3A_279] {strides = array<i32>} : memref<64x128xf32, #tpu.memory_space<vmem>>, vector<16xf32>,
      %get3A_281 = arith.index_cast %scan3A_233 : i32 to index
      %get3A_282 = arith.constant 64 : index
      %get3A_283 = tpu.vector_load %arg11[%get3A_281, %get3A_282] {strides = array<i32>} : memref<64x128xf32, #tpu.memory_space<vmem>>, vector<16xf32>,
      %mul3A_284 = arith.mulf %get3A_3, %get3A_283 : vector<16xf32>
      %add3A_285 = arith.addf %get3A_280, %mul3A_284 : vector<16xf32>
      %swap3A_286 = arith.index_cast %scan3A_233 : i32 to index
      %swap3A_287 = arith.constant 64 : index
      %swap3A_288 = tpu.vector_load %arg12[%swap3A_286, %swap3A_287] {strides = array<i32>} : memref<64x128xf32, #tpu.memory_space<vmem>>, vector<16xf32>,
      tpu.vector_store %arg12[%swap3A_286, %swap3A_287], %add3A_285 {strides = array<i32>} : memref<64x128xf32, #tpu.memory_space<vmem>>, vector<16xf32>,
      %get3A_289 = arith.index_cast %scan3A_233 : i32 to index
      %get3A_290 = arith.constant 80 : index
      %get3A_291 = tpu.vector_load %arg10[%get3A_289, %get3A_290] {strides = array<i32>} : memref<64x128xf32, #tpu.memory_space<vmem>>, vector<16xf32>,
      %get3A_292 = arith.index_cast %scan3A_233 : i32 to index
      %get3A_293 = arith.constant 80 : index
      %get3A_294 = tpu.vector_load %arg11[%get3A_292, %get3A_293] {strides = array<i32>} : memref<64x128xf32, #tpu.memory_space<vmem>>, vector<16xf32>,
      %mul3A_295 = arith.mulf %get3A_3, %get3A_294 : vector<16xf32>
      %add3A_296 = arith.addf %get3A_291, %mul3A_295 : vector<16xf32>
      %swap3A_297 = arith.index_cast %scan3A_233 : i32 to index
      %swap3A_298 = arith.constant 80 : index
      %swap3A_299 = tpu.vector_load %arg12[%swap3A_297, %swap3A_298] {strides = array<i32>} : memref<64x128xf32, #tpu.memory_space<vmem>>, vector<16xf32>,
      tpu.vector_store %arg12[%swap3A_297, %swap3A_298], %add3A_296 {strides = array<i32>} : memref<64x128xf32, #tpu.memory_space<vmem>>, vector<16xf32>,
      %get3A_300 = arith.index_cast %scan3A_233 : i32 to index
      %get3A_301 = arith.constant 96 : index
      %get3A_302 = tpu.vector_load %arg10[%get3A_300, %get3A_301] {strides = array<i32>} : memref<64x128xf32, #tpu.memory_space<vmem>>, vector<16xf32>,
      %get3A_303 = arith.index_cast %scan3A_233 : i32 to index
      %get3A_304 = arith.constant 96 : index
      %get3A_305 = tpu.vector_load %arg11[%get3A_303, %get3A_304] {strides = array<i32>} : memref<64x128xf32, #tpu.memory_space<vmem>>, vector<16xf32>,
      %mul3A_306 = arith.mulf %get3A_3, %get3A_305 : vector<16xf32>
      %add3A_307 = arith.addf %get3A_302, %mul3A_306 : vector<16xf32>
      %swap3A_308 = arith.index_cast %scan3A_233 : i32 to index
      %swap3A_309 = arith.constant 96 : index
      %swap3A_310 = tpu.vector_load %arg12[%swap3A_308, %swap3A_309] {strides = array<i32>} : memref<64x128xf32, #tpu.memory_space<vmem>>, vector<16xf32>,
      tpu.vector_store %arg12[%swap3A_308, %swap3A_309], %add3A_307 {strides = array<i32>} : memref<64x128xf32, #tpu.memory_space<vmem>>, vector<16xf32>,
      %get3A_311 = arith.index_cast %scan3A_233 : i32 to index
      %get3A_312 = arith.constant 112 : index
      %get3A_313 = tpu.vector_load %arg10[%get3A_311, %get3A_312] {strides = array<i32>} : memref<64x128xf32, #tpu.memory_space<vmem>>, vector<16xf32>,
      %get3A_314 = arith.index_cast %scan3A_233 : i32 to index
      %get3A_315 = arith.constant 112 : index
      %get3A_316 = tpu.vector_load %arg11[%get3A_314, %get3A_315] {strides = array<i32>} : memref<64x128xf32, #tpu.memory_space<vmem>>, vector<16xf32>,
      %mul3A_317 = arith.mulf %get3A_3, %get3A_316 : vector<16xf32>
      %add3A_318 = arith.addf %get3A_313, %mul3A_317 : vector<16xf32>
      %swap3A_319 = arith.index_cast %scan3A_233 : i32 to index
      %swap3A_320 = arith.constant 112 : index
      %swap3A_321 = tpu.vector_load %arg12[%swap3A_319, %swap3A_320] {strides = array<i32>} : memref<64x128xf32, #tpu.memory_space<vmem>>, vector<16xf32>,
      tpu.vector_store %arg12[%swap3A_319, %swap3A_320], %add3A_318 {strides = array<i32>} : memref<64x128xf32, #tpu.memory_space<vmem>>, vector<16xf32>,
      %scan3A_322 = arith.constant 0 : i32
      scf.yield %scan3A_322 : i32
    }
    %scan3A_172 = arith.constant 64 : i32
    %add3A_173 = arith.constant 320 : i32
    %add3A_174 = arith.addi %mul3A_2, %add3A_173 : i32
    "tpu.region"() ({
      %run_scoped3A = tpu.sem_alloc : memref<!tpu.dma_semaphore, #tpu.memory_space<semaphore_mem>>
      %dma_start3A_233 = arith.constant 0 : i32
      %dma_start3A_234 = tpu.memref_slice %arg6[%add3A_174, %dma_start3A_233] : memref<16384x128xf32, #tpu.memory_space<hbm>> -> memref<64x128xf32, #tpu.memory_space<hbm>>
      %dma_start3A_235 = arith.constant 0 : i32
      %dma_start3A_236 = tpu.memref_slice %arg6[%add3A_174, %dma_start3A_235] : memref<16384x128xf32, #tpu.memory_space<hbm>> -> memref<64x128xf32, #tpu.memory_space<hbm>>
      tpu.enqueue_dma source(%arg12 : memref<64x128xf32, #tpu.memory_space<vmem>>) target(%dma_start3A_236 : memref<64x128xf32, #tpu.memory_space<hbm>>) target_semaphore(%run_scoped3A : memref<!tpu.dma_semaphore, #tpu.memory_space<semaphore_mem>>)
      %dma_wait3A_237 = arith.constant 0 : i32
      %dma_wait3A_238 = tpu.memref_slice %arg6[%add3A_174, %dma_wait3A_237] : memref<16384x128xf32, #tpu.memory_space<hbm>> -> memref<64x128xf32, #tpu.memory_space<hbm>>
      %dma_wait3A_239 = arith.constant 0 : i32
      %dma_wait3A_240 = tpu.memref_slice %arg6[%add3A_174, %dma_wait3A_239] : memref<16384x128xf32, #tpu.memory_space<hbm>> -> memref<64x128xf32, #tpu.memory_space<hbm>>
      tpu.wait_dma2 semaphore(%run_scoped3A : memref<!tpu.dma_semaphore, #tpu.memory_space<semaphore_mem>>) src(%arg12 : memref<64x128xf32, #tpu.memory_space<vmem>>) dst(%dma_wait3A_240 : memref<64x128xf32, #tpu.memory_space<hbm>>)
      tpu.yield
    }) : () -> ()
    %dma_start3A_175 = arith.constant 384 : i32
    %dma_start3A_176 = tpu.memref_slice %arg7[%dma_start3A_175] : memref<512xi32, #tpu.memory_space<vmem>> -> memref<64xi32, #tpu.memory_space<vmem>>
    %dma_start3A_177 = arith.constant 0 : i32
    %dma_start3A_178 = arith.constant 0 : i32
    %dma_start3A_179 = tpu.memref_slice %arg5[%dma_start3A_177, %dma_start3A_178] : memref<100000x128xf32, #tpu.memory_space<hbm>> -> memref<100000x128xf32, #tpu.memory_space<hbm>>
    tpu.enqueue_indirect_dma source(%dma_start3A_179 : memref<100000x128xf32, #tpu.memory_space<hbm>>) target(%arg10 : memref<64x128xf32, #tpu.memory_space<vmem>>) offsets(%dma_start3A_176 : memref<64xi32, #tpu.memory_space<vmem>>) semaphore(%arg13 : memref<!tpu.dma_semaphore, #tpu.memory_space<semaphore_mem>>)
    %dma_start3A_180 = arith.constant 384 : i32
    %dma_start3A_181 = tpu.memref_slice %arg8[%dma_start3A_180] : memref<512xi32, #tpu.memory_space<vmem>> -> memref<64xi32, #tpu.memory_space<vmem>>
    %dma_start3A_182 = arith.constant 0 : i32
    %dma_start3A_183 = arith.constant 0 : i32
    %dma_start3A_184 = tpu.memref_slice %arg5[%dma_start3A_182, %dma_start3A_183] : memref<100000x128xf32, #tpu.memory_space<hbm>> -> memref<100000x128xf32, #tpu.memory_space<hbm>>
    tpu.enqueue_indirect_dma source(%dma_start3A_184 : memref<100000x128xf32, #tpu.memory_space<hbm>>) target(%arg11 : memref<64x128xf32, #tpu.memory_space<vmem>>) offsets(%dma_start3A_181 : memref<64xi32, #tpu.memory_space<vmem>>) semaphore(%arg13 : memref<!tpu.dma_semaphore, #tpu.memory_space<semaphore_mem>>)
    %dma_wait3A_185 = arith.constant 384 : i32
    %dma_wait3A_186 = tpu.memref_slice %arg7[%dma_wait3A_185] : memref<512xi32, #tpu.memory_space<vmem>> -> memref<64xi32, #tpu.memory_space<vmem>>
    %dma_wait3A_187 = arith.constant 0 : i32
    %dma_wait3A_188 = arith.constant 0 : i32
    %dma_wait3A_189 = tpu.memref_slice %arg5[%dma_wait3A_187, %dma_wait3A_188] : memref<100000x128xf32, #tpu.memory_space<hbm>> -> memref<100000x128xf32, #tpu.memory_space<hbm>>
    tpu.wait_indirect_dma semaphore(%arg13 : memref<!tpu.dma_semaphore, #tpu.memory_space<semaphore_mem>>) src(%dma_wait3A_189 : memref<100000x128xf32, #tpu.memory_space<hbm>>) dst(%arg10 : memref<64x128xf32, #tpu.memory_space<vmem>>)
    %dma_wait3A_190 = arith.constant 384 : i32
    %dma_wait3A_191 = tpu.memref_slice %arg8[%dma_wait3A_190] : memref<512xi32, #tpu.memory_space<vmem>> -> memref<64xi32, #tpu.memory_space<vmem>>
    %dma_wait3A_192 = arith.constant 0 : i32
    %dma_wait3A_193 = arith.constant 0 : i32
    %dma_wait3A_194 = tpu.memref_slice %arg5[%dma_wait3A_192, %dma_wait3A_193] : memref<100000x128xf32, #tpu.memory_space<hbm>> -> memref<100000x128xf32, #tpu.memory_space<hbm>>
    tpu.wait_indirect_dma semaphore(%arg13 : memref<!tpu.dma_semaphore, #tpu.memory_space<semaphore_mem>>) src(%dma_wait3A_194 : memref<100000x128xf32, #tpu.memory_space<hbm>>) dst(%arg11 : memref<64x128xf32, #tpu.memory_space<vmem>>)
    %scan3A_195 = arith.constant 0 : i32
    %scan3A_196 = arith.constant 0 : i32
    %scan3A_197 = arith.constant 64 : i32
    %scan3A_198 = arith.addi %scan3A_196, %scan3A_197 : i32
    %scan3A_199 = arith.constant 1 : i32
    %scan3A_200 = scf.for %scan3A_233 = %scan3A_196 to %scan3A_198 step %scan3A_199 iter_args(%scan3A_234 = %scan3A_195) -> (i32)  : i32 {
      %get3A_235 = arith.index_cast %scan3A_233 : i32 to index
      %get3A_236 = arith.constant 0 : index
      %get3A_237 = tpu.vector_load %arg10[%get3A_235, %get3A_236] {strides = array<i32>} : memref<64x128xf32, #tpu.memory_space<vmem>>, vector<16xf32>,
      %get3A_238 = arith.index_cast %scan3A_233 : i32 to index
      %get3A_239 = arith.constant 0 : index
      %get3A_240 = tpu.vector_load %arg11[%get3A_238, %get3A_239] {strides = array<i32>} : memref<64x128xf32, #tpu.memory_space<vmem>>, vector<16xf32>,
      %mul3A_241 = arith.mulf %get3A_3, %get3A_240 : vector<16xf32>
      %add3A_242 = arith.addf %get3A_237, %mul3A_241 : vector<16xf32>
      %swap3A = arith.index_cast %scan3A_233 : i32 to index
      %swap3A_243 = arith.constant 0 : index
      %swap3A_244 = tpu.vector_load %arg12[%swap3A, %swap3A_243] {strides = array<i32>} : memref<64x128xf32, #tpu.memory_space<vmem>>, vector<16xf32>,
      tpu.vector_store %arg12[%swap3A, %swap3A_243], %add3A_242 {strides = array<i32>} : memref<64x128xf32, #tpu.memory_space<vmem>>, vector<16xf32>,
      %get3A_245 = arith.index_cast %scan3A_233 : i32 to index
      %get3A_246 = arith.constant 16 : index
      %get3A_247 = tpu.vector_load %arg10[%get3A_245, %get3A_246] {strides = array<i32>} : memref<64x128xf32, #tpu.memory_space<vmem>>, vector<16xf32>,
      %get3A_248 = arith.index_cast %scan3A_233 : i32 to index
      %get3A_249 = arith.constant 16 : index
      %get3A_250 = tpu.vector_load %arg11[%get3A_248, %get3A_249] {strides = array<i32>} : memref<64x128xf32, #tpu.memory_space<vmem>>, vector<16xf32>,
      %mul3A_251 = arith.mulf %get3A_3, %get3A_250 : vector<16xf32>
      %add3A_252 = arith.addf %get3A_247, %mul3A_251 : vector<16xf32>
      %swap3A_253 = arith.index_cast %scan3A_233 : i32 to index
      %swap3A_254 = arith.constant 16 : index
      %swap3A_255 = tpu.vector_load %arg12[%swap3A_253, %swap3A_254] {strides = array<i32>} : memref<64x128xf32, #tpu.memory_space<vmem>>, vector<16xf32>,
      tpu.vector_store %arg12[%swap3A_253, %swap3A_254], %add3A_252 {strides = array<i32>} : memref<64x128xf32, #tpu.memory_space<vmem>>, vector<16xf32>,
      %get3A_256 = arith.index_cast %scan3A_233 : i32 to index
      %get3A_257 = arith.constant 32 : index
      %get3A_258 = tpu.vector_load %arg10[%get3A_256, %get3A_257] {strides = array<i32>} : memref<64x128xf32, #tpu.memory_space<vmem>>, vector<16xf32>,
      %get3A_259 = arith.index_cast %scan3A_233 : i32 to index
      %get3A_260 = arith.constant 32 : index
      %get3A_261 = tpu.vector_load %arg11[%get3A_259, %get3A_260] {strides = array<i32>} : memref<64x128xf32, #tpu.memory_space<vmem>>, vector<16xf32>,
      %mul3A_262 = arith.mulf %get3A_3, %get3A_261 : vector<16xf32>
      %add3A_263 = arith.addf %get3A_258, %mul3A_262 : vector<16xf32>
      %swap3A_264 = arith.index_cast %scan3A_233 : i32 to index
      %swap3A_265 = arith.constant 32 : index
      %swap3A_266 = tpu.vector_load %arg12[%swap3A_264, %swap3A_265] {strides = array<i32>} : memref<64x128xf32, #tpu.memory_space<vmem>>, vector<16xf32>,
      tpu.vector_store %arg12[%swap3A_264, %swap3A_265], %add3A_263 {strides = array<i32>} : memref<64x128xf32, #tpu.memory_space<vmem>>, vector<16xf32>,
      %get3A_267 = arith.index_cast %scan3A_233 : i32 to index
      %get3A_268 = arith.constant 48 : index
      %get3A_269 = tpu.vector_load %arg10[%get3A_267, %get3A_268] {strides = array<i32>} : memref<64x128xf32, #tpu.memory_space<vmem>>, vector<16xf32>,
      %get3A_270 = arith.index_cast %scan3A_233 : i32 to index
      %get3A_271 = arith.constant 48 : index
      %get3A_272 = tpu.vector_load %arg11[%get3A_270, %get3A_271] {strides = array<i32>} : memref<64x128xf32, #tpu.memory_space<vmem>>, vector<16xf32>,
      %mul3A_273 = arith.mulf %get3A_3, %get3A_272 : vector<16xf32>
      %add3A_274 = arith.addf %get3A_269, %mul3A_273 : vector<16xf32>
      %swap3A_275 = arith.index_cast %scan3A_233 : i32 to index
      %swap3A_276 = arith.constant 48 : index
      %swap3A_277 = tpu.vector_load %arg12[%swap3A_275, %swap3A_276] {strides = array<i32>} : memref<64x128xf32, #tpu.memory_space<vmem>>, vector<16xf32>,
      tpu.vector_store %arg12[%swap3A_275, %swap3A_276], %add3A_274 {strides = array<i32>} : memref<64x128xf32, #tpu.memory_space<vmem>>, vector<16xf32>,
      %get3A_278 = arith.index_cast %scan3A_233 : i32 to index
      %get3A_279 = arith.constant 64 : index
      %get3A_280 = tpu.vector_load %arg10[%get3A_278, %get3A_279] {strides = array<i32>} : memref<64x128xf32, #tpu.memory_space<vmem>>, vector<16xf32>,
      %get3A_281 = arith.index_cast %scan3A_233 : i32 to index
      %get3A_282 = arith.constant 64 : index
      %get3A_283 = tpu.vector_load %arg11[%get3A_281, %get3A_282] {strides = array<i32>} : memref<64x128xf32, #tpu.memory_space<vmem>>, vector<16xf32>,
      %mul3A_284 = arith.mulf %get3A_3, %get3A_283 : vector<16xf32>
      %add3A_285 = arith.addf %get3A_280, %mul3A_284 : vector<16xf32>
      %swap3A_286 = arith.index_cast %scan3A_233 : i32 to index
      %swap3A_287 = arith.constant 64 : index
      %swap3A_288 = tpu.vector_load %arg12[%swap3A_286, %swap3A_287] {strides = array<i32>} : memref<64x128xf32, #tpu.memory_space<vmem>>, vector<16xf32>,
      tpu.vector_store %arg12[%swap3A_286, %swap3A_287], %add3A_285 {strides = array<i32>} : memref<64x128xf32, #tpu.memory_space<vmem>>, vector<16xf32>,
      %get3A_289 = arith.index_cast %scan3A_233 : i32 to index
      %get3A_290 = arith.constant 80 : index
      %get3A_291 = tpu.vector_load %arg10[%get3A_289, %get3A_290] {strides = array<i32>} : memref<64x128xf32, #tpu.memory_space<vmem>>, vector<16xf32>,
      %get3A_292 = arith.index_cast %scan3A_233 : i32 to index
      %get3A_293 = arith.constant 80 : index
      %get3A_294 = tpu.vector_load %arg11[%get3A_292, %get3A_293] {strides = array<i32>} : memref<64x128xf32, #tpu.memory_space<vmem>>, vector<16xf32>,
      %mul3A_295 = arith.mulf %get3A_3, %get3A_294 : vector<16xf32>
      %add3A_296 = arith.addf %get3A_291, %mul3A_295 : vector<16xf32>
      %swap3A_297 = arith.index_cast %scan3A_233 : i32 to index
      %swap3A_298 = arith.constant 80 : index
      %swap3A_299 = tpu.vector_load %arg12[%swap3A_297, %swap3A_298] {strides = array<i32>} : memref<64x128xf32, #tpu.memory_space<vmem>>, vector<16xf32>,
      tpu.vector_store %arg12[%swap3A_297, %swap3A_298], %add3A_296 {strides = array<i32>} : memref<64x128xf32, #tpu.memory_space<vmem>>, vector<16xf32>,
      %get3A_300 = arith.index_cast %scan3A_233 : i32 to index
      %get3A_301 = arith.constant 96 : index
      %get3A_302 = tpu.vector_load %arg10[%get3A_300, %get3A_301] {strides = array<i32>} : memref<64x128xf32, #tpu.memory_space<vmem>>, vector<16xf32>,
      %get3A_303 = arith.index_cast %scan3A_233 : i32 to index
      %get3A_304 = arith.constant 96 : index
      %get3A_305 = tpu.vector_load %arg11[%get3A_303, %get3A_304] {strides = array<i32>} : memref<64x128xf32, #tpu.memory_space<vmem>>, vector<16xf32>,
      %mul3A_306 = arith.mulf %get3A_3, %get3A_305 : vector<16xf32>
      %add3A_307 = arith.addf %get3A_302, %mul3A_306 : vector<16xf32>
      %swap3A_308 = arith.index_cast %scan3A_233 : i32 to index
      %swap3A_309 = arith.constant 96 : index
      %swap3A_310 = tpu.vector_load %arg12[%swap3A_308, %swap3A_309] {strides = array<i32>} : memref<64x128xf32, #tpu.memory_space<vmem>>, vector<16xf32>,
      tpu.vector_store %arg12[%swap3A_308, %swap3A_309], %add3A_307 {strides = array<i32>} : memref<64x128xf32, #tpu.memory_space<vmem>>, vector<16xf32>,
      %get3A_311 = arith.index_cast %scan3A_233 : i32 to index
      %get3A_312 = arith.constant 112 : index
      %get3A_313 = tpu.vector_load %arg10[%get3A_311, %get3A_312] {strides = array<i32>} : memref<64x128xf32, #tpu.memory_space<vmem>>, vector<16xf32>,
      %get3A_314 = arith.index_cast %scan3A_233 : i32 to index
      %get3A_315 = arith.constant 112 : index
      %get3A_316 = tpu.vector_load %arg11[%get3A_314, %get3A_315] {strides = array<i32>} : memref<64x128xf32, #tpu.memory_space<vmem>>, vector<16xf32>,
      %mul3A_317 = arith.mulf %get3A_3, %get3A_316 : vector<16xf32>
      %add3A_318 = arith.addf %get3A_313, %mul3A_317 : vector<16xf32>
      %swap3A_319 = arith.index_cast %scan3A_233 : i32 to index
      %swap3A_320 = arith.constant 112 : index
      %swap3A_321 = tpu.vector_load %arg12[%swap3A_319, %swap3A_320] {strides = array<i32>} : memref<64x128xf32, #tpu.memory_space<vmem>>, vector<16xf32>,
      tpu.vector_store %arg12[%swap3A_319, %swap3A_320], %add3A_318 {strides = array<i32>} : memref<64x128xf32, #tpu.memory_space<vmem>>, vector<16xf32>,
      %scan3A_322 = arith.constant 0 : i32
      scf.yield %scan3A_322 : i32
    }
    %scan3A_201 = arith.constant 64 : i32
    %add3A_202 = arith.constant 384 : i32
    %add3A_203 = arith.addi %mul3A_2, %add3A_202 : i32
    "tpu.region"() ({
      %run_scoped3A = tpu.sem_alloc : memref<!tpu.dma_semaphore, #tpu.memory_space<semaphore_mem>>
      %dma_start3A_233 = arith.constant 0 : i32
      %dma_start3A_234 = tpu.memref_slice %arg6[%add3A_203, %dma_start3A_233] : memref<16384x128xf32, #tpu.memory_space<hbm>> -> memref<64x128xf32, #tpu.memory_space<hbm>>
      %dma_start3A_235 = arith.constant 0 : i32
      %dma_start3A_236 = tpu.memref_slice %arg6[%add3A_203, %dma_start3A_235] : memref<16384x128xf32, #tpu.memory_space<hbm>> -> memref<64x128xf32, #tpu.memory_space<hbm>>
      tpu.enqueue_dma source(%arg12 : memref<64x128xf32, #tpu.memory_space<vmem>>) target(%dma_start3A_236 : memref<64x128xf32, #tpu.memory_space<hbm>>) target_semaphore(%run_scoped3A : memref<!tpu.dma_semaphore, #tpu.memory_space<semaphore_mem>>)
      %dma_wait3A_237 = arith.constant 0 : i32
      %dma_wait3A_238 = tpu.memref_slice %arg6[%add3A_203, %dma_wait3A_237] : memref<16384x128xf32, #tpu.memory_space<hbm>> -> memref<64x128xf32, #tpu.memory_space<hbm>>
      %dma_wait3A_239 = arith.constant 0 : i32
      %dma_wait3A_240 = tpu.memref_slice %arg6[%add3A_203, %dma_wait3A_239] : memref<16384x128xf32, #tpu.memory_space<hbm>> -> memref<64x128xf32, #tpu.memory_space<hbm>>
      tpu.wait_dma2 semaphore(%run_scoped3A : memref<!tpu.dma_semaphore, #tpu.memory_space<semaphore_mem>>) src(%arg12 : memref<64x128xf32, #tpu.memory_space<vmem>>) dst(%dma_wait3A_240 : memref<64x128xf32, #tpu.memory_space<hbm>>)
      tpu.yield
    }) : () -> ()
    %dma_start3A_204 = arith.constant 448 : i32
    %dma_start3A_205 = tpu.memref_slice %arg7[%dma_start3A_204] : memref<512xi32, #tpu.memory_space<vmem>> -> memref<64xi32, #tpu.memory_space<vmem>>
    %dma_start3A_206 = arith.constant 0 : i32
    %dma_start3A_207 = arith.constant 0 : i32
    %dma_start3A_208 = tpu.memref_slice %arg5[%dma_start3A_206, %dma_start3A_207] : memref<100000x128xf32, #tpu.memory_space<hbm>> -> memref<100000x128xf32, #tpu.memory_space<hbm>>
    tpu.enqueue_indirect_dma source(%dma_start3A_208 : memref<100000x128xf32, #tpu.memory_space<hbm>>) target(%arg10 : memref<64x128xf32, #tpu.memory_space<vmem>>) offsets(%dma_start3A_205 : memref<64xi32, #tpu.memory_space<vmem>>) semaphore(%arg13 : memref<!tpu.dma_semaphore, #tpu.memory_space<semaphore_mem>>)
    %dma_start3A_209 = arith.constant 448 : i32
    %dma_start3A_210 = tpu.memref_slice %arg8[%dma_start3A_209] : memref<512xi32, #tpu.memory_space<vmem>> -> memref<64xi32, #tpu.memory_space<vmem>>
    %dma_start3A_211 = arith.constant 0 : i32
    %dma_start3A_212 = arith.constant 0 : i32
    %dma_start3A_213 = tpu.memref_slice %arg5[%dma_start3A_211, %dma_start3A_212] : memref<100000x128xf32, #tpu.memory_space<hbm>> -> memref<100000x128xf32, #tpu.memory_space<hbm>>
    tpu.enqueue_indirect_dma source(%dma_start3A_213 : memref<100000x128xf32, #tpu.memory_space<hbm>>) target(%arg11 : memref<64x128xf32, #tpu.memory_space<vmem>>) offsets(%dma_start3A_210 : memref<64xi32, #tpu.memory_space<vmem>>) semaphore(%arg13 : memref<!tpu.dma_semaphore, #tpu.memory_space<semaphore_mem>>)
    %dma_wait3A_214 = arith.constant 448 : i32
    %dma_wait3A_215 = tpu.memref_slice %arg7[%dma_wait3A_214] : memref<512xi32, #tpu.memory_space<vmem>> -> memref<64xi32, #tpu.memory_space<vmem>>
    %dma_wait3A_216 = arith.constant 0 : i32
    %dma_wait3A_217 = arith.constant 0 : i32
    %dma_wait3A_218 = tpu.memref_slice %arg5[%dma_wait3A_216, %dma_wait3A_217] : memref<100000x128xf32, #tpu.memory_space<hbm>> -> memref<100000x128xf32, #tpu.memory_space<hbm>>
    tpu.wait_indirect_dma semaphore(%arg13 : memref<!tpu.dma_semaphore, #tpu.memory_space<semaphore_mem>>) src(%dma_wait3A_218 : memref<100000x128xf32, #tpu.memory_space<hbm>>) dst(%arg10 : memref<64x128xf32, #tpu.memory_space<vmem>>)
    %dma_wait3A_219 = arith.constant 448 : i32
    %dma_wait3A_220 = tpu.memref_slice %arg8[%dma_wait3A_219] : memref<512xi32, #tpu.memory_space<vmem>> -> memref<64xi32, #tpu.memory_space<vmem>>
    %dma_wait3A_221 = arith.constant 0 : i32
    %dma_wait3A_222 = arith.constant 0 : i32
    %dma_wait3A_223 = tpu.memref_slice %arg5[%dma_wait3A_221, %dma_wait3A_222] : memref<100000x128xf32, #tpu.memory_space<hbm>> -> memref<100000x128xf32, #tpu.memory_space<hbm>>
    tpu.wait_indirect_dma semaphore(%arg13 : memref<!tpu.dma_semaphore, #tpu.memory_space<semaphore_mem>>) src(%dma_wait3A_223 : memref<100000x128xf32, #tpu.memory_space<hbm>>) dst(%arg11 : memref<64x128xf32, #tpu.memory_space<vmem>>)
    %scan3A_224 = arith.constant 0 : i32
    %scan3A_225 = arith.constant 0 : i32
    %scan3A_226 = arith.constant 64 : i32
    %scan3A_227 = arith.addi %scan3A_225, %scan3A_226 : i32
    %scan3A_228 = arith.constant 1 : i32
    %scan3A_229 = scf.for %scan3A_233 = %scan3A_225 to %scan3A_227 step %scan3A_228 iter_args(%scan3A_234 = %scan3A_224) -> (i32)  : i32 {
      %get3A_235 = arith.index_cast %scan3A_233 : i32 to index
      %get3A_236 = arith.constant 0 : index
      %get3A_237 = tpu.vector_load %arg10[%get3A_235, %get3A_236] {strides = array<i32>} : memref<64x128xf32, #tpu.memory_space<vmem>>, vector<16xf32>,
      %get3A_238 = arith.index_cast %scan3A_233 : i32 to index
      %get3A_239 = arith.constant 0 : index
      %get3A_240 = tpu.vector_load %arg11[%get3A_238, %get3A_239] {strides = array<i32>} : memref<64x128xf32, #tpu.memory_space<vmem>>, vector<16xf32>,
      %mul3A_241 = arith.mulf %get3A_3, %get3A_240 : vector<16xf32>
      %add3A_242 = arith.addf %get3A_237, %mul3A_241 : vector<16xf32>
      %swap3A = arith.index_cast %scan3A_233 : i32 to index
      %swap3A_243 = arith.constant 0 : index
      %swap3A_244 = tpu.vector_load %arg12[%swap3A, %swap3A_243] {strides = array<i32>} : memref<64x128xf32, #tpu.memory_space<vmem>>, vector<16xf32>,
      tpu.vector_store %arg12[%swap3A, %swap3A_243], %add3A_242 {strides = array<i32>} : memref<64x128xf32, #tpu.memory_space<vmem>>, vector<16xf32>,
      %get3A_245 = arith.index_cast %scan3A_233 : i32 to index
      %get3A_246 = arith.constant 16 : index
      %get3A_247 = tpu.vector_load %arg10[%get3A_245, %get3A_246] {strides = array<i32>} : memref<64x128xf32, #tpu.memory_space<vmem>>, vector<16xf32>,
      %get3A_248 = arith.index_cast %scan3A_233 : i32 to index
      %get3A_249 = arith.constant 16 : index
      %get3A_250 = tpu.vector_load %arg11[%get3A_248, %get3A_249] {strides = array<i32>} : memref<64x128xf32, #tpu.memory_space<vmem>>, vector<16xf32>,
      %mul3A_251 = arith.mulf %get3A_3, %get3A_250 : vector<16xf32>
      %add3A_252 = arith.addf %get3A_247, %mul3A_251 : vector<16xf32>
      %swap3A_253 = arith.index_cast %scan3A_233 : i32 to index
      %swap3A_254 = arith.constant 16 : index
      %swap3A_255 = tpu.vector_load %arg12[%swap3A_253, %swap3A_254] {strides = array<i32>} : memref<64x128xf32, #tpu.memory_space<vmem>>, vector<16xf32>,
      tpu.vector_store %arg12[%swap3A_253, %swap3A_254], %add3A_252 {strides = array<i32>} : memref<64x128xf32, #tpu.memory_space<vmem>>, vector<16xf32>,
      %get3A_256 = arith.index_cast %scan3A_233 : i32 to index
      %get3A_257 = arith.constant 32 : index
      %get3A_258 = tpu.vector_load %arg10[%get3A_256, %get3A_257] {strides = array<i32>} : memref<64x128xf32, #tpu.memory_space<vmem>>, vector<16xf32>,
      %get3A_259 = arith.index_cast %scan3A_233 : i32 to index
      %get3A_260 = arith.constant 32 : index
      %get3A_261 = tpu.vector_load %arg11[%get3A_259, %get3A_260] {strides = array<i32>} : memref<64x128xf32, #tpu.memory_space<vmem>>, vector<16xf32>,
      %mul3A_262 = arith.mulf %get3A_3, %get3A_261 : vector<16xf32>
      %add3A_263 = arith.addf %get3A_258, %mul3A_262 : vector<16xf32>
      %swap3A_264 = arith.index_cast %scan3A_233 : i32 to index
      %swap3A_265 = arith.constant 32 : index
      %swap3A_266 = tpu.vector_load %arg12[%swap3A_264, %swap3A_265] {strides = array<i32>} : memref<64x128xf32, #tpu.memory_space<vmem>>, vector<16xf32>,
      tpu.vector_store %arg12[%swap3A_264, %swap3A_265], %add3A_263 {strides = array<i32>} : memref<64x128xf32, #tpu.memory_space<vmem>>, vector<16xf32>,
      %get3A_267 = arith.index_cast %scan3A_233 : i32 to index
      %get3A_268 = arith.constant 48 : index
      %get3A_269 = tpu.vector_load %arg10[%get3A_267, %get3A_268] {strides = array<i32>} : memref<64x128xf32, #tpu.memory_space<vmem>>, vector<16xf32>,
      %get3A_270 = arith.index_cast %scan3A_233 : i32 to index
      %get3A_271 = arith.constant 48 : index
      %get3A_272 = tpu.vector_load %arg11[%get3A_270, %get3A_271] {strides = array<i32>} : memref<64x128xf32, #tpu.memory_space<vmem>>, vector<16xf32>,
      %mul3A_273 = arith.mulf %get3A_3, %get3A_272 : vector<16xf32>
      %add3A_274 = arith.addf %get3A_269, %mul3A_273 : vector<16xf32>
      %swap3A_275 = arith.index_cast %scan3A_233 : i32 to index
      %swap3A_276 = arith.constant 48 : index
      %swap3A_277 = tpu.vector_load %arg12[%swap3A_275, %swap3A_276] {strides = array<i32>} : memref<64x128xf32, #tpu.memory_space<vmem>>, vector<16xf32>,
      tpu.vector_store %arg12[%swap3A_275, %swap3A_276], %add3A_274 {strides = array<i32>} : memref<64x128xf32, #tpu.memory_space<vmem>>, vector<16xf32>,
      %get3A_278 = arith.index_cast %scan3A_233 : i32 to index
      %get3A_279 = arith.constant 64 : index
      %get3A_280 = tpu.vector_load %arg10[%get3A_278, %get3A_279] {strides = array<i32>} : memref<64x128xf32, #tpu.memory_space<vmem>>, vector<16xf32>,
      %get3A_281 = arith.index_cast %scan3A_233 : i32 to index
      %get3A_282 = arith.constant 64 : index
      %get3A_283 = tpu.vector_load %arg11[%get3A_281, %get3A_282] {strides = array<i32>} : memref<64x128xf32, #tpu.memory_space<vmem>>, vector<16xf32>,
      %mul3A_284 = arith.mulf %get3A_3, %get3A_283 : vector<16xf32>
      %add3A_285 = arith.addf %get3A_280, %mul3A_284 : vector<16xf32>
      %swap3A_286 = arith.index_cast %scan3A_233 : i32 to index
      %swap3A_287 = arith.constant 64 : index
      %swap3A_288 = tpu.vector_load %arg12[%swap3A_286, %swap3A_287] {strides = array<i32>} : memref<64x128xf32, #tpu.memory_space<vmem>>, vector<16xf32>,
      tpu.vector_store %arg12[%swap3A_286, %swap3A_287], %add3A_285 {strides = array<i32>} : memref<64x128xf32, #tpu.memory_space<vmem>>, vector<16xf32>,
      %get3A_289 = arith.index_cast %scan3A_233 : i32 to index
      %get3A_290 = arith.constant 80 : index
      %get3A_291 = tpu.vector_load %arg10[%get3A_289, %get3A_290] {strides = array<i32>} : memref<64x128xf32, #tpu.memory_space<vmem>>, vector<16xf32>,
      %get3A_292 = arith.index_cast %scan3A_233 : i32 to index
      %get3A_293 = arith.constant 80 : index
      %get3A_294 = tpu.vector_load %arg11[%get3A_292, %get3A_293] {strides = array<i32>} : memref<64x128xf32, #tpu.memory_space<vmem>>, vector<16xf32>,
      %mul3A_295 = arith.mulf %get3A_3, %get3A_294 : vector<16xf32>
      %add3A_296 = arith.addf %get3A_291, %mul3A_295 : vector<16xf32>
      %swap3A_297 = arith.index_cast %scan3A_233 : i32 to index
      %swap3A_298 = arith.constant 80 : index
      %swap3A_299 = tpu.vector_load %arg12[%swap3A_297, %swap3A_298] {strides = array<i32>} : memref<64x128xf32, #tpu.memory_space<vmem>>, vector<16xf32>,
      tpu.vector_store %arg12[%swap3A_297, %swap3A_298], %add3A_296 {strides = array<i32>} : memref<64x128xf32, #tpu.memory_space<vmem>>, vector<16xf32>,
      %get3A_300 = arith.index_cast %scan3A_233 : i32 to index
      %get3A_301 = arith.constant 96 : index
      %get3A_302 = tpu.vector_load %arg10[%get3A_300, %get3A_301] {strides = array<i32>} : memref<64x128xf32, #tpu.memory_space<vmem>>, vector<16xf32>,
      %get3A_303 = arith.index_cast %scan3A_233 : i32 to index
      %get3A_304 = arith.constant 96 : index
      %get3A_305 = tpu.vector_load %arg11[%get3A_303, %get3A_304] {strides = array<i32>} : memref<64x128xf32, #tpu.memory_space<vmem>>, vector<16xf32>,
      %mul3A_306 = arith.mulf %get3A_3, %get3A_305 : vector<16xf32>
      %add3A_307 = arith.addf %get3A_302, %mul3A_306 : vector<16xf32>
      %swap3A_308 = arith.index_cast %scan3A_233 : i32 to index
      %swap3A_309 = arith.constant 96 : index
      %swap3A_310 = tpu.vector_load %arg12[%swap3A_308, %swap3A_309] {strides = array<i32>} : memref<64x128xf32, #tpu.memory_space<vmem>>, vector<16xf32>,
      tpu.vector_store %arg12[%swap3A_308, %swap3A_309], %add3A_307 {strides = array<i32>} : memref<64x128xf32, #tpu.memory_space<vmem>>, vector<16xf32>,
      %get3A_311 = arith.index_cast %scan3A_233 : i32 to index
      %get3A_312 = arith.constant 112 : index
      %get3A_313 = tpu.vector_load %arg10[%get3A_311, %get3A_312] {strides = array<i32>} : memref<64x128xf32, #tpu.memory_space<vmem>>, vector<16xf32>,
      %get3A_314 = arith.index_cast %scan3A_233 : i32 to index
      %get3A_315 = arith.constant 112 : index
      %get3A_316 = tpu.vector_load %arg11[%get3A_314, %get3A_315] {strides = array<i32>} : memref<64x128xf32, #tpu.memory_space<vmem>>, vector<16xf32>,
      %mul3A_317 = arith.mulf %get3A_3, %get3A_316 : vector<16xf32>
      %add3A_318 = arith.addf %get3A_313, %mul3A_317 : vector<16xf32>
      %swap3A_319 = arith.index_cast %scan3A_233 : i32 to index
      %swap3A_320 = arith.constant 112 : index
      %swap3A_321 = tpu.vector_load %arg12[%swap3A_319, %swap3A_320] {strides = array<i32>} : memref<64x128xf32, #tpu.memory_space<vmem>>, vector<16xf32>,
      tpu.vector_store %arg12[%swap3A_319, %swap3A_320], %add3A_318 {strides = array<i32>} : memref<64x128xf32, #tpu.memory_space<vmem>>, vector<16xf32>,
      %scan3A_322 = arith.constant 0 : i32
      scf.yield %scan3A_322 : i32
    }
    %scan3A_230 = arith.constant 64 : i32
    %add3A_231 = arith.constant 448 : i32
    %add3A_232 = arith.addi %mul3A_2, %add3A_231 : i32
    "tpu.region"() ({
      %run_scoped3A = tpu.sem_alloc : memref<!tpu.dma_semaphore, #tpu.memory_space<semaphore_mem>>
      %dma_start3A_233 = arith.constant 0 : i32
      %dma_start3A_234 = tpu.memref_slice %arg6[%add3A_232, %dma_start3A_233] : memref<16384x128xf32, #tpu.memory_space<hbm>> -> memref<64x128xf32, #tpu.memory_space<hbm>>
      %dma_start3A_235 = arith.constant 0 : i32
      %dma_start3A_236 = tpu.memref_slice %arg6[%add3A_232, %dma_start3A_235] : memref<16384x128xf32, #tpu.memory_space<hbm>> -> memref<64x128xf32, #tpu.memory_space<hbm>>
      tpu.enqueue_dma source(%arg12 : memref<64x128xf32, #tpu.memory_space<vmem>>) target(%dma_start3A_236 : memref<64x128xf32, #tpu.memory_space<hbm>>) target_semaphore(%run_scoped3A : memref<!tpu.dma_semaphore, #tpu.memory_space<semaphore_mem>>)
      %dma_wait3A_237 = arith.constant 0 : i32
      %dma_wait3A_238 = tpu.memref_slice %arg6[%add3A_232, %dma_wait3A_237] : memref<16384x128xf32, #tpu.memory_space<hbm>> -> memref<64x128xf32, #tpu.memory_space<hbm>>
      %dma_wait3A_239 = arith.constant 0 : i32
      %dma_wait3A_240 = tpu.memref_slice %arg6[%add3A_232, %dma_wait3A_239] : memref<16384x128xf32, #tpu.memory_space<hbm>> -> memref<64x128xf32, #tpu.memory_space<hbm>>
      tpu.wait_dma2 semaphore(%run_scoped3A : memref<!tpu.dma_semaphore, #tpu.memory_space<semaphore_mem>>) src(%arg12 : memref<64x128xf32, #tpu.memory_space<vmem>>) dst(%dma_wait3A_240 : memref<64x128xf32, #tpu.memory_space<hbm>>)
      tpu.yield
    }) : () -> ()
    return
  }
}

</mosaic_0001>

<sc_bundles>
// kernel: _run.4.cloned.1.call-start
scs
__scs_entry_jumppad:
0x0: {  	(pc) =	sbr.rel $0x88, $3  }
0x1: {  	(tag) =	ssettag $0x0;
	lr =	simm.s32 $0x1  }
0x2: {  	[smem:$0x3F8E] =	sst lr;
	_ =	strace $0xD0000000  }
0x3: {  	_ = 	snop  }
0x4: {  	_ = 	snop  }
0x5: {  	_ = 	snop  }
0x6: {  	_ = 	snop  }
0x7: {  	_ = 	snop  }
__scs_overlays_trampoline_lowered:
0x8: {  	[smem:$0x3F9D] =	sst s0  }
0x9: {  	[smem:$0x3F9E] =	sst s1  }
0xa: {  	[smem:$0x3F9F] =	sst s2  }
0xb: {  	[smem:$0x3FA0] =	sst s3  }
0xc: {  	[smem:$0x3FA1] =	sst s4  }
0xd: {  	[smem:$0x3FA2] =	sst s5  }
0xe: {  	[smem:$0x3FA3] =	sst s6  }
0xf: {  	[smem:$0x3FA4] =	sst s7  }
0x10: {  	[smem:$0x3FA5] =	sst s8  }
0x11: {  	[smem:$0x3FA6] =	sst s9;
	s0 =	simm.s32 @!p0 $0x0  }
0x12: {  	s1 =	sld [smem:$0x3F8C];
	s0 =	simm.s32 @p0 $0x1  }
0x13: {  	[smem:$0x3FA7] =	sst s0;
	s0 =	simm.s32 @!p1 $0x0  }
0x14: {  	s2 =	sld [smem:$0x3F8B];
	s0 =	simm.s32 @p1 $0x1  }
0x15: {  	[smem:$0x3FA8] =	sst s0;
	s0 =	simm.s32 @!p2 $0x0  }
0x16: {  	s3 =	sld [smem:$0x3FDB];
	s0 =	simm.s32 @p2 $0x1  }
0x17: {  	s4 =	simm.s32 $0x1BF5;
	[smem:$0x3FAA] =	sst s0  }
0x18: {  	s0 =	sld [smem:$0x3F8D];
	_ =	swait.ge [sflag:s4], $0x0  }
0x19: {  	s7 =	sld [smem:$0x3F8E]  }
0x1a: {  	s8 =	sadd.s32 $0xFFFFE003, lr  }
0x1b: {  	s9 =	sadd.s32 $0xFFFFFEF7, lr;
	s5 =	simm.s32 $0xFFFFFFFF;
	p2 =	slt.u32 s8, $0xFFFFF086  }
0x1c: {  	p1 =	slt.u32 s9, $0xF7A;
	s5 =	simm.s32 @!p2 $0x0  }
0x1d: {  	s5 =	simm.s32 @p1 $0x1;
	p0 =	seq.s32 s7, s2  }
0x1e: {  	s7 =	smul.u32 @!p0 $0xF7A, s2;
	p2 =	seq.s32 @!p0 s5, $0x0  }
0x1f: {  	s9 =	smul.u32 $0xF7A, s1;
	s8 =	simm.s32 @!p0 $0x1BF5;
	p2 =	por !p2, p0  }
0x20: {  	[sflag:s8] =	ssyncset.s32 @!p0 $0xFFFFF086;
	s6 =	sadd.s32 @!p0 s3, s7;
	s7 =	simm.s32 @!p0 $0x108  }
0x21: {  	s3 =	sadd.s32 s3, s9;
	s6 =	sadd.s32 @!p0 $0x88, s6;
	s7 =	simm.s32 @p2 $0x1082  }
0x22: {  	[simem:s7], [sflag:s8] =	dma.local @!p0 [hbm:s6], $0xF7A  }
0x23: {  	s9 =	sor.u32 $0xD0000000, s2;
	s6 =	simm.s32 $0x108;
	_ =	swait.ge @!p0 [sflag:s8], $0x0  }
0x24: {  	s3 =	sadd.s32 $0x88, s3;
	s6 =	simm.s32 @!p1 $0x1082;
	[sflag:s4] =	ssyncset.s32 $0xFFFFF086  }
0x25: {  	[simem:s6], [sflag:s4] =	dma.local [hbm:s3], $0xF7A  }
0x26: {  	[smem:$0x3F8E] =	sst s1;
	(tag) =	ssettag s2;
	_ =	strace s9  }
0x27: {  	s1 =	sld [smem:$0x3F9E]  }
0x28: {  	s2 =	sld [smem:$0x3F9F]  }
0x29: {  	s4 =	sld [smem:$0x3FA1]  }
0x2a: {  	p0 =	seq.s32 s5, $0x0;
	s5 =	sld [smem:$0x3FA2]  }
0x2b: {  	s6 =	sld [smem:$0x3FA3]  }
0x2c: {  	s7 =	sld [smem:$0x3FA4]  }
0x2d: {  	s3 =	simm.s32 $0x108;
	s8 =	sld [smem:$0x3FA5]  }
0x2e: {  	s3 =	simm.s32 @!p0 $0x1082;
	s9 =	sld [smem:$0x3FA6]  }
0x2f: {  	lr =	sadd.s32 s0, s3;
	s0 =	sld [smem:$0x3F9D]  }
0x30: {  	s3 =	sld [smem:$0x3FA0]  }
0x31: {  	[smem:$0x3FA9] =	sst s10  }
0x32: {  	s10 =	sld [smem:$0x3FA7];
	_ =	sdelay $0x3  }
0x33: {  	p0 =	seq.s32 s10, $0x1;
	s10 =	sld [smem:$0x3FA9];
	_ =	sdelay $0x3  }
0x34: {  	[smem:$0x3FA9] =	sst s10  }
0x35: {  	s10 =	sld [smem:$0x3FA8];
	_ =	sdelay $0x3  }
0x36: {  	p1 =	seq.s32 s10, $0x1;
	s10 =	sld [smem:$0x3FA9];
	_ =	sdelay $0x3  }
0x37: {  	[smem:$0x3FA9] =	sst s10  }
0x38: {  	s10 =	sld [smem:$0x3FAA]  }
0x39: {  	_ = 	snop;
	(pc) =	sbr.ind lr, $3  }
0x3a: {  	_ = 	snop  }
0x3b: {  	_ = 	snop  }
0x3c: {  	p2 =	seq.s32 s10, $0x1;
	s10 =	sld [smem:$0x3FA9]  }
0x3d: {  	_ =	shalt  }
0x3e: {  	_ =	shalt  }
0x3f: {  	_ =	shalt  }
0x40: {  	_ =	shalt  }
0x41: {  	_ =	shalt  }
0x42: {  	_ =	shalt  }
0x43: {  	_ =	shalt  }
0x44: {  	_ =	shalt  }
0x45: {  	_ =	shalt  }
0x46: {  	_ =	shalt  }
0x47: {  	_ =	shalt  }
0x48: {  	_ =	shalt  }
0x49: {  	_ =	shalt  }
0x4a: {  	_ =	shalt  }
0x4b: {  	_ =	shalt  }
0x4c: {  	_ =	shalt  }
0x4d: {  	_ =	shalt  }
0x4e: {  	_ =	shalt  }
0x4f: {  	_ =	shalt  }
0x50: {  	_ =	shalt  }
0x51: {  	_ =	shalt  }
0x52: {  	_ =	shalt  }
0x53: {  	_ =	shalt  }
0x54: {  	_ =	shalt  }
0x55: {  	_ =	shalt  }
0x56: {  	_ =	shalt  }
0x57: {  	_ =	shalt  }
0x58: {  	_ =	shalt  }
0x59: {  	_ =	shalt  }
0x5a: {  	_ =	shalt  }
0x5b: {  	_ =	shalt  }
0x5c: {  	_ =	shalt  }
0x5d: {  	_ =	shalt  }
0x5e: {  	_ =	shalt  }
0x5f: {  	_ =	shalt  }
0x60: {  	_ =	shalt  }
0x61: {  	_ =	shalt  }
0x62: {  	_ =	shalt  }
0x63: {  	_ =	shalt  }
0x64: {  	_ =	shalt  }
0x65: {  	_ =	shalt  }
0x66: {  	_ =	shalt  }
0x67: {  	_ =	shalt  }
0x68: {  	_ =	shalt  }
0x69: {  	_ =	shalt  }
0x6a: {  	_ =	shalt  }
0x6b: {  	_ =	shalt  }
0x6c: {  	_ =	shalt  }
0x6d: {  	_ =	shalt  }
0x6e: {  	_ =	shalt  }
0x6f: {  	_ =	shalt  }
0x70: {  	_ =	shalt  }
0x71: {  	_ =	shalt  }
0x72: {  	_ =	shalt  }
0x73: {  	_ =	shalt  }
0x74: {  	_ =	shalt  }
0x75: {  	_ =	shalt  }
0x76: {  	_ =	shalt  }
0x77: {  	_ =	shalt  }
0x78: {  	_ =	shalt  }
0x79: {  	_ =	shalt  }
0x7a: {  	_ =	shalt  }
0x7b: {  	_ =	shalt  }
0x7c: {  	_ =	shalt  }
0x7d: {  	_ =	shalt  }
0x7e: {  	_ =	shalt  }
0x7f: {  	_ =	shalt  }
0x80: {  	_ =	shalt  }
0x81: {  	_ =	shalt  }
0x82: {  	_ =	shalt  }
0x83: {  	_ =	shalt  }
0x84: {  	_ =	shalt  }
0x85: {  	_ =	shalt  }
0x86: {  	_ =	shalt  }
0x87: {  	_ =	shalt  }
.Lfunc_end0:
.L_simem_size_0:
called_computation_lowered:
.L_overlay_start_0:
0x88: {  	s2 =	sld [smem:$0x3FD9]  }
0x89: {  	s3 =	sld [smem:$0x3FFE];
	_ =	sdelay $0x1  }
0x8a: {  	s1 =	srdreg.scid  }
0x8b: {  	s0 =	sand.u32 $0x1, s1  }
0x8c: {  	s17 =	sshll.u32 s0, $0xA;
	s2 =	sadd.s32 s3, s2  }
0x8d: {  	s2 =	sadd.s32 s2, s17  }
0x8e: {  	[smem:$0x3FB5] =	sst s2  }
0x8f: {  	_ = 	snop  }
0x90: {  	s2 =	sld [smem:$0x3FC9]  }
0x91: {  	s18 =	sld [smem:$0x3FC8]  }
0x92: {  	s4 =	sld [smem:$0x3FC3]  }
0x93: {  	s5 =	sld [smem:$0x3FC0];
	(tm) =	ssettm $0x1  }
0x94: {  	s6 =	sld [smem:$0x3FFB];
	_ =	sdelay $0x3  }
0x95: {  	_ =	strace s6  }
0x96: {  	s6 =	sld [smem:$0x3FFC];
	_ =	sdelay $0x3  }
0x97: {  	_ =	strace s6  }
0x98: {  	s6 =	sld [smem:$0x3FFD];
	_ =	sdelay $0x3  }
0x99: {  	_ =	strace s6  }
0x9a: {  	_ =	strace $0x8FFFFFFF  }
0x9b: {  	s19 =	sld [smem:$0x3FDB];
	_ =	sdelay $0x1  }
0x9c: {  	s7 =	simm.s32 $_scs_section_size  }
0x9d: {  	s8 =	simm.s32 $_size__tile_overlayer_lowered;
	s9 =	simm.s32 $_tile_overlayer_lowered  }
0x9e: {  	s22 =	simm.s32 $0x1BFF;
	s21 =	sshll.u32 s9, $0x1;
	s6 =	sadd.s32 s7, s19  }
0x9f: {  	s10 =	simm.s32 $0x0;
	s20 =	sshll.u32 s8, $0x1;
	s8 =	sadd.s32 s21, s6  }
0xa0: {  	[timem:s10], [sflag:s22] =	dma.local [hbm:s8], s20  }
0xa1: {  	_ =	swait.ge [sflag:s22], s20  }
0xa2: {  	s7 =	ssub.s32 $0x0, s20;
	[sflag:s22] =	ssyncset.done $0x0  }
0xa3: {  	[sflag:s22] =	ssyncadd.s32 s7;
	_ =	sdelay $0x1  }
0xa4: {  	s23 =	simm.s32 $0x1B8B  }
0xa5: {  	_ =	swait.ge [sflag:s23], $0x1  }
0xa6: {  	[sflag:s23] =	ssyncset.done $0x0  }
0xa7: {  	s25 =	simm.s32 $0x1B8E;
	s24 =	sld [smem:$0x3FFE];
	[sflag:s23] =	ssyncadd.s32 $0xFFFFFFFF  }
0xa8: {  	s26 =	simm.s32 $execute0_lowered;
	[smem:$0x3FD2] =	sst s25  }
0xa9: {  	s8 =	sshll.u32 s26, $0x1;
	_ =	strace $0x80000046;
	[dreg:$0x1] =	wrdreg $0xFFFFFFFF  }
0xaa: {  	s28 =	simm.s32 $_size_execute0_lowered;
	s6 =	sadd.s32 s6, s8;
	[dreg:$0x0] =	wrdreg $0x0  }
0xab: {  	s8 =	sshll.u32 s28, $0x1;
	[dreg:$0x2] =	wrdreg s6  }
0xac: {  	[dreg:$0x3] =	wrdreg s8  }
0xad: {  	[dreg:$0x4] =	wrdreg $0xC0  }
0xae: {  	_ =	task [dreg:s10], $0x5FFFF  }
0xaf: {  	[dreg:$0x1] =	wrdreg $0xFFFFFFFF  }
0xb0: {  	[dreg:$0x0] =	wrdreg $0x60  }
0xb1: {  	[dreg:$0x2] =	wrdreg s2  }
0xb2: {  	[dreg:$0x3] =	wrdreg s18  }
0xb3: {  	[dreg:$0x4] =	wrdreg s4  }
0xb4: {  	[dreg:$0x5] =	wrdreg s5  }
0xb5: {  	[dreg:$0x6] =	wrdreg s24  }
0xb6: {  	[dreg:$0x7] =	wrdreg $0x9  }
0xb7: {  	_ =	task.clear_ibuf [dreg:s10], $0x8FFFF;
	_ =	strace $0x90000046  }
0xb8: {  	s29 =	simm.s32 $0x9;
	_ =	strace $0x80000048  }
0xb9: {  	_ =	swait.ge [sflag:s29], $0x1  }
0xba: {  	[sflag:s29] =	ssyncadd.s32 $0xFFFFFFFF  }
0xbb: {  	_ =	strace $0x90000048  }
0xbc: {  	_ =	sfence  }
0xbd: {  	s30 =	sld [smem:$0x0];
	_ =	sdelay $0x2  }
0xbe: {  	s31 =	sshll.u32 s1, $0xD;
	s1 =	sshrl.u32 s1, $0x2  }
0xbf: {  	s3 =	sand.u32 $0x4000, s31;
	s1 =	sadd.s32 s1, s30  }
0xc0: {  	s0 =	sor.u32 s3, s0;
	s1 =	sshll.u32 s1, $0x11  }
0xc1: {  	s0 =	sor.u32 s1, s0  }
0xc2: {  	s0 =	sadd.s32 $0x8F2B, s0  }
0xc3: {  	[sflag:s0] =	ssyncadd.remote.s32 $0x1  }
0xc4: {  	_ =	sfence.sel $0xFFFF  }
0xc5: {  	[dreg:$0x0] =	wrdreg $0xFFFFFFFF;
	(pc) =	sbr.abs _section_cstart, $3  }
0xc6: {  	[dreg:$0x1] =	wrdreg $0xFFFFFFFF  }
0xc7: {  	_ =	task.clear_ibuf [dreg:s10], $0x2FFFF;
	_ =	strace $0x9FFFFFFF  }
0xc8: {  	(tm) =	ssettm $0x7FFFFFFF  }
0xc9: {  	_ =	shalt  }
tec
execute0_lowered:
.L_overlay_start_1:
0x0: {  	(tag) =	ssettag $0x1  }
0x1: {  	s0 =	rddreg [dreg:$0x0]  }
0x2: {  	s1 =	rddreg [dreg:$0x1]  }
0x3: {  	s3 =	rddreg [dreg:$0x3]  }
0x4: {  	s2 =	rddreg [dreg:$0x4]  }
0x5: {  	s4 =	srdreg.scid;
	s6 =	stileid.u32  }
0x6: {  	s16 =	simm.s32 $0x2;
	s17 =	simm.s32 $0x200;
	s19 =	simm.s32 $0x40  }
0x7: {  	s20 =	simm.s32 $0x480;
	s21 =	simm.s32 $0x2480;
	s22 =	simm.s32 $0x1  }
0x8: {  	s23 =	simm.s32 $0x4480;
	s31 =	simm.s32 $0x300;
	s18 =	simm.s32 $0x380  }
0x9: {  	s24 =	simm.s32 $0x1C0;
	s25 =	simm.s32 $0x3C0;
	s26 =	simm.s32 $0x0  }
0xa: {  	s5 =	sand.u32 $0x1, s4;
	s4 =	simm.s32 $0x0;
	s6 =	sshll.u32 s6, $0xA  }
0xb: {  	s7 =	sshll.u32 s5, $0x9;
	[smem:$0x7FF] =	sst s4;
	s5 =	ssub.s32 $0x2, s5  }
0xc: {  	s6 =	sor.u32 s7, s6;
	_ =	strace $0x80000047;
	s8 =	sshrl.u32 s5, $0x1  }
0xd: {  	s7 =	sshll.u32 s6, $0x4;
	s15 =	ssub.s32 s5, s8;
	s6 =	sshrl.u32 s6, $0x3  }
0xe: {  	s2 =	sadd.s32 s7, s2;
	s5 =	sadd.s32 s0, s6;
	s6 =	sadd.s32 s1, s6  }
0xf: {  	s15 =	smax.u32 s15, $0x1;
	s0 =	simm.s32 $0x140;
	s1 =	simm.s32 $0x180  }
0x10: {  	s7 =	sadd.s32 $0x5E00, s2;
	s8 =	sadd.s32 $0x6200, s2;
	s9 =	sadd.s32 $0x6600, s2  }
0x11: {  	s10 =	sadd.s32 $0x6A00, s2;
	s11 =	sadd.s32 $0x6E00, s2;
	s12 =	sadd.s32 $0x7200, s2  }
0x12: {  	s13 =	sadd.s32 $0x7600, s2;
	s14 =	sadd.s32 $0x7A00, s2;
	s2 =	simm.s32 $0x340  }
.LBB2_1:
0x13: {  	[tilespmem:s4], [sflag:$0x2] =	stream.linear.gather [hbm4b:s5+s4], $0x200, $0x38;
	[tilespmem:$0x6480] =	vst v63  }
0x14: {  	_ =	swait.ge [sflag:s16], $0x200  }
0x15: {  	[sflag:s16] =	ssyncset.done $0x0  }
0x16: {  	[sflag:s16] =	ssyncadd.s32 $0xFFFFFE00  }
0x17: {  	[tilespmem:s17], [sflag:$0x2] =	stream.linear.gather [hbm4b:s6+s4], $0x200, $0x38;
	[tilespmem:$0x6480] =	vst v63  }
0x18: {  	_ =	swait.ge [sflag:s16], $0x200  }
0x19: {  	[sflag:s16] =	ssyncset.done $0x0  }
0x1a: {  	[sflag:s16] =	ssyncadd.s32 $0xFFFFFE00  }
0x1b: {  	s29 =	simm.s32 $0x400;
	s28 =	rddreg [dreg:$0x2]  }
0x1c: {  	[tilespmem:s29], [sflag:$0x2] =	stream.linear.gather [hbm4b:s28+s4], $0x80, $0x38;
	[tilespmem:$0x6480] =	vst v63  }
0x1d: {  	_ =	swait.ge [sflag:s16], $0x80  }
0x1e: {  	[sflag:s16] =	ssyncset.done $0x0  }
0x1f: {  	[sflag:s16] =	ssyncadd.s32 $0xFFFFFF80  }
0x20: {  	v0 =	vld [tilespmem:$0x400];
	[tilespmem:s20], [sflag:$0x1] =	stream.indirect.gather [hbm4b:s3+s19], $0x80, s4, s19, $0xb8  }
0x21: {  	_ = 	snop  }
0x22: {  	[tilespmem:s21], [sflag:$0x1] =	stream.indirect.gather [hbm4b:s3+s19], $0x80, s17, s19, $0xb8;
	[tilespmem:$0x6480] =	vst v63  }
0x23: {  	_ =	swait.ge [sflag:s22], $0x2000  }
0x24: {  	[sflag:s22] =	ssyncset.done $0x0  }
0x25: {  	[sflag:s22] =	ssyncadd.s32 $0xFFFFE000  }
0x26: {  	_ =	swait.ge [sflag:s22], $0x2000  }
0x27: {  	[sflag:s22] =	ssyncset.done $0x0  }
0x28: {  	s28 =	simm.s32 $0x0;
	[sflag:s22] =	ssyncadd.s32 $0xFFFFE000  }
0x29: {  	v1 =	vld [tilespmem:s28+$0x24F0]  }
0x2a: {  	v2 =	vld [tilespmem:s28+$0x2480]  }
0x2b: {  	v3 =	vld [tilespmem:s28+$0x4F0]  }
0x2c: {  	v4 =	vld [tilespmem:s28+$0x2490]  }
0x2d: {  	v5 =	vld [tilespmem:s28+$0x24A0]  }
0x2e: {  	v8 =	vld [tilespmem:s28+$0x24B0]  }
0x2f: {  	v10 =	vld [tilespmem:s28+$0x24C0]  }
0x30: {  	v12 =	vld [tilespmem:s28+$0x24D0]  }
0x31: {  	v13 =	vld [tilespmem:s28+$0x24E0];
	v1 =	vmul.f32 v1, v0  }
0x32: {  	v11 =	vld [tilespmem:s28+$0x480]  }
0x33: {  	v14 =	vld [tilespmem:s28+$0x490];
	v1 =	vadd.f32 v1, v3  }
0x34: {  	v9 =	vld [tilespmem:s28+$0x4A0]  }
0x35: {  	v7 =	vld [tilespmem:s28+$0x4B0];
	[tilespmem:s28+$0x44F0] =	vst v1;
	v1 =	vmul.f32 v2, v0  }
0x36: {  	v15 =	vmul.f32 v4, v0;
	v6 =	vmul.f32 v5, v0;
	v5 =	vld [tilespmem:s28+$0x4C0]  }
0x37: {  	v4 =	vmul.f32 v8, v0;
	v8 =	vld [tilespmem:s28+$0x4D0];
	v3 =	vmul.f32 v10, v0;
	v11 =	vadd.f32 v1, v11  }
0x38: {  	s30 =	simm.s32 $0x400;
	s29 =	simm.s32 $0x80;
	v10 =	vld [tilespmem:s28+$0x4E0];
	v2 =	vmul.f32 v12, v0;
	v12 =	vadd.f32 v15, v14;
	v1 =	vmul.f32 v13, v0  }
.LBB2_2:
0x39: {  	p0 =	sne.s32 s30, $0x7E00;
	v13 =	vld [tilespmem:s29+$0x24F0];
	[tilespmem:s28+$0x4480] =	vst v11;
	v6 =	vadd.f32 v6, v9  }
0x3a: {  	v9 =	vld [tilespmem:s29+$0x2480];
	[tilespmem:s28+$0x4490] =	vst v12;
	v4 =	vadd.f32 v4, v7  }
0x3b: {  	v7 =	vld [tilespmem:s29+$0x4F0];
	[tilespmem:s28+$0x44A0] =	vst v6;
	v3 =	vadd.f32 v3, v5  }
0x3c: {  	v5 =	vld [tilespmem:s29+$0x2490];
	[tilespmem:s28+$0x44B0] =	vst v4;
	v2 =	vadd.f32 v2, v8  }
0x3d: {  	v4 =	vld [tilespmem:s29+$0x24A0];
	[tilespmem:s28+$0x44C0] =	vst v3;
	v1 =	vadd.f32 v1, v10  }
0x3e: {  	v3 =	vld [tilespmem:s29+$0x24B0];
	v6 =	vmul.f32 v13, v0;
	[tilespmem:s28+$0x44D0] =	vst v2  }
0x3f: {  	v8 =	vmul.f32 v9, v0;
	v2 =	vld [tilespmem:s29+$0x24C0];
	[tilespmem:s28+$0x44E0] =	vst v1;
	s28 =	smov.u32 s29  }
0x40: {  	v1 =	vld [tilespmem:s28+$0x24D0];
	v7 =	vadd.f32 v6, v7  }
0x41: {  	v10 =	vmul.f32 v5, v0;
	v11 =	vld [tilespmem:s28+$0x24E0]  }
0x42: {  	v12 =	vld [tilespmem:s28+$0x480];
	v6 =	vmul.f32 v4, v0;
	[tilespmem:s28+$0x44F0] =	vst v7  }
0x43: {  	v13 =	vld [tilespmem:s28+$0x490];
	v4 =	vmul.f32 v3, v0  }
.Ltmp0:
0x44: {  	v9 =	vld [tilespmem:s28+$0x4A0];
	v3 =	vmul.f32 v2, v0;
	(pc) =	sbr.rel @p0 .LBB2_2-.Ltmp0, $4  }
0x45: {  	v7 =	vld [tilespmem:s28+$0x4B0];
	v2 =	vmul.f32 v1, v0  }
0x46: {  	v5 =	vld [tilespmem:s28+$0x4C0];
	v1 =	vmul.f32 v11, v0  }
0x47: {  	v11 =	vadd.f32 v8, v12;
	v8 =	vld [tilespmem:s28+$0x4D0]  }
0x48: {  	s29 =	sshra.s32 s30, $0x2;
	s30 =	sadd.s32 $0x200, s30;
	v12 =	vadd.f32 v10, v13;
	v10 =	vld [tilespmem:s28+$0x4E0]  }
0x49: {  	v13 =	vld [tilespmem:s29+$0x24F0];
	[tilespmem:s28+$0x4480] =	vst v11;
	v6 =	vadd.f32 v6, v9  }
0x4a: {  	v11 =	vld [tilespmem:s29+$0x2480];
	[tilespmem:s28+$0x4490] =	vst v12;
	v4 =	vadd.f32 v4, v7  }
0x4b: {  	v9 =	vld [tilespmem:s29+$0x4F0];
	[tilespmem:s28+$0x44A0] =	vst v6;
	v3 =	vadd.f32 v3, v5  }
0x4c: {  	v6 =	vld [tilespmem:s29+$0x2490];
	[tilespmem:s28+$0x44B0] =	vst v4;
	v2 =	vadd.f32 v2, v8  }
0x4d: {  	v4 =	vld [tilespmem:s29+$0x24A0];
	[tilespmem:s28+$0x44C0] =	vst v3;
	v1 =	vadd.f32 v1, v10  }
0x4e: {  	v3 =	vld [tilespmem:s29+$0x24B0];
	[tilespmem:s28+$0x44D0] =	vst v2  }
0x4f: {  	v5 =	vmul.f32 v13, v0;
	v2 =	vld [tilespmem:s29+$0x24C0];
	[tilespmem:s28+$0x44E0] =	vst v1  }
0x50: {  	v1 =	vld [tilespmem:s29+$0x24D0]  }
0x51: {  	v5 =	vadd.f32 v5, v9;
	v8 =	vld [tilespmem:s29+$0x480]  }
0x52: {  	v9 =	vld [tilespmem:s29+$0x4A0]  }
0x53: {  	[tilespmem:s29+$0x44F0] =	vst v5;
	v5 =	vld [tilespmem:s29+$0x490]  }
0x54: {  	v7 =	vld [tilespmem:s29+$0x24E0]  }
0x55: {  	v10 =	vmul.f32 v11, v0;
	v11 =	vld [tilespmem:s29+$0x4B0]  }
0x56: {  	v12 =	vld [tilespmem:s29+$0x4C0];
	v6 =	vmul.f32 v6, v0;
	v4 =	vmul.f32 v4, v0  }
0x57: {  	v8 =	vadd.f32 v10, v8;
	v10 =	vld [tilespmem:s29+$0x4D0]  }
0x58: {  	v3 =	vmul.f32 v3, v0;
	v4 =	vadd.f32 v4, v9;
	v5 =	vadd.f32 v6, v5;
	v6 =	vld [tilespmem:s29+$0x4E0]  }
0x59: {  	v2 =	vmul.f32 v2, v0;
	[tilespmem:s29+$0x4480] =	vst v8  }
0x5a: {  	v1 =	vmul.f32 v1, v0;
	v3 =	vadd.f32 v3, v11;
	[tilespmem:s29+$0x44A0] =	vst v4  }
0x5b: {  	v2 =	vadd.f32 v2, v12;
	[tilespmem:s29+$0x4490] =	vst v5;
	v5 =	vmul.f32 v7, v0  }
0x5c: {  	[tilespmem:s29+$0x44B0] =	vst v3;
	v1 =	vadd.f32 v1, v10  }
0x5d: {  	[tilespmem:s29+$0x44C0] =	vst v2;
	v2 =	vadd.f32 v5, v6  }
0x5e: {  	[tilespmem:s29+$0x44D0] =	vst v1  }
0x5f: {  	s28 =	simm.s32 $0x0;
	[tilespmem:s29+$0x44E0] =	vst v2  }
0x60: {  	[hbm4b:s7+s28] =	stream.linear.scatter [tilespmem:s23], [sflag:$0x2], $0x2000, $0x38;
	[tilespmem:$0x6480] =	vst v63  }
0x61: {  	_ =	swait.ge [sflag:s16], $0x2000  }
0x62: {  	[sflag:s16] =	ssyncset.done $0x0  }
0x63: {  	[sflag:s16] =	ssyncadd.s32 $0xFFFFE000  }
0x64: {  	[tilespmem:s20], [sflag:$0x1] =	stream.indirect.gather [hbm4b:s3+s19], $0x80, s19, s19, $0xb8;
	[tilespmem:$0x6480] =	vst v63  }
0x65: {  	s28 =	simm.s32 $0x240  }
0x66: {  	[tilespmem:s21], [sflag:$0x1] =	stream.indirect.gather [hbm4b:s3+s19], $0x80, s28, s19, $0xb8;
	[tilespmem:$0x6480] =	vst v63  }
0x67: {  	_ =	swait.ge [sflag:s22], $0x2000  }
0x68: {  	[sflag:s22] =	ssyncset.done $0x0  }
0x69: {  	[sflag:s22] =	ssyncadd.s32 $0xFFFFE000  }
0x6a: {  	_ =	swait.ge [sflag:s22], $0x2000  }
0x6b: {  	[sflag:s22] =	ssyncset.done $0x0  }
0x6c: {  	s28 =	simm.s32 $0x0;
	[sflag:s22] =	ssyncadd.s32 $0xFFFFE000  }
0x6d: {  	v1 =	vld [tilespmem:s28+$0x24F0]  }
0x6e: {  	v2 =	vld [tilespmem:s28+$0x2480]  }
0x6f: {  	v3 =	vld [tilespmem:s28+$0x4F0]  }
0x70: {  	v4 =	vld [tilespmem:s28+$0x2490]  }
0x71: {  	v5 =	vld [tilespmem:s28+$0x24A0]  }
0x72: {  	v6 =	vld [tilespmem:s28+$0x24B0]  }
0x73: {  	v7 =	vld [tilespmem:s28+$0x24C0]  }
0x74: {  	v10 =	vld [tilespmem:s28+$0x24D0]  }
0x75: {  	v11 =	vld [tilespmem:s28+$0x24E0]  }
0x76: {  	v12 =	vld [tilespmem:s28+$0x480]  }
0x77: {  	v13 =	vld [tilespmem:s28+$0x490];
	v1 =	vmul.f32 v1, v0  }
0x78: {  	v9 =	vld [tilespmem:s28+$0x4A0]  }
0x79: {  	v8 =	vld [tilespmem:s28+$0x4B0];
	v14 =	vmul.f32 v2, v0;
	v15 =	vmul.f32 v4, v0;
	v1 =	vadd.f32 v1, v3  }
0x7a: {  	v5 =	vmul.f32 v5, v0;
	v4 =	vmul.f32 v6, v0;
	v6 =	vld [tilespmem:s28+$0x4C0]  }
0x7b: {  	v3 =	vmul.f32 v7, v0;
	v7 =	vld [tilespmem:s28+$0x4D0];
	[tilespmem:s28+$0x44F0] =	vst v1;
	v1 =	vmul.f32 v11, v0;
	v11 =	vadd.f32 v14, v12  }
0x7c: {  	s30 =	simm.s32 $0x400;
	s29 =	simm.s32 $0x80;
	v2 =	vmul.f32 v10, v0;
	v10 =	vld [tilespmem:s28+$0x4E0];
	v12 =	vadd.f32 v15, v13  }
.LBB2_4:
0x7d: {  	p0 =	sne.s32 s30, $0x7E00;
	v13 =	vld [tilespmem:s29+$0x24F0];
	[tilespmem:s28+$0x4480] =	vst v11;
	v5 =	vadd.f32 v5, v9  }
0x7e: {  	v9 =	vld [tilespmem:s29+$0x2480];
	[tilespmem:s28+$0x4490] =	vst v12;
	v4 =	vadd.f32 v4, v8  }
0x7f: {  	v8 =	vld [tilespmem:s29+$0x4F0];
	[tilespmem:s28+$0x44A0] =	vst v5;
	v3 =	vadd.f32 v3, v6  }
0x80: {  	v5 =	vld [tilespmem:s29+$0x2490];
	[tilespmem:s28+$0x44B0] =	vst v4;
	v2 =	vadd.f32 v2, v7  }
0x81: {  	v4 =	vld [tilespmem:s29+$0x24A0];
	[tilespmem:s28+$0x44C0] =	vst v3;
	v1 =	vadd.f32 v1, v10  }
0x82: {  	v3 =	vld [tilespmem:s29+$0x24B0];
	v6 =	vmul.f32 v13, v0;
	[tilespmem:s28+$0x44D0] =	vst v2  }
0x83: {  	v7 =	vmul.f32 v9, v0;
	v2 =	vld [tilespmem:s29+$0x24C0];
	[tilespmem:s28+$0x44E0] =	vst v1;
	s28 =	smov.u32 s29  }
0x84: {  	v1 =	vld [tilespmem:s28+$0x24D0];
	v6 =	vadd.f32 v6, v8  }
0x85: {  	v10 =	vmul.f32 v5, v0;
	v11 =	vld [tilespmem:s28+$0x24E0]  }
0x86: {  	v12 =	vld [tilespmem:s28+$0x480];
	v5 =	vmul.f32 v4, v0;
	[tilespmem:s28+$0x44F0] =	vst v6  }
0x87: {  	v13 =	vld [tilespmem:s28+$0x490];
	v4 =	vmul.f32 v3, v0  }
.Ltmp1:
0x88: {  	v9 =	vld [tilespmem:s28+$0x4A0];
	v3 =	vmul.f32 v2, v0;
	(pc) =	sbr.rel @p0 .LBB2_4-.Ltmp1, $4  }
0x89: {  	v8 =	vld [tilespmem:s28+$0x4B0];
	v2 =	vmul.f32 v1, v0  }
0x8a: {  	v6 =	vld [tilespmem:s28+$0x4C0];
	v1 =	vmul.f32 v11, v0  }
0x8b: {  	v11 =	vadd.f32 v7, v12;
	v7 =	vld [tilespmem:s28+$0x4D0]  }
0x8c: {  	s29 =	sshra.s32 s30, $0x2;
	s30 =	sadd.s32 $0x200, s30;
	v12 =	vadd.f32 v10, v13;
	v10 =	vld [tilespmem:s28+$0x4E0]  }
0x8d: {  	v13 =	vld [tilespmem:s29+$0x24F0];
	[tilespmem:s28+$0x4480] =	vst v11;
	v5 =	vadd.f32 v5, v9  }
0x8e: {  	v11 =	vld [tilespmem:s29+$0x2480];
	[tilespmem:s28+$0x4490] =	vst v12;
	v4 =	vadd.f32 v4, v8  }
0x8f: {  	v9 =	vld [tilespmem:s29+$0x4F0];
	[tilespmem:s28+$0x44A0] =	vst v5;
	v3 =	vadd.f32 v3, v6  }
0x90: {  	v5 =	vld [tilespmem:s29+$0x2490];
	[tilespmem:s28+$0x44B0] =	vst v4;
	v2 =	vadd.f32 v2, v7  }
0x91: {  	v4 =	vld [tilespmem:s29+$0x24A0];
	[tilespmem:s28+$0x44C0] =	vst v3;
	v1 =	vadd.f32 v1, v10  }
0x92: {  	v3 =	vld [tilespmem:s29+$0x24B0];
	[tilespmem:s28+$0x44D0] =	vst v2  }
0x93: {  	v6 =	vmul.f32 v13, v0;
	v2 =	vld [tilespmem:s29+$0x24C0];
	[tilespmem:s28+$0x44E0] =	vst v1  }
0x94: {  	v1 =	vld [tilespmem:s29+$0x24D0]  }
0x95: {  	v6 =	vadd.f32 v6, v9;
	v8 =	vld [tilespmem:s29+$0x480]  }
0x96: {  	v9 =	vld [tilespmem:s29+$0x4A0]  }
0x97: {  	[tilespmem:s29+$0x44F0] =	vst v6;
	v6 =	vld [tilespmem:s29+$0x490]  }
0x98: {  	v7 =	vld [tilespmem:s29+$0x24E0]  }
0x99: {  	v10 =	vmul.f32 v11, v0;
	v11 =	vld [tilespmem:s29+$0x4B0]  }
0x9a: {  	v12 =	vld [tilespmem:s29+$0x4C0];
	v5 =	vmul.f32 v5, v0;
	v4 =	vmul.f32 v4, v0  }
0x9b: {  	v8 =	vadd.f32 v10, v8;
	v10 =	vld [tilespmem:s29+$0x4D0]  }
0x9c: {  	v3 =	vmul.f32 v3, v0;
	v4 =	vadd.f32 v4, v9;
	v5 =	vadd.f32 v5, v6;
	v6 =	vld [tilespmem:s29+$0x4E0]  }
0x9d: {  	v2 =	vmul.f32 v2, v0;
	[tilespmem:s29+$0x4480] =	vst v8  }
0x9e: {  	v1 =	vmul.f32 v1, v0;
	v3 =	vadd.f32 v3, v11;
	[tilespmem:s29+$0x44A0] =	vst v4  }
0x9f: {  	v2 =	vadd.f32 v2, v12;
	[tilespmem:s29+$0x4490] =	vst v5;
	v5 =	vmul.f32 v7, v0  }
0xa0: {  	[tilespmem:s29+$0x44B0] =	vst v3;
	v1 =	vadd.f32 v1, v10  }
0xa1: {  	[tilespmem:s29+$0x44C0] =	vst v2;
	v2 =	vadd.f32 v5, v6  }
0xa2: {  	[tilespmem:s29+$0x44D0] =	vst v1  }
0xa3: {  	s28 =	simm.s32 $0x0;
	[tilespmem:s29+$0x44E0] =	vst v2  }
0xa4: {  	[hbm4b:s8+s28] =	stream.linear.scatter [tilespmem:s23], [sflag:$0x2], $0x2000, $0x38;
	[tilespmem:$0x6480] =	vst v63  }
0xa5: {  	_ =	swait.ge [sflag:s16], $0x2000  }
0xa6: {  	[sflag:s16] =	ssyncset.done $0x0  }
0xa7: {  	s28 =	simm.s32 $0x80;
	[sflag:s16] =	ssyncadd.s32 $0xFFFFE000  }
0xa8: {  	[tilespmem:s20], [sflag:$0x1] =	stream.indirect.gather [hbm4b:s3+s19], $0x80, s28, s19, $0xb8;
	[tilespmem:$0x6480] =	vst v63  }
0xa9: {  	s28 =	simm.s32 $0x280  }
0xaa: {  	[tilespmem:s21], [sflag:$0x1] =	stream.indirect.gather [hbm4b:s3+s19], $0x80, s28, s19, $0xb8;
	[tilespmem:$0x6480] =	vst v63  }
0xab: {  	_ =	swait.ge [sflag:s22], $0x2000  }
0xac: {  	[sflag:s22] =	ssyncset.done $0x0  }
0xad: {  	[sflag:s22] =	ssyncadd.s32 $0xFFFFE000  }
0xae: {  	_ =	swait.ge [sflag:s22], $0x2000  }
0xaf: {  	[sflag:s22] =	ssyncset.done $0x0  }
0xb0: {  	s28 =	simm.s32 $0x0;
	[sflag:s22] =	ssyncadd.s32 $0xFFFFE000  }
0xb1: {  	v1 =	vld [tilespmem:s28+$0x24F0]  }
0xb2: {  	v2 =	vld [tilespmem:s28+$0x2480]  }
0xb3: {  	v3 =	vld [tilespmem:s28+$0x4F0]  }
0xb4: {  	v4 =	vld [tilespmem:s28+$0x2490]  }
0xb5: {  	v5 =	vld [tilespmem:s28+$0x24A0]  }
0xb6: {  	v6 =	vld [tilespmem:s28+$0x24B0]  }
0xb7: {  	v7 =	vld [tilespmem:s28+$0x24C0]  }
0xb8: {  	v10 =	vld [tilespmem:s28+$0x24D0]  }
0xb9: {  	v11 =	vld [tilespmem:s28+$0x24E0]  }
0xba: {  	v12 =	vld [tilespmem:s28+$0x480]  }
0xbb: {  	v13 =	vld [tilespmem:s28+$0x490];
	v1 =	vmul.f32 v1, v0  }
0xbc: {  	v9 =	vld [tilespmem:s28+$0x4A0]  }
0xbd: {  	v8 =	vld [tilespmem:s28+$0x4B0];
	v14 =	vmul.f32 v2, v0;
	v15 =	vmul.f32 v4, v0;
	v1 =	vadd.f32 v1, v3  }
0xbe: {  	v5 =	vmul.f32 v5, v0;
	v4 =	vmul.f32 v6, v0;
	v6 =	vld [tilespmem:s28+$0x4C0]  }
0xbf: {  	v3 =	vmul.f32 v7, v0;
	v7 =	vld [tilespmem:s28+$0x4D0];
	[tilespmem:s28+$0x44F0] =	vst v1;
	v1 =	vmul.f32 v11, v0;
	v11 =	vadd.f32 v14, v12  }
0xc0: {  	s30 =	simm.s32 $0x400;
	s29 =	simm.s32 $0x80;
	v2 =	vmul.f32 v10, v0;
	v10 =	vld [tilespmem:s28+$0x4E0];
	v12 =	vadd.f32 v15, v13  }
.LBB2_6:
0xc1: {  	p0 =	sne.s32 s30, $0x7E00;
	v13 =	vld [tilespmem:s29+$0x24F0];
	[tilespmem:s28+$0x4480] =	vst v11;
	v5 =	vadd.f32 v5, v9  }
0xc2: {  	v9 =	vld [tilespmem:s29+$0x2480];
	[tilespmem:s28+$0x4490] =	vst v12;
	v4 =	vadd.f32 v4, v8  }
0xc3: {  	v8 =	vld [tilespmem:s29+$0x4F0];
	[tilespmem:s28+$0x44A0] =	vst v5;
	v3 =	vadd.f32 v3, v6  }
0xc4: {  	v5 =	vld [tilespmem:s29+$0x2490];
	[tilespmem:s28+$0x44B0] =	vst v4;
	v2 =	vadd.f32 v2, v7  }
0xc5: {  	v4 =	vld [tilespmem:s29+$0x24A0];
	[tilespmem:s28+$0x44C0] =	vst v3;
	v1 =	vadd.f32 v1, v10  }
0xc6: {  	v3 =	vld [tilespmem:s29+$0x24B0];
	v6 =	vmul.f32 v13, v0;
	[tilespmem:s28+$0x44D0] =	vst v2  }
0xc7: {  	v7 =	vmul.f32 v9, v0;
	v2 =	vld [tilespmem:s29+$0x24C0];
	[tilespmem:s28+$0x44E0] =	vst v1;
	s28 =	smov.u32 s29  }
0xc8: {  	v1 =	vld [tilespmem:s28+$0x24D0];
	v6 =	vadd.f32 v6, v8  }
0xc9: {  	v10 =	vmul.f32 v5, v0;
	v11 =	vld [tilespmem:s28+$0x24E0]  }
0xca: {  	v12 =	vld [tilespmem:s28+$0x480];
	v5 =	vmul.f32 v4, v0;
	[tilespmem:s28+$0x44F0] =	vst v6  }
0xcb: {  	v13 =	vld [tilespmem:s28+$0x490];
	v4 =	vmul.f32 v3, v0  }
.Ltmp2:
0xcc: {  	v9 =	vld [tilespmem:s28+$0x4A0];
	v3 =	vmul.f32 v2, v0;
	(pc) =	sbr.rel @p0 .LBB2_6-.Ltmp2, $4  }
0xcd: {  	v8 =	vld [tilespmem:s28+$0x4B0];
	v2 =	vmul.f32 v1, v0  }
0xce: {  	v6 =	vld [tilespmem:s28+$0x4C0];
	v1 =	vmul.f32 v11, v0  }
0xcf: {  	v11 =	vadd.f32 v7, v12;
	v7 =	vld [tilespmem:s28+$0x4D0]  }
0xd0: {  	s29 =	sshra.s32 s30, $0x2;
	s30 =	sadd.s32 $0x200, s30;
	v12 =	vadd.f32 v10, v13;
	v10 =	vld [tilespmem:s28+$0x4E0]  }
0xd1: {  	v13 =	vld [tilespmem:s29+$0x24F0];
	[tilespmem:s28+$0x4480] =	vst v11;
	v5 =	vadd.f32 v5, v9  }
0xd2: {  	v11 =	vld [tilespmem:s29+$0x2480];
	[tilespmem:s28+$0x4490] =	vst v12;
	v4 =	vadd.f32 v4, v8  }
0xd3: {  	v9 =	vld [tilespmem:s29+$0x4F0];
	[tilespmem:s28+$0x44A0] =	vst v5;
	v3 =	vadd.f32 v3, v6  }
0xd4: {  	v5 =	vld [tilespmem:s29+$0x2490];
	[tilespmem:s28+$0x44B0] =	vst v4;
	v2 =	vadd.f32 v2, v7  }
0xd5: {  	v4 =	vld [tilespmem:s29+$0x24A0];
	[tilespmem:s28+$0x44C0] =	vst v3;
	v1 =	vadd.f32 v1, v10  }
0xd6: {  	v3 =	vld [tilespmem:s29+$0x24B0];
	[tilespmem:s28+$0x44D0] =	vst v2  }
0xd7: {  	v6 =	vmul.f32 v13, v0;
	v2 =	vld [tilespmem:s29+$0x24C0];
	[tilespmem:s28+$0x44E0] =	vst v1  }
0xd8: {  	v1 =	vld [tilespmem:s29+$0x24D0]  }
0xd9: {  	v6 =	vadd.f32 v6, v9;
	v8 =	vld [tilespmem:s29+$0x480]  }
0xda: {  	v9 =	vld [tilespmem:s29+$0x4A0]  }
0xdb: {  	[tilespmem:s29+$0x44F0] =	vst v6;
	v6 =	vld [tilespmem:s29+$0x490]  }
0xdc: {  	v7 =	vld [tilespmem:s29+$0x24E0]  }
0xdd: {  	v10 =	vmul.f32 v11, v0;
	v11 =	vld [tilespmem:s29+$0x4B0]  }
0xde: {  	v12 =	vld [tilespmem:s29+$0x4C0];
	v5 =	vmul.f32 v5, v0;
	v4 =	vmul.f32 v4, v0  }
0xdf: {  	v8 =	vadd.f32 v10, v8;
	v10 =	vld [tilespmem:s29+$0x4D0]  }
0xe0: {  	v3 =	vmul.f32 v3, v0;
	v4 =	vadd.f32 v4, v9;
	v5 =	vadd.f32 v5, v6;
	v6 =	vld [tilespmem:s29+$0x4E0]  }
0xe1: {  	v2 =	vmul.f32 v2, v0;
	[tilespmem:s29+$0x4480] =	vst v8  }
0xe2: {  	v1 =	vmul.f32 v1, v0;
	v3 =	vadd.f32 v3, v11;
	[tilespmem:s29+$0x44A0] =	vst v4  }
0xe3: {  	v2 =	vadd.f32 v2, v12;
	[tilespmem:s29+$0x4490] =	vst v5;
	v5 =	vmul.f32 v7, v0  }
0xe4: {  	[tilespmem:s29+$0x44B0] =	vst v3;
	v1 =	vadd.f32 v1, v10  }
0xe5: {  	[tilespmem:s29+$0x44C0] =	vst v2;
	v2 =	vadd.f32 v5, v6  }
0xe6: {  	[tilespmem:s29+$0x44D0] =	vst v1  }
0xe7: {  	s28 =	simm.s32 $0x0;
	[tilespmem:s29+$0x44E0] =	vst v2  }
0xe8: {  	[hbm4b:s9+s28] =	stream.linear.scatter [tilespmem:s23], [sflag:$0x2], $0x2000, $0x38;
	[tilespmem:$0x6480] =	vst v63  }
0xe9: {  	_ =	swait.ge [sflag:s16], $0x2000  }
0xea: {  	[sflag:s16] =	ssyncset.done $0x0  }
0xeb: {  	s28 =	simm.s32 $0xC0;
	[sflag:s16] =	ssyncadd.s32 $0xFFFFE000  }
0xec: {  	[tilespmem:s20], [sflag:$0x1] =	stream.indirect.gather [hbm4b:s3+s19], $0x80, s28, s19, $0xb8;
	[tilespmem:$0x6480] =	vst v63  }
0xed: {  	s28 =	simm.s32 $0x2C0  }
0xee: {  	[tilespmem:s21], [sflag:$0x1] =	stream.indirect.gather [hbm4b:s3+s19], $0x80, s28, s19, $0xb8;
	[tilespmem:$0x6480] =	vst v63  }
0xef: {  	_ =	swait.ge [sflag:s22], $0x2000  }
0xf0: {  	[sflag:s22] =	ssyncset.done $0x0  }
0xf1: {  	[sflag:s22] =	ssyncadd.s32 $0xFFFFE000  }
0xf2: {  	_ =	swait.ge [sflag:s22], $0x2000  }
0xf3: {  	[sflag:s22] =	ssyncset.done $0x0  }
0xf4: {  	s28 =	simm.s32 $0x0;
	[sflag:s22] =	ssyncadd.s32 $0xFFFFE000  }
0xf5: {  	v1 =	vld [tilespmem:s28+$0x24F0]  }
0xf6: {  	v2 =	vld [tilespmem:s28+$0x2480]  }
0xf7: {  	v3 =	vld [tilespmem:s28+$0x4F0]  }
0xf8: {  	v4 =	vld [tilespmem:s28+$0x2490]  }
0xf9: {  	v5 =	vld [tilespmem:s28+$0x24A0]  }
0xfa: {  	v6 =	vld [tilespmem:s28+$0x24B0]  }
0xfb: {  	v7 =	vld [tilespmem:s28+$0x24C0]  }
0xfc: {  	v10 =	vld [tilespmem:s28+$0x24D0]  }
0xfd: {  	v11 =	vld [tilespmem:s28+$0x24E0]  }
0xfe: {  	v12 =	vld [tilespmem:s28+$0x480]  }
0xff: {  	v13 =	vld [tilespmem:s28+$0x490];
	v1 =	vmul.f32 v1, v0  }
0x100: {  	v9 =	vld [tilespmem:s28+$0x4A0]  }
0x101: {  	v8 =	vld [tilespmem:s28+$0x4B0];
	v14 =	vmul.f32 v2, v0;
	v15 =	vmul.f32 v4, v0;
	v1 =	vadd.f32 v1, v3  }
0x102: {  	v5 =	vmul.f32 v5, v0;
	v4 =	vmul.f32 v6, v0;
	v6 =	vld [tilespmem:s28+$0x4C0]  }
0x103: {  	v3 =	vmul.f32 v7, v0;
	v7 =	vld [tilespmem:s28+$0x4D0];
	[tilespmem:s28+$0x44F0] =	vst v1;
	v1 =	vmul.f32 v11, v0;
	v11 =	vadd.f32 v14, v12  }
0x104: {  	s30 =	simm.s32 $0x400;
	s29 =	simm.s32 $0x80;
	v2 =	vmul.f32 v10, v0;
	v10 =	vld [tilespmem:s28+$0x4E0];
	v12 =	vadd.f32 v15, v13  }
.LBB2_8:
0x105: {  	p0 =	sne.s32 s30, $0x7E00;
	v13 =	vld [tilespmem:s29+$0x24F0];
	[tilespmem:s28+$0x4480] =	vst v11;
	v5 =	vadd.f32 v5, v9  }
0x106: {  	v9 =	vld [tilespmem:s29+$0x2480];
	[tilespmem:s28+$0x4490] =	vst v12;
	v4 =	vadd.f32 v4, v8  }
0x107: {  	v8 =	vld [tilespmem:s29+$0x4F0];
	[tilespmem:s28+$0x44A0] =	vst v5;
	v3 =	vadd.f32 v3, v6  }
0x108: {  	v5 =	vld [tilespmem:s29+$0x2490];
	[tilespmem:s28+$0x44B0] =	vst v4;
	v2 =	vadd.f32 v2, v7  }
0x109: {  	v4 =	vld [tilespmem:s29+$0x24A0];
	[tilespmem:s28+$0x44C0] =	vst v3;
	v1 =	vadd.f32 v1, v10  }
0x10a: {  	v3 =	vld [tilespmem:s29+$0x24B0];
	v6 =	vmul.f32 v13, v0;
	[tilespmem:s28+$0x44D0] =	vst v2  }
0x10b: {  	v7 =	vmul.f32 v9, v0;
	v2 =	vld [tilespmem:s29+$0x24C0];
	[tilespmem:s28+$0x44E0] =	vst v1;
	s28 =	smov.u32 s29  }
0x10c: {  	v1 =	vld [tilespmem:s28+$0x24D0];
	v6 =	vadd.f32 v6, v8  }
0x10d: {  	v10 =	vmul.f32 v5, v0;
	v11 =	vld [tilespmem:s28+$0x24E0]  }
0x10e: {  	v12 =	vld [tilespmem:s28+$0x480];
	v5 =	vmul.f32 v4, v0;
	[tilespmem:s28+$0x44F0] =	vst v6  }
0x10f: {  	v13 =	vld [tilespmem:s28+$0x490];
	v4 =	vmul.f32 v3, v0  }
.Ltmp3:
0x110: {  	v9 =	vld [tilespmem:s28+$0x4A0];
	v3 =	vmul.f32 v2, v0;
	(pc) =	sbr.rel @p0 .LBB2_8-.Ltmp3, $4  }
0x111: {  	v8 =	vld [tilespmem:s28+$0x4B0];
	v2 =	vmul.f32 v1, v0  }
0x112: {  	v6 =	vld [tilespmem:s28+$0x4C0];
	v1 =	vmul.f32 v11, v0  }
0x113: {  	v11 =	vadd.f32 v7, v12;
	v7 =	vld [tilespmem:s28+$0x4D0]  }
0x114: {  	s29 =	sshra.s32 s30, $0x2;
	s30 =	sadd.s32 $0x200, s30;
	v12 =	vadd.f32 v10, v13;
	v10 =	vld [tilespmem:s28+$0x4E0]  }
0x115: {  	v13 =	vld [tilespmem:s29+$0x24F0];
	[tilespmem:s28+$0x4480] =	vst v11;
	v5 =	vadd.f32 v5, v9  }
0x116: {  	v11 =	vld [tilespmem:s29+$0x2480];
	[tilespmem:s28+$0x4490] =	vst v12;
	v4 =	vadd.f32 v4, v8  }
0x117: {  	v9 =	vld [tilespmem:s29+$0x4F0];
	[tilespmem:s28+$0x44A0] =	vst v5;
	v3 =	vadd.f32 v3, v6  }
0x118: {  	v5 =	vld [tilespmem:s29+$0x2490];
	[tilespmem:s28+$0x44B0] =	vst v4;
	v2 =	vadd.f32 v2, v7  }
0x119: {  	v4 =	vld [tilespmem:s29+$0x24A0];
	[tilespmem:s28+$0x44C0] =	vst v3;
	v1 =	vadd.f32 v1, v10  }
0x11a: {  	v3 =	vld [tilespmem:s29+$0x24B0];
	[tilespmem:s28+$0x44D0] =	vst v2  }
0x11b: {  	v6 =	vmul.f32 v13, v0;
	v2 =	vld [tilespmem:s29+$0x24C0];
	[tilespmem:s28+$0x44E0] =	vst v1  }
0x11c: {  	v1 =	vld [tilespmem:s29+$0x24D0]  }
0x11d: {  	v6 =	vadd.f32 v6, v9;
	v8 =	vld [tilespmem:s29+$0x480]  }
0x11e: {  	v9 =	vld [tilespmem:s29+$0x4A0]  }
0x11f: {  	[tilespmem:s29+$0x44F0] =	vst v6;
	v6 =	vld [tilespmem:s29+$0x490]  }
0x120: {  	v7 =	vld [tilespmem:s29+$0x24E0]  }
0x121: {  	v10 =	vmul.f32 v11, v0;
	v11 =	vld [tilespmem:s29+$0x4B0]  }
0x122: {  	v12 =	vld [tilespmem:s29+$0x4C0];
	v5 =	vmul.f32 v5, v0;
	v4 =	vmul.f32 v4, v0  }
0x123: {  	v8 =	vadd.f32 v10, v8;
	v10 =	vld [tilespmem:s29+$0x4D0]  }
0x124: {  	v3 =	vmul.f32 v3, v0;
	v4 =	vadd.f32 v4, v9;
	v5 =	vadd.f32 v5, v6;
	v6 =	vld [tilespmem:s29+$0x4E0]  }
0x125: {  	v2 =	vmul.f32 v2, v0;
	[tilespmem:s29+$0x4480] =	vst v8  }
0x126: {  	v1 =	vmul.f32 v1, v0;
	v3 =	vadd.f32 v3, v11;
	[tilespmem:s29+$0x44A0] =	vst v4  }
0x127: {  	v2 =	vadd.f32 v2, v12;
	[tilespmem:s29+$0x4490] =	vst v5;
	v5 =	vmul.f32 v7, v0  }
0x128: {  	[tilespmem:s29+$0x44B0] =	vst v3;
	v1 =	vadd.f32 v1, v10  }
0x129: {  	[tilespmem:s29+$0x44C0] =	vst v2;
	v2 =	vadd.f32 v5, v6  }
0x12a: {  	[tilespmem:s29+$0x44D0] =	vst v1  }
0x12b: {  	s28 =	simm.s32 $0x0;
	[tilespmem:s29+$0x44E0] =	vst v2  }
0x12c: {  	[hbm4b:s10+s28] =	stream.linear.scatter [tilespmem:s23], [sflag:$0x2], $0x2000, $0x38;
	[tilespmem:$0x6480] =	vst v63  }
0x12d: {  	_ =	swait.ge [sflag:s16], $0x2000  }
0x12e: {  	[sflag:s16] =	ssyncset.done $0x0  }
0x12f: {  	s28 =	simm.s32 $0x100;
	[sflag:s16] =	ssyncadd.s32 $0xFFFFE000  }
0x130: {  	[tilespmem:s20], [sflag:$0x1] =	stream.indirect.gather [hbm4b:s3+s19], $0x80, s28, s19, $0xb8;
	[tilespmem:$0x6480] =	vst v63  }
0x131: {  	_ = 	snop  }
0x132: {  	[tilespmem:s21], [sflag:$0x1] =	stream.indirect.gather [hbm4b:s3+s19], $0x80, s31, s19, $0xb8;
	[tilespmem:$0x6480] =	vst v63  }
0x133: {  	_ =	swait.ge [sflag:s22], $0x2000  }
0x134: {  	[sflag:s22] =	ssyncset.done $0x0  }
0x135: {  	[sflag:s22] =	ssyncadd.s32 $0xFFFFE000  }
0x136: {  	_ =	swait.ge [sflag:s22], $0x2000  }
0x137: {  	[sflag:s22] =	ssyncset.done $0x0  }
0x138: {  	s28 =	simm.s32 $0x0;
	[sflag:s22] =	ssyncadd.s32 $0xFFFFE000  }
0x139: {  	v1 =	vld [tilespmem:s28+$0x24F0]  }
0x13a: {  	v2 =	vld [tilespmem:s28+$0x2480]  }
0x13b: {  	v3 =	vld [tilespmem:s28+$0x4F0]  }
0x13c: {  	v4 =	vld [tilespmem:s28+$0x2490]  }
0x13d: {  	v5 =	vld [tilespmem:s28+$0x24A0]  }
0x13e: {  	v6 =	vld [tilespmem:s28+$0x24B0]  }
0x13f: {  	v7 =	vld [tilespmem:s28+$0x24C0]  }
0x140: {  	v10 =	vld [tilespmem:s28+$0x24D0]  }
0x141: {  	v11 =	vld [tilespmem:s28+$0x24E0]  }
0x142: {  	v12 =	vld [tilespmem:s28+$0x480]  }
0x143: {  	v13 =	vld [tilespmem:s28+$0x490];
	v1 =	vmul.f32 v1, v0  }
0x144: {  	v9 =	vld [tilespmem:s28+$0x4A0]  }
0x145: {  	v8 =	vld [tilespmem:s28+$0x4B0];
	v14 =	vmul.f32 v2, v0;
	v15 =	vmul.f32 v4, v0;
	v1 =	vadd.f32 v1, v3  }
0x146: {  	v5 =	vmul.f32 v5, v0;
	v4 =	vmul.f32 v6, v0;
	v6 =	vld [tilespmem:s28+$0x4C0]  }
0x147: {  	v3 =	vmul.f32 v7, v0;
	v7 =	vld [tilespmem:s28+$0x4D0];
	[tilespmem:s28+$0x44F0] =	vst v1;
	v1 =	vmul.f32 v11, v0;
	v11 =	vadd.f32 v14, v12  }
0x148: {  	s30 =	simm.s32 $0x400;
	s29 =	simm.s32 $0x80;
	v2 =	vmul.f32 v10, v0;
	v10 =	vld [tilespmem:s28+$0x4E0];
	v12 =	vadd.f32 v15, v13  }
.LBB2_10:
0x149: {  	p0 =	sne.s32 s30, $0x7E00;
	v13 =	vld [tilespmem:s29+$0x24F0];
	[tilespmem:s28+$0x4480] =	vst v11;
	v5 =	vadd.f32 v5, v9  }
0x14a: {  	v9 =	vld [tilespmem:s29+$0x2480];
	[tilespmem:s28+$0x4490] =	vst v12;
	v4 =	vadd.f32 v4, v8  }
0x14b: {  	v8 =	vld [tilespmem:s29+$0x4F0];
	[tilespmem:s28+$0x44A0] =	vst v5;
	v3 =	vadd.f32 v3, v6  }
0x14c: {  	v5 =	vld [tilespmem:s29+$0x2490];
	[tilespmem:s28+$0x44B0] =	vst v4;
	v2 =	vadd.f32 v2, v7  }
0x14d: {  	v4 =	vld [tilespmem:s29+$0x24A0];
	[tilespmem:s28+$0x44C0] =	vst v3;
	v1 =	vadd.f32 v1, v10  }
0x14e: {  	v3 =	vld [tilespmem:s29+$0x24B0];
	v6 =	vmul.f32 v13, v0;
	[tilespmem:s28+$0x44D0] =	vst v2  }
0x14f: {  	v7 =	vmul.f32 v9, v0;
	v2 =	vld [tilespmem:s29+$0x24C0];
	[tilespmem:s28+$0x44E0] =	vst v1;
	s28 =	smov.u32 s29  }
0x150: {  	v1 =	vld [tilespmem:s28+$0x24D0];
	v6 =	vadd.f32 v6, v8  }
0x151: {  	v10 =	vmul.f32 v5, v0;
	v11 =	vld [tilespmem:s28+$0x24E0]  }
0x152: {  	v12 =	vld [tilespmem:s28+$0x480];
	v5 =	vmul.f32 v4, v0;
	[tilespmem:s28+$0x44F0] =	vst v6  }
0x153: {  	v13 =	vld [tilespmem:s28+$0x490];
	v4 =	vmul.f32 v3, v0  }
.Ltmp4:
0x154: {  	v9 =	vld [tilespmem:s28+$0x4A0];
	v3 =	vmul.f32 v2, v0;
	(pc) =	sbr.rel @p0 .LBB2_10-.Ltmp4, $4  }
0x155: {  	v8 =	vld [tilespmem:s28+$0x4B0];
	v2 =	vmul.f32 v1, v0  }
0x156: {  	v6 =	vld [tilespmem:s28+$0x4C0];
	v1 =	vmul.f32 v11, v0  }
0x157: {  	v11 =	vadd.f32 v7, v12;
	v7 =	vld [tilespmem:s28+$0x4D0]  }
0x158: {  	s29 =	sshra.s32 s30, $0x2;
	s30 =	sadd.s32 $0x200, s30;
	v12 =	vadd.f32 v10, v13;
	v10 =	vld [tilespmem:s28+$0x4E0]  }
0x159: {  	v13 =	vld [tilespmem:s29+$0x24F0];
	[tilespmem:s28+$0x4480] =	vst v11;
	v5 =	vadd.f32 v5, v9  }
0x15a: {  	v11 =	vld [tilespmem:s29+$0x2480];
	[tilespmem:s28+$0x4490] =	vst v12;
	v4 =	vadd.f32 v4, v8  }
0x15b: {  	v9 =	vld [tilespmem:s29+$0x4F0];
	[tilespmem:s28+$0x44A0] =	vst v5;
	v3 =	vadd.f32 v3, v6  }
0x15c: {  	v5 =	vld [tilespmem:s29+$0x2490];
	[tilespmem:s28+$0x44B0] =	vst v4;
	v2 =	vadd.f32 v2, v7  }
0x15d: {  	v4 =	vld [tilespmem:s29+$0x24A0];
	[tilespmem:s28+$0x44C0] =	vst v3;
	v1 =	vadd.f32 v1, v10  }
0x15e: {  	v3 =	vld [tilespmem:s29+$0x24B0];
	[tilespmem:s28+$0x44D0] =	vst v2  }
0x15f: {  	v6 =	vmul.f32 v13, v0;
	v2 =	vld [tilespmem:s29+$0x24C0];
	[tilespmem:s28+$0x44E0] =	vst v1  }
0x160: {  	v1 =	vld [tilespmem:s29+$0x24D0]  }
0x161: {  	v6 =	vadd.f32 v6, v9;
	v8 =	vld [tilespmem:s29+$0x480]  }
0x162: {  	v9 =	vld [tilespmem:s29+$0x4A0]  }
0x163: {  	[tilespmem:s29+$0x44F0] =	vst v6;
	v6 =	vld [tilespmem:s29+$0x490]  }
0x164: {  	v7 =	vld [tilespmem:s29+$0x24E0]  }
0x165: {  	v10 =	vmul.f32 v11, v0;
	v11 =	vld [tilespmem:s29+$0x4B0]  }
0x166: {  	v12 =	vld [tilespmem:s29+$0x4C0];
	v5 =	vmul.f32 v5, v0;
	v4 =	vmul.f32 v4, v0  }
0x167: {  	v8 =	vadd.f32 v10, v8;
	v10 =	vld [tilespmem:s29+$0x4D0]  }
0x168: {  	v3 =	vmul.f32 v3, v0;
	v4 =	vadd.f32 v4, v9;
	v5 =	vadd.f32 v5, v6;
	v6 =	vld [tilespmem:s29+$0x4E0]  }
0x169: {  	v2 =	vmul.f32 v2, v0;
	[tilespmem:s29+$0x4480] =	vst v8  }
0x16a: {  	v1 =	vmul.f32 v1, v0;
	v3 =	vadd.f32 v3, v11;
	[tilespmem:s29+$0x44A0] =	vst v4  }
0x16b: {  	v2 =	vadd.f32 v2, v12;
	[tilespmem:s29+$0x4490] =	vst v5;
	v5 =	vmul.f32 v7, v0  }
0x16c: {  	[tilespmem:s29+$0x44B0] =	vst v3;
	v1 =	vadd.f32 v1, v10  }
0x16d: {  	[tilespmem:s29+$0x44C0] =	vst v2;
	v2 =	vadd.f32 v5, v6  }
0x16e: {  	[tilespmem:s29+$0x44D0] =	vst v1  }
0x16f: {  	s28 =	simm.s32 $0x0;
	[tilespmem:s29+$0x44E0] =	vst v2  }
0x170: {  	[hbm4b:s11+s28] =	stream.linear.scatter [tilespmem:s23], [sflag:$0x2], $0x2000, $0x38;
	[tilespmem:$0x6480] =	vst v63  }
0x171: {  	_ =	swait.ge [sflag:s16], $0x2000  }
0x172: {  	[sflag:s16] =	ssyncset.done $0x0  }
0x173: {  	[sflag:s16] =	ssyncadd.s32 $0xFFFFE000  }
0x174: {  	[tilespmem:s20], [sflag:$0x1] =	stream.indirect.gather [hbm4b:s3+s19], $0x80, s0, s19, $0xb8;
	[tilespmem:$0x6480] =	vst v63  }
0x175: {  	_ = 	snop  }
0x176: {  	[tilespmem:s21], [sflag:$0x1] =	stream.indirect.gather [hbm4b:s3+s19], $0x80, s2, s19, $0xb8;
	[tilespmem:$0x6480] =	vst v63  }
0x177: {  	_ =	swait.ge [sflag:s22], $0x2000  }
0x178: {  	[sflag:s22] =	ssyncset.done $0x0  }
0x179: {  	[sflag:s22] =	ssyncadd.s32 $0xFFFFE000  }
0x17a: {  	_ =	swait.ge [sflag:s22], $0x2000  }
0x17b: {  	[sflag:s22] =	ssyncset.done $0x0  }
0x17c: {  	s28 =	simm.s32 $0x0;
	[sflag:s22] =	ssyncadd.s32 $0xFFFFE000  }
0x17d: {  	v1 =	vld [tilespmem:s28+$0x24F0]  }
0x17e: {  	v2 =	vld [tilespmem:s28+$0x2480]  }
0x17f: {  	v3 =	vld [tilespmem:s28+$0x4F0]  }
0x180: {  	v4 =	vld [tilespmem:s28+$0x2490]  }
0x181: {  	v5 =	vld [tilespmem:s28+$0x24A0]  }
0x182: {  	v6 =	vld [tilespmem:s28+$0x24B0]  }
0x183: {  	v7 =	vld [tilespmem:s28+$0x24C0]  }
0x184: {  	v10 =	vld [tilespmem:s28+$0x24D0]  }
0x185: {  	v11 =	vld [tilespmem:s28+$0x24E0]  }
0x186: {  	v12 =	vld [tilespmem:s28+$0x480]  }
0x187: {  	v13 =	vld [tilespmem:s28+$0x490];
	v1 =	vmul.f32 v1, v0  }
0x188: {  	v9 =	vld [tilespmem:s28+$0x4A0]  }
0x189: {  	v8 =	vld [tilespmem:s28+$0x4B0];
	v14 =	vmul.f32 v2, v0;
	v15 =	vmul.f32 v4, v0;
	v1 =	vadd.f32 v1, v3  }
0x18a: {  	v5 =	vmul.f32 v5, v0;
	v4 =	vmul.f32 v6, v0;
	v6 =	vld [tilespmem:s28+$0x4C0]  }
0x18b: {  	v3 =	vmul.f32 v7, v0;
	v7 =	vld [tilespmem:s28+$0x4D0];
	[tilespmem:s28+$0x44F0] =	vst v1;
	v1 =	vmul.f32 v11, v0;
	v11 =	vadd.f32 v14, v12  }
0x18c: {  	s30 =	simm.s32 $0x400;
	s29 =	simm.s32 $0x80;
	v2 =	vmul.f32 v10, v0;
	v10 =	vld [tilespmem:s28+$0x4E0];
	v12 =	vadd.f32 v15, v13  }
.LBB2_12:
0x18d: {  	p0 =	sne.s32 s30, $0x7E00;
	v13 =	vld [tilespmem:s29+$0x24F0];
	[tilespmem:s28+$0x4480] =	vst v11;
	v5 =	vadd.f32 v5, v9  }
0x18e: {  	v9 =	vld [tilespmem:s29+$0x2480];
	[tilespmem:s28+$0x4490] =	vst v12;
	v4 =	vadd.f32 v4, v8  }
0x18f: {  	v8 =	vld [tilespmem:s29+$0x4F0];
	[tilespmem:s28+$0x44A0] =	vst v5;
	v3 =	vadd.f32 v3, v6  }
0x190: {  	v5 =	vld [tilespmem:s29+$0x2490];
	[tilespmem:s28+$0x44B0] =	vst v4;
	v2 =	vadd.f32 v2, v7  }
0x191: {  	v4 =	vld [tilespmem:s29+$0x24A0];
	[tilespmem:s28+$0x44C0] =	vst v3;
	v1 =	vadd.f32 v1, v10  }
0x192: {  	v3 =	vld [tilespmem:s29+$0x24B0];
	v6 =	vmul.f32 v13, v0;
	[tilespmem:s28+$0x44D0] =	vst v2  }
0x193: {  	v7 =	vmul.f32 v9, v0;
	v2 =	vld [tilespmem:s29+$0x24C0];
	[tilespmem:s28+$0x44E0] =	vst v1;
	s28 =	smov.u32 s29  }
0x194: {  	v1 =	vld [tilespmem:s28+$0x24D0];
	v6 =	vadd.f32 v6, v8  }
0x195: {  	v10 =	vmul.f32 v5, v0;
	v11 =	vld [tilespmem:s28+$0x24E0]  }
0x196: {  	v12 =	vld [tilespmem:s28+$0x480];
	v5 =	vmul.f32 v4, v0;
	[tilespmem:s28+$0x44F0] =	vst v6  }
0x197: {  	v13 =	vld [tilespmem:s28+$0x490];
	v4 =	vmul.f32 v3, v0  }
.Ltmp5:
0x198: {  	v9 =	vld [tilespmem:s28+$0x4A0];
	v3 =	vmul.f32 v2, v0;
	(pc) =	sbr.rel @p0 .LBB2_12-.Ltmp5, $4  }
0x199: {  	v8 =	vld [tilespmem:s28+$0x4B0];
	v2 =	vmul.f32 v1, v0  }
0x19a: {  	v6 =	vld [tilespmem:s28+$0x4C0];
	v1 =	vmul.f32 v11, v0  }
0x19b: {  	v11 =	vadd.f32 v7, v12;
	v7 =	vld [tilespmem:s28+$0x4D0]  }
0x19c: {  	s29 =	sshra.s32 s30, $0x2;
	s30 =	sadd.s32 $0x200, s30;
	v12 =	vadd.f32 v10, v13;
	v10 =	vld [tilespmem:s28+$0x4E0]  }
0x19d: {  	v13 =	vld [tilespmem:s29+$0x24F0];
	[tilespmem:s28+$0x4480] =	vst v11;
	v5 =	vadd.f32 v5, v9  }
0x19e: {  	v11 =	vld [tilespmem:s29+$0x2480];
	[tilespmem:s28+$0x4490] =	vst v12;
	v4 =	vadd.f32 v4, v8  }
0x19f: {  	v9 =	vld [tilespmem:s29+$0x4F0];
	[tilespmem:s28+$0x44A0] =	vst v5;
	v3 =	vadd.f32 v3, v6  }
0x1a0: {  	v5 =	vld [tilespmem:s29+$0x2490];
	[tilespmem:s28+$0x44B0] =	vst v4;
	v2 =	vadd.f32 v2, v7  }
0x1a1: {  	v4 =	vld [tilespmem:s29+$0x24A0];
	[tilespmem:s28+$0x44C0] =	vst v3;
	v1 =	vadd.f32 v1, v10  }
0x1a2: {  	v3 =	vld [tilespmem:s29+$0x24B0];
	[tilespmem:s28+$0x44D0] =	vst v2  }
0x1a3: {  	v6 =	vmul.f32 v13, v0;
	v2 =	vld [tilespmem:s29+$0x24C0];
	[tilespmem:s28+$0x44E0] =	vst v1  }
0x1a4: {  	v1 =	vld [tilespmem:s29+$0x24D0]  }
0x1a5: {  	v6 =	vadd.f32 v6, v9;
	v8 =	vld [tilespmem:s29+$0x480]  }
0x1a6: {  	v9 =	vld [tilespmem:s29+$0x4A0]  }
0x1a7: {  	[tilespmem:s29+$0x44F0] =	vst v6;
	v6 =	vld [tilespmem:s29+$0x490]  }
0x1a8: {  	v7 =	vld [tilespmem:s29+$0x24E0]  }
0x1a9: {  	v10 =	vmul.f32 v11, v0;
	v11 =	vld [tilespmem:s29+$0x4B0]  }
0x1aa: {  	v12 =	vld [tilespmem:s29+$0x4C0];
	v5 =	vmul.f32 v5, v0;
	v4 =	vmul.f32 v4, v0  }
0x1ab: {  	v8 =	vadd.f32 v10, v8;
	v10 =	vld [tilespmem:s29+$0x4D0]  }
0x1ac: {  	v3 =	vmul.f32 v3, v0;
	v4 =	vadd.f32 v4, v9;
	v5 =	vadd.f32 v5, v6;
	v6 =	vld [tilespmem:s29+$0x4E0]  }
0x1ad: {  	v2 =	vmul.f32 v2, v0;
	[tilespmem:s29+$0x4480] =	vst v8  }
0x1ae: {  	v1 =	vmul.f32 v1, v0;
	v3 =	vadd.f32 v3, v11;
	[tilespmem:s29+$0x44A0] =	vst v4  }
0x1af: {  	v2 =	vadd.f32 v2, v12;
	[tilespmem:s29+$0x4490] =	vst v5;
	v5 =	vmul.f32 v7, v0  }
0x1b0: {  	[tilespmem:s29+$0x44B0] =	vst v3;
	v1 =	vadd.f32 v1, v10  }
0x1b1: {  	[tilespmem:s29+$0x44C0] =	vst v2;
	v2 =	vadd.f32 v5, v6  }
0x1b2: {  	[tilespmem:s29+$0x44D0] =	vst v1  }
0x1b3: {  	s28 =	simm.s32 $0x0;
	[tilespmem:s29+$0x44E0] =	vst v2  }
0x1b4: {  	[hbm4b:s12+s28] =	stream.linear.scatter [tilespmem:s23], [sflag:$0x2], $0x2000, $0x38;
	[tilespmem:$0x6480] =	vst v63  }
0x1b5: {  	_ =	swait.ge [sflag:s16], $0x2000  }
0x1b6: {  	[sflag:s16] =	ssyncset.done $0x0  }
0x1b7: {  	[sflag:s16] =	ssyncadd.s32 $0xFFFFE000  }
0x1b8: {  	[tilespmem:s20], [sflag:$0x1] =	stream.indirect.gather [hbm4b:s3+s19], $0x80, s1, s19, $0xb8;
	[tilespmem:$0x6480] =	vst v63  }
0x1b9: {  	_ = 	snop  }
0x1ba: {  	[tilespmem:s21], [sflag:$0x1] =	stream.indirect.gather [hbm4b:s3+s19], $0x80, s18, s19, $0xb8;
	[tilespmem:$0x6480] =	vst v63  }
0x1bb: {  	_ =	swait.ge [sflag:s22], $0x2000  }
0x1bc: {  	[sflag:s22] =	ssyncset.done $0x0  }
0x1bd: {  	[sflag:s22] =	ssyncadd.s32 $0xFFFFE000  }
0x1be: {  	_ =	swait.ge [sflag:s22], $0x2000  }
0x1bf: {  	[sflag:s22] =	ssyncset.done $0x0  }
0x1c0: {  	s28 =	simm.s32 $0x0;
	[sflag:s22] =	ssyncadd.s32 $0xFFFFE000  }
0x1c1: {  	v1 =	vld [tilespmem:s28+$0x24F0]  }
0x1c2: {  	v2 =	vld [tilespmem:s28+$0x2480]  }
0x1c3: {  	v3 =	vld [tilespmem:s28+$0x4F0]  }
0x1c4: {  	v4 =	vld [tilespmem:s28+$0x2490]  }
0x1c5: {  	v5 =	vld [tilespmem:s28+$0x24A0]  }
0x1c6: {  	v6 =	vld [tilespmem:s28+$0x24B0]  }
0x1c7: {  	v7 =	vld [tilespmem:s28+$0x24C0]  }
0x1c8: {  	v10 =	vld [tilespmem:s28+$0x24D0]  }
0x1c9: {  	v11 =	vld [tilespmem:s28+$0x24E0]  }
0x1ca: {  	v12 =	vld [tilespmem:s28+$0x480]  }
0x1cb: {  	v13 =	vld [tilespmem:s28+$0x490];
	v1 =	vmul.f32 v1, v0  }
0x1cc: {  	v9 =	vld [tilespmem:s28+$0x4A0]  }
0x1cd: {  	v8 =	vld [tilespmem:s28+$0x4B0];
	v14 =	vmul.f32 v2, v0;
	v15 =	vmul.f32 v4, v0;
	v1 =	vadd.f32 v1, v3  }
0x1ce: {  	v5 =	vmul.f32 v5, v0;
	v4 =	vmul.f32 v6, v0;
	v6 =	vld [tilespmem:s28+$0x4C0]  }
0x1cf: {  	v3 =	vmul.f32 v7, v0;
	v7 =	vld [tilespmem:s28+$0x4D0];
	[tilespmem:s28+$0x44F0] =	vst v1;
	v1 =	vmul.f32 v11, v0;
	v11 =	vadd.f32 v14, v12  }
0x1d0: {  	s30 =	simm.s32 $0x400;
	s29 =	simm.s32 $0x80;
	v2 =	vmul.f32 v10, v0;
	v10 =	vld [tilespmem:s28+$0x4E0];
	v12 =	vadd.f32 v15, v13  }
.LBB2_14:
0x1d1: {  	p0 =	sne.s32 s30, $0x7E00;
	v13 =	vld [tilespmem:s29+$0x24F0];
	[tilespmem:s28+$0x4480] =	vst v11;
	v5 =	vadd.f32 v5, v9  }
0x1d2: {  	v9 =	vld [tilespmem:s29+$0x2480];
	[tilespmem:s28+$0x4490] =	vst v12;
	v4 =	vadd.f32 v4, v8  }
0x1d3: {  	v8 =	vld [tilespmem:s29+$0x4F0];
	[tilespmem:s28+$0x44A0] =	vst v5;
	v3 =	vadd.f32 v3, v6  }
0x1d4: {  	v5 =	vld [tilespmem:s29+$0x2490];
	[tilespmem:s28+$0x44B0] =	vst v4;
	v2 =	vadd.f32 v2, v7  }
0x1d5: {  	v4 =	vld [tilespmem:s29+$0x24A0];
	[tilespmem:s28+$0x44C0] =	vst v3;
	v1 =	vadd.f32 v1, v10  }
0x1d6: {  	v3 =	vld [tilespmem:s29+$0x24B0];
	v6 =	vmul.f32 v13, v0;
	[tilespmem:s28+$0x44D0] =	vst v2  }
0x1d7: {  	v7 =	vmul.f32 v9, v0;
	v2 =	vld [tilespmem:s29+$0x24C0];
	[tilespmem:s28+$0x44E0] =	vst v1;
	s28 =	smov.u32 s29  }
0x1d8: {  	v1 =	vld [tilespmem:s28+$0x24D0];
	v6 =	vadd.f32 v6, v8  }
0x1d9: {  	v10 =	vmul.f32 v5, v0;
	v11 =	vld [tilespmem:s28+$0x24E0]  }
0x1da: {  	v12 =	vld [tilespmem:s28+$0x480];
	v5 =	vmul.f32 v4, v0;
	[tilespmem:s28+$0x44F0] =	vst v6  }
0x1db: {  	v13 =	vld [tilespmem:s28+$0x490];
	v4 =	vmul.f32 v3, v0  }
.Ltmp6:
0x1dc: {  	v9 =	vld [tilespmem:s28+$0x4A0];
	v3 =	vmul.f32 v2, v0;
	(pc) =	sbr.rel @p0 .LBB2_14-.Ltmp6, $4  }
0x1dd: {  	v8 =	vld [tilespmem:s28+$0x4B0];
	v2 =	vmul.f32 v1, v0  }
0x1de: {  	v6 =	vld [tilespmem:s28+$0x4C0];
	v1 =	vmul.f32 v11, v0  }
0x1df: {  	v11 =	vadd.f32 v7, v12;
	v7 =	vld [tilespmem:s28+$0x4D0]  }
0x1e0: {  	s29 =	sshra.s32 s30, $0x2;
	s30 =	sadd.s32 $0x200, s30;
	v12 =	vadd.f32 v10, v13;
	v10 =	vld [tilespmem:s28+$0x4E0]  }
0x1e1: {  	v13 =	vld [tilespmem:s29+$0x24F0];
	[tilespmem:s28+$0x4480] =	vst v11;
	v5 =	vadd.f32 v5, v9  }
0x1e2: {  	v11 =	vld [tilespmem:s29+$0x2480];
	[tilespmem:s28+$0x4490] =	vst v12;
	v4 =	vadd.f32 v4, v8  }
0x1e3: {  	v9 =	vld [tilespmem:s29+$0x4F0];
	[tilespmem:s28+$0x44A0] =	vst v5;
	v3 =	vadd.f32 v3, v6  }
0x1e4: {  	v5 =	vld [tilespmem:s29+$0x2490];
	[tilespmem:s28+$0x44B0] =	vst v4;
	v2 =	vadd.f32 v2, v7  }
0x1e5: {  	v4 =	vld [tilespmem:s29+$0x24A0];
	[tilespmem:s28+$0x44C0] =	vst v3;
	v1 =	vadd.f32 v1, v10  }
0x1e6: {  	v3 =	vld [tilespmem:s29+$0x24B0];
	[tilespmem:s28+$0x44D0] =	vst v2  }
0x1e7: {  	v6 =	vmul.f32 v13, v0;
	v2 =	vld [tilespmem:s29+$0x24C0];
	[tilespmem:s28+$0x44E0] =	vst v1  }
0x1e8: {  	v1 =	vld [tilespmem:s29+$0x24D0]  }
0x1e9: {  	v6 =	vadd.f32 v6, v9;
	v8 =	vld [tilespmem:s29+$0x480]  }
0x1ea: {  	v9 =	vld [tilespmem:s29+$0x4A0]  }
0x1eb: {  	[tilespmem:s29+$0x44F0] =	vst v6;
	v6 =	vld [tilespmem:s29+$0x490]  }
0x1ec: {  	v7 =	vld [tilespmem:s29+$0x24E0]  }
0x1ed: {  	v10 =	vmul.f32 v11, v0;
	v11 =	vld [tilespmem:s29+$0x4B0]  }
0x1ee: {  	v12 =	vld [tilespmem:s29+$0x4C0];
	v5 =	vmul.f32 v5, v0;
	v4 =	vmul.f32 v4, v0  }
0x1ef: {  	v8 =	vadd.f32 v10, v8;
	v10 =	vld [tilespmem:s29+$0x4D0]  }
0x1f0: {  	v3 =	vmul.f32 v3, v0;
	v4 =	vadd.f32 v4, v9;
	v5 =	vadd.f32 v5, v6;
	v6 =	vld [tilespmem:s29+$0x4E0]  }
0x1f1: {  	v2 =	vmul.f32 v2, v0;
	[tilespmem:s29+$0x4480] =	vst v8  }
0x1f2: {  	v1 =	vmul.f32 v1, v0;
	v3 =	vadd.f32 v3, v11;
	[tilespmem:s29+$0x44A0] =	vst v4  }
0x1f3: {  	v2 =	vadd.f32 v2, v12;
	[tilespmem:s29+$0x4490] =	vst v5;
	v5 =	vmul.f32 v7, v0  }
0x1f4: {  	[tilespmem:s29+$0x44B0] =	vst v3;
	v1 =	vadd.f32 v1, v10  }
0x1f5: {  	[tilespmem:s29+$0x44C0] =	vst v2;
	v2 =	vadd.f32 v5, v6  }
0x1f6: {  	[tilespmem:s29+$0x44D0] =	vst v1  }
0x1f7: {  	s28 =	simm.s32 $0x0;
	[tilespmem:s29+$0x44E0] =	vst v2  }
0x1f8: {  	[hbm4b:s13+s28] =	stream.linear.scatter [tilespmem:s23], [sflag:$0x2], $0x2000, $0x38;
	[tilespmem:$0x6480] =	vst v63  }
0x1f9: {  	_ =	swait.ge [sflag:s16], $0x2000  }
0x1fa: {  	[sflag:s16] =	ssyncset.done $0x0  }
0x1fb: {  	[sflag:s16] =	ssyncadd.s32 $0xFFFFE000  }
0x1fc: {  	[tilespmem:s20], [sflag:$0x1] =	stream.indirect.gather [hbm4b:s3+s19], $0x80, s24, s19, $0xb8;
	[tilespmem:$0x6480] =	vst v63  }
0x1fd: {  	_ = 	snop  }
0x1fe: {  	[tilespmem:s21], [sflag:$0x1] =	stream.indirect.gather [hbm4b:s3+s19], $0x80, s25, s19, $0xb8;
	[tilespmem:$0x6480] =	vst v63  }
0x1ff: {  	_ =	swait.ge [sflag:s22], $0x2000  }
0x200: {  	[sflag:s22] =	ssyncset.done $0x0  }
0x201: {  	[sflag:s22] =	ssyncadd.s32 $0xFFFFE000  }
0x202: {  	_ =	swait.ge [sflag:s22], $0x2000  }
0x203: {  	[sflag:s22] =	ssyncset.done $0x0  }
0x204: {  	s28 =	simm.s32 $0x0;
	[sflag:s22] =	ssyncadd.s32 $0xFFFFE000  }
0x205: {  	v1 =	vld [tilespmem:s28+$0x24F0]  }
0x206: {  	v2 =	vld [tilespmem:s28+$0x2480]  }
0x207: {  	v3 =	vld [tilespmem:s28+$0x4F0]  }
0x208: {  	v4 =	vld [tilespmem:s28+$0x2490]  }
0x209: {  	v5 =	vld [tilespmem:s28+$0x24A0]  }
0x20a: {  	v6 =	vld [tilespmem:s28+$0x24B0]  }
0x20b: {  	v7 =	vld [tilespmem:s28+$0x24C0]  }
0x20c: {  	v10 =	vld [tilespmem:s28+$0x24D0]  }
0x20d: {  	v11 =	vld [tilespmem:s28+$0x24E0]  }
0x20e: {  	v12 =	vld [tilespmem:s28+$0x480]  }
0x20f: {  	v13 =	vld [tilespmem:s28+$0x490];
	v1 =	vmul.f32 v1, v0  }
0x210: {  	v9 =	vld [tilespmem:s28+$0x4A0]  }
0x211: {  	v8 =	vld [tilespmem:s28+$0x4B0];
	v14 =	vmul.f32 v2, v0;
	v15 =	vmul.f32 v4, v0;
	v1 =	vadd.f32 v1, v3  }
0x212: {  	v5 =	vmul.f32 v5, v0;
	v4 =	vmul.f32 v6, v0;
	v6 =	vld [tilespmem:s28+$0x4C0]  }
0x213: {  	v3 =	vmul.f32 v7, v0;
	v7 =	vld [tilespmem:s28+$0x4D0];
	[tilespmem:s28+$0x44F0] =	vst v1;
	v1 =	vmul.f32 v11, v0;
	v11 =	vadd.f32 v14, v12  }
0x214: {  	s30 =	simm.s32 $0x400;
	s29 =	simm.s32 $0x80;
	v2 =	vmul.f32 v10, v0;
	v10 =	vld [tilespmem:s28+$0x4E0];
	v12 =	vadd.f32 v15, v13  }
.LBB2_16:
0x215: {  	p0 =	sne.s32 s30, $0x7E00;
	v13 =	vld [tilespmem:s29+$0x24F0];
	[tilespmem:s28+$0x4480] =	vst v11;
	v5 =	vadd.f32 v5, v9  }
0x216: {  	v9 =	vld [tilespmem:s29+$0x2480];
	[tilespmem:s28+$0x4490] =	vst v12;
	v4 =	vadd.f32 v4, v8  }
0x217: {  	v8 =	vld [tilespmem:s29+$0x4F0];
	[tilespmem:s28+$0x44A0] =	vst v5;
	v3 =	vadd.f32 v3, v6  }
0x218: {  	v5 =	vld [tilespmem:s29+$0x2490];
	[tilespmem:s28+$0x44B0] =	vst v4;
	v2 =	vadd.f32 v2, v7  }
0x219: {  	v4 =	vld [tilespmem:s29+$0x24A0];
	[tilespmem:s28+$0x44C0] =	vst v3;
	v1 =	vadd.f32 v1, v10  }
0x21a: {  	v3 =	vld [tilespmem:s29+$0x24B0];
	v6 =	vmul.f32 v13, v0;
	[tilespmem:s28+$0x44D0] =	vst v2  }
0x21b: {  	v7 =	vmul.f32 v9, v0;
	v2 =	vld [tilespmem:s29+$0x24C0];
	[tilespmem:s28+$0x44E0] =	vst v1;
	s28 =	smov.u32 s29  }
0x21c: {  	v1 =	vld [tilespmem:s28+$0x24D0];
	v6 =	vadd.f32 v6, v8  }
0x21d: {  	v10 =	vmul.f32 v5, v0;
	v11 =	vld [tilespmem:s28+$0x24E0]  }
0x21e: {  	v12 =	vld [tilespmem:s28+$0x480];
	v5 =	vmul.f32 v4, v0;
	[tilespmem:s28+$0x44F0] =	vst v6  }
0x21f: {  	v13 =	vld [tilespmem:s28+$0x490];
	v4 =	vmul.f32 v3, v0  }
.Ltmp7:
0x220: {  	v9 =	vld [tilespmem:s28+$0x4A0];
	v3 =	vmul.f32 v2, v0;
	(pc) =	sbr.rel @p0 .LBB2_16-.Ltmp7, $4  }
0x221: {  	v8 =	vld [tilespmem:s28+$0x4B0];
	v2 =	vmul.f32 v1, v0  }
0x222: {  	v6 =	vld [tilespmem:s28+$0x4C0];
	v1 =	vmul.f32 v11, v0  }
0x223: {  	v11 =	vadd.f32 v7, v12;
	v7 =	vld [tilespmem:s28+$0x4D0]  }
0x224: {  	s29 =	sshra.s32 s30, $0x2;
	s30 =	sadd.s32 $0x200, s30;
	v12 =	vadd.f32 v10, v13;
	v10 =	vld [tilespmem:s28+$0x4E0]  }
0x225: {  	v13 =	vld [tilespmem:s29+$0x24F0];
	[tilespmem:s28+$0x4480] =	vst v11;
	v5 =	vadd.f32 v5, v9  }
0x226: {  	v11 =	vld [tilespmem:s29+$0x2480];
	[tilespmem:s28+$0x4490] =	vst v12;
	v4 =	vadd.f32 v4, v8  }
0x227: {  	v53 =	vld [tilespmem:s29+$0x4F0];
	[tilespmem:s28+$0x44A0] =	vst v5;
	v3 =	vadd.f32 v3, v6  }
0x228: {  	v5 =	vld [tilespmem:s29+$0x2490];
	[tilespmem:s28+$0x44B0] =	vst v4;
	v2 =	vadd.f32 v2, v7  }
0x229: {  	v4 =	vld [tilespmem:s29+$0x24A0];
	[tilespmem:s28+$0x44C0] =	vst v3;
	v1 =	vadd.f32 v1, v10  }
0x22a: {  	v3 =	vld [tilespmem:s29+$0x24B0];
	[tilespmem:s28+$0x44D0] =	vst v2  }
0x22b: {  	v2 =	vld [tilespmem:s29+$0x24C0];
	[tilespmem:s28+$0x44E0] =	vst v1  }
0x22c: {  	v1 =	vld [tilespmem:s29+$0x24D0]  }
0x22d: {  	v55 =	vld [tilespmem:s29+$0x24E0]  }
0x22e: {  	v56 =	vld [tilespmem:s29+$0x480]  }
0x22f: {  	v57 =	vld [tilespmem:s29+$0x490]  }
0x230: {  	v54 =	vmul.f32 v13, v0;
	v58 =	vld [tilespmem:s29+$0x4A0]  }
0x231: {  	v59 =	vmul.f32 v11, v0;
	v60 =	vld [tilespmem:s29+$0x4B0]  }
0x232: {  	v6 =	vadd.f32 v54, v53;
	v12 =	vld [tilespmem:s29+$0x4C0];
	v5 =	vmul.f32 v5, v0  }
0x233: {  	v61 =	vld [tilespmem:s29+$0x4D0];
	v4 =	vmul.f32 v4, v0;
	v8 =	vadd.f32 v59, v56  }
0x234: {  	v62 =	vld [tilespmem:s29+$0x4E0];
	[tilespmem:s29+$0x44F0] =	vst v6;
	v3 =	vmul.f32 v3, v0;
	v5 =	vadd.f32 v5, v57  }
0x235: {  	v2 =	vmul.f32 v2, v0;
	v4 =	vadd.f32 v4, v58;
	[tilespmem:s29+$0x4480] =	vst v8  }
0x236: {  	v1 =	vmul.f32 v1, v0;
	v3 =	vadd.f32 v3, v60;
	[tilespmem:s29+$0x4490] =	vst v5  }
0x237: {  	v63 =	vmul.f32 v55, v0;
	v2 =	vadd.f32 v2, v12;
	[tilespmem:s29+$0x44A0] =	vst v4  }
0x238: {  	[tilespmem:s29+$0x44B0] =	vst v3;
	v1 =	vadd.f32 v1, v61  }
0x239: {  	s26 =	sadd.s32 $0x1, s26;
	v0 =	vadd.f32 v63, v62;
	[tilespmem:s29+$0x44C0] =	vst v2  }
0x23a: {  	p0 =	sne.s32 s26, s15;
	[tilespmem:s29+$0x44D0] =	vst v1  }
.Ltmp8:
0x23b: {  	[tilespmem:s29+$0x44E0] =	vst v0;
	(pc) =	sbr.rel @p0 .LBB2_1-.Ltmp8, $4  }
0x23c: {  	[hbm4b:s14+s4] =	stream.linear.scatter [tilespmem:s23], [sflag:$0x2], $0x2000, $0x38;
	[tilespmem:$0x6480] =	vst v63  }
0x23d: {  	_ =	swait.ge [sflag:s16], $0x2000  }
0x23e: {  	[sflag:s16] =	ssyncset.done $0x0  }
0x23f: {  	[sflag:s16] =	ssyncadd.s32 $0xFFFFE000  }
0x240: {  	_ =	sfence.sel $0x180000  }
0x241: {  	[bflag:$0x0] =	sbarrier.arrive $0xFFFF  }
0x242: {  	_ =	strace $0x90000047  }
0x243: {  	s0 =	stileid.u32;
	[bflag:$0x2] =	sbarrier.arrive $0xFFFF  }
0x244: {  	p0 =	sne.s32 s0, $0x0;
	s0 =	rddreg [dreg:$0x5]  }
0x245: {  	s0 =	sadd.s32 @!p0 $0x100000, s0  }
0x246: {  	[sflag:s0] =	ssyncadd.tile.s32 @!p0 $0x1;
	_ =	shalt  }
.Lfunc_end2:
_tile_overlayer_lowered:
.L_overlay_start_2:
0x247: {  	(tag) =	ssettag $0x2  }
0x248: {  	s0 =	rddreg [dreg:$0x0];
	s2 =	stileid.u32  }
0x249: {  	s1 =	rddreg [dreg:$0x1];
	p0 =	sne.s32 s2, $0x0  }
0x24a: {  	s3 =	rddreg [dreg:$0x2];
	[bflag:$0x3] =	sbarrier.arrive $0xFFFF;
	s2 =	simm.s32 @!p0 $0x1C02  }
0x24b: {  	[timem:s3], [sflag:s2] =	dma.local @!p0 [hbm:s0], s1  }
0x24c: {  	s0 =	simm.s32 @!p0 $0x2  }
0x24d: {  	_ =	swait.ge @!p0 [sflag:s0], s1  }
0x24e: {  	s1 =	ssub.s32 @!p0 $0x0, s1;
	[sflag:s0] =	ssyncset.done @!p0 $0x0  }
0x24f: {  	[sflag:s0] =	ssyncadd.s32 @!p0 s1  }
0x250: {  	[bflag:$0x3] =	sbarrier.arrive $0xFFFF  }
0x251: {  	_ =	shalt  }

// kernel: _run.7.cloned.1.call-start
scs
__scs_entry_jumppad:
0x0: {  	(pc) =	sbr.rel $0x88, $3  }
0x1: {  	(tag) =	ssettag $0x0;
	lr =	simm.s32 $0x1  }
0x2: {  	[smem:$0x3F8E] =	sst lr;
	_ =	strace $0xD0000000  }
0x3: {  	_ = 	snop  }
0x4: {  	_ = 	snop  }
0x5: {  	_ = 	snop  }
0x6: {  	_ = 	snop  }
0x7: {  	_ = 	snop  }
__scs_overlays_trampoline_lowered:
0x8: {  	[smem:$0x3F9D] =	sst s0  }
0x9: {  	[smem:$0x3F9E] =	sst s1  }
0xa: {  	[smem:$0x3F9F] =	sst s2  }
0xb: {  	[smem:$0x3FA0] =	sst s3  }
0xc: {  	[smem:$0x3FA1] =	sst s4  }
0xd: {  	[smem:$0x3FA2] =	sst s5  }
0xe: {  	[smem:$0x3FA3] =	sst s6  }
0xf: {  	[smem:$0x3FA4] =	sst s7  }
0x10: {  	[smem:$0x3FA5] =	sst s8  }
0x11: {  	[smem:$0x3FA6] =	sst s9;
	s0 =	simm.s32 @!p0 $0x0  }
0x12: {  	s1 =	sld [smem:$0x3F8C];
	s0 =	simm.s32 @p0 $0x1  }
0x13: {  	[smem:$0x3FA7] =	sst s0;
	s0 =	simm.s32 @!p1 $0x0  }
0x14: {  	s2 =	sld [smem:$0x3F8B];
	s0 =	simm.s32 @p1 $0x1  }
0x15: {  	[smem:$0x3FA8] =	sst s0;
	s0 =	simm.s32 @!p2 $0x0  }
0x16: {  	s3 =	sld [smem:$0x3FDB];
	s0 =	simm.s32 @p2 $0x1  }
0x17: {  	s4 =	simm.s32 $0x1BF5;
	[smem:$0x3FAA] =	sst s0  }
0x18: {  	s0 =	sld [smem:$0x3F8D];
	_ =	swait.ge [sflag:s4], $0x0  }
0x19: {  	s7 =	sld [smem:$0x3F8E]  }
0x1a: {  	s8 =	sadd.s32 $0xFFFFE003, lr  }
0x1b: {  	s9 =	sadd.s32 $0xFFFFFEF7, lr;
	s5 =	simm.s32 $0xFFFFFFFF;
	p2 =	slt.u32 s8, $0xFFFFF086  }
0x1c: {  	p1 =	slt.u32 s9, $0xF7A;
	s5 =	simm.s32 @!p2 $0x0  }
0x1d: {  	s5 =	simm.s32 @p1 $0x1;
	p0 =	seq.s32 s7, s2  }
0x1e: {  	s7 =	smul.u32 @!p0 $0xF7A, s2;
	p2 =	seq.s32 @!p0 s5, $0x0  }
0x1f: {  	s9 =	smul.u32 $0xF7A, s1;
	s8 =	simm.s32 @!p0 $0x1BF5;
	p2 =	por !p2, p0  }
0x20: {  	[sflag:s8] =	ssyncset.s32 @!p0 $0xFFFFF086;
	s6 =	sadd.s32 @!p0 s3, s7;
	s7 =	simm.s32 @!p0 $0x108  }
0x21: {  	s3 =	sadd.s32 s3, s9;
	s6 =	sadd.s32 @!p0 $0x88, s6;
	s7 =	simm.s32 @p2 $0x1082  }
0x22: {  	[simem:s7], [sflag:s8] =	dma.local @!p0 [hbm:s6], $0xF7A  }
0x23: {  	s9 =	sor.u32 $0xD0000000, s2;
	s6 =	simm.s32 $0x108;
	_ =	swait.ge @!p0 [sflag:s8], $0x0  }
0x24: {  	s3 =	sadd.s32 $0x88, s3;
	s6 =	simm.s32 @!p1 $0x1082;
	[sflag:s4] =	ssyncset.s32 $0xFFFFF086  }
0x25: {  	[simem:s6], [sflag:s4] =	dma.local [hbm:s3], $0xF7A  }
0x26: {  	[smem:$0x3F8E] =	sst s1;
	(tag) =	ssettag s2;
	_ =	strace s9  }
0x27: {  	s1 =	sld [smem:$0x3F9E]  }
0x28: {  	s2 =	sld [smem:$0x3F9F]  }
0x29: {  	s4 =	sld [smem:$0x3FA1]  }
0x2a: {  	p0 =	seq.s32 s5, $0x0;
	s5 =	sld [smem:$0x3FA2]  }
0x2b: {  	s6 =	sld [smem:$0x3FA3]  }
0x2c: {  	s7 =	sld [smem:$0x3FA4]  }
0x2d: {  	s3 =	simm.s32 $0x108;
	s8 =	sld [smem:$0x3FA5]  }
0x2e: {  	s3 =	simm.s32 @!p0 $0x1082;
	s9 =	sld [smem:$0x3FA6]  }
0x2f: {  	lr =	sadd.s32 s0, s3;
	s0 =	sld [smem:$0x3F9D]  }
0x30: {  	s3 =	sld [smem:$0x3FA0]  }
0x31: {  	[smem:$0x3FA9] =	sst s10  }
0x32: {  	s10 =	sld [smem:$0x3FA7];
	_ =	sdelay $0x3  }
0x33: {  	p0 =	seq.s32 s10, $0x1;
	s10 =	sld [smem:$0x3FA9];
	_ =	sdelay $0x3  }
0x34: {  	[smem:$0x3FA9] =	sst s10  }
0x35: {  	s10 =	sld [smem:$0x3FA8];
	_ =	sdelay $0x3  }
0x36: {  	p1 =	seq.s32 s10, $0x1;
	s10 =	sld [smem:$0x3FA9];
	_ =	sdelay $0x3  }
0x37: {  	[smem:$0x3FA9] =	sst s10  }
0x38: {  	s10 =	sld [smem:$0x3FAA]  }
0x39: {  	_ = 	snop;
	(pc) =	sbr.ind lr, $3  }
0x3a: {  	_ = 	snop  }
0x3b: {  	_ = 	snop  }
0x3c: {  	p2 =	seq.s32 s10, $0x1;
	s10 =	sld [smem:$0x3FA9]  }
0x3d: {  	_ =	shalt  }
0x3e: {  	_ =	shalt  }
0x3f: {  	_ =	shalt  }
0x40: {  	_ =	shalt  }
0x41: {  	_ =	shalt  }
0x42: {  	_ =	shalt  }
0x43: {  	_ =	shalt  }
0x44: {  	_ =	shalt  }
0x45: {  	_ =	shalt  }
0x46: {  	_ =	shalt  }
0x47: {  	_ =	shalt  }
0x48: {  	_ =	shalt  }
0x49: {  	_ =	shalt  }
0x4a: {  	_ =	shalt  }
0x4b: {  	_ =	shalt  }
0x4c: {  	_ =	shalt  }
0x4d: {  	_ =	shalt  }
0x4e: {  	_ =	shalt  }
0x4f: {  	_ =	shalt  }
0x50: {  	_ =	shalt  }
0x51: {  	_ =	shalt  }
0x52: {  	_ =	shalt  }
0x53: {  	_ =	shalt  }
0x54: {  	_ =	shalt  }
0x55: {  	_ =	shalt  }
0x56: {  	_ =	shalt  }
0x57: {  	_ =	shalt  }
0x58: {  	_ =	shalt  }
0x59: {  	_ =	shalt  }
0x5a: {  	_ =	shalt  }
0x5b: {  	_ =	shalt  }
0x5c: {  	_ =	shalt  }
0x5d: {  	_ =	shalt  }
0x5e: {  	_ =	shalt  }
0x5f: {  	_ =	shalt  }
0x60: {  	_ =	shalt  }
0x61: {  	_ =	shalt  }
0x62: {  	_ =	shalt  }
0x63: {  	_ =	shalt  }
0x64: {  	_ =	shalt  }
0x65: {  	_ =	shalt  }
0x66: {  	_ =	shalt  }
0x67: {  	_ =	shalt  }
0x68: {  	_ =	shalt  }
0x69: {  	_ =	shalt  }
0x6a: {  	_ =	shalt  }
0x6b: {  	_ =	shalt  }
0x6c: {  	_ =	shalt  }
0x6d: {  	_ =	shalt  }
0x6e: {  	_ =	shalt  }
0x6f: {  	_ =	shalt  }
0x70: {  	_ =	shalt  }
0x71: {  	_ =	shalt  }
0x72: {  	_ =	shalt  }
0x73: {  	_ =	shalt  }
0x74: {  	_ =	shalt  }
0x75: {  	_ =	shalt  }
0x76: {  	_ =	shalt  }
0x77: {  	_ =	shalt  }
0x78: {  	_ =	shalt  }
0x79: {  	_ =	shalt  }
0x7a: {  	_ =	shalt  }
0x7b: {  	_ =	shalt  }
0x7c: {  	_ =	shalt  }
0x7d: {  	_ =	shalt  }
0x7e: {  	_ =	shalt  }
0x7f: {  	_ =	shalt  }
0x80: {  	_ =	shalt  }
0x81: {  	_ =	shalt  }
0x82: {  	_ =	shalt  }
0x83: {  	_ =	shalt  }
0x84: {  	_ =	shalt  }
0x85: {  	_ =	shalt  }
0x86: {  	_ =	shalt  }
0x87: {  	_ =	shalt  }
.Lfunc_end0:
.L_simem_size_0:
called_computation.1_lowered:
.L_overlay_start_0:
0x88: {  	s2 =	sld [smem:$0x3FD9]  }
0x89: {  	s3 =	sld [smem:$0x3FFE];
	_ =	sdelay $0x1  }
0x8a: {  	s1 =	srdreg.scid  }
0x8b: {  	s0 =	sand.u32 $0x1, s1  }
0x8c: {  	s17 =	sshll.u32 s0, $0xA;
	s2 =	sadd.s32 s3, s2  }
0x8d: {  	s2 =	sadd.s32 s2, s17  }
0x8e: {  	[smem:$0x3FB5] =	sst s2  }
0x8f: {  	_ = 	snop  }
0x90: {  	s2 =	sld [smem:$0x3FC7]  }
0x91: {  	s18 =	sld [smem:$0x3FC6]  }
0x92: {  	s4 =	sld [smem:$0x3FC5]  }
0x93: {  	s5 =	sld [smem:$0x3FC4]  }
0x94: {  	s6 =	sld [smem:$0x3FC2]  }
0x95: {  	s7 =	sld [smem:$0x3FD0];
	(tm) =	ssettm $0x1  }
0x96: {  	s8 =	sld [smem:$0x3FFB];
	_ =	sdelay $0x3  }
0x97: {  	_ =	strace s8  }
0x98: {  	s8 =	sld [smem:$0x3FFC];
	_ =	sdelay $0x3  }
0x99: {  	_ =	strace s8  }
0x9a: {  	s8 =	sld [smem:$0x3FFD];
	_ =	sdelay $0x3  }
0x9b: {  	_ =	strace s8  }
0x9c: {  	_ =	strace $0x8FFFFFFF  }
0x9d: {  	s19 =	sld [smem:$0x3FDB];
	_ =	sdelay $0x1  }
0x9e: {  	s9 =	simm.s32 $_scs_section_size  }
0x9f: {  	s10 =	simm.s32 $_size__tile_overlayer_lowered;
	s11 =	simm.s32 $_tile_overlayer_lowered  }
0xa0: {  	s22 =	simm.s32 $0x1BFF;
	s21 =	sshll.u32 s11, $0x1;
	s8 =	sadd.s32 s9, s19  }
0xa1: {  	s12 =	simm.s32 $0x0;
	s20 =	sshll.u32 s10, $0x1;
	s10 =	sadd.s32 s21, s8  }
0xa2: {  	[timem:s12], [sflag:s22] =	dma.local [hbm:s10], s20  }
0xa3: {  	_ =	swait.ge [sflag:s22], s20  }
0xa4: {  	s9 =	ssub.s32 $0x0, s20;
	[sflag:s22] =	ssyncset.done $0x0  }
0xa5: {  	[sflag:s22] =	ssyncadd.s32 s9;
	_ =	sdelay $0x1  }
0xa6: {  	s23 =	simm.s32 $0x1B8B  }
0xa7: {  	_ =	swait.ge [sflag:s23], $0x1  }
0xa8: {  	[sflag:s23] =	ssyncset.done $0x0  }
0xa9: {  	s25 =	simm.s32 $0x1B8E;
	s24 =	sld [smem:$0x3FFE];
	[sflag:s23] =	ssyncadd.s32 $0xFFFFFFFF  }
0xaa: {  	s26 =	simm.s32 $execute0_lowered;
	[smem:$0x3FD2] =	sst s25  }
0xab: {  	s10 =	sshll.u32 s26, $0x1;
	_ =	strace $0x80000049;
	[dreg:$0x1] =	wrdreg $0xFFFFFFFF  }
0xac: {  	s28 =	simm.s32 $_size_execute0_lowered;
	s8 =	sadd.s32 s8, s10;
	[dreg:$0x0] =	wrdreg $0x0  }
0xad: {  	s10 =	sshll.u32 s28, $0x1;
	[dreg:$0x2] =	wrdreg s8  }
0xae: {  	[dreg:$0x3] =	wrdreg s10  }
0xaf: {  	[dreg:$0x4] =	wrdreg $0xC0  }
0xb0: {  	_ =	task [dreg:s12], $0x5FFFF  }
0xb1: {  	[dreg:$0x1] =	wrdreg $0xFFFFFFFF  }
0xb2: {  	[dreg:$0x0] =	wrdreg $0x60  }
0xb3: {  	[dreg:$0x2] =	wrdreg s2  }
0xb4: {  	[dreg:$0x3] =	wrdreg s18  }
0xb5: {  	[dreg:$0x4] =	wrdreg s4  }
0xb6: {  	[dreg:$0x5] =	wrdreg s5  }
0xb7: {  	[dreg:$0x6] =	wrdreg s6  }
0xb8: {  	[dreg:$0x7] =	wrdreg s24  }
0xb9: {  	[dreg:$0x8] =	wrdreg s7  }
0xba: {  	[dreg:$0x9] =	wrdreg $0x9  }
0xbb: {  	_ =	task.clear_ibuf [dreg:s12], $0xAFFFF;
	_ =	strace $0x90000049  }
0xbc: {  	s29 =	simm.s32 $0x9;
	_ =	strace $0x8000004B  }
0xbd: {  	_ =	swait.ge [sflag:s29], $0x1  }
0xbe: {  	[sflag:s29] =	ssyncadd.s32 $0xFFFFFFFF  }
0xbf: {  	_ =	strace $0x9000004B  }
0xc0: {  	_ =	sfence  }
0xc1: {  	s30 =	sld [smem:$0x0];
	_ =	sdelay $0x2  }
0xc2: {  	s31 =	sshll.u32 s1, $0xD;
	s1 =	sshrl.u32 s1, $0x2  }
0xc3: {  	s3 =	sand.u32 $0x4000, s31;
	s1 =	sadd.s32 s1, s30  }
0xc4: {  	s0 =	sor.u32 s3, s0;
	s1 =	sshll.u32 s1, $0x11  }
0xc5: {  	s0 =	sor.u32 s1, s0  }
0xc6: {  	s0 =	sadd.s32 $0x8F2B, s0  }
0xc7: {  	[sflag:s0] =	ssyncadd.remote.s32 $0x1  }
0xc8: {  	_ =	sfence.sel $0xFFFF  }
0xc9: {  	[dreg:$0x0] =	wrdreg $0xFFFFFFFF;
	(pc) =	sbr.abs _section_cstart, $3  }
0xca: {  	[dreg:$0x1] =	wrdreg $0xFFFFFFFF  }
0xcb: {  	_ =	task.clear_ibuf [dreg:s12], $0x2FFFF;
	_ =	strace $0x9FFFFFFF  }
0xcc: {  	(tm) =	ssettm $0x7FFFFFFF  }
0xcd: {  	_ =	shalt  }
tec
execute0_lowered:
.L_overlay_start_1:
0x0: {  	(tag) =	ssettag $0x1  }
0x1: {  	s0 =	rddreg [dreg:$0x0]  }
0x2: {  	s1 =	rddreg [dreg:$0x1]  }
0x3: {  	s9 =	rddreg [dreg:$0x2]  }
0x4: {  	s16 =	rddreg [dreg:$0x3]  }
0x5: {  	s15 =	rddreg [dreg:$0x5]  }
0x6: {  	s17 =	rddreg [dreg:$0x6];
	s2 =	simm.s32 $0x0;
	s13 =	srdreg.scid  }
0x7: {  	s14 =	stileid.u32;
	s30 =	simm.s32 $0xBA80;
	[smem:$0x7FF] =	sst s2  }
0x8: {  	s3 =	sadd.s32 $0x5E00, s15;
	s4 =	sadd.s32 $0x45E00, s15;
	s5 =	sadd.s32 $0x1CC800, s15  }
0x9: {  	s31 =	simm.s32 $0x1;
	s6 =	sadd.s32 $0x353200, s15;
	s7 =	sadd.s32 $0x4D9C00, s15  }
0xa: {  	s8 =	sadd.s32 $0x660600, s15;
	s10 =	sadd.s32 $0x7E7000, s15;
	s13 =	sand.u32 $0x1, s13  }
0xb: {  	s11 =	sadd.s32 $0x96DA00, s15;
	s14 =	sshll.u32 s14, $0xA;
	s19 =	sshll.u32 s13, $0x9  }
0xc: {  	s12 =	sadd.s32 $0xAF4400, s15;
	_ =	strace $0x8000004A;
	s14 =	sor.u32 s19, s14  }
0xd: {  	s18 =	ssub.s32 $0x2, s13;
	s13 =	sadd.s32 $0xC7AE00, s15;
	s19 =	sshrl.u32 s14, $0x3  }
0xe: {  	s15 =	sadd.s32 $0xE01800, s15;
	s20 =	sshrl.u32 s18, $0x1;
	s0 =	sadd.s32 s0, s19  }
0xf: {  	s18 =	ssub.s32 s18, s20;
	s23 =	sadd.s32 s1, s19;
	[dreg:$0x8] =	wrdreg s0  }
0x10: {  	s24 =	sshll.u32 s14, $0x4;
	s25 =	sadd.s32 s9, s19;
	[dreg:$0x9] =	wrdreg s23  }
.Ltmp0:
0x11: {  	s26 =	sadd.s32 s16, s19;
	[dreg:$0xa] =	wrdreg s25;
	(pc) =	sbr.rel .LBB2_1-.Ltmp0, $4  }
0x12: {  	s28 =	sadd.s32 s17, s19;
	s29 =	smax.u32 s18, $0x1;
	[dreg:$0xb] =	wrdreg s26  }
0x13: {  	s17 =	simm.s32 $0x5;
	s9 =	simm.s32 $0x3;
	[dreg:$0xd] =	wrdreg s28  }
0x14: {  	s1 =	simm.s32 $0x4;
	s0 =	sadd.s32 s3, s24;
	[dreg:$0xe] =	wrdreg s29  }
0x15: {  	v59 =	vlaneseq.u32;
	s18 =	simm.s32 $0x0;
	[dreg:$0xc] =	wrdreg s0;
	s0 =	simm.s32 $0x2  }
.LBB2_21:
0x16: {  	s16 =	rddreg [dreg:$0xd];
	s17 =	simm.s32 $0x880  }
0x17: {  	[hbm4b:s16+s2] =	stream.linear.scatter [tilespmem:s17], [sflag:$0x5], $0x200, $0x38;
	[tilespmem:$0x16A80] =	vst v63  }
0x18: {  	s17 =	simm.s32 $0x5  }
0x19: {  	_ =	swait.ge [sflag:s17], $0x200  }
0x1a: {  	s18 =	rddreg [dreg:$0xf]  }
0x1b: {  	s29 =	rddreg [dreg:$0xe];
	s18 =	sadd.s32 $0x1, s18  }
0x1c: {  	p0 =	sne.s32 s18, s29  }
.Ltmp1:
0x1d: {  	_ = 	snop;
	(pc) =	sbr.rel @!p0 .LBB2_22-.Ltmp1, $3  }
0x1e: {  	_ =	sdelay $0x1  }
0x1f: {  	[sflag:s17] =	ssyncset.done $0x0  }
0x20: {  	[sflag:s17] =	ssyncadd.s32 $0xFFFFFE00  }
.LBB2_1:
0x21: {  	[dreg:$0xf] =	wrdreg s18  }
0x22: {  	s16 =	rddreg [dreg:$0x8]  }
0x23: {  	[tilespmem:s2], [sflag:$0x5] =	stream.linear.gather [hbm4b:s16+s2], $0x200, $0x38;
	[tilespmem:$0x16A80] =	vst v63  }
0x24: {  	_ =	swait.ge [sflag:s17], $0x200  }
0x25: {  	[sflag:s17] =	ssyncset.done $0x0  }
0x26: {  	s22 =	simm.s32 $0x200;
	s21 =	rddreg [dreg:$0x9];
	[sflag:s17] =	ssyncadd.s32 $0xFFFFFE00  }
0x27: {  	[tilespmem:s22], [sflag:$0x5] =	stream.linear.gather [hbm4b:s21+s2], $0x200, $0x38;
	[tilespmem:$0x16A80] =	vst v63  }
0x28: {  	_ =	swait.ge [sflag:s17], $0x200  }
0x29: {  	[sflag:s17] =	ssyncset.done $0x0  }
0x2a: {  	s24 =	simm.s32 $0x400;
	s23 =	rddreg [dreg:$0xa];
	[sflag:s17] =	ssyncadd.s32 $0xFFFFFE00  }
0x2b: {  	[tilespmem:s24], [sflag:$0x5] =	stream.linear.gather [hbm4b:s23+s2], $0x200, $0x38;
	[tilespmem:$0x16A80] =	vst v63  }
0x2c: {  	_ =	swait.ge [sflag:s17], $0x200  }
0x2d: {  	[sflag:s17] =	ssyncset.done $0x0  }
0x2e: {  	s26 =	simm.s32 $0x600;
	s25 =	rddreg [dreg:$0xb];
	[sflag:s17] =	ssyncadd.s32 $0xFFFFFE00  }
0x2f: {  	[tilespmem:s26], [sflag:$0x5] =	stream.linear.gather [hbm4b:s25+s2], $0x200, $0x38;
	[tilespmem:$0x16A80] =	vst v63  }
0x30: {  	_ =	swait.ge [sflag:s17], $0x200  }
0x31: {  	[sflag:s17] =	ssyncset.done $0x0  }
0x32: {  	[sflag:s17] =	ssyncadd.s32 $0xFFFFFE00  }
0x33: {  	s29 =	simm.s32 $0x800;
	s28 =	rddreg [dreg:$0x4]  }
0x34: {  	[tilespmem:s29], [sflag:$0x5] =	stream.linear.gather [hbm4b:s28+s2], $0x80, $0x38;
	[tilespmem:$0x16A80] =	vst v63  }
0x35: {  	_ =	swait.ge [sflag:s17], $0x80  }
0x36: {  	s20 =	simm.s32 $0xA80;
	[sflag:s17] =	ssyncset.done $0x0  }
0x37: {  	s21 =	sand.u32 $0x10, s2;
	s19 =	rddreg [dreg:$0xc];
	[sflag:s17] =	ssyncadd.s32 $0xFFFFFF80  }
0x38: {  	v1 =	vld [tilespmem:$0x800];
	[tilespmem:s20], [sflag:$0x1] =	stream.linear.gather [hbm4b:s19+s2], $0x1000, $0x38  }
0x39: {  	v2 =	vld [tilespmem:s21+$0x0];
	_ =	sdelay $0x3  }
0x3a: {  	v3 =	vmov s2  }
0x3b: {  	v2 =	vperm.xlane v2, v3;
	_ =	sdelay $0x1  }
0x3c: {  	(v2sf) =	vpush v2, $0x0;
	_ =	sdelay $0xe  }
0x3d: {  	s22 =	spop (v2sf)  }
0x3e: {  	s16 =	sshll.u32 s22, $0x4  }
0x3f: {  	s22 =	sand.u32 $0x1FFFFFF0, s16  }
0x40: {  	s23 =	simm.s32 $0x1A80;
	s24 =	sadd.s32 s4, s22  }
0x41: {  	[tilespmem:s23], [sflag:$0x2] =	stream.linear.gather [hbm4b:s24+s2], $0x80, $0x38;
	[tilespmem:$0x16A80] =	vst v63  }
0x42: {  	s25 =	simm.s32 $0x2A80;
	s26 =	sadd.s32 s5, s22  }
0x43: {  	[tilespmem:s25], [sflag:$0x2] =	stream.linear.gather [hbm4b:s26+s2], $0x80, $0x38;
	[tilespmem:$0x16A80] =	vst v63  }
0x44: {  	s28 =	simm.s32 $0x3A80;
	s29 =	sadd.s32 s6, s22  }
0x45: {  	[tilespmem:s28], [sflag:$0x2] =	stream.linear.gather [hbm4b:s29+s2], $0x80, $0x38;
	[tilespmem:$0x16A80] =	vst v63  }
0x46: {  	s17 =	simm.s32 $0x4A80;
	s18 =	sadd.s32 s7, s22  }
0x47: {  	[tilespmem:s17], [sflag:$0x2] =	stream.linear.gather [hbm4b:s18+s2], $0x80, $0x38;
	[tilespmem:$0x16A80] =	vst v63  }
0x48: {  	s19 =	simm.s32 $0x5A80;
	s21 =	simm.s32 $0x6A80;
	s20 =	sadd.s32 s8, s22  }
0x49: {  	[tilespmem:s19], [sflag:$0x2] =	stream.linear.gather [hbm4b:s20+s2], $0x80, $0x38;
	[tilespmem:$0x16A80] =	vst v63  }
0x4a: {  	s16 =	simm.s32 $0x200;
	s23 =	sadd.s32 s10, s22;
	s24 =	simm.s32 $0x7A80  }
0x4b: {  	[tilespmem:s21], [sflag:$0x2] =	stream.linear.gather [hbm4b:s23+s2], $0x80, $0x38;
	[tilespmem:$0x16A80] =	vst v63  }
0x4c: {  	s25 =	sadd.s32 s11, s22;
	s26 =	simm.s32 $0x8A80;
	s17 =	simm.s32 $0x1  }
0x4d: {  	[tilespmem:s24], [sflag:$0x2] =	stream.linear.gather [hbm4b:s25+s2], $0x80, $0x38;
	[tilespmem:$0x16A80] =	vst v63  }
0x4e: {  	s28 =	sadd.s32 s12, s22;
	s29 =	simm.s32 $0x9A80;
	s18 =	sand.u32 $0x10, s17  }
0x4f: {  	[tilespmem:s26], [sflag:$0x2] =	stream.linear.gather [hbm4b:s28+s2], $0x80, $0x38;
	[tilespmem:$0x16A80] =	vst v63  }
0x50: {  	s19 =	sadd.s32 s13, s22;
	s20 =	simm.s32 $0x2;
	s22 =	sadd.s32 s15, s22  }
0x51: {  	[tilespmem:s29], [sflag:$0x2] =	stream.linear.gather [hbm4b:s19+s2], $0x80, $0x38;
	[tilespmem:$0x16A80] =	vst v63  }
0x52: {  	s21 =	simm.s32 $0xAA80;
	s26 =	simm.s32 $0x0;
	s19 =	simm.s32 $0x400  }
.LBB2_2:
0x53: {  	[tilespmem:s21], [sflag:$0x2] =	stream.linear.gather [hbm4b:s22+s26], $0x80, $0x38;
	[tilespmem:$0x16A80] =	vst v63  }
0x54: {  	s21 =	smov.u32 s19  }
0x55: {  	p0 =	sne.s32 s19, $0x3E00;
	s19 =	sadd.s32 $0x200, s19;
	v2 =	vld [tilespmem:s18+$0x0];
	s18 =	sand.u32 $0x10, s20  }
0x56: {  	_ =	sdelay $0x2  }
0x57: {  	v3 =	vmov s17;
	s17 =	smov.u32 s20  }
0x58: {  	v2 =	vperm.xlane v2, v3;
	_ =	sdelay $0x1  }
0x59: {  	(v2sf) =	vpush v2, $0x0;
	_ =	sdelay $0xe  }
0x5a: {  	s22 =	spop (v2sf)  }
0x5b: {  	s22 =	sshll.u32 s22, $0x4  }
0x5c: {  	s24 =	sshra.s32 s16, $0x2;
	s16 =	smov.u32 s21;
	s22 =	sand.u32 $0x1FFFFFF0, s22  }
0x5d: {  	s26 =	simm.s32 $0x0;
	s21 =	sadd.s32 $0x1A80, s24;
	s25 =	sadd.s32 s4, s22  }
0x5e: {  	[tilespmem:s21], [sflag:$0x2] =	stream.linear.gather [hbm4b:s25+s26], $0x80, $0x38;
	[tilespmem:$0x16A80] =	vst v63  }
0x5f: {  	s21 =	sadd.s32 $0x2A80, s24;
	s25 =	sadd.s32 s5, s22  }
0x60: {  	[tilespmem:s21], [sflag:$0x2] =	stream.linear.gather [hbm4b:s25+s26], $0x80, $0x38;
	[tilespmem:$0x16A80] =	vst v63  }
0x61: {  	s21 =	sadd.s32 $0x3A80, s24;
	s25 =	sadd.s32 s6, s22  }
0x62: {  	[tilespmem:s21], [sflag:$0x2] =	stream.linear.gather [hbm4b:s25+s26], $0x80, $0x38;
	[tilespmem:$0x16A80] =	vst v63  }
0x63: {  	s21 =	sadd.s32 $0x4A80, s24;
	s25 =	sadd.s32 s7, s22  }
0x64: {  	[tilespmem:s21], [sflag:$0x2] =	stream.linear.gather [hbm4b:s25+s26], $0x80, $0x38;
	[tilespmem:$0x16A80] =	vst v63  }
0x65: {  	s21 =	sadd.s32 $0x5A80, s24;
	s25 =	sadd.s32 s8, s22  }
0x66: {  	[tilespmem:s21], [sflag:$0x2] =	stream.linear.gather [hbm4b:s25+s26], $0x80, $0x38;
	[tilespmem:$0x16A80] =	vst v63  }
0x67: {  	s21 =	sadd.s32 $0x6A80, s24;
	s25 =	sadd.s32 s10, s22  }
0x68: {  	[tilespmem:s21], [sflag:$0x2] =	stream.linear.gather [hbm4b:s25+s26], $0x80, $0x38;
	[tilespmem:$0x16A80] =	vst v63  }
0x69: {  	s21 =	sadd.s32 $0x7A80, s24;
	s25 =	sadd.s32 s11, s22  }
0x6a: {  	[tilespmem:s21], [sflag:$0x2] =	stream.linear.gather [hbm4b:s25+s26], $0x80, $0x38;
	[tilespmem:$0x16A80] =	vst v63  }
.Ltmp2:
0x6b: {  	s21 =	sadd.s32 $0x8A80, s24;
	s25 =	sadd.s32 s12, s22;
	(pc) =	sbr.rel @p0 .LBB2_2-.Ltmp2, $4  }
0x6c: {  	[tilespmem:s21], [sflag:$0x2] =	stream.linear.gather [hbm4b:s25+s26], $0x80, $0x38;
	[tilespmem:$0x16A80] =	vst v63  }
0x6d: {  	s21 =	sadd.s32 $0x9A80, s24;
	s25 =	sadd.s32 s13, s22  }
0x6e: {  	[tilespmem:s21], [sflag:$0x2] =	stream.linear.gather [hbm4b:s25+s26], $0x80, $0x38;
	[tilespmem:$0x16A80] =	vst v63  }
0x6f: {  	s20 =	sadd.s32 $0x1, s20;
	s22 =	sadd.s32 s15, s22;
	s21 =	sadd.s32 $0xAA80, s24  }
0x70: {  	[tilespmem:s21], [sflag:$0x2] =	stream.linear.gather [hbm4b:s22+s26], $0x80, $0x38;
	[tilespmem:$0x16A80] =	vst v63  }
0x71: {  	v2 =	vld [tilespmem:s18+$0x0];
	_ =	sdelay $0x3  }
0x72: {  	v3 =	vmov s17  }
0x73: {  	v2 =	vperm.xlane v2, v3;
	_ =	sdelay $0x1  }
0x74: {  	(v2sf) =	vpush v2, $0x0;
	_ =	sdelay $0xe  }
0x75: {  	s25 =	spop (v2sf)  }
0x76: {  	s17 =	sshll.u32 s25, $0x4  }
0x77: {  	s16 =	sshra.s32 s16, $0x2;
	s17 =	sand.u32 $0x1FFFFFF0, s17  }
0x78: {  	s29 =	sadd.s32 $0x1A80, s16;
	s19 =	sadd.s32 s4, s17  }
0x79: {  	[tilespmem:s29], [sflag:$0x2] =	stream.linear.gather [hbm4b:s19+s26], $0x80, $0x38;
	[tilespmem:$0x16A80] =	vst v63  }
0x7a: {  	s20 =	sadd.s32 s5, s17;
	s19 =	sadd.s32 $0x2A80, s16  }
0x7b: {  	[tilespmem:s19], [sflag:$0x2] =	stream.linear.gather [hbm4b:s20+s26], $0x80, $0x38;
	[tilespmem:$0x16A80] =	vst v63  }
0x7c: {  	s21 =	sadd.s32 $0x3A80, s16;
	s22 =	sadd.s32 s6, s17  }
0x7d: {  	[tilespmem:s21], [sflag:$0x2] =	stream.linear.gather [hbm4b:s22+s26], $0x80, $0x38;
	[tilespmem:$0x16A80] =	vst v63  }
0x7e: {  	s23 =	sadd.s32 $0x4A80, s16;
	s24 =	sadd.s32 s7, s17  }
0x7f: {  	[tilespmem:s23], [sflag:$0x2] =	stream.linear.gather [hbm4b:s24+s26], $0x80, $0x38;
	[tilespmem:$0x16A80] =	vst v63  }
0x80: {  	s25 =	sadd.s32 $0x5A80, s16;
	s29 =	sadd.s32 s8, s17  }
0x81: {  	[tilespmem:s25], [sflag:$0x2] =	stream.linear.gather [hbm4b:s29+s26], $0x80, $0x38;
	[tilespmem:$0x16A80] =	vst v63  }
0x82: {  	s19 =	sadd.s32 $0x6A80, s16;
	s20 =	sadd.s32 s10, s17  }
0x83: {  	[tilespmem:s19], [sflag:$0x2] =	stream.linear.gather [hbm4b:s20+s26], $0x80, $0x38;
	[tilespmem:$0x16A80] =	vst v63  }
0x84: {  	s21 =	sadd.s32 $0x7A80, s16;
	s22 =	sadd.s32 s11, s17  }
0x85: {  	[tilespmem:s21], [sflag:$0x2] =	stream.linear.gather [hbm4b:s22+s26], $0x80, $0x38;
	[tilespmem:$0x16A80] =	vst v63  }
0x86: {  	s23 =	sadd.s32 $0x8A80, s16;
	s24 =	sadd.s32 s12, s17  }
0x87: {  	[tilespmem:s23], [sflag:$0x2] =	stream.linear.gather [hbm4b:s24+s26], $0x80, $0x38;
	[tilespmem:$0x16A80] =	vst v63  }
0x88: {  	s25 =	sadd.s32 $0x9A80, s16;
	s29 =	sadd.s32 s13, s17  }
0x89: {  	[tilespmem:s25], [sflag:$0x2] =	stream.linear.gather [hbm4b:s29+s26], $0x80, $0x38;
	[tilespmem:$0x16A80] =	vst v63  }
0x8a: {  	s28 =	simm.s32 $0x0;
	s16 =	sadd.s32 $0xAA80, s16;
	s17 =	sadd.s32 s15, s17  }
0x8b: {  	[tilespmem:s16], [sflag:$0x2] =	stream.linear.gather [hbm4b:s17+s26], $0x80, $0x38;
	[tilespmem:$0x16A80] =	vst v63  }
.LBB2_4:
0x8c: {  	s16 =	sshll.u32 s28, $0x6  }
0x8d: {  	p1 =	por $0x1, $0x1;
	s24 =	sor.u32 $0x20, s16  }
.Ltmp3:
0x8e: {  	s17 =	sadd.s32 s14, s24;
	(pc) =	sbr.rel @!p1 .LBB2_5-.Ltmp3, $4  }
0x8f: {  	s17 =	sshll.u32 s17, $0x4  }
0x90: {  	s19 =	sand.u32 $0x10, s26;
	v2 =	vmov s24;
	s17 =	sadd.s32 s3, s17  }
0x91: {  	[tilespmem:s30], [sflag:$0x3] =	stream.linear.gather [hbm4b:s17+s26], $0x1000, $0x38;
	[tilespmem:$0x16A80] =	vst v63  }
0x92: {  	s18 =	simm.s32 $0x1;
	p0 =	por $0x0, $0x0;
	s17 =	simm.s32 $0x200  }
0x93: {  	_ =	sdelay $0x3  }
0x94: {  	v3 =	vld.idx.msk [tilespmem:v2+s19+$0x0 ss:$0x1], $0xffff;
	_ =	sdelay $0x3  }
0x95: {  	v4 =	vmov s26  }
0x96: {  	v3 =	vperm.xlane v3, v4;
	_ =	sdelay $0x1  }
0x97: {  	(v2sf) =	vpush v3, $0x0;
	_ =	sdelay $0xe  }
0x98: {  	s21 =	spop (v2sf)  }
0x99: {  	s19 =	sshll.u32 s21, $0x4  }
0x9a: {  	s25 =	sand.u32 $0x1FFFFFF0, s19  }
0x9b: {  	s22 =	simm.s32 $0xCA80;
	s20 =	sadd.s32 s4, s25  }
0x9c: {  	[tilespmem:s22], [sflag:$0x4] =	stream.linear.gather [hbm4b:s20+s2], $0x80, $0x38;
	[tilespmem:$0x16A80] =	vst v63  }
0x9d: {  	s23 =	simm.s32 $0xDA80;
	s29 =	sadd.s32 s5, s25  }
0x9e: {  	[tilespmem:s23], [sflag:$0x4] =	stream.linear.gather [hbm4b:s29+s2], $0x80, $0x38;
	[tilespmem:$0x16A80] =	vst v63  }
0x9f: {  	s21 =	simm.s32 $0xEA80;
	s22 =	sadd.s32 s6, s25  }
0xa0: {  	[tilespmem:s21], [sflag:$0x4] =	stream.linear.gather [hbm4b:s22+s2], $0x80, $0x38;
	[tilespmem:$0x16A80] =	vst v63  }
0xa1: {  	s23 =	simm.s32 $0xFA80;
	s29 =	sadd.s32 s7, s25  }
0xa2: {  	[tilespmem:s23], [sflag:$0x4] =	stream.linear.gather [hbm4b:s29+s2], $0x80, $0x38;
	[tilespmem:$0x16A80] =	vst v63  }
0xa3: {  	p1 =	por $0x1, $0x1;
	s21 =	simm.s32 $0x10A80;
	s22 =	sadd.s32 s8, s25  }
0xa4: {  	[tilespmem:s21], [sflag:$0x4] =	stream.linear.gather [hbm4b:s22+s2], $0x80, $0x38;
	[tilespmem:$0x16A80] =	vst v63  }
0xa5: {  	p0 =	por $0x1, $0x1;
	s23 =	simm.s32 $0x11A80;
	s29 =	sadd.s32 s10, s25  }
0xa6: {  	[tilespmem:s23], [sflag:$0x4] =	stream.linear.gather [hbm4b:s29+s2], $0x80, $0x38;
	[tilespmem:$0x16A80] =	vst v63  }
0xa7: {  	s19 =	sand.u32 $0x10, s18;
	s20 =	simm.s32 $0x12A80;
	s21 =	sadd.s32 s11, s25  }
0xa8: {  	[tilespmem:s20], [sflag:$0x4] =	stream.linear.gather [hbm4b:s21+s2], $0x80, $0x38;
	[tilespmem:$0x16A80] =	vst v63  }
.Ltmp4:
0xa9: {  	s22 =	simm.s32 $0x13A80;
	s23 =	sadd.s32 s12, s25;
	(pc) =	sbr.rel @!p1 .LBB2_8-.Ltmp4, $4  }
0xaa: {  	[tilespmem:s22], [sflag:$0x4] =	stream.linear.gather [hbm4b:s23+s2], $0x80, $0x38;
	[tilespmem:$0x16A80] =	vst v63  }
0xab: {  	s29 =	simm.s32 $0x14A80;
	s21 =	sadd.s32 s13, s25;
	s20 =	simm.s32 $0x400  }
0xac: {  	[tilespmem:s29], [sflag:$0x4] =	stream.linear.gather [hbm4b:s21+s2], $0x80, $0x38;
	[tilespmem:$0x16A80] =	vst v63  }
0xad: {  	s25 =	sadd.s32 s15, s25;
	s22 =	simm.s32 $0x15A80;
	s21 =	simm.s32 $0x2  }
.LBB2_7:
0xae: {  	[tilespmem:s22], [sflag:$0x4] =	stream.linear.gather [hbm4b:s25+s2], $0x80, $0x38;
	[tilespmem:$0x16A80] =	vst v63  }
0xaf: {  	s22 =	smov.u32 s20  }
0xb0: {  	p1 =	sne.s32 s20, $0x3E00;
	s20 =	sadd.s32 $0x200, s20;
	v3 =	vld.idx.msk [tilespmem:v2+s19+$0x0 ss:$0x1], $0xffff;
	s19 =	sand.u32 $0x10, s21  }
0xb1: {  	_ =	sdelay $0x3  }
0xb2: {  	v4 =	vmov s18;
	s18 =	smov.u32 s21  }
0xb3: {  	v3 =	vperm.xlane v3, v4;
	_ =	sdelay $0x1  }
0xb4: {  	(v2sf) =	vpush v3, $0x0;
	_ =	sdelay $0xe  }
0xb5: {  	s25 =	spop (v2sf)  }
0xb6: {  	s25 =	sshll.u32 s25, $0x4  }
0xb7: {  	s29 =	sshra.s32 s17, $0x2;
	s17 =	smov.u32 s22;
	s25 =	sand.u32 $0x1FFFFFF0, s25  }
0xb8: {  	s22 =	sadd.s32 $0xCA80, s29;
	s23 =	sadd.s32 s4, s25  }
0xb9: {  	[tilespmem:s22], [sflag:$0x4] =	stream.linear.gather [hbm4b:s23+s2], $0x80, $0x38;
	[tilespmem:$0x16A80] =	vst v63  }
0xba: {  	s22 =	sadd.s32 $0xDA80, s29;
	s23 =	sadd.s32 s5, s25  }
0xbb: {  	[tilespmem:s22], [sflag:$0x4] =	stream.linear.gather [hbm4b:s23+s2], $0x80, $0x38;
	[tilespmem:$0x16A80] =	vst v63  }
0xbc: {  	s22 =	sadd.s32 $0xEA80, s29;
	s23 =	sadd.s32 s6, s25  }
0xbd: {  	[tilespmem:s22], [sflag:$0x4] =	stream.linear.gather [hbm4b:s23+s2], $0x80, $0x38;
	[tilespmem:$0x16A80] =	vst v63  }
0xbe: {  	s22 =	sadd.s32 $0xFA80, s29;
	s23 =	sadd.s32 s7, s25  }
0xbf: {  	[tilespmem:s22], [sflag:$0x4] =	stream.linear.gather [hbm4b:s23+s2], $0x80, $0x38;
	[tilespmem:$0x16A80] =	vst v63  }
0xc0: {  	s22 =	sadd.s32 $0x10A80, s29;
	s23 =	sadd.s32 s8, s25  }
0xc1: {  	[tilespmem:s22], [sflag:$0x4] =	stream.linear.gather [hbm4b:s23+s2], $0x80, $0x38;
	[tilespmem:$0x16A80] =	vst v63  }
0xc2: {  	s22 =	sadd.s32 $0x11A80, s29;
	s23 =	sadd.s32 s10, s25  }
0xc3: {  	[tilespmem:s22], [sflag:$0x4] =	stream.linear.gather [hbm4b:s23+s2], $0x80, $0x38;
	[tilespmem:$0x16A80] =	vst v63  }
0xc4: {  	s22 =	sadd.s32 $0x12A80, s29;
	s23 =	sadd.s32 s11, s25  }
0xc5: {  	[tilespmem:s22], [sflag:$0x4] =	stream.linear.gather [hbm4b:s23+s2], $0x80, $0x38;
	[tilespmem:$0x16A80] =	vst v63  }
.Ltmp5:
0xc6: {  	s22 =	sadd.s32 $0x13A80, s29;
	s23 =	sadd.s32 s12, s25;
	(pc) =	sbr.rel @p1 .LBB2_7-.Ltmp5, $4  }
0xc7: {  	[tilespmem:s22], [sflag:$0x4] =	stream.linear.gather [hbm4b:s23+s2], $0x80, $0x38;
	[tilespmem:$0x16A80] =	vst v63  }
0xc8: {  	s22 =	sadd.s32 $0x14A80, s29;
	s23 =	sadd.s32 s13, s25  }
0xc9: {  	[tilespmem:s22], [sflag:$0x4] =	stream.linear.gather [hbm4b:s23+s2], $0x80, $0x38;
	[tilespmem:$0x16A80] =	vst v63  }
0xca: {  	s21 =	sadd.s32 $0x1, s21;
	s25 =	sadd.s32 s15, s25;
	s22 =	sadd.s32 $0x15A80, s29  }
.LBB2_8:
0xcb: {  	_ =	sdelay $0x2  }
0xcc: {  	[tilespmem:s22], [sflag:$0x4] =	stream.linear.gather @p0 [hbm4b:s25+s2], $0x80, $0x38;
	[tilespmem:$0x16A80] =	vst v63  }
0xcd: {  	v2 =	vld.idx.msk [tilespmem:v2+s19+$0x0 ss:$0x1], $0xffff;
	_ =	sdelay $0x3  }
0xce: {  	v3 =	vmov s18  }
0xcf: {  	v2 =	vperm.xlane v2, v3;
	_ =	sdelay $0x1  }
0xd0: {  	(v2sf) =	vpush v2, $0x0;
	_ =	sdelay $0xe  }
0xd1: {  	s20 =	spop (v2sf)  }
0xd2: {  	s18 =	sshll.u32 s20, $0x4  }
0xd3: {  	s17 =	sshra.s32 s17, $0x2;
	s18 =	sand.u32 $0x1FFFFFF0, s18  }
0xd4: {  	s21 =	sadd.s32 $0xCA80, s17;
	s20 =	sadd.s32 s4, s18  }
0xd5: {  	[tilespmem:s21], [sflag:$0x4] =	stream.linear.gather [hbm4b:s20+s2], $0x80, $0x38;
	[tilespmem:$0x16A80] =	vst v63  }
0xd6: {  	s22 =	sadd.s32 $0xDA80, s17;
	s23 =	sadd.s32 s5, s18  }
0xd7: {  	[tilespmem:s22], [sflag:$0x4] =	stream.linear.gather [hbm4b:s23+s2], $0x80, $0x38;
	[tilespmem:$0x16A80] =	vst v63  }
0xd8: {  	s25 =	sadd.s32 $0xEA80, s17;
	s29 =	sadd.s32 s6, s18  }
0xd9: {  	[tilespmem:s25], [sflag:$0x4] =	stream.linear.gather [hbm4b:s29+s2], $0x80, $0x38;
	[tilespmem:$0x16A80] =	vst v63  }
0xda: {  	s20 =	sadd.s32 $0xFA80, s17;
	s21 =	sadd.s32 s7, s18  }
0xdb: {  	[tilespmem:s20], [sflag:$0x4] =	stream.linear.gather [hbm4b:s21+s2], $0x80, $0x38;
	[tilespmem:$0x16A80] =	vst v63  }
0xdc: {  	s22 =	sadd.s32 $0x10A80, s17;
	s23 =	sadd.s32 s8, s18  }
0xdd: {  	[tilespmem:s22], [sflag:$0x4] =	stream.linear.gather [hbm4b:s23+s2], $0x80, $0x38;
	[tilespmem:$0x16A80] =	vst v63  }
0xde: {  	s25 =	sadd.s32 $0x11A80, s17;
	s29 =	sadd.s32 s10, s18  }
0xdf: {  	[tilespmem:s25], [sflag:$0x4] =	stream.linear.gather [hbm4b:s29+s2], $0x80, $0x38;
	[tilespmem:$0x16A80] =	vst v63  }
0xe0: {  	s20 =	sadd.s32 $0x12A80, s17;
	s21 =	sadd.s32 s11, s18  }
0xe1: {  	[tilespmem:s20], [sflag:$0x4] =	stream.linear.gather [hbm4b:s21+s2], $0x80, $0x38;
	[tilespmem:$0x16A80] =	vst v63  }
0xe2: {  	s22 =	sadd.s32 $0x13A80, s17;
	s23 =	sadd.s32 s12, s18  }
0xe3: {  	[tilespmem:s22], [sflag:$0x4] =	stream.linear.gather [hbm4b:s23+s2], $0x80, $0x38;
	[tilespmem:$0x16A80] =	vst v63  }
0xe4: {  	s25 =	sadd.s32 $0x14A80, s17;
	s29 =	sadd.s32 s13, s18  }
0xe5: {  	[tilespmem:s25], [sflag:$0x4] =	stream.linear.gather [hbm4b:s29+s2], $0x80, $0x38;
	[tilespmem:$0x16A80] =	vst v63  }
0xe6: {  	s17 =	sadd.s32 $0x15A80, s17;
	s18 =	sadd.s32 s15, s18  }
0xe7: {  	[tilespmem:s17], [sflag:$0x4] =	stream.linear.gather [hbm4b:s18+s2], $0x80, $0x38;
	[tilespmem:$0x16A80] =	vst v63  }
0xe8: {  	_ =	swait.ge [sflag:s31], $0x1000  }
0xe9: {  	[sflag:s31] =	ssyncset.done $0x0  }
0xea: {  	[sflag:s31] =	ssyncadd.s32 $0xFFFFF000  }
0xeb: {  	_ =	swait.ge [sflag:s0], $0x1000  }
0xec: {  	[sflag:s0] =	ssyncset.done $0x0  }
0xed: {  	[sflag:s0] =	ssyncadd.s32 $0xFFFFF000  }
0xee: {  	_ =	swait.ge [sflag:s0], $0x1000  }
0xef: {  	[sflag:s0] =	ssyncset.done $0x0  }
0xf0: {  	[sflag:s0] =	ssyncadd.s32 $0xFFFFF000  }
0xf1: {  	_ =	swait.ge [sflag:s0], $0x1000  }
0xf2: {  	[sflag:s0] =	ssyncset.done $0x0  }
0xf3: {  	[sflag:s0] =	ssyncadd.s32 $0xFFFFF000  }
0xf4: {  	_ =	swait.ge [sflag:s0], $0x1000  }
0xf5: {  	[sflag:s0] =	ssyncset.done $0x0  }
0xf6: {  	[sflag:s0] =	ssyncadd.s32 $0xFFFFF000  }
0xf7: {  	_ =	swait.ge [sflag:s0], $0x1000  }
0xf8: {  	[sflag:s0] =	ssyncset.done $0x0  }
0xf9: {  	[sflag:s0] =	ssyncadd.s32 $0xFFFFF000  }
0xfa: {  	_ =	swait.ge [sflag:s0], $0x1000  }
0xfb: {  	[sflag:s0] =	ssyncset.done $0x0  }
0xfc: {  	[sflag:s0] =	ssyncadd.s32 $0xFFFFF000  }
0xfd: {  	_ =	swait.ge [sflag:s0], $0x1000  }
0xfe: {  	[sflag:s0] =	ssyncset.done $0x0  }
0xff: {  	[sflag:s0] =	ssyncadd.s32 $0xFFFFF000  }
0x100: {  	_ =	swait.ge [sflag:s0], $0x1000  }
0x101: {  	[sflag:s0] =	ssyncset.done $0x0  }
0x102: {  	[sflag:s0] =	ssyncadd.s32 $0xFFFFF000  }
0x103: {  	_ =	swait.ge [sflag:s0], $0x1000  }
0x104: {  	[sflag:s0] =	ssyncset.done $0x0  }
0x105: {  	[sflag:s0] =	ssyncadd.s32 $0xFFFFF000  }
0x106: {  	_ =	swait.ge [sflag:s0], $0x1000  }
0x107: {  	p1 =	por $0x1, $0x1;
	[sflag:s0] =	ssyncset.done $0x0  }
0x108: {  	s17 =	simm.s32 $0x0;
	s18 =	simm.s32 $0x0;
	[sflag:s0] =	ssyncadd.s32 $0xFFFFF000  }
.LBB2_9:
0x109: {  	s19 =	sshll.u32 s18, $0x7  }
0x10a: {  	s19 =	sand.u32 $0x3FFFFF80, s19  }
0x10b: {  	s20 =	sadd.s32 $0x9AB0, s19  }
0x10c: {  	s21 =	sadd.s32 $0x3AB0, s19;
	v7 =	vmov s20  }
0x10d: {  	s18 =	sor.u32 s16, s18;
	s23 =	sadd.s32 $0x6AB0, s19;
	v8 =	vmov s21  }
0x10e: {  	v0 =	vld [tilespmem:s18+$0x200];
	s25 =	sadd.s32 $0x8AB0, s19;
	v10 =	vmov s23  }
0x10f: {  	v9 =	vld [tilespmem:s18+$0x400];
	v12 =	vmov s25  }
0x110: {  	v11 =	vld [tilespmem:s18+$0x600];
	s29 =	sadd.s32 $0x2AB0, s19;
	s20 =	simm.s32 $0x0  }
0x111: {  	s22 =	sadd.s32 $0x5AB0, s19;
	v14 =	vmov s29;
	v2 =	vld.idx.msk [tilespmem:v7+s20+$0x0 ss:$0x1], $0xffff  }
0x112: {  	v15 =	vmov s22;
	v3 =	vld.idx.msk [tilespmem:v8+s20+$0x0 ss:$0x1], $0xffff  }
0x113: {  	v4 =	vld.idx.msk [tilespmem:v10+s20+$0x0 ss:$0x1], $0xffff  }
0x114: {  	v5 =	vld.idx.msk [tilespmem:v12+s20+$0x0 ss:$0x1], $0xffff  }
0x115: {  	v6 =	vld.idx.msk [tilespmem:v7+s20+$0xFFFFFFF0 ss:$0x1], $0xffff  }
0x116: {  	v16 =	vld.idx.msk [tilespmem:v14+s20+$0x0 ss:$0x1], $0xffff  }
0x117: {  	v17 =	vld.idx.msk [tilespmem:v15+s20+$0x0 ss:$0x1], $0xffff  }
0x118: {  	v18 =	vld.idx.msk [tilespmem:v8+s20+$0xFFFFFFF0 ss:$0x1], $0xffff  }
0x119: {  	v22 =	vld.idx.msk [tilespmem:v10+s20+$0xFFFFFFF0 ss:$0x1], $0xffff  }
0x11a: {  	v19 =	vld.idx.msk [tilespmem:v12+s20+$0xFFFFFFF0 ss:$0x1], $0xffff  }
0x11b: {  	v23 =	vld.idx.msk [tilespmem:v7+s20+$0xFFFFFFE0 ss:$0x1], $0xffff  }
0x11c: {  	v20 =	vld.idx.msk [tilespmem:v14+s20+$0xFFFFFFF0 ss:$0x1], $0xffff  }
0x11d: {  	v21 =	vld.idx.msk [tilespmem:v15+s20+$0xFFFFFFF0 ss:$0x1], $0xffff  }
0x11e: {  	v24 =	vld.idx.msk [tilespmem:v12+s20+$0xFFFFFFE0 ss:$0x1], $0xffff  }
0x11f: {  	v28 =	vmov s17;
	v26 =	vld.idx.msk [tilespmem:v14+s20+$0xFFFFFFE0 ss:$0x1], $0xffff  }
0x120: {  	v25 =	vperm.xlane v11, v28;
	v27 =	vperm.xlane v0, v28;
	v30 =	vld.idx.msk [tilespmem:v15+s20+$0xFFFFFFE0 ss:$0x1], $0xffff  }
0x121: {  	v29 =	vperm.xlane v9, v28;
	v31 =	vld.idx.msk [tilespmem:v12+s20+$0xFFFFFFD0 ss:$0x1], $0xffff  }
0x122: {  	v32 =	vld.idx.msk [tilespmem:v14+s20+$0xFFFFFFD0 ss:$0x1], $0xffff;
	v5 =	vmul.f32 v5, v25;
	v16 =	vmul.f32 v16, v27  }
0x123: {  	v33 =	vld.idx.msk [tilespmem:v15+s20+$0xFFFFFFD0 ss:$0x1], $0xffff;
	v17 =	vmul.f32 v17, v29;
	v34 =	vmul.f32 v20, v27  }
0x124: {  	v35 =	vld.idx.msk [tilespmem:v8+s20+$0xFFFFFFE0 ss:$0x1], $0xffff;
	v19 =	vmul.f32 v19, v25;
	v24 =	vmul.f32 v24, v25  }
0x125: {  	v37 =	vld.idx.msk [tilespmem:v10+s20+$0xFFFFFFE0 ss:$0x1], $0xffff;
	v36 =	vmul.f32 v21, v29;
	v26 =	vmul.f32 v26, v27  }
0x126: {  	v38 =	vld.idx.msk [tilespmem:v7+s20+$0xFFFFFFD0 ss:$0x1], $0xffff;
	v30 =	vmul.f32 v30, v29;
	v16 =	vadd.f32 v3, v16;
	v21 =	vadd.f32 v2, v5  }
0x127: {  	v31 =	vmul.f32 v31, v25;
	v20 =	vadd.f32 v6, v19;
	v17 =	vadd.f32 v4, v17  }
0x128: {  	v3 =	vmul.f32 v32, v27;
	v19 =	vadd.f32 v18, v34;
	v18 =	vadd.f32 v22, v36  }
0x129: {  	v5 =	vmul.f32 v33, v29;
	v25 =	vadd.f32 v35, v26;
	v22 =	vadd.f32 v23, v24  }
0x12a: {  	v24 =	vadd.f32 v37, v30;
	v29 =	vmul.f32 v16, v16;
	v30 =	vmul.f32 v21, v21  }
0x12b: {  	v27 =	vadd.f32 v38, v31;
	v32 =	vmul.f32 v20, v20;
	v31 =	vmul.f32 v17, v17  }
0x12c: {  	v61 =	vmul.f32 v19, v19;
	v62 =	vmul.f32 v18, v18  }
0x12d: {  	v63 =	vmul.f32 v25, v25;
	v60 =	vmul.f32 v22, v22  }
0x12e: {  	v2 =	vld.idx.msk [tilespmem:v8+s20+$0xFFFFFFD0 ss:$0x1], $0xffff;
	v39 =	vmul.f32 v27, v27;
	v40 =	vmul.f32 v24, v24  }
0x12f: {  	v4 =	vld.idx.msk [tilespmem:v10+s20+$0xFFFFFFD0 ss:$0x1], $0xffff;
	v23 =	vmul.f32 $2.755731880e-06, v29;
	v26 =	vmul.f32 $2.755731880e-06, v30  }
0x130: {  	v43 =	vmul.f32 $2.755731880e-06, v31;
	v44 =	vmul.f32 $2.755731880e-06, v61  }
0x131: {  	s25 =	sadd.s32 $0x4AB0, s19;
	v45 =	vmul.f32 $2.755731880e-06, v32;
	v46 =	vmul.f32 $2.755731880e-06, v60  }
0x132: {  	v6 =	vmov s25;
	v47 =	vmul.f32 $2.755731880e-06, v62;
	v48 =	vmul.f32 $2.755731880e-06, v63  }
0x133: {  	s22 =	sadd.s32 $0xAF0, s19;
	s23 =	sadd.s32 $0x1AA0, s19;
	v49 =	vmul.f32 $2.755731880e-06, v40;
	v50 =	vmul.f32 $2.755731880e-06, v39;
	v34 =	vadd.f32 v2, v3  }
0x134: {  	s29 =	sadd.s32 $0x7AB0, s19;
	v37 =	vadd.f32 v4, v5;
	v2 =	vmov s22;
	v3 =	vmov s23  }
0x135: {  	s19 =	sadd.s32 $0xAAB0, s19;
	v5 =	vmov s29;
	v26 =	vadd.f32 $-1.984127010e-04, v26;
	v23 =	vadd.f32 $-1.984127010e-04, v23  }
0x136: {  	v4 =	vmov s19;
	v43 =	vadd.f32 $-1.984127010e-04, v43;
	v44 =	vadd.f32 $-1.984127010e-04, v44  }
0x137: {  	v45 =	vadd.f32 $-1.984127010e-04, v45;
	v46 =	vadd.f32 $-1.984127010e-04, v46;
	v41 =	vmul.f32 v34, v34  }
0x138: {  	v47 =	vadd.f32 $-1.984127010e-04, v47;
	v42 =	vmul.f32 v37, v37;
	v26 =	vmul.f32 v26, v30  }
0x139: {  	v48 =	vadd.f32 $-1.984127010e-04, v48;
	v23 =	vmul.f32 v23, v29;
	v43 =	vmul.f32 v43, v31  }
0x13a: {  	v49 =	vadd.f32 $-1.984127010e-04, v49;
	v44 =	vmul.f32 v44, v61;
	v45 =	vmul.f32 v45, v32  }
0x13b: {  	v50 =	vadd.f32 $-1.984127010e-04, v50;
	v46 =	vmul.f32 v46, v60;
	v47 =	vmul.f32 v47, v62  }
0x13c: {  	v48 =	vmul.f32 v48, v63;
	v49 =	vmul.f32 v49, v40;
	v26 =	vadd.f32 $8.333332840e-03, v26  }
0x13d: {  	v50 =	vmul.f32 v50, v39;
	v23 =	vadd.f32 $8.333332840e-03, v23;
	v43 =	vadd.f32 $8.333332840e-03, v43  }
0x13e: {  	v51 =	vmul.f32 $2.755731880e-06, v41;
	v44 =	vadd.f32 $8.333332840e-03, v44;
	v45 =	vadd.f32 $8.333332840e-03, v45  }
0x13f: {  	v52 =	vmul.f32 $2.755731880e-06, v42;
	v46 =	vadd.f32 $8.333332840e-03, v46;
	v47 =	vadd.f32 $8.333332840e-03, v47  }
0x140: {  	v48 =	vadd.f32 $8.333332840e-03, v48;
	v23 =	vmul.f32 v23, v29;
	v26 =	vmul.f32 v26, v30  }
0x141: {  	v53 =	vld.idx.msk [tilespmem:v3+s20+$0x0 ss:$0x1], $0xffff;
	v50 =	vadd.f32 $8.333332840e-03, v50;
	v45 =	vmul.f32 v45, v32;
	v43 =	vmul.f32 v43, v31  }
0x142: {  	v54 =	vld.idx.msk [tilespmem:v2+s20+$0xFFFFFF90 ss:$0x1], $0xffff;
	v49 =	vadd.f32 $8.333332840e-03, v49;
	v44 =	vmul.f32 v44, v61;
	v47 =	vmul.f32 v47, v62  }
0x143: {  	v55 =	vld.idx.msk [tilespmem:v3+s20+$0xFFFFFFF0 ss:$0x1], $0xffff;
	v51 =	vadd.f32 $-1.984127010e-04, v51;
	v50 =	vmul.f32 v50, v39;
	v48 =	vmul.f32 v48, v63  }
0x144: {  	v56 =	vld.idx.msk [tilespmem:v3+s20+$0xFFFFFFE0 ss:$0x1], $0xffff;
	v52 =	vadd.f32 $-1.984127010e-04, v52;
	v46 =	vmul.f32 v46, v60;
	v49 =	vmul.f32 v49, v40  }
0x145: {  	v51 =	vmul.f32 v51, v41;
	v57 =	vadd.f32 $-1.666666720e-01, v23;
	v23 =	vld.idx.msk [tilespmem:v2+s20+$0x0 ss:$0x1], $0xffff;
	v58 =	vadd.f32 $-1.666666720e-01, v26  }
0x146: {  	v52 =	vmul.f32 v52, v42;
	v26 =	vld.idx.msk [tilespmem:v2+s20+$0xFFFFFFC0 ss:$0x1], $0xffff;
	v45 =	vadd.f32 $-1.666666720e-01, v45;
	v43 =	vadd.f32 $-1.666666720e-01, v43  }
0x147: {  	v44 =	vadd.f32 $-1.666666720e-01, v44;
	v47 =	vadd.f32 $-1.666666720e-01, v47;
	v29 =	vmul.f32 v57, v29;
	v57 =	vld.idx.msk [tilespmem:v2+s20+$0xFFFFFFF0 ss:$0x1], $0xffff  }
0x148: {  	v50 =	vadd.f32 $-1.666666720e-01, v50;
	v48 =	vadd.f32 $-1.666666720e-01, v48;
	v30 =	vmul.f32 v58, v30;
	v58 =	vld.idx.msk [tilespmem:v3+s20+$0x10 ss:$0x1], $0xffff  }
0x149: {  	v51 =	vadd.f32 $8.333332840e-03, v51;
	v32 =	vmul.f32 v45, v32;
	v45 =	vld.idx.msk [tilespmem:v2+s20+$0xFFFFFFB0 ss:$0x1], $0xffff;
	v31 =	vmul.f32 v43, v31  }
0x14a: {  	v52 =	vadd.f32 $8.333332840e-03, v52;
	v43 =	vld.idx.msk [tilespmem:v4+s20+$0x0 ss:$0x1], $0xffff;
	v33 =	vmul.f32 v44, v61;
	v35 =	vmul.f32 v47, v62  }
0x14b: {  	s19 =	simm.s32 $0x80;
	v49 =	vadd.f32 $-1.666666720e-01, v49;
	v44 =	vld.idx.msk [tilespmem:v2+s20+$0xFFFFFFE0 ss:$0x1], $0xffff;
	v39 =	vmul.f32 v50, v39;
	v36 =	vmul.f32 v48, v63  }
0x14c: {  	v46 =	vadd.f32 $-1.666666720e-01, v46;
	v47 =	vld.idx.msk [tilespmem:v3+s19+$0x0 ss:$0x1], $0xffff;
	v51 =	vmul.f32 v51, v41;
	v52 =	vmul.f32 v52, v42  }
0x14d: {  	v61 =	vld.idx.msk [tilespmem:v6+s20+$0xFFFFFFD0 ss:$0x1], $0xffff;
	v40 =	vmul.f32 v49, v40;
	v39 =	vadd.f32 $1.000000000e+00, v39;
	v36 =	vadd.f32 $1.000000000e+00, v36  }
0x14e: {  	v62 =	vld.idx.msk [tilespmem:v5+s20+$0xFFFFFFD0 ss:$0x1], $0xffff;
	v38 =	vmul.f32 v46, v60;
	v51 =	vadd.f32 $-1.666666720e-01, v51;
	v52 =	vadd.f32 $-1.666666720e-01, v52  }
0x14f: {  	v48 =	vld.idx.msk [tilespmem:v5+s20+$0x0 ss:$0x1], $0xffff;
	v30 =	vadd.f32 $1.000000000e+00, v30;
	v40 =	vadd.f32 $1.000000000e+00, v40  }
0x150: {  	v63 =	vld.idx.msk [tilespmem:v4+s20+$0xFFFFFFD0 ss:$0x1], $0xffff;
	v38 =	vadd.f32 $1.000000000e+00, v38;
	v41 =	vmul.f32 v51, v41;
	v42 =	vmul.f32 v52, v42  }
0x151: {  	v50 =	vld.idx.msk [tilespmem:v6+s20+$0xFFFFFFE0 ss:$0x1], $0xffff;
	v32 =	vadd.f32 $1.000000000e+00, v32;
	v27 =	vmul.f32 v39, v27;
	v25 =	vmul.f32 v36, v25  }
0x152: {  	v49 =	vld.idx.msk [tilespmem:v5+s20+$0xFFFFFFF0 ss:$0x1], $0xffff;
	v21 =	vmul.f32 v30, v21;
	v41 =	vadd.f32 $1.000000000e+00, v41;
	v42 =	vadd.f32 $1.000000000e+00, v42  }
0x153: {  	v33 =	vadd.f32 $1.000000000e+00, v33;
	v39 =	vld.idx.msk [tilespmem:v4+s20+$0xFFFFFFF0 ss:$0x1], $0xffff;
	v24 =	vmul.f32 v40, v24;
	v22 =	vmul.f32 v38, v22  }
0x154: {  	v35 =	vadd.f32 $1.000000000e+00, v35;
	v30 =	vld.idx.msk [tilespmem:v5+s20+$0xFFFFFFE0 ss:$0x1], $0xffff;
	v34 =	vmul.f32 v41, v34;
	v37 =	vmul.f32 v42, v37  }
0x155: {  	v29 =	vadd.f32 $1.000000000e+00, v29;
	v20 =	vmul.f32 v32, v20;
	v19 =	vmul.f32 v33, v19;
	v32 =	vld.idx.msk [tilespmem:v8+s19+$0x0 ss:$0x1], $0xffff  }
0x156: {  	v51 =	vld.idx.msk [tilespmem:v6+s20+$0x0 ss:$0x1], $0xffff;
	v34 =	vmul.f32 v34, v61;
	v37 =	vmul.f32 v37, v62  }
0x157: {  	v31 =	vadd.f32 $1.000000000e+00, v31;
	v18 =	vmul.f32 v35, v18;
	v16 =	vmul.f32 v29, v16;
	v62 =	vld.idx.msk [tilespmem:v4+s20+$0xFFFFFFE0 ss:$0x1], $0xffff  }
0x158: {  	v52 =	vmul.f32 v56, v1;
	v56 =	vld.idx.msk [tilespmem:v6+s20+$0xFFFFFFF0 ss:$0x1], $0xffff;
	v27 =	vmul.f32 v27, v63;
	v34 =	vadd.f32 v37, v34  }
0x159: {  	v17 =	vmul.f32 v31, v17;
	v25 =	vmul.f32 v25, v50;
	v50 =	vld.idx.msk [tilespmem:v2+s20+$0xFFFFFFD0 ss:$0x1], $0xffff  }
0x15a: {  	v31 =	vld.idx.msk [tilespmem:v7+s19+$0xFFFFFFF0 ss:$0x1], $0xffff;
	v63 =	vmul.f32 v55, v1;
	v24 =	vmul.f32 v24, v30;
	v27 =	vadd.f32 v27, v34  }
0x15b: {  	v18 =	vmul.f32 v18, v49;
	v17 =	vmul.f32 v17, v48;
	v60 =	vadd.f32 v52, v54;
	v42 =	vld.idx.msk [tilespmem:v2+s20+$0xFFFFFFA0 ss:$0x1], $0xffff  }
0x15c: {  	v55 =	vld.idx.msk [tilespmem:v14+s19+$0x0 ss:$0x1], $0xffff;
	v24 =	vadd.f32 v24, v25;
	v22 =	vmul.f32 v22, v62;
	v27 =	vmul.f32 v27, v1  }
0x15d: {  	v54 =	vld.idx.msk [tilespmem:v3+s19+$0xFFFFFFE0 ss:$0x1], $0xffff;
	v52 =	vmul.f32 v60, v60;
	v19 =	vmul.f32 v19, v56  }
0x15e: {  	v30 =	vld.idx.msk [tilespmem:v2+s19+$0xFFFFFF90 ss:$0x1], $0xffff;
	v16 =	vmul.f32 v16, v51;
	v22 =	vadd.f32 v22, v24;
	v27 =	vadd.f32 v27, v50  }
0x15f: {  	v60 =	vld.idx.msk [tilespmem:v12+s19+$0xFFFFFFE0 ss:$0x1], $0xffff;
	v61 =	vmul.f32 v53, v1;
	v18 =	vadd.f32 v18, v19;
	v19 =	vmul.f32 v20, v39  }
0x160: {  	v53 =	vld.idx.msk [tilespmem:v3+s19+$0xFFFFFFF0 ss:$0x1], $0xffff;
	v29 =	vadd.f32 v63, v42;
	v22 =	vmul.f32 v22, v1;
	v27 =	vmul.f32 v27, v27  }
0x161: {  	v25 =	vld.idx.msk [tilespmem:v7+s19+$0x0 ss:$0x1], $0xffff;
	v16 =	vadd.f32 v17, v16;
	v17 =	vmul.f32 v21, v43;
	v18 =	vadd.f32 v19, v18  }
0x162: {  	v20 =	vld.idx.msk [tilespmem:v12+s19+$0x0 ss:$0x1], $0xffff;
	v22 =	vadd.f32 v22, v44;
	v19 =	vadd.f32 v27, v52;
	v27 =	vmul.f32 v29, v29  }
0x163: {  	s20 =	simm.s32 $0x1;
	v56 =	vadd.f32 v61, v45;
	v37 =	vld.idx.msk [tilespmem:v8+s19+$0xFFFFFFF0 ss:$0x1], $0xffff;
	v17 =	vadd.f32 v17, v16;
	v18 =	vmul.f32 v18, v1  }
0x164: {  	v16 =	vmov s20;
	v63 =	vld.idx.msk [tilespmem:v12+s19+$0xFFFFFFD0 ss:$0x1], $0xffff;
	v21 =	vmul.f32 v22, v22;
	v19 =	vadd.f32 v19, v27  }
0x165: {  	v34 =	vld.idx.msk [tilespmem:v7+s19+$0xFFFFFFE0 ss:$0x1], $0xffff;
	v39 =	vperm.xlane v0, v16;
	v18 =	vadd.f32 v18, v57  }
0x166: {  	v62 =	vld.idx.msk [tilespmem:v15+s19+$0xFFFFFFE0 ss:$0x1], $0xffff;
	v22 =	vmul.f32 v58, v1;
	v19 =	vadd.f32 v21, v19;
	v21 =	vmul.f32 v56, v56  }
0x167: {  	v17 =	vmul.f32 v17, v1;
	v36 =	vmul.f32 v55, v39;
	v55 =	vld.idx.msk [tilespmem:v8+s19+$0xFFFFFFE0 ss:$0x1], $0xffff  }
0x168: {  	v24 =	vld.idx.msk [tilespmem:v10+s19+$0x0 ss:$0x1], $0xffff;
	v18 =	vmul.f32 v18, v18;
	v22 =	vadd.f32 v22, v26;
	v19 =	vadd.f32 v19, v21  }
0x169: {  	v17 =	vadd.f32 v17, v23;
	v23 =	vld.idx.msk [tilespmem:v14+s19+$0xFFFFFFE0 ss:$0x1], $0xffff  }
0x16a: {  	v40 =	vperm.xlane v11, v16;
	v26 =	vld.idx.msk [tilespmem:v14+s19+$0xFFFFFFF0 ss:$0x1], $0xffff;
	v22 =	vmul.f32 v22, v22;
	v61 =	vadd.f32 v18, v19  }
0x16b: {  	v35 =	vmul.f32 v54, v1;
	v43 =	vperm.xlane v9, v16;
	v29 =	vld.idx.msk [tilespmem:v15+s19+$0x0 ss:$0x1], $0xffff  }
0x16c: {  	v20 =	vmul.f32 v20, v40;
	v17 =	vmul.f32 v17, v17;
	v52 =	vld.idx.msk [tilespmem:v14+s19+$0xFFFFFFD0 ss:$0x1], $0xffff;
	v22 =	vadd.f32 v61, v22  }
0x16d: {  	v41 =	vmul.f32 v60, v40;
	v33 =	vmul.f32 v63, v40;
	v21 =	vld.idx.msk [tilespmem:v15+s19+$0xFFFFFFF0 ss:$0x1], $0xffff  }
0x16e: {  	v44 =	vmul.f32 v62, v43;
	v57 =	vmul.f32 v23, v39;
	v58 =	vld.idx.msk [tilespmem:v12+s19+$0xFFFFFFF0 ss:$0x1], $0xffff;
	v17 =	vadd.f32 v17, v22  }
0x16f: {  	v30 =	vadd.f32 v35, v30;
	v19 =	vmul.f32 v53, v1;
	v53 =	vld.idx.msk [tilespmem:v15+s19+$0xFFFFFFD0 ss:$0x1], $0xffff;
	v54 =	vmul.f32 v26, v39  }
0x170: {  	v29 =	vmul.f32 v29, v43;
	v18 =	vmul.f32 v47, v1;
	v26 =	vadd.f32 v25, v20;
	(xrf2) =	vadd.scan.msk.f32 $0xffff, v17  }
0x171: {  	v27 =	vld.idx.msk [tilespmem:v10+s19+$0xFFFFFFF0 ss:$0x1], $0xffff;
	v20 =	vmul.f32 v30, v30;
	v61 =	vmul.f32 v52, v39;
	v23 =	vadd.f32 v37, v54  }
0x172: {  	v60 =	vld.idx.msk [tilespmem:v8+s19+$0xFFFFFFD0 ss:$0x1], $0xffff;
	v42 =	vmul.f32 v26, v26;
	v56 =	vmul.f32 v21, v43  }
0x173: {  	v62 =	vld.idx.msk [tilespmem:v10+s19+$0xFFFFFFD0 ss:$0x1], $0xffff;
	v21 =	vadd.f32 v32, v36;
	v22 =	vmul.f32 v58, v40;
	v39 =	vmul.f32 v23, v23  }
0x174: {  	v30 =	vadd.f32 v55, v57;
	v58 =	vld.idx.msk [tilespmem:v7+s19+$0xFFFFFFD0 ss:$0x1], $0xffff;
	v50 =	vmul.f32 $2.755731880e-06, v42;
	v45 =	vmul.f32 v53, v43  }
0x175: {  	v43 =	vmul.f32 v21, v21;
	v17 =	vld.idx.msk [tilespmem:v10+s19+$0xFFFFFFE0 ss:$0x1], $0xffff;
	v25 =	vadd.f32 v31, v22;
	v22 =	vadd.f32 v24, v29  }
0x176: {  	v24 =	vadd.f32 v27, v56;
	v27 =	vadd.f32 v34, v41;
	v34 =	vmul.f32 v30, v30  }
0x177: {  	vm0 =	veq.s32 v28, v59;
	v49 =	vmul.f32 $2.755731880e-06, v39;
	v47 =	vmul.f32 $2.755731880e-06, v43  }
0x178: {  	v32 =	vadd.f32 v60, v61;
	v41 =	vmul.f32 v25, v25;
	v40 =	vmul.f32 v22, v22  }
0x179: {  	v38 =	vmul.f32 v24, v24;
	v36 =	vmul.f32 v27, v27;
	v31 =	vadd.f32 v58, v33  }
0x17a: {  	v33 =	vadd.f32 v62, v45;
	v48 =	vmul.f32 $2.755731880e-06, v40;
	v29 =	vadd.f32 v17, v44;
	v17, _, _ =	vpop (xrf2)  }
0x17b: {  	v28 =	vmul.f32 $2.755731880e-06, v41;
	v37 =	vmul.f32 v31, v31;
	v63 =	vadd.f32 $0.0e+00, v17  }
0x17c: {  	[tilespmem:$0x1FFE0] =	vst v0;
	v44 =	vmul.f32 v32, v32;
	v45 =	vmul.f32 v33, v33  }
0x17d: {  	p0 =	por p1, p1;
	s21 =	simm.s32 $0x400;
	[tilespmem:$0x1FFF0] =	vst v11;
	v13 =	vmovc v9;
	v35 =	vmul.f32 v29, v29;
	v17 =	vimm.f32 $0.0e+00;
	v46 =	vbroadcast v63, $0xF  }
.LBB2_10:
0x17e: {  	v51 =	vmul.f32 $2.755731880e-06, v36;
	v52 =	vmul.f32 $2.755731880e-06, v38  }
0x17f: {  	v17 =	vsel vm0, v46, v17;
	v63 =	vmul.f32 $2.755731880e-06, v34;
	v53 =	vmul.f32 $2.755731880e-06, v35  }
0x180: {  	v50 =	vadd.f32 $-1.984127010e-04, v50;
	v54 =	vmul.f32 $2.755731880e-06, v37;
	v47 =	vadd.f32 $-1.984127010e-04, v47  }
0x181: {  	v48 =	vadd.f32 $-1.984127010e-04, v48;
	v55 =	vmul.f32 $2.755731880e-06, v44;
	v49 =	vadd.f32 $-1.984127010e-04, v49  }
0x182: {  	v28 =	vadd.f32 $-1.984127010e-04, v28;
	v56 =	vmul.f32 $2.755731880e-06, v45;
	v51 =	vadd.f32 $-1.984127010e-04, v51  }
0x183: {  	v52 =	vadd.f32 $-1.984127010e-04, v52;
	v46 =	vadd.f32 $-1.984127010e-04, v63;
	v50 =	vmul.f32 v50, v42  }
0x184: {  	v53 =	vadd.f32 $-1.984127010e-04, v53;
	v47 =	vmul.f32 v47, v43;
	v48 =	vmul.f32 v48, v40  }
0x185: {  	v54 =	vadd.f32 $-1.984127010e-04, v54;
	v49 =	vmul.f32 v49, v39;
	v28 =	vmul.f32 v28, v41  }
0x186: {  	v55 =	vadd.f32 $-1.984127010e-04, v55;
	v51 =	vmul.f32 v51, v36;
	v52 =	vmul.f32 v52, v38  }
0x187: {  	v56 =	vadd.f32 $-1.984127010e-04, v56;
	v46 =	vmul.f32 v46, v34;
	v53 =	vmul.f32 v53, v35  }
0x188: {  	v50 =	vadd.f32 $8.333332840e-03, v50;
	v54 =	vmul.f32 v54, v37;
	v57 =	vadd.f32 $8.333332840e-03, v47  }
0x189: {  	v48 =	vadd.f32 $8.333332840e-03, v48;
	v55 =	vmul.f32 v55, v44;
	v49 =	vadd.f32 $8.333332840e-03, v49  }
0x18a: {  	v9 =	vld.idx.msk [tilespmem:v6+s19+$0x0 ss:$0x1], $0xffff;
	v58 =	vadd.f32 $8.333332840e-03, v28;
	v56 =	vmul.f32 v56, v45;
	v51 =	vadd.f32 $8.333332840e-03, v51  }
0x18b: {  	v11 =	vld.idx.msk [tilespmem:v5+s19+$0x0 ss:$0x1], $0xffff;
	v52 =	vadd.f32 $8.333332840e-03, v52;
	v59 =	vadd.f32 $8.333332840e-03, v46;
	v60 =	vmul.f32 v50, v42  }
0x18c: {  	v63 =	vld.idx.msk [tilespmem:v2+s19+$0xFFFFFFE0 ss:$0x1], $0xffff;
	v53 =	vadd.f32 $8.333332840e-03, v53;
	v57 =	vmul.f32 v57, v43;
	v48 =	vmul.f32 v48, v40  }
0x18d: {  	v28 =	vld.idx.msk [tilespmem:v2+s19+$0x0 ss:$0x1], $0xffff;
	v54 =	vadd.f32 $8.333332840e-03, v54;
	v61 =	vmul.f32 v49, v39;
	v58 =	vmul.f32 v58, v41  }
0x18e: {  	v47 =	vld.idx.msk [tilespmem:v2+s19+$0xFFFFFFF0 ss:$0x1], $0xffff;
	v55 =	vadd.f32 $8.333332840e-03, v55;
	v62 =	vmul.f32 v51, v36;
	v52 =	vmul.f32 v52, v38  }
0x18f: {  	v46 =	vld.idx.msk [tilespmem:v2+s19+$0xFFFFFFC0 ss:$0x1], $0xffff;
	v56 =	vadd.f32 $8.333332840e-03, v56;
	v59 =	vmul.f32 v59, v34;
	v53 =	vmul.f32 v53, v35  }
0x190: {  	v49 =	vld.idx.msk [tilespmem:v3+s19+$0x10 ss:$0x1], $0xffff;
	v60 =	vadd.f32 $-1.666666720e-01, v60;
	v54 =	vmul.f32 v54, v37;
	v57 =	vadd.f32 $-1.666666720e-01, v57  }
0x191: {  	v50 =	vld.idx.msk [tilespmem:v2+s19+$0xFFFFFFB0 ss:$0x1], $0xffff;
	v0 =	vadd.f32 $-1.666666720e-01, v48;
	v55 =	vmul.f32 v55, v44;
	v61 =	vadd.f32 $-1.666666720e-01, v61  }
0x192: {  	s22 =	sshra.s32 s21, $0x2;
	v51 =	vld.idx.msk [tilespmem:v4+s19+$0x0 ss:$0x1], $0xffff;
	v58 =	vadd.f32 $-1.666666720e-01, v58;
	v56 =	vmul.f32 v56, v45;
	v62 =	vadd.f32 $-1.666666720e-01, v62  }
0x193: {  	v48 =	vld.idx.msk [tilespmem:v3+s22+$0x0 ss:$0x1], $0xffff;
	v52 =	vadd.f32 $-1.666666720e-01, v52;
	v55 =	vadd.f32 $-1.666666720e-01, v55;
	v43 =	vmul.f32 v57, v43  }
0x194: {  	v42 =	vmul.f32 v60, v42;
	v56 =	vadd.f32 $-1.666666720e-01, v56;
	v57 =	vld.idx.msk [tilespmem:v2+s19+$0xFFFFFFA0 ss:$0x1], $0xffff;
	v41 =	vmul.f32 v58, v41  }
0x195: {  	v0 =	vmul.f32 v0, v40;
	v40 =	vld.idx.msk [tilespmem:v6+s19+$0xFFFFFFD0 ss:$0x1], $0xffff;
	v54 =	vadd.f32 $-1.666666720e-01, v54;
	v39 =	vmul.f32 v61, v39  }
0x196: {  	v60 =	vadd.f32 $-1.666666720e-01, v59;
	v38 =	vmul.f32 v52, v38;
	v52 =	vld.idx.msk [tilespmem:v5+s19+$0xFFFFFFD0 ss:$0x1], $0xffff;
	v44 =	vmul.f32 v55, v44  }
0x197: {  	v53 =	vadd.f32 $-1.666666720e-01, v53;
	v45 =	vmul.f32 v56, v45;
	v61 =	vmul.f32 v54, v37;
	v54 =	vld.idx.msk [tilespmem:v4+s19+$0xFFFFFFF0 ss:$0x1], $0xffff  }
0x198: {  	v18 =	vadd.f32 v18, v50;
	v36 =	vmul.f32 v62, v36;
	v56 =	vld.idx.msk [tilespmem:v4+s19+$0xFFFFFFD0 ss:$0x1], $0xffff;
	v41 =	vadd.f32 $1.000000000e+00, v41  }
0x199: {  	v62 =	vmul.f32 v60, v34;
	v55 =	vld.idx.msk [tilespmem:v6+s19+$0xFFFFFFE0 ss:$0x1], $0xffff;
	v44 =	vadd.f32 $1.000000000e+00, v44;
	v45 =	vadd.f32 $1.000000000e+00, v45  }
0x19a: {  	v58 =	vmul.f32 v53, v35;
	v60 =	vld.idx.msk [tilespmem:v5+s19+$0xFFFFFFE0 ss:$0x1], $0xffff;
	v39 =	vadd.f32 $1.000000000e+00, v39;
	v37 =	vadd.f32 $1.000000000e+00, v61  }
0x19b: {  	v0 =	vadd.f32 $1.000000000e+00, v0;
	v61 =	vld.idx.msk [tilespmem:v4+s19+$0xFFFFFFE0 ss:$0x1], $0xffff;
	v32 =	vmul.f32 v44, v32;
	v33 =	vmul.f32 v45, v33  }
0x19c: {  	v34 =	vadd.f32 $1.000000000e+00, v62;
	v25 =	vmul.f32 v41, v25;
	v31 =	vmul.f32 v37, v31;
	v37 =	vld.idx.msk [tilespmem:v6+s19+$0xFFFFFFF0 ss:$0x1], $0xffff  }
0x19d: {  	v35 =	vadd.f32 $1.000000000e+00, v58;
	v45 =	vld.idx.msk [tilespmem:v5+s19+$0xFFFFFFF0 ss:$0x1], $0xffff;
	v32 =	vmul.f32 v32, v40;
	v33 =	vmul.f32 v33, v52  }
0x19e: {  	v62 =	vadd.f32 $1.000000000e+00, v36;
	v23 =	vmul.f32 v39, v23;
	v30 =	vmul.f32 v34, v30;
	v52 =	vld.idx.msk [tilespmem:v2+s19+$0xFFFFFFD0 ss:$0x1], $0xffff;
	s19 =	smov.u32 s22  }
0x19f: {  	v29 =	vmul.f32 v35, v29;
	v31 =	vmul.f32 v31, v56;
	v56 =	vld.idx.msk [tilespmem:v3+s19+$0xFFFFFFF0 ss:$0x1], $0xffff;
	v32 =	vadd.f32 v33, v32  }
0x1a0: {  	v53 =	vadd.f32 $1.000000000e+00, v38;
	v0 =	vmul.f32 v0, v22;
	v27 =	vmul.f32 v62, v27;
	v58 =	vld.idx.msk [tilespmem:v3+s19+$0xFFFFFFE0 ss:$0x1], $0xffff  }
0x1a1: {  	v30 =	vmul.f32 v30, v55;
	v29 =	vmul.f32 v29, v60;
	v38 =	vld.idx.msk [tilespmem:v7+s19+$0x0 ss:$0x1], $0xffff;
	v31 =	vadd.f32 v31, v32  }
0x1a2: {  	v42 =	vadd.f32 $1.000000000e+00, v42;
	v24 =	vmul.f32 v53, v24;
	v0 =	vmul.f32 v0, v11;
	v36 =	vld.idx.msk [tilespmem:v10+s19+$0x0 ss:$0x1], $0xffff  }
0x1a3: {  	v27 =	vmul.f32 v27, v61;
	v22 =	vld.idx.msk [tilespmem:v7+s19+$0xFFFFFFF0 ss:$0x1], $0xffff;
	v29 =	vadd.f32 v29, v30;
	v31 =	vmul.f32 v31, v1  }
0x1a4: {  	v60 =	vadd.f32 $1.000000000e+00, v43;
	v11 =	vld.idx.msk [tilespmem:v15+s19+$0x0 ss:$0x1], $0xffff;
	v23 =	vmul.f32 v23, v37;
	v24 =	vmul.f32 v24, v45  }
0x1a5: {  	v61 =	vld [tilespmem:$0x1FFF0];
	v27 =	vadd.f32 v27, v29;
	v31 =	vadd.f32 v31, v52  }
0x1a6: {  	v62 =	vld.idx.msk [tilespmem:v12+s19+$0xFFFFFFE0 ss:$0x1], $0xffff;
	v21 =	vmul.f32 v60, v21;
	v23 =	vadd.f32 v24, v23;
	v24 =	vmul.f32 v25, v54  }
0x1a7: {  	v19 =	vadd.f32 v19, v57;
	v50 =	vld.idx.msk [tilespmem:v12+s19+$0xFFFFFFD0 ss:$0x1], $0xffff;
	v27 =	vmul.f32 v27, v1;
	v25 =	vmul.f32 v31, v31  }
0x1a8: {  	v26 =	vmul.f32 v42, v26;
	v53 =	vld.idx.msk [tilespmem:v15+s19+$0xFFFFFFD0 ss:$0x1], $0xffff;
	v9 =	vmul.f32 v21, v9;
	v23 =	vadd.f32 v24, v23  }
0x1a9: {  	v19 =	vmul.f32 v19, v19;
	v33 =	vld.idx.msk [tilespmem:v2+s19+$0xFFFFFF90 ss:$0x1], $0xffff;
	v21 =	vadd.f32 v27, v63;
	v20 =	vadd.f32 v25, v20  }
0x1aa: {  	v30 =	vld.idx.msk [tilespmem:v8+s19+$0x0 ss:$0x1], $0xffff;
	v0 =	vadd.f32 v0, v9;
	v9 =	vmul.f32 v26, v51  }
0x1ab: {  	s20 =	sadd.s32 $0x1, s20;
	v29 =	vld.idx.msk [tilespmem:v12+s19+$0x0 ss:$0x1], $0xffff;
	v19 =	vadd.f32 v20, v19;
	v20 =	vmul.f32 v21, v21;
	v21 =	vmul.f32 v23, v1  }
0x1ac: {  	v18 =	vmul.f32 v18, v18;
	v54 =	vld.idx.msk [tilespmem:v8+s19+$0xFFFFFFE0 ss:$0x1], $0xffff;
	v51 =	vmov s20;
	v0 =	vadd.f32 v9, v0  }
0x1ad: {  	v26 =	vld.idx.msk [tilespmem:v15+s19+$0xFFFFFFF0 ss:$0x1], $0xffff;
	v25 =	vmul.f32 v49, v1;
	v19 =	vadd.f32 v20, v19;
	v20 =	vadd.f32 v21, v47  }
0x1ae: {  	v34 =	vperm.xlane v61, v51;
	v63 =	vld.idx.msk [tilespmem:v14+s19+$0xFFFFFFE0 ss:$0x1], $0xffff;
	v0 =	vmul.f32 v0, v1  }
0x1af: {  	v49 =	vld.idx.msk [tilespmem:v15+s19+$0xFFFFFFE0 ss:$0x1], $0xffff;
	v25 =	vadd.f32 v25, v46;
	v18 =	vadd.f32 v19, v18;
	v19 =	vmul.f32 v20, v20  }
0x1b0: {  	v29 =	vmul.f32 v29, v34;
	v0 =	vadd.f32 v0, v28;
	v28 =	vperm.xlane v13, v51;
	v23 =	vld.idx.msk [tilespmem:v12+s19+$0xFFFFFFF0 ss:$0x1], $0xffff  }
0x1b1: {  	v32 =	vmul.f32 v58, v1;
	v25 =	vmul.f32 v25, v25;
	v20 =	vld [tilespmem:$0x1FFE0];
	v47 =	vadd.f32 v19, v18  }
0x1b2: {  	v52 =	vld.idx.msk [tilespmem:v14+s19+$0xFFFFFFD0 ss:$0x1], $0xffff;
	v37 =	vmul.f32 v62, v34;
	v57 =	vmul.f32 v26, v28;
	v26 =	vadd.f32 v38, v29  }
0x1b3: {  	v31 =	vld.idx.msk [tilespmem:v14+s19+$0x0 ss:$0x1], $0xffff;
	v0 =	vmul.f32 v0, v0;
	v11 =	vmul.f32 v11, v28;
	v25 =	vadd.f32 v47, v25  }
0x1b4: {  	v21 =	vld.idx.msk [tilespmem:v14+s19+$0xFFFFFFF0 ss:$0x1], $0xffff;
	v42 =	vmul.f32 v26, v26;
	v61 =	vmul.f32 v49, v28  }
0x1b5: {  	v23 =	vmul.f32 v23, v34;
	v19 =	vmul.f32 v56, v1;
	v56 =	vld.idx.msk [tilespmem:v10+s19+$0xFFFFFFE0 ss:$0x1], $0xffff;
	v0 =	vadd.f32 v0, v25  }
0x1b6: {  	v24 =	vld.idx.msk [tilespmem:v8+s19+$0xFFFFFFF0 ss:$0x1], $0xffff;
	v34 =	vmul.f32 v50, v34;
	v20 =	vperm.xlane v20, v51  }
0x1b7: {  	v27 =	vld.idx.msk [tilespmem:v10+s19+$0xFFFFFFF0 ss:$0x1], $0xffff;
	v50 =	vmul.f32 $2.755731880e-06, v42;
	v18 =	vmul.f32 v48, v1;
	v25 =	vadd.f32 v22, v23;
	(xrf2) =	vadd.scan.msk.f32 $0xffff, v0  }
0x1b8: {  	v62 =	vld.idx.msk [tilespmem:v8+s19+$0xFFFFFFD0 ss:$0x1], $0xffff;
	v22 =	vadd.f32 v36, v11;
	v11 =	vmul.f32 v53, v28;
	v31 =	vmul.f32 v31, v20  }
0x1b9: {  	v9 =	vld.idx.msk [tilespmem:v7+s19+$0xFFFFFFE0 ss:$0x1], $0xffff;
	v55 =	vmul.f32 v21, v20;
	v60 =	vmul.f32 v63, v20  }
0x1ba: {  	v58 =	vld.idx.msk [tilespmem:v7+s19+$0xFFFFFFD0 ss:$0x1], $0xffff;
	v35 =	vmul.f32 v52, v20;
	v29 =	vadd.f32 v56, v61;
	v0 =	vadd.f32 v32, v33  }
0x1bb: {  	v41 =	vmul.f32 v25, v25;
	v21 =	vadd.f32 v30, v31;
	v23 =	vadd.f32 v24, v55  }
0x1bc: {  	v40 =	vmul.f32 v22, v22;
	v24 =	vadd.f32 v27, v57;
	v30 =	vadd.f32 v54, v60  }
0x1bd: {  	v63 =	vld.idx.msk [tilespmem:v10+s19+$0xFFFFFFD0 ss:$0x1], $0xffff;
	v32 =	vadd.f32 v62, v35;
	v35 =	vmul.f32 v29, v29;
	v20 =	vmul.f32 v0, v0  }
0x1be: {  	v27 =	vadd.f32 v9, v37;
	v48 =	vmul.f32 $2.755731880e-06, v40;
	v28 =	vmul.f32 $2.755731880e-06, v41  }
0x1bf: {  	p1 =	sne.s32 s21, $0x1E00;
	v31 =	vadd.f32 v58, v34;
	v43 =	vmul.f32 v21, v21;
	v39 =	vmul.f32 v23, v23  }
.Ltmp6:
0x1c0: {  	v38 =	vmul.f32 v24, v24;
	v34 =	vmul.f32 v30, v30;
	(pc) =	sbr.rel @p1 .LBB2_10-.Ltmp6, $4  }
0x1c1: {  	v36 =	vmul.f32 v27, v27;
	v37 =	vmul.f32 v31, v31;
	v0, _, _ =	vpop (xrf2)  }
0x1c2: {  	v44 =	vmul.f32 v32, v32;
	v33 =	vadd.f32 v63, v11;
	v0 =	vadd.f32 $0.0e+00, v0  }
0x1c3: {  	v59 =	vlaneseq.u32;
	v47 =	vmul.f32 $2.755731880e-06, v43;
	v49 =	vmul.f32 $2.755731880e-06, v39  }
0x1c4: {  	s21 =	sadd.s32 $0x200, s21;
	vm0 =	veq.s32 v16, v59;
	v16 =	vmovc v51;
	v45 =	vmul.f32 v33, v33;
	v46 =	vbroadcast v0, $0xF  }
0x1c5: {  	v0 =	vmul.f32 $2.755731880e-06, v36;
	v7 =	vmul.f32 $2.755731880e-06, v38  }
0x1c6: {  	v8 =	vmul.f32 $2.755731880e-06, v34;
	v9 =	vmul.f32 $2.755731880e-06, v35;
	v10 =	vadd.f32 $-1.984127010e-04, v50  }
0x1c7: {  	v11 =	vmul.f32 $2.755731880e-06, v37;
	v12 =	vadd.f32 $-1.984127010e-04, v47;
	v13 =	vadd.f32 $-1.984127010e-04, v48  }
0x1c8: {  	v14 =	vmul.f32 $2.755731880e-06, v44;
	v15 =	vadd.f32 $-1.984127010e-04, v49;
	v28 =	vadd.f32 $-1.984127010e-04, v28  }
0x1c9: {  	v52 =	vmul.f32 $2.755731880e-06, v45;
	v0 =	vadd.f32 $-1.984127010e-04, v0;
	v7 =	vadd.f32 $-1.984127010e-04, v7  }
0x1ca: {  	v8 =	vadd.f32 $-1.984127010e-04, v8;
	v9 =	vadd.f32 $-1.984127010e-04, v9;
	v10 =	vmul.f32 v10, v42  }
0x1cb: {  	v11 =	vadd.f32 $-1.984127010e-04, v11;
	v12 =	vmul.f32 v12, v43;
	v13 =	vmul.f32 v13, v40  }
0x1cc: {  	v14 =	vadd.f32 $-1.984127010e-04, v14;
	v15 =	vmul.f32 v15, v39;
	v28 =	vmul.f32 v28, v41  }
0x1cd: {  	v47 =	vadd.f32 $-1.984127010e-04, v52;
	v0 =	vmul.f32 v0, v36;
	v7 =	vmul.f32 v7, v38  }
0x1ce: {  	v8 =	vmul.f32 v8, v34;
	v9 =	vmul.f32 v9, v35;
	v10 =	vadd.f32 $8.333332840e-03, v10  }
0x1cf: {  	v11 =	vmul.f32 v11, v37;
	v12 =	vadd.f32 $8.333332840e-03, v12;
	v13 =	vadd.f32 $8.333332840e-03, v13  }
0x1d0: {  	v14 =	vmul.f32 v14, v44;
	v15 =	vadd.f32 $8.333332840e-03, v15;
	v28 =	vadd.f32 $8.333332840e-03, v28  }
0x1d1: {  	v47 =	vmul.f32 v47, v45;
	v0 =	vadd.f32 $8.333332840e-03, v0;
	v7 =	vadd.f32 $8.333332840e-03, v7  }
0x1d2: {  	v8 =	vadd.f32 $8.333332840e-03, v8;
	v9 =	vadd.f32 $8.333332840e-03, v9;
	v10 =	vmul.f32 v10, v42  }
0x1d3: {  	v11 =	vadd.f32 $8.333332840e-03, v11;
	v12 =	vmul.f32 v12, v43;
	v13 =	vmul.f32 v13, v40  }
0x1d4: {  	v14 =	vadd.f32 $8.333332840e-03, v14;
	v15 =	vmul.f32 v15, v39;
	v28 =	vmul.f32 v28, v41  }
0x1d5: {  	v47 =	vadd.f32 $8.333332840e-03, v47;
	v0 =	vmul.f32 v0, v36;
	v7 =	vmul.f32 v7, v38  }
0x1d6: {  	v8 =	vmul.f32 v8, v34;
	v9 =	vmul.f32 v9, v35;
	v10 =	vadd.f32 $-1.666666720e-01, v10  }
0x1d7: {  	v11 =	vmul.f32 v11, v37;
	v12 =	vadd.f32 $-1.666666720e-01, v12;
	v13 =	vadd.f32 $-1.666666720e-01, v13  }
0x1d8: {  	v14 =	vmul.f32 v14, v44;
	v15 =	vadd.f32 $-1.666666720e-01, v15;
	v28 =	vadd.f32 $-1.666666720e-01, v28  }
0x1d9: {  	v47 =	vmul.f32 v47, v45;
	v0 =	vadd.f32 $-1.666666720e-01, v0;
	v7 =	vadd.f32 $-1.666666720e-01, v7  }
0x1da: {  	v14 =	vadd.f32 $-1.666666720e-01, v14;
	v12 =	vmul.f32 v12, v43;
	v10 =	vmul.f32 v10, v42  }
0x1db: {  	v28 =	vmul.f32 v28, v41;
	v13 =	vmul.f32 v13, v40;
	v53 =	vadd.f32 $-1.666666720e-01, v47  }
0x1dc: {  	v54 =	vld.idx.msk [tilespmem:v6+s19+$0xFFFFFFD0 ss:$0x1], $0xffff;
	v11 =	vadd.f32 $-1.666666720e-01, v11;
	v15 =	vmul.f32 v15, v39;
	v7 =	vmul.f32 v7, v38  }
0x1dd: {  	v56 =	vld.idx.msk [tilespmem:v5+s19+$0xFFFFFFD0 ss:$0x1], $0xffff;
	v8 =	vadd.f32 $-1.666666720e-01, v8;
	v14 =	vmul.f32 v14, v44;
	v55 =	vmul.f32 v53, v45  }
0x1de: {  	v57 =	vld.idx.msk [tilespmem:v6+s19+$0x0 ss:$0x1], $0xffff;
	v9 =	vadd.f32 $-1.666666720e-01, v9;
	v11 =	vmul.f32 v11, v37;
	v0 =	vmul.f32 v0, v36  }
0x1df: {  	v60 =	vld.idx.msk [tilespmem:v4+s19+$0xFFFFFFD0 ss:$0x1], $0xffff;
	v8 =	vmul.f32 v8, v34;
	v14 =	vadd.f32 $1.000000000e+00, v14;
	v58 =	vadd.f32 $1.000000000e+00, v55  }
0x1e0: {  	v61 =	vld.idx.msk [tilespmem:v6+s19+$0xFFFFFFE0 ss:$0x1], $0xffff;
	v9 =	vmul.f32 v9, v35;
	v10 =	vadd.f32 $1.000000000e+00, v10;
	v11 =	vadd.f32 $1.000000000e+00, v11  }
0x1e1: {  	v63 =	vld.idx.msk [tilespmem:v5+s19+$0xFFFFFFE0 ss:$0x1], $0xffff;
	v28 =	vadd.f32 $1.000000000e+00, v28;
	v14 =	vmul.f32 v14, v32;
	v62 =	vmul.f32 v58, v33  }
0x1e2: {  	v48 =	vld.idx.msk [tilespmem:v2+s19+$0xFFFFFFE0 ss:$0x1], $0xffff;
	v15 =	vadd.f32 $1.000000000e+00, v15;
	v8 =	vadd.f32 $1.000000000e+00, v8;
	v11 =	vmul.f32 v11, v31  }
0x1e3: {  	v41 =	vld.idx.msk [tilespmem:v4+s19+$0xFFFFFFE0 ss:$0x1], $0xffff;
	v9 =	vadd.f32 $1.000000000e+00, v9;
	v14 =	vmul.f32 v14, v54;
	v39 =	vmul.f32 v62, v56  }
0x1e4: {  	v42 =	vld.idx.msk [tilespmem:v5+s19+$0xFFFFFFF0 ss:$0x1], $0xffff;
	v0 =	vadd.f32 $1.000000000e+00, v0;
	v10 =	vmul.f32 v10, v26;
	v8 =	vmul.f32 v8, v30  }
0x1e5: {  	v37 =	vld.idx.msk [tilespmem:v6+s19+$0xFFFFFFF0 ss:$0x1], $0xffff;
	v9 =	vmul.f32 v9, v29;
	v11 =	vmul.f32 v11, v60;
	v14 =	vadd.f32 v39, v14  }
0x1e6: {  	v43 =	vld.idx.msk [tilespmem:v2+s19+$0xFFFFFFD0 ss:$0x1], $0xffff;
	v7 =	vadd.f32 $1.000000000e+00, v7;
	v25 =	vmul.f32 v28, v25;
	v0 =	vmul.f32 v0, v27  }
0x1e7: {  	v44 =	vld.idx.msk [tilespmem:v4+s19+$0xFFFFFFF0 ss:$0x1], $0xffff;
	v8 =	vmul.f32 v8, v61;
	v9 =	vmul.f32 v9, v63;
	v11 =	vadd.f32 v11, v14  }
0x1e8: {  	v12 =	vadd.f32 $1.000000000e+00, v12;
	v45 =	vld.idx.msk [tilespmem:v2+s19+$0xFFFFFFA0 ss:$0x1], $0xffff;
	v15 =	vmul.f32 v15, v23;
	v7 =	vmul.f32 v7, v24  }
0x1e9: {  	v47 =	vld.idx.msk [tilespmem:v5+s19+$0x0 ss:$0x1], $0xffff;
	v0 =	vmul.f32 v0, v41;
	v8 =	vadd.f32 v9, v8;
	v11 =	vmul.f32 v11, v1  }
0x1ea: {  	v49 =	vld.idx.msk [tilespmem:v4+s19+$0x0 ss:$0x1], $0xffff;
	v13 =	vadd.f32 $1.000000000e+00, v13;
	v6 =	vmul.f32 v15, v37;
	v7 =	vmul.f32 v7, v42  }
0x1eb: {  	v40 =	vld.idx.msk [tilespmem:v2+s19+$0xFFFFFFB0 ss:$0x1], $0xffff;
	v50 =	vmul.f32 v12, v21;
	v0 =	vadd.f32 v0, v8;
	v11 =	vadd.f32 v11, v43  }
0x1ec: {  	v52 =	vmul.f32 v13, v22;
	v51 =	vmul.f32 v25, v44;
	v6 =	vadd.f32 v7, v6  }
0x1ed: {  	v3 =	vld.idx.msk [tilespmem:v3+s19+$0x10 ss:$0x1], $0xffff;
	v53 =	vadd.f32 v19, v45;
	v0 =	vmul.f32 v0, v1;
	v11 =	vmul.f32 v11, v11  }
0x1ee: {  	v55 =	vmul.f32 v50, v57;
	v5 =	vmul.f32 v52, v47;
	v54 =	vld.idx.msk [tilespmem:v2+s19+$0xFFFFFFF0 ss:$0x1], $0xffff;
	v6 =	vadd.f32 v51, v6  }
0x1ef: {  	v57 =	vmul.f32 v53, v53;
	v0 =	vadd.f32 v0, v48;
	v11 =	vadd.f32 v11, v20  }
0x1f0: {  	v4 =	vmul.f32 v10, v49;
	v58 =	vadd.f32 v18, v40;
	v5 =	vadd.f32 v5, v55;
	v56 =	vld.idx.msk [tilespmem:v2+s19+$0xFFFFFFC0 ss:$0x1], $0xffff  }
0x1f1: {  	v6 =	vmul.f32 v6, v1;
	v0 =	vmul.f32 v0, v0;
	v60 =	vadd.f32 v11, v57  }
0x1f2: {  	v3 =	vmul.f32 v3, v1;
	v2 =	vld.idx.msk [tilespmem:v2+s19+$0x0 ss:$0x1], $0xffff;
	v4 =	vadd.f32 v4, v5  }
0x1f3: {  	v61 =	vmul.f32 v58, v58;
	v6 =	vadd.f32 v6, v54;
	v0 =	vadd.f32 v0, v60  }
0x1f4: {  	v4 =	vmul.f32 v4, v1  }
0x1f5: {  	v3 =	vadd.f32 v3, v56;
	v62 =	vmul.f32 v6, v6;
	v0 =	vadd.f32 v0, v61;
	_ =	sdelay $0x1  }
0x1f6: {  	v2 =	vadd.f32 v4, v2;
	v3 =	vmul.f32 v3, v3;
	v0 =	vadd.f32 v62, v0;
	_ =	sdelay $0x1  }
0x1f7: {  	v2 =	vmul.f32 v2, v2;
	v0 =	vadd.f32 v0, v3;
	_ =	sdelay $0x1  }
0x1f8: {  	v0 =	vadd.f32 v2, v0;
	_ =	sdelay $0x1  }
0x1f9: {  	(xrf2) =	vadd.scan.msk.f32 $0xffff, v0;
	_ =	sdelay $0x9  }
0x1fa: {  	v0, _, _ =	vpop (xrf2)  }
0x1fb: {  	v0 =	vadd.f32 $0.0e+00, v0;
	_ =	sdelay $0x1  }
0x1fc: {  	v0 =	vbroadcast v0, $0xF  }
0x1fd: {  	vm15 =	veq.s32 v16, v59;
	v2 =	vsel vm0, v46, v17  }
0x1fe: {  	v0 =	vsel vm15, v0, v2  }
0x1ff: {  	v2 =	vshrl.u32 v0, $0x1;
	v3 =	vmul.f32 $5.000000000e-01, v0  }
0x200: {  	v2 =	vsub.s32 $0x5F3759DF, v2  }
0x201: {  	v63 =	vmul.f32 v2, v3;
	_ =	sdelay $0x1  }
0x202: {  	v4 =	vmul.f32 v2, v63;
	_ =	sdelay $0x1  }
0x203: {  	v4 =	vsub.f32 $1.500000000e+00, v4;
	_ =	sdelay $0x1  }
0x204: {  	v2 =	vmul.f32 v2, v4;
	_ =	sdelay $0x1  }
0x205: {  	v4 =	vmul.f32 v2, v3;
	_ =	sdelay $0x1  }
0x206: {  	v4 =	vmul.f32 v4, v2;
	_ =	sdelay $0x1  }
0x207: {  	v4 =	vsub.f32 $1.500000000e+00, v4;
	_ =	sdelay $0x1  }
0x208: {  	v2 =	vmul.f32 v4, v2;
	_ =	sdelay $0x1  }
0x209: {  	v3 =	vmul.f32 v2, v3;
	_ =	sdelay $0x1  }
0x20a: {  	v3 =	vmul.f32 v3, v2;
	_ =	sdelay $0x1  }
0x20b: {  	v3 =	vsub.f32 $1.500000000e+00, v3;
	_ =	sdelay $0x1  }
0x20c: {  	v2 =	vmul.f32 v3, v2;
	_ =	sdelay $0x1  }
.Ltmp7:
0x20d: {  	v0 =	vmul.f32 v2, v0;
	(pc) =	sbr.rel @p0 .LBB2_9-.Ltmp7, $3  }
0x20e: {  	_ = 	snop  }
0x20f: {  	v0 =	vsub.f32 $0.0e+00, v0;
	_ =	sdelay $0x1  }
0x210: {  	p1 =	por $0x0, $0x0;
	[tilespmem:s18+$0x880] =	vst v0;
	s18 =	simm.s32 $0x10  }
0x211: {  	p0 =	seq.s32 s28, $0x7  }
.Ltmp8:
0x212: {  	_ = 	snop;
	(pc) =	sbr.rel @p0 .LBB2_16-.Ltmp8, $1  }
0x213: {  	_ =	sdelay $0x3  }
0x214: {  	s16 =	sadd.s32 $0x40, s16  }
0x215: {  	v2 =	vmov s16  }
0x216: {  	s17 =	sadd.s32 s14, s16  }
0x217: {  	s21 =	simm.s32 $0x0;
	s20 =	sshll.u32 s17, $0x4  }
0x218: {  	s18 =	simm.s32 $0xA80;
	s22 =	sand.u32 $0x10, s21;
	s16 =	sadd.s32 s3, s20  }
0x219: {  	[tilespmem:s18], [sflag:$0x1] =	stream.linear.gather [hbm4b:s16+s21], $0x1000, $0x38;
	[tilespmem:$0x16A80] =	vst v63  }
0x21a: {  	v0 =	vld.idx.msk [tilespmem:v2+s22+$0x0 ss:$0x1], $0xffff;
	_ =	sdelay $0x3  }
0x21b: {  	v3 =	vmov s21  }
0x21c: {  	v0 =	vperm.xlane v0, v3;
	_ =	sdelay $0x1  }
0x21d: {  	(v2sf) =	vpush v0, $0x0;
	_ =	sdelay $0xe  }
0x21e: {  	s23 =	spop (v2sf)  }
0x21f: {  	s16 =	sshll.u32 s23, $0x4  }
0x220: {  	s22 =	sand.u32 $0x1FFFFFF0, s16  }
0x221: {  	s25 =	simm.s32 $0x1A80;
	s29 =	sadd.s32 s4, s22  }
0x222: {  	[tilespmem:s25], [sflag:$0x2] =	stream.linear.gather [hbm4b:s29+s2], $0x80, $0x38;
	[tilespmem:$0x16A80] =	vst v63  }
0x223: {  	s17 =	simm.s32 $0x2A80;
	s18 =	sadd.s32 s5, s22  }
0x224: {  	[tilespmem:s17], [sflag:$0x2] =	stream.linear.gather [hbm4b:s18+s2], $0x80, $0x38;
	[tilespmem:$0x16A80] =	vst v63  }
0x225: {  	s19 =	simm.s32 $0x3A80;
	s21 =	simm.s32 $0x4A80;
	s20 =	sadd.s32 s6, s22  }
0x226: {  	[tilespmem:s19], [sflag:$0x2] =	stream.linear.gather [hbm4b:s20+s2], $0x80, $0x38;
	[tilespmem:$0x16A80] =	vst v63  }
0x227: {  	s16 =	simm.s32 $0x1;
	s23 =	sadd.s32 s7, s22;
	s25 =	simm.s32 $0x5A80  }
0x228: {  	[tilespmem:s21], [sflag:$0x2] =	stream.linear.gather [hbm4b:s23+s2], $0x80, $0x38;
	[tilespmem:$0x16A80] =	vst v63  }
0x229: {  	s29 =	sadd.s32 s8, s22;
	s17 =	simm.s32 $0x6A80;
	s18 =	sadd.s32 s10, s22  }
0x22a: {  	[tilespmem:s25], [sflag:$0x2] =	stream.linear.gather [hbm4b:s29+s2], $0x80, $0x38;
	[tilespmem:$0x16A80] =	vst v63  }
0x22b: {  	s19 =	simm.s32 $0x7A80;
	s20 =	sadd.s32 s11, s22;
	s21 =	simm.s32 $0x8A80  }
0x22c: {  	[tilespmem:s17], [sflag:$0x2] =	stream.linear.gather [hbm4b:s18+s2], $0x80, $0x38;
	[tilespmem:$0x16A80] =	vst v63  }
0x22d: {  	s23 =	sadd.s32 s12, s22;
	s25 =	simm.s32 $0x9A80;
	s29 =	sadd.s32 s13, s22  }
0x22e: {  	[tilespmem:s19], [sflag:$0x2] =	stream.linear.gather [hbm4b:s20+s2], $0x80, $0x38;
	[tilespmem:$0x16A80] =	vst v63  }
0x22f: {  	s22 =	sadd.s32 s15, s22;
	s17 =	simm.s32 $0x200;
	s18 =	sand.u32 $0x10, s16  }
0x230: {  	[tilespmem:s21], [sflag:$0x2] =	stream.linear.gather [hbm4b:s23+s2], $0x80, $0x38;
	[tilespmem:$0x16A80] =	vst v63  }
0x231: {  	s19 =	simm.s32 $0x400;
	s20 =	simm.s32 $0x2;
	s21 =	simm.s32 $0xAA80  }
0x232: {  	[tilespmem:s25], [sflag:$0x2] =	stream.linear.gather [hbm4b:s29+s2], $0x80, $0x38;
	[tilespmem:$0x16A80] =	vst v63  }
.LBB2_14:
0x233: {  	[tilespmem:s21], [sflag:$0x2] =	stream.linear.gather [hbm4b:s22+s2], $0x80, $0x38;
	[tilespmem:$0x16A80] =	vst v63  }
0x234: {  	s21 =	smov.u32 s19  }
0x235: {  	p0 =	sne.s32 s19, $0x3E00;
	s19 =	sadd.s32 $0x200, s19;
	v0 =	vld.idx.msk [tilespmem:v2+s18+$0x0 ss:$0x1], $0xffff;
	s18 =	sand.u32 $0x10, s20  }
0x236: {  	_ =	sdelay $0x3  }
0x237: {  	v3 =	vmov s16;
	s16 =	smov.u32 s20  }
0x238: {  	v0 =	vperm.xlane v0, v3;
	_ =	sdelay $0x1  }
0x239: {  	(v2sf) =	vpush v0, $0x0;
	_ =	sdelay $0xe  }
0x23a: {  	s22 =	spop (v2sf)  }
0x23b: {  	s22 =	sshll.u32 s22, $0x4  }
0x23c: {  	s23 =	sshra.s32 s17, $0x2;
	s17 =	smov.u32 s21;
	s22 =	sand.u32 $0x1FFFFFF0, s22  }
0x23d: {  	s21 =	sadd.s32 $0x1A80, s23;
	s25 =	sadd.s32 s4, s22  }
0x23e: {  	[tilespmem:s21], [sflag:$0x2] =	stream.linear.gather [hbm4b:s25+s2], $0x80, $0x38;
	[tilespmem:$0x16A80] =	vst v63  }
0x23f: {  	s21 =	sadd.s32 $0x2A80, s23;
	s25 =	sadd.s32 s5, s22  }
0x240: {  	[tilespmem:s21], [sflag:$0x2] =	stream.linear.gather [hbm4b:s25+s2], $0x80, $0x38;
	[tilespmem:$0x16A80] =	vst v63  }
0x241: {  	s21 =	sadd.s32 $0x3A80, s23;
	s25 =	sadd.s32 s6, s22  }
0x242: {  	[tilespmem:s21], [sflag:$0x2] =	stream.linear.gather [hbm4b:s25+s2], $0x80, $0x38;
	[tilespmem:$0x16A80] =	vst v63  }
0x243: {  	s21 =	sadd.s32 $0x4A80, s23;
	s25 =	sadd.s32 s7, s22  }
0x244: {  	[tilespmem:s21], [sflag:$0x2] =	stream.linear.gather [hbm4b:s25+s2], $0x80, $0x38;
	[tilespmem:$0x16A80] =	vst v63  }
0x245: {  	s21 =	sadd.s32 $0x5A80, s23;
	s25 =	sadd.s32 s8, s22  }
0x246: {  	[tilespmem:s21], [sflag:$0x2] =	stream.linear.gather [hbm4b:s25+s2], $0x80, $0x38;
	[tilespmem:$0x16A80] =	vst v63  }
0x247: {  	s21 =	sadd.s32 $0x6A80, s23;
	s25 =	sadd.s32 s10, s22  }
0x248: {  	[tilespmem:s21], [sflag:$0x2] =	stream.linear.gather [hbm4b:s25+s2], $0x80, $0x38;
	[tilespmem:$0x16A80] =	vst v63  }
0x249: {  	s21 =	sadd.s32 $0x7A80, s23;
	s25 =	sadd.s32 s11, s22  }
0x24a: {  	[tilespmem:s21], [sflag:$0x2] =	stream.linear.gather [hbm4b:s25+s2], $0x80, $0x38;
	[tilespmem:$0x16A80] =	vst v63  }
.Ltmp9:
0x24b: {  	s21 =	sadd.s32 $0x8A80, s23;
	s25 =	sadd.s32 s12, s22;
	(pc) =	sbr.rel @p0 .LBB2_14-.Ltmp9, $4  }
0x24c: {  	[tilespmem:s21], [sflag:$0x2] =	stream.linear.gather [hbm4b:s25+s2], $0x80, $0x38;
	[tilespmem:$0x16A80] =	vst v63  }
0x24d: {  	s21 =	sadd.s32 $0x9A80, s23;
	s25 =	sadd.s32 s13, s22  }
0x24e: {  	[tilespmem:s21], [sflag:$0x2] =	stream.linear.gather [hbm4b:s25+s2], $0x80, $0x38;
	[tilespmem:$0x16A80] =	vst v63  }
0x24f: {  	s20 =	sadd.s32 $0x1, s20;
	s22 =	sadd.s32 s15, s22;
	s21 =	sadd.s32 $0xAA80, s23  }
0x250: {  	_ =	sdelay $0x2  }
0x251: {  	[tilespmem:s21], [sflag:$0x2] =	stream.linear.gather [hbm4b:s22+s2], $0x80, $0x38;
	[tilespmem:$0x16A80] =	vst v63  }
0x252: {  	v0 =	vld.idx.msk [tilespmem:v2+s18+$0x0 ss:$0x1], $0xffff;
	_ =	sdelay $0x3  }
0x253: {  	v2 =	vmov s16  }
0x254: {  	v0 =	vperm.xlane v0, v2;
	_ =	sdelay $0x1  }
0x255: {  	(v2sf) =	vpush v0, $0x0;
	_ =	sdelay $0xe  }
0x256: {  	s20 =	spop (v2sf)  }
0x257: {  	s16 =	sshll.u32 s20, $0x4  }
0x258: {  	s17 =	sshra.s32 s17, $0x2;
	s16 =	sand.u32 $0x1FFFFFF0, s16  }
0x259: {  	s21 =	sadd.s32 $0x1A80, s17;
	s19 =	sadd.s32 s4, s16  }
0x25a: {  	[tilespmem:s21], [sflag:$0x2] =	stream.linear.gather [hbm4b:s19+s2], $0x80, $0x38;
	[tilespmem:$0x16A80] =	vst v63  }
0x25b: {  	s22 =	sadd.s32 $0x2A80, s17;
	s23 =	sadd.s32 s5, s16  }
0x25c: {  	[tilespmem:s22], [sflag:$0x2] =	stream.linear.gather [hbm4b:s23+s2], $0x80, $0x38;
	[tilespmem:$0x16A80] =	vst v63  }
0x25d: {  	s25 =	sadd.s32 $0x3A80, s17;
	s29 =	sadd.s32 s6, s16  }
0x25e: {  	[tilespmem:s25], [sflag:$0x2] =	stream.linear.gather [hbm4b:s29+s2], $0x80, $0x38;
	[tilespmem:$0x16A80] =	vst v63  }
0x25f: {  	s20 =	sadd.s32 $0x4A80, s17;
	s21 =	sadd.s32 s7, s16  }
0x260: {  	[tilespmem:s20], [sflag:$0x2] =	stream.linear.gather [hbm4b:s21+s2], $0x80, $0x38;
	[tilespmem:$0x16A80] =	vst v63  }
0x261: {  	s22 =	sadd.s32 $0x5A80, s17;
	s23 =	sadd.s32 s8, s16  }
0x262: {  	[tilespmem:s22], [sflag:$0x2] =	stream.linear.gather [hbm4b:s23+s2], $0x80, $0x38;
	[tilespmem:$0x16A80] =	vst v63  }
0x263: {  	s25 =	sadd.s32 $0x6A80, s17;
	s29 =	sadd.s32 s10, s16  }
0x264: {  	[tilespmem:s25], [sflag:$0x2] =	stream.linear.gather [hbm4b:s29+s2], $0x80, $0x38;
	[tilespmem:$0x16A80] =	vst v63  }
0x265: {  	s20 =	sadd.s32 $0x7A80, s17;
	s21 =	sadd.s32 s11, s16  }
0x266: {  	[tilespmem:s20], [sflag:$0x2] =	stream.linear.gather [hbm4b:s21+s2], $0x80, $0x38;
	[tilespmem:$0x16A80] =	vst v63  }
0x267: {  	s22 =	sadd.s32 $0x8A80, s17;
	s23 =	sadd.s32 s12, s16  }
0x268: {  	[tilespmem:s22], [sflag:$0x2] =	stream.linear.gather [hbm4b:s23+s2], $0x80, $0x38;
	[tilespmem:$0x16A80] =	vst v63  }
0x269: {  	s25 =	sadd.s32 $0x9A80, s17;
	s29 =	sadd.s32 s13, s16  }
0x26a: {  	[tilespmem:s25], [sflag:$0x2] =	stream.linear.gather [hbm4b:s29+s2], $0x80, $0x38;
	[tilespmem:$0x16A80] =	vst v63  }
0x26b: {  	s17 =	sadd.s32 $0xAA80, s17;
	s16 =	sadd.s32 s15, s16  }
0x26c: {  	[tilespmem:s17], [sflag:$0x2] =	stream.linear.gather [hbm4b:s16+s2], $0x80, $0x38;
	[tilespmem:$0x16A80] =	vst v63  }
.LBB2_16:
0x26d: {  	_ =	swait.ge [sflag:s9], $0x1000  }
0x26e: {  	[sflag:s9] =	ssyncset.done $0x0  }
0x26f: {  	[sflag:s9] =	ssyncadd.s32 $0xFFFFF000  }
0x270: {  	_ =	swait.ge [sflag:s1], $0x1000  }
0x271: {  	[sflag:s1] =	ssyncset.done $0x0  }
0x272: {  	[sflag:s1] =	ssyncadd.s32 $0xFFFFF000  }
0x273: {  	_ =	swait.ge [sflag:s1], $0x1000  }
0x274: {  	[sflag:s1] =	ssyncset.done $0x0  }
0x275: {  	[sflag:s1] =	ssyncadd.s32 $0xFFFFF000  }
0x276: {  	_ =	swait.ge [sflag:s1], $0x1000  }
0x277: {  	[sflag:s1] =	ssyncset.done $0x0  }
0x278: {  	[sflag:s1] =	ssyncadd.s32 $0xFFFFF000  }
0x279: {  	_ =	swait.ge [sflag:s1], $0x1000  }
0x27a: {  	[sflag:s1] =	ssyncset.done $0x0  }
0x27b: {  	[sflag:s1] =	ssyncadd.s32 $0xFFFFF000  }
0x27c: {  	_ =	swait.ge [sflag:s1], $0x1000  }
0x27d: {  	[sflag:s1] =	ssyncset.done $0x0  }
0x27e: {  	[sflag:s1] =	ssyncadd.s32 $0xFFFFF000  }
0x27f: {  	_ =	swait.ge [sflag:s1], $0x1000  }
0x280: {  	[sflag:s1] =	ssyncset.done $0x0  }
0x281: {  	[sflag:s1] =	ssyncadd.s32 $0xFFFFF000  }
0x282: {  	_ =	swait.ge [sflag:s1], $0x1000  }
0x283: {  	[sflag:s1] =	ssyncset.done $0x0  }
0x284: {  	[sflag:s1] =	ssyncadd.s32 $0xFFFFF000  }
0x285: {  	_ =	swait.ge [sflag:s1], $0x1000  }
0x286: {  	[sflag:s1] =	ssyncset.done $0x0  }
0x287: {  	[sflag:s1] =	ssyncadd.s32 $0xFFFFF000  }
0x288: {  	_ =	swait.ge [sflag:s1], $0x1000  }
0x289: {  	[sflag:s1] =	ssyncset.done $0x0  }
0x28a: {  	[sflag:s1] =	ssyncadd.s32 $0xFFFFF000  }
0x28b: {  	_ =	swait.ge [sflag:s1], $0x1000  }
0x28c: {  	s16 =	simm.s32 $0x0;
	[sflag:s1] =	ssyncset.done $0x0  }
0x28d: {  	p1 =	por $0x1, $0x1;
	s17 =	simm.s32 $0x0;
	[sflag:s1] =	ssyncadd.s32 $0xFFFFF000  }
.LBB2_17:
0x28e: {  	s18 =	sshll.u32 s17, $0x7  }
0x28f: {  	s18 =	sand.u32 $0x3FFFFF80, s18  }
0x290: {  	s19 =	sadd.s32 $0x14AB0, s18  }
0x291: {  	s20 =	sadd.s32 $0xEAB0, s18;
	v7 =	vmov s19  }
0x292: {  	s17 =	sor.u32 s24, s17;
	s23 =	sadd.s32 $0x11AB0, s18;
	v8 =	vmov s20  }
0x293: {  	v9 =	vld [tilespmem:s17+$0x200];
	s25 =	sadd.s32 $0x13AB0, s18;
	v10 =	vmov s23  }
0x294: {  	v11 =	vld [tilespmem:s17+$0x400];
	v12 =	vmov s25  }
0x295: {  	v13 =	vld [tilespmem:s17+$0x600];
	s29 =	sadd.s32 $0xDAB0, s18;
	s19 =	simm.s32 $0x0  }
0x296: {  	s21 =	sadd.s32 $0x10AB0, s18;
	v14 =	vmov s29;
	v0 =	vld.idx.msk [tilespmem:v7+s19+$0x0 ss:$0x1], $0xffff  }
0x297: {  	v15 =	vmov s21;
	v2 =	vld.idx.msk [tilespmem:v8+s19+$0x0 ss:$0x1], $0xffff  }
0x298: {  	v3 =	vld.idx.msk [tilespmem:v10+s19+$0x0 ss:$0x1], $0xffff  }
0x299: {  	v4 =	vld.idx.msk [tilespmem:v12+s19+$0x0 ss:$0x1], $0xffff  }
0x29a: {  	v5 =	vld.idx.msk [tilespmem:v7+s19+$0xFFFFFFF0 ss:$0x1], $0xffff  }
0x29b: {  	v6 =	vld.idx.msk [tilespmem:v14+s19+$0x0 ss:$0x1], $0xffff  }
0x29c: {  	v16 =	vld.idx.msk [tilespmem:v15+s19+$0x0 ss:$0x1], $0xffff  }
0x29d: {  	v18 =	vld.idx.msk [tilespmem:v8+s19+$0xFFFFFFF0 ss:$0x1], $0xffff  }
0x29e: {  	v22 =	vld.idx.msk [tilespmem:v10+s19+$0xFFFFFFF0 ss:$0x1], $0xffff  }
0x29f: {  	v17 =	vld.idx.msk [tilespmem:v12+s19+$0xFFFFFFF0 ss:$0x1], $0xffff  }
0x2a0: {  	v23 =	vld.idx.msk [tilespmem:v7+s19+$0xFFFFFFE0 ss:$0x1], $0xffff  }
0x2a1: {  	v19 =	vld.idx.msk [tilespmem:v14+s19+$0xFFFFFFF0 ss:$0x1], $0xffff  }
0x2a2: {  	v20 =	vld.idx.msk [tilespmem:v15+s19+$0xFFFFFFF0 ss:$0x1], $0xffff  }
0x2a3: {  	v28 =	vmov s16;
	v21 =	vld.idx.msk [tilespmem:v12+s19+$0xFFFFFFE0 ss:$0x1], $0xffff  }
0x2a4: {  	v24 =	vperm.xlane v13, v28;
	v25 =	vld.idx.msk [tilespmem:v14+s19+$0xFFFFFFE0 ss:$0x1], $0xffff  }
0x2a5: {  	v26 =	vperm.xlane v9, v28;
	v27 =	vperm.xlane v11, v28;
	v29 =	vld.idx.msk [tilespmem:v15+s19+$0xFFFFFFE0 ss:$0x1], $0xffff  }
0x2a6: {  	v30 =	vld.idx.msk [tilespmem:v12+s19+$0xFFFFFFD0 ss:$0x1], $0xffff;
	v4 =	vmul.f32 v4, v24  }
0x2a7: {  	v31 =	vld.idx.msk [tilespmem:v14+s19+$0xFFFFFFD0 ss:$0x1], $0xffff;
	v6 =	vmul.f32 v6, v26;
	v32 =	vmul.f32 v16, v27  }
0x2a8: {  	v33 =	vld.idx.msk [tilespmem:v15+s19+$0xFFFFFFD0 ss:$0x1], $0xffff;
	v19 =	vmul.f32 v19, v26;
	v17 =	vmul.f32 v17, v24  }
0x2a9: {  	v34 =	vld.idx.msk [tilespmem:v8+s19+$0xFFFFFFE0 ss:$0x1], $0xffff;
	v35 =	vmul.f32 v21, v24;
	v36 =	vmul.f32 v20, v27  }
0x2aa: {  	v37 =	vld.idx.msk [tilespmem:v10+s19+$0xFFFFFFE0 ss:$0x1], $0xffff;
	v25 =	vmul.f32 v25, v26;
	v29 =	vmul.f32 v29, v27  }
0x2ab: {  	v38 =	vld.idx.msk [tilespmem:v7+s19+$0xFFFFFFD0 ss:$0x1], $0xffff;
	v30 =	vmul.f32 v30, v24;
	v16 =	vadd.f32 v2, v6;
	v21 =	vadd.f32 v0, v4  }
0x2ac: {  	v2 =	vmul.f32 v31, v26;
	v20 =	vadd.f32 v5, v17;
	v17 =	vadd.f32 v3, v32  }
0x2ad: {  	v4 =	vmul.f32 v33, v27;
	v19 =	vadd.f32 v18, v19;
	v18 =	vadd.f32 v22, v36  }
0x2ae: {  	v25 =	vadd.f32 v34, v25;
	v22 =	vadd.f32 v23, v35;
	v31 =	vmul.f32 v16, v16  }
0x2af: {  	v24 =	vadd.f32 v37, v29;
	v29 =	vmul.f32 v21, v21;
	v32 =	vmul.f32 v20, v20  }
0x2b0: {  	v27 =	vadd.f32 v38, v30;
	v30 =	vmul.f32 v17, v17;
	v60 =	vmul.f32 v19, v19  }
0x2b1: {  	v61 =	vmul.f32 v18, v18;
	v62 =	vmul.f32 v25, v25  }
0x2b2: {  	v0 =	vld.idx.msk [tilespmem:v8+s19+$0xFFFFFFD0 ss:$0x1], $0xffff;
	v63 =	vmul.f32 v22, v22;
	v38 =	vmul.f32 v27, v27  }
0x2b3: {  	v3 =	vld.idx.msk [tilespmem:v10+s19+$0xFFFFFFD0 ss:$0x1], $0xffff;
	v39 =	vmul.f32 v24, v24;
	v23 =	vmul.f32 $2.755731880e-06, v31  }
0x2b4: {  	v26 =	vmul.f32 $2.755731880e-06, v29;
	v42 =	vmul.f32 $2.755731880e-06, v30  }
0x2b5: {  	s25 =	sadd.s32 $0xFAB0, s18;
	v43 =	vmul.f32 $2.755731880e-06, v60;
	v44 =	vmul.f32 $2.755731880e-06, v32  }
0x2b6: {  	s29 =	sadd.s32 $0x12AB0, s18;
	v6 =	vmov s25;
	v45 =	vmul.f32 $2.755731880e-06, v63;
	v46 =	vmul.f32 $2.755731880e-06, v61  }
0x2b7: {  	v5 =	vmov s29;
	v47 =	vmul.f32 $2.755731880e-06, v62;
	v48 =	vmul.f32 $2.755731880e-06, v39  }
0x2b8: {  	s22 =	sadd.s32 $0xBAF0, s18;
	v49 =	vmul.f32 $2.755731880e-06, v38;
	v0 =	vadd.f32 v0, v2;
	v36 =	vadd.f32 v3, v4  }
0x2b9: {  	s23 =	sadd.s32 $0xCAA0, s18;
	v2 =	vmov s22;
	v26 =	vadd.f32 $-1.984127010e-04, v26;
	v23 =	vadd.f32 $-1.984127010e-04, v23  }
0x2ba: {  	v3 =	vmov s23;
	v42 =	vadd.f32 $-1.984127010e-04, v42;
	v43 =	vadd.f32 $-1.984127010e-04, v43  }
0x2bb: {  	v44 =	vadd.f32 $-1.984127010e-04, v44;
	v45 =	vadd.f32 $-1.984127010e-04, v45;
	v40 =	vmul.f32 v0, v0  }
0x2bc: {  	v46 =	vadd.f32 $-1.984127010e-04, v46;
	v41 =	vmul.f32 v36, v36;
	v26 =	vmul.f32 v26, v29  }
0x2bd: {  	v47 =	vadd.f32 $-1.984127010e-04, v47;
	v23 =	vmul.f32 v23, v31;
	v42 =	vmul.f32 v42, v30  }
0x2be: {  	v48 =	vadd.f32 $-1.984127010e-04, v48;
	v43 =	vmul.f32 v43, v60;
	v44 =	vmul.f32 v44, v32  }
0x2bf: {  	s18 =	sadd.s32 $0x15AB0, s18;
	v49 =	vadd.f32 $-1.984127010e-04, v49;
	v45 =	vmul.f32 v45, v63;
	v46 =	vmul.f32 v46, v61  }
0x2c0: {  	v4 =	vmov s18;
	v47 =	vmul.f32 v47, v62;
	v48 =	vmul.f32 v48, v39  }
0x2c1: {  	v49 =	vmul.f32 v49, v38;
	v26 =	vadd.f32 $8.333332840e-03, v26;
	v23 =	vadd.f32 $8.333332840e-03, v23  }
0x2c2: {  	v50 =	vmul.f32 $2.755731880e-06, v40;
	v42 =	vadd.f32 $8.333332840e-03, v42;
	v43 =	vadd.f32 $8.333332840e-03, v43  }
0x2c3: {  	v51 =	vmul.f32 $2.755731880e-06, v41;
	v44 =	vadd.f32 $8.333332840e-03, v44;
	v45 =	vadd.f32 $8.333332840e-03, v45  }
0x2c4: {  	v46 =	vadd.f32 $8.333332840e-03, v46;
	v47 =	vadd.f32 $8.333332840e-03, v47;
	v23 =	vmul.f32 v23, v31  }
0x2c5: {  	v49 =	vadd.f32 $8.333332840e-03, v49;
	v26 =	vmul.f32 v26, v29;
	v44 =	vmul.f32 v44, v32  }
0x2c6: {  	v58 =	vld.idx.msk [tilespmem:v5+s19+$0xFFFFFFF0 ss:$0x1], $0xffff;
	v48 =	vadd.f32 $8.333332840e-03, v48;
	v42 =	vmul.f32 v42, v30;
	v43 =	vmul.f32 v43, v60  }
0x2c7: {  	v52 =	vld.idx.msk [tilespmem:v3+s19+$0x0 ss:$0x1], $0xffff;
	v50 =	vadd.f32 $-1.984127010e-04, v50;
	v46 =	vmul.f32 v46, v61;
	v49 =	vmul.f32 v49, v38  }
0x2c8: {  	v53 =	vld.idx.msk [tilespmem:v2+s19+$0xFFFFFF90 ss:$0x1], $0xffff;
	v51 =	vadd.f32 $-1.984127010e-04, v51;
	v47 =	vmul.f32 v47, v62;
	v45 =	vmul.f32 v45, v63  }
0x2c9: {  	v54 =	vld.idx.msk [tilespmem:v3+s19+$0xFFFFFFF0 ss:$0x1], $0xffff;
	v48 =	vmul.f32 v48, v39;
	v56 =	vadd.f32 $-1.666666720e-01, v23;
	v57 =	vadd.f32 $-1.666666720e-01, v26  }
0x2ca: {  	v55 =	vld.idx.msk [tilespmem:v3+s19+$0xFFFFFFE0 ss:$0x1], $0xffff;
	v50 =	vmul.f32 v50, v40;
	v44 =	vadd.f32 $-1.666666720e-01, v44;
	v42 =	vadd.f32 $-1.666666720e-01, v42  }
0x2cb: {  	v51 =	vmul.f32 v51, v41;
	v23 =	vld.idx.msk [tilespmem:v2+s19+$0x0 ss:$0x1], $0xffff;
	v43 =	vadd.f32 $-1.666666720e-01, v43;
	v46 =	vadd.f32 $-1.666666720e-01, v46  }
0x2cc: {  	v26 =	vld.idx.msk [tilespmem:v2+s19+$0xFFFFFFC0 ss:$0x1], $0xffff;
	v49 =	vadd.f32 $-1.666666720e-01, v49;
	v47 =	vadd.f32 $-1.666666720e-01, v47;
	v31 =	vmul.f32 v56, v31  }
0x2cd: {  	v50 =	vadd.f32 $8.333332840e-03, v50;
	v56 =	vld.idx.msk [tilespmem:v2+s19+$0xFFFFFFF0 ss:$0x1], $0xffff;
	v29 =	vmul.f32 v57, v29;
	v32 =	vmul.f32 v44, v32  }
0x2ce: {  	v51 =	vadd.f32 $8.333332840e-03, v51;
	v57 =	vld.idx.msk [tilespmem:v3+s19+$0x10 ss:$0x1], $0xffff;
	v30 =	vmul.f32 v42, v30;
	v33 =	vmul.f32 v43, v60  }
0x2cf: {  	v45 =	vadd.f32 $-1.666666720e-01, v45;
	v44 =	vld.idx.msk [tilespmem:v2+s19+$0xFFFFFFB0 ss:$0x1], $0xffff;
	v34 =	vmul.f32 v46, v61;
	v38 =	vmul.f32 v49, v38  }
0x2d0: {  	v48 =	vadd.f32 $-1.666666720e-01, v48;
	v42 =	vld.idx.msk [tilespmem:v4+s19+$0x0 ss:$0x1], $0xffff;
	v50 =	vmul.f32 v50, v40;
	v51 =	vmul.f32 v51, v41  }
0x2d1: {  	s18 =	simm.s32 $0x80;
	v43 =	vld.idx.msk [tilespmem:v2+s19+$0xFFFFFFE0 ss:$0x1], $0xffff;
	v35 =	vmul.f32 v47, v62;
	v37 =	vmul.f32 v45, v63;
	v38 =	vadd.f32 $1.000000000e+00, v38  }
0x2d2: {  	v46 =	vld.idx.msk [tilespmem:v3+s18+$0x0 ss:$0x1], $0xffff;
	v39 =	vmul.f32 v48, v39;
	v50 =	vadd.f32 $-1.666666720e-01, v50;
	v51 =	vadd.f32 $-1.666666720e-01, v51  }
0x2d3: {  	v60 =	vld.idx.msk [tilespmem:v6+s19+$0xFFFFFFD0 ss:$0x1], $0xffff;
	v48 =	vmul.f32 v55, v1;
	v35 =	vadd.f32 $1.000000000e+00, v35;
	v29 =	vadd.f32 $1.000000000e+00, v29  }
0x2d4: {  	v61 =	vld.idx.msk [tilespmem:v5+s19+$0xFFFFFFD0 ss:$0x1], $0xffff;
	v39 =	vadd.f32 $1.000000000e+00, v39;
	v40 =	vmul.f32 v50, v40;
	v41 =	vmul.f32 v51, v41  }
0x2d5: {  	v47 =	vld.idx.msk [tilespmem:v5+s19+$0x0 ss:$0x1], $0xffff;
	v55 =	vmul.f32 v54, v1;
	v37 =	vadd.f32 $1.000000000e+00, v37;
	v32 =	vadd.f32 $1.000000000e+00, v32  }
0x2d6: {  	v62 =	vld.idx.msk [tilespmem:v4+s19+$0xFFFFFFD0 ss:$0x1], $0xffff;
	v27 =	vmul.f32 v38, v27;
	v40 =	vadd.f32 $1.000000000e+00, v40;
	v41 =	vadd.f32 $1.000000000e+00, v41  }
0x2d7: {  	v63 =	vld.idx.msk [tilespmem:v6+s19+$0xFFFFFFE0 ss:$0x1], $0xffff;
	v33 =	vadd.f32 $1.000000000e+00, v33;
	v25 =	vmul.f32 v35, v25;
	v21 =	vmul.f32 v29, v21  }
0x2d8: {  	v49 =	vld.idx.msk [tilespmem:v6+s19+$0xFFFFFFF0 ss:$0x1], $0xffff;
	v34 =	vadd.f32 $1.000000000e+00, v34;
	v0 =	vmul.f32 v40, v0;
	v36 =	vmul.f32 v41, v36  }
0x2d9: {  	v31 =	vadd.f32 $1.000000000e+00, v31;
	v29 =	vld.idx.msk [tilespmem:v5+s19+$0xFFFFFFE0 ss:$0x1], $0xffff;
	v24 =	vmul.f32 v39, v24;
	v22 =	vmul.f32 v37, v22  }
0x2da: {  	v54 =	vld.idx.msk [tilespmem:v15+s18+$0xFFFFFFE0 ss:$0x1], $0xffff;
	v30 =	vadd.f32 $1.000000000e+00, v30;
	v0 =	vmul.f32 v0, v60;
	v36 =	vmul.f32 v36, v61  }
0x2db: {  	v20 =	vmul.f32 v32, v20;
	v19 =	vmul.f32 v33, v19;
	v51 =	vadd.f32 v48, v53;
	v53 =	vld.idx.msk [tilespmem:v4+s19+$0xFFFFFFE0 ss:$0x1], $0xffff  }
0x2dc: {  	v38 =	vld.idx.msk [tilespmem:v4+s19+$0xFFFFFFF0 ss:$0x1], $0xffff;
	v18 =	vmul.f32 v34, v18;
	v27 =	vmul.f32 v27, v62;
	v0 =	vadd.f32 v36, v0  }
0x2dd: {  	v16 =	vmul.f32 v31, v16;
	v17 =	vmul.f32 v30, v17;
	v60 =	vld.idx.msk [tilespmem:v2+s19+$0xFFFFFFD0 ss:$0x1], $0xffff  }
0x2de: {  	v50 =	vld.idx.msk [tilespmem:v6+s19+$0x0 ss:$0x1], $0xffff;
	v25 =	vmul.f32 v25, v63;
	v24 =	vmul.f32 v24, v29;
	v0 =	vadd.f32 v27, v0  }
0x2df: {  	v19 =	vmul.f32 v19, v49;
	v18 =	vmul.f32 v18, v58;
	v41 =	vld.idx.msk [tilespmem:v2+s19+$0xFFFFFFA0 ss:$0x1], $0xffff  }
0x2e0: {  	v31 =	vld.idx.msk [tilespmem:v7+s18+$0xFFFFFFF0 ss:$0x1], $0xffff;
	v22 =	vmul.f32 v22, v53;
	v24 =	vadd.f32 v24, v25;
	v0 =	vmul.f32 v0, v1  }
0x2e1: {  	v52 =	vmul.f32 v52, v1;
	v48 =	vld.idx.msk [tilespmem:v10+s18+$0xFFFFFFF0 ss:$0x1], $0xffff;
	v17 =	vmul.f32 v17, v47;
	v18 =	vadd.f32 v18, v19  }
0x2e2: {  	v62 =	vld.idx.msk [tilespmem:v3+s18+$0xFFFFFFE0 ss:$0x1], $0xffff;
	v19 =	vmul.f32 v20, v38;
	v22 =	vadd.f32 v22, v24;
	v0 =	vadd.f32 v0, v60  }
0x2e3: {  	v63 =	vld.idx.msk [tilespmem:v8+s18+$0x0 ss:$0x1], $0xffff;
	v16 =	vmul.f32 v16, v50;
	v27 =	vmul.f32 v51, v51  }
0x2e4: {  	v47 =	vld.idx.msk [tilespmem:v14+s18+$0x0 ss:$0x1], $0xffff;
	v30 =	vadd.f32 v55, v41;
	v22 =	vmul.f32 v22, v1;
	v0 =	vmul.f32 v0, v0  }
0x2e5: {  	v49 =	vld.idx.msk [tilespmem:v7+s18+$0xFFFFFFE0 ss:$0x1], $0xffff;
	v18 =	vadd.f32 v19, v18;
	v16 =	vadd.f32 v17, v16;
	v17 =	vmul.f32 v21, v42  }
0x2e6: {  	v29 =	vld.idx.msk [tilespmem:v2+s18+$0xFFFFFF90 ss:$0x1], $0xffff;
	v19 =	vmul.f32 v30, v30;
	v22 =	vadd.f32 v22, v43;
	v0 =	vadd.f32 v0, v27  }
0x2e7: {  	v20 =	vld.idx.msk [tilespmem:v12+s18+$0x0 ss:$0x1], $0xffff;
	v21 =	vmul.f32 v57, v1;
	v18 =	vmul.f32 v18, v1  }
0x2e8: {  	v61 =	vld.idx.msk [tilespmem:v3+s18+$0xFFFFFFF0 ss:$0x1], $0xffff;
	s19 =	simm.s32 $0x1;
	v30 =	vadd.f32 v52, v44;
	v0 =	vadd.f32 v0, v19;
	v19 =	vmul.f32 v22, v22  }
0x2e9: {  	v25 =	vld.idx.msk [tilespmem:v7+s18+$0x0 ss:$0x1], $0xffff;
	v17 =	vadd.f32 v17, v16;
	v16 =	vmov s19;
	v21 =	vadd.f32 v21, v26  }
0x2ea: {  	v26 =	vld.idx.msk [tilespmem:v14+s18+$0xFFFFFFF0 ss:$0x1], $0xffff;
	v18 =	vadd.f32 v18, v56;
	v0 =	vadd.f32 v19, v0;
	v19 =	vmul.f32 v30, v30  }
0x2eb: {  	v36 =	vld.idx.msk [tilespmem:v8+s18+$0xFFFFFFF0 ss:$0x1], $0xffff;
	v55 =	vmul.f32 v62, v1;
	v51 =	vperm.xlane v13, v16  }
0x2ec: {  	v56 =	vld.idx.msk [tilespmem:v14+s18+$0xFFFFFFD0 ss:$0x1], $0xffff;
	v17 =	vmul.f32 v17, v1;
	v18 =	vmul.f32 v18, v18;
	v0 =	vadd.f32 v0, v19  }
0x2ed: {  	v62 =	vld.idx.msk [tilespmem:v8+s18+$0xFFFFFFD0 ss:$0x1], $0xffff;
	v50 =	vperm.xlane v9, v16;
	v21 =	vmul.f32 v21, v21  }
0x2ee: {  	v52 =	vld.idx.msk [tilespmem:v12+s18+$0xFFFFFFE0 ss:$0x1], $0xffff;
	v20 =	vmul.f32 v20, v51;
	v17 =	vadd.f32 v17, v23;
	v0 =	vadd.f32 v18, v0  }
0x2ef: {  	v53 =	vperm.xlane v11, v16;
	v23 =	vld.idx.msk [tilespmem:v14+s18+$0xFFFFFFE0 ss:$0x1], $0xffff;
	v57 =	vmul.f32 v26, v50  }
0x2f0: {  	v26 =	vadd.f32 v25, v20;
	v17 =	vmul.f32 v17, v17;
	v22 =	vld.idx.msk [tilespmem:v12+s18+$0xFFFFFFF0 ss:$0x1], $0xffff;
	v0 =	vadd.f32 v0, v21  }
0x2f1: {  	v29 =	vadd.f32 v55, v29;
	v35 =	vmul.f32 v47, v50;
	v34 =	vmul.f32 v56, v50;
	v27 =	vld.idx.msk [tilespmem:v15+s18+$0x0 ss:$0x1], $0xffff  }
0x2f2: {  	v43 =	vmul.f32 v54, v53;
	v42 =	vmul.f32 v26, v26;
	v30 =	vld.idx.msk [tilespmem:v15+s18+$0xFFFFFFF0 ss:$0x1], $0xffff;
	v0 =	vadd.f32 v17, v0  }
0x2f3: {  	v24 =	vld.idx.msk [tilespmem:v10+s18+$0x0 ss:$0x1], $0xffff;
	v20 =	vmul.f32 v29, v29;
	v41 =	vmul.f32 v52, v51;
	v32 =	vadd.f32 v62, v34  }
0x2f4: {  	v58 =	vld.idx.msk [tilespmem:v8+s18+$0xFFFFFFE0 ss:$0x1], $0xffff;
	v60 =	vmul.f32 v23, v50;
	v23 =	vadd.f32 v36, v57;
	v50 =	vmul.f32 $2.755731880e-06, v42;
	(xrf2) =	vadd.scan.msk.f32 $0xffff, v0  }
0x2f5: {  	v44 =	vmul.f32 v32, v32;
	v22 =	vmul.f32 v22, v51;
	v21 =	vld.idx.msk [tilespmem:v12+s18+$0xFFFFFFD0 ss:$0x1], $0xffff  }
0x2f6: {  	v39 =	vmul.f32 v23, v23;
	v27 =	vmul.f32 v27, v53  }
0x2f7: {  	v19 =	vmul.f32 v61, v1;
	v61 =	vld.idx.msk [tilespmem:v7+s18+$0xFFFFFFD0 ss:$0x1], $0xffff;
	v30 =	vmul.f32 v30, v53;
	v25 =	vadd.f32 v31, v22  }
0x2f8: {  	v18 =	vmul.f32 v46, v1;
	v22 =	vadd.f32 v24, v27;
	v27 =	vadd.f32 v49, v41;
	v17 =	vld.idx.msk [tilespmem:v15+s18+$0xFFFFFFD0 ss:$0x1], $0xffff  }
0x2f9: {  	v49 =	vmul.f32 $2.755731880e-06, v39;
	v24 =	vadd.f32 v48, v30;
	v30 =	vadd.f32 v58, v60;
	v0 =	vld.idx.msk [tilespmem:v10+s18+$0xFFFFFFE0 ss:$0x1], $0xffff  }
0x2fa: {  	v41 =	vmul.f32 v25, v25;
	v40 =	vmul.f32 v21, v51;
	v21 =	vadd.f32 v63, v35;
	v63 =	vld.idx.msk [tilespmem:v10+s18+$0xFFFFFFD0 ss:$0x1], $0xffff  }
0x2fb: {  	vm0 =	veq.s32 v28, v59;
	v36 =	vmul.f32 v27, v27;
	v38 =	vmul.f32 v24, v24  }
0x2fc: {  	v34 =	vmul.f32 v30, v30;
	v28 =	vmul.f32 $2.755731880e-06, v41;
	v31 =	vadd.f32 v61, v40  }
0x2fd: {  	v17 =	vmul.f32 v17, v53;
	v40 =	vmul.f32 v22, v22  }
0x2fe: {  	v29 =	vadd.f32 v0, v43;
	v43 =	vmul.f32 v21, v21;
	v37 =	vmul.f32 v31, v31;
	v0, _, _ =	vpop (xrf2)  }
0x2ff: {  	v48 =	vmul.f32 $2.755731880e-06, v40;
	v33 =	vadd.f32 v63, v17;
	v0 =	vadd.f32 $0.0e+00, v0  }
0x300: {  	[tilespmem:$0x1FFC0] =	vst v9;
	v35 =	vmul.f32 v29, v29;
	v47 =	vmul.f32 $2.755731880e-06, v43  }
0x301: {  	p0 =	por p1, p1;
	s20 =	simm.s32 $0x400;
	[tilespmem:$0x1FFD0] =	vst v13;
	v13 =	vmovc v11;
	v17 =	vimm.f32 $0.0e+00;
	v45 =	vmul.f32 v33, v33;
	v46 =	vbroadcast v0, $0xF  }
.LBB2_18:
0x302: {  	v0 =	vmul.f32 $2.755731880e-06, v36;
	v51 =	vmul.f32 $2.755731880e-06, v38  }
0x303: {  	v17 =	vsel vm0, v46, v17;
	v59 =	vmul.f32 $2.755731880e-06, v34;
	v52 =	vmul.f32 $2.755731880e-06, v35  }
0x304: {  	v50 =	vadd.f32 $-1.984127010e-04, v50;
	v53 =	vmul.f32 $2.755731880e-06, v37;
	v47 =	vadd.f32 $-1.984127010e-04, v47  }
0x305: {  	v48 =	vadd.f32 $-1.984127010e-04, v48;
	v54 =	vmul.f32 $2.755731880e-06, v44;
	v49 =	vadd.f32 $-1.984127010e-04, v49  }
0x306: {  	v28 =	vadd.f32 $-1.984127010e-04, v28;
	v55 =	vmul.f32 $2.755731880e-06, v45;
	v0 =	vadd.f32 $-1.984127010e-04, v0  }
0x307: {  	v51 =	vadd.f32 $-1.984127010e-04, v51;
	v46 =	vadd.f32 $-1.984127010e-04, v59;
	v50 =	vmul.f32 v50, v42  }
0x308: {  	v52 =	vadd.f32 $-1.984127010e-04, v52;
	v47 =	vmul.f32 v47, v43;
	v48 =	vmul.f32 v48, v40  }
0x309: {  	v53 =	vadd.f32 $-1.984127010e-04, v53;
	v49 =	vmul.f32 v49, v39;
	v28 =	vmul.f32 v28, v41  }
0x30a: {  	v54 =	vadd.f32 $-1.984127010e-04, v54;
	v0 =	vmul.f32 v0, v36;
	v51 =	vmul.f32 v51, v38  }
0x30b: {  	v55 =	vadd.f32 $-1.984127010e-04, v55;
	v46 =	vmul.f32 v46, v34;
	v52 =	vmul.f32 v52, v35  }
0x30c: {  	v50 =	vadd.f32 $8.333332840e-03, v50;
	v53 =	vmul.f32 v53, v37;
	v56 =	vadd.f32 $8.333332840e-03, v47  }
0x30d: {  	v48 =	vadd.f32 $8.333332840e-03, v48;
	v54 =	vmul.f32 v54, v44;
	v49 =	vadd.f32 $8.333332840e-03, v49  }
0x30e: {  	v57 =	vadd.f32 $8.333332840e-03, v28;
	v55 =	vmul.f32 v55, v45;
	v0 =	vadd.f32 $8.333332840e-03, v0  }
0x30f: {  	v62 =	vld.idx.msk [tilespmem:v2+s18+$0xFFFFFFE0 ss:$0x1], $0xffff;
	v51 =	vadd.f32 $8.333332840e-03, v51;
	v58 =	vadd.f32 $8.333332840e-03, v46;
	v59 =	vmul.f32 v50, v42  }
0x310: {  	v9 =	vld.idx.msk [tilespmem:v6+s18+$0x0 ss:$0x1], $0xffff;
	v52 =	vadd.f32 $8.333332840e-03, v52;
	v56 =	vmul.f32 v56, v43;
	v48 =	vmul.f32 v48, v40  }
0x311: {  	v11 =	vld.idx.msk [tilespmem:v5+s18+$0x0 ss:$0x1], $0xffff;
	v53 =	vadd.f32 $8.333332840e-03, v53;
	v60 =	vmul.f32 v49, v39;
	v57 =	vmul.f32 v57, v41  }
0x312: {  	v28 =	vld.idx.msk [tilespmem:v2+s18+$0x0 ss:$0x1], $0xffff;
	v54 =	vadd.f32 $8.333332840e-03, v54;
	v0 =	vmul.f32 v0, v36;
	v61 =	vmul.f32 v51, v38  }
0x313: {  	v47 =	vld.idx.msk [tilespmem:v2+s18+$0xFFFFFFF0 ss:$0x1], $0xffff;
	v55 =	vadd.f32 $8.333332840e-03, v55;
	v58 =	vmul.f32 v58, v34;
	v52 =	vmul.f32 v52, v35  }
0x314: {  	v46 =	vld.idx.msk [tilespmem:v2+s18+$0xFFFFFFC0 ss:$0x1], $0xffff;
	v59 =	vadd.f32 $-1.666666720e-01, v59;
	v53 =	vmul.f32 v53, v37;
	v56 =	vadd.f32 $-1.666666720e-01, v56  }
0x315: {  	v49 =	vld.idx.msk [tilespmem:v3+s18+$0x10 ss:$0x1], $0xffff;
	v63 =	vadd.f32 $-1.666666720e-01, v48;
	v54 =	vmul.f32 v54, v44;
	v60 =	vadd.f32 $-1.666666720e-01, v60  }
0x316: {  	v50 =	vld.idx.msk [tilespmem:v2+s18+$0xFFFFFFB0 ss:$0x1], $0xffff;
	v57 =	vadd.f32 $-1.666666720e-01, v57;
	v55 =	vmul.f32 v55, v45;
	v61 =	vadd.f32 $-1.666666720e-01, v61  }
0x317: {  	s21 =	sshra.s32 s20, $0x2;
	v51 =	vld.idx.msk [tilespmem:v4+s18+$0x0 ss:$0x1], $0xffff;
	v54 =	vadd.f32 $-1.666666720e-01, v54;
	v43 =	vmul.f32 v56, v43;
	v42 =	vmul.f32 v59, v42  }
0x318: {  	v48 =	vld.idx.msk [tilespmem:v3+s21+$0x0 ss:$0x1], $0xffff;
	v55 =	vadd.f32 $-1.666666720e-01, v55;
	v41 =	vmul.f32 v57, v41;
	v40 =	vmul.f32 v63, v40  }
0x319: {  	v56 =	vld.idx.msk [tilespmem:v2+s18+$0xFFFFFFA0 ss:$0x1], $0xffff;
	v53 =	vadd.f32 $-1.666666720e-01, v53;
	v39 =	vmul.f32 v60, v39;
	v38 =	vmul.f32 v61, v38  }
0x31a: {  	v0 =	vadd.f32 $-1.666666720e-01, v0;
	v57 =	vld.idx.msk [tilespmem:v6+s18+$0xFFFFFFD0 ss:$0x1], $0xffff;
	v60 =	vmul.f32 v54, v44;
	v61 =	vmul.f32 v55, v45  }
0x31b: {  	v59 =	vld.idx.msk [tilespmem:v5+s18+$0xFFFFFFD0 ss:$0x1], $0xffff;
	v63 =	vadd.f32 $-1.666666720e-01, v58;
	v52 =	vadd.f32 $-1.666666720e-01, v52;
	v58 =	vmul.f32 v53, v37  }
0x31c: {  	v0 =	vmul.f32 v0, v36;
	v36 =	vld.idx.msk [tilespmem:v4+s18+$0xFFFFFFF0 ss:$0x1], $0xffff;
	v44 =	vadd.f32 $1.000000000e+00, v60;
	v45 =	vadd.f32 $1.000000000e+00, v61  }
0x31d: {  	v53 =	vld.idx.msk [tilespmem:v4+s18+$0xFFFFFFD0 ss:$0x1], $0xffff;
	v60 =	vmul.f32 v63, v34;
	v37 =	vadd.f32 $1.000000000e+00, v58;
	v61 =	vmul.f32 v52, v35  }
0x31e: {  	v18 =	vadd.f32 v18, v50;
	v54 =	vld.idx.msk [tilespmem:v6+s18+$0xFFFFFFE0 ss:$0x1], $0xffff;
	v32 =	vmul.f32 v44, v32;
	v33 =	vmul.f32 v45, v33  }
0x31f: {  	v41 =	vadd.f32 $1.000000000e+00, v41;
	v63 =	vld.idx.msk [tilespmem:v5+s18+$0xFFFFFFE0 ss:$0x1], $0xffff;
	v31 =	vmul.f32 v37, v31;
	v34 =	vadd.f32 $1.000000000e+00, v60  }
0x320: {  	v55 =	vld.idx.msk [tilespmem:v4+s18+$0xFFFFFFE0 ss:$0x1], $0xffff;
	v35 =	vadd.f32 $1.000000000e+00, v61;
	v32 =	vmul.f32 v32, v57;
	v33 =	vmul.f32 v33, v59  }
0x321: {  	v39 =	vadd.f32 $1.000000000e+00, v39;
	v52 =	vld.idx.msk [tilespmem:v6+s18+$0xFFFFFFF0 ss:$0x1], $0xffff;
	v0 =	vadd.f32 $1.000000000e+00, v0;
	v30 =	vmul.f32 v34, v30  }
0x322: {  	v57 =	vld.idx.msk [tilespmem:v5+s18+$0xFFFFFFF0 ss:$0x1], $0xffff;
	v31 =	vmul.f32 v31, v53;
	v29 =	vmul.f32 v35, v29;
	v32 =	vadd.f32 v33, v32  }
0x323: {  	v58 =	vld.idx.msk [tilespmem:v2+s18+$0xFFFFFFD0 ss:$0x1], $0xffff;
	v25 =	vmul.f32 v41, v25;
	v0 =	vmul.f32 v0, v27;
	v27 =	vadd.f32 $1.000000000e+00, v38;
	s18 =	smov.u32 s21  }
0x324: {  	v60 =	vld.idx.msk [tilespmem:v3+s18+$0xFFFFFFF0 ss:$0x1], $0xffff;
	v30 =	vmul.f32 v30, v54;
	v29 =	vmul.f32 v29, v63;
	v31 =	vadd.f32 v31, v32  }
0x325: {  	v42 =	vadd.f32 $1.000000000e+00, v42;
	v23 =	vmul.f32 v39, v23;
	v24 =	vmul.f32 v27, v24;
	v61 =	vld.idx.msk [tilespmem:v3+s18+$0xFFFFFFE0 ss:$0x1], $0xffff  }
0x326: {  	v0 =	vmul.f32 v0, v55;
	v50 =	vld.idx.msk [tilespmem:v12+s18+$0xFFFFFFE0 ss:$0x1], $0xffff;
	v29 =	vadd.f32 v29, v30;
	v31 =	vmul.f32 v31, v1  }
0x327: {  	v45 =	vadd.f32 $1.000000000e+00, v40;
	v23 =	vmul.f32 v23, v52;
	v52 =	vld.idx.msk [tilespmem:v14+s18+$0xFFFFFFE0 ss:$0x1], $0xffff;
	v24 =	vmul.f32 v24, v57  }
0x328: {  	v26 =	vmul.f32 v42, v26;
	v53 =	vld.idx.msk [tilespmem:v15+s18+$0xFFFFFFE0 ss:$0x1], $0xffff;
	v0 =	vadd.f32 v0, v29;
	v31 =	vadd.f32 v31, v58  }
0x329: {  	v27 =	vadd.f32 $1.000000000e+00, v43;
	v55 =	vld.idx.msk [tilespmem:v14+s18+$0xFFFFFFD0 ss:$0x1], $0xffff;
	v23 =	vadd.f32 v24, v23;
	v24 =	vmul.f32 v25, v36  }
0x32a: {  	v19 =	vadd.f32 v19, v56;
	v56 =	vld.idx.msk [tilespmem:v15+s18+$0xFFFFFFD0 ss:$0x1], $0xffff;
	v0 =	vmul.f32 v0, v1;
	v29 =	vmul.f32 v31, v31  }
0x32b: {  	v22 =	vmul.f32 v45, v22;
	v33 =	vld.idx.msk [tilespmem:v2+s18+$0xFFFFFF90 ss:$0x1], $0xffff;
	v21 =	vmul.f32 v27, v21;
	v23 =	vadd.f32 v24, v23  }
0x32c: {  	v19 =	vmul.f32 v19, v19;
	v63 =	vld.idx.msk [tilespmem:v7+s18+$0x0 ss:$0x1], $0xffff;
	v0 =	vadd.f32 v0, v62;
	v20 =	vadd.f32 v29, v20  }
0x32d: {  	v27 =	vld.idx.msk [tilespmem:v12+s18+$0x0 ss:$0x1], $0xffff;
	v11 =	vmul.f32 v22, v11;
	v9 =	vmul.f32 v21, v9  }
0x32e: {  	v22 =	vld.idx.msk [tilespmem:v12+s18+$0xFFFFFFF0 ss:$0x1], $0xffff;
	v0 =	vmul.f32 v0, v0;
	v19 =	vadd.f32 v20, v19;
	v20 =	vmul.f32 v23, v1  }
0x32f: {  	v54 =	vld.idx.msk [tilespmem:v12+s18+$0xFFFFFFD0 ss:$0x1], $0xffff;
	v9 =	vadd.f32 v11, v9;
	v11 =	vmul.f32 v26, v51  }
0x330: {  	v18 =	vmul.f32 v18, v18;
	v30 =	vld.idx.msk [tilespmem:v8+s18+$0x0 ss:$0x1], $0xffff;
	v0 =	vadd.f32 v0, v19;
	v19 =	vadd.f32 v20, v47  }
0x331: {  	v21 =	vld.idx.msk [tilespmem:v15+s18+$0x0 ss:$0x1], $0xffff;
	v9 =	vadd.f32 v11, v9;
	v23 =	vmul.f32 v49, v1  }
0x332: {  	v0 =	vadd.f32 v0, v18;
	v18 =	vmul.f32 v19, v19;
	v19 =	vld [tilespmem:$0x1FFC0]  }
0x333: {  	s19 =	sadd.s32 $0x1, s19;
	v26 =	vld.idx.msk [tilespmem:v15+s18+$0xFFFFFFF0 ss:$0x1], $0xffff;
	v9 =	vmul.f32 v9, v1;
	v23 =	vadd.f32 v23, v46  }
0x334: {  	v51 =	vmov s19;
	v31 =	vld.idx.msk [tilespmem:v14+s18+$0x0 ss:$0x1], $0xffff  }
0x335: {  	v9 =	vadd.f32 v9, v28;
	v20 =	vld.idx.msk [tilespmem:v14+s18+$0xFFFFFFF0 ss:$0x1], $0xffff;
	v23 =	vmul.f32 v23, v23;
	v0 =	vadd.f32 v18, v0  }
0x336: {  	v58 =	vld.idx.msk [tilespmem:v10+s18+$0xFFFFFFE0 ss:$0x1], $0xffff;
	v28 =	vperm.xlane v13, v51  }
0x337: {  	v9 =	vmul.f32 v9, v9;
	v0 =	vadd.f32 v0, v23;
	v34 =	vperm.xlane v19, v51;
	v19 =	vld [tilespmem:$0x1FFD0]  }
0x338: {  	v62 =	vld.idx.msk [tilespmem:v8+s18+$0xFFFFFFD0 ss:$0x1], $0xffff;
	v57 =	vmul.f32 v21, v28;
	v41 =	vmul.f32 v53, v28  }
0x339: {  	v24 =	vld.idx.msk [tilespmem:v8+s18+$0xFFFFFFF0 ss:$0x1], $0xffff;
	v18 =	vmul.f32 v48, v1;
	v23 =	vmul.f32 v61, v1;
	v0 =	vadd.f32 v9, v0  }
0x33a: {  	v9 =	vld.idx.msk [tilespmem:v8+s18+$0xFFFFFFE0 ss:$0x1], $0xffff;
	v31 =	vmul.f32 v31, v34;
	v20 =	vmul.f32 v20, v34  }
0x33b: {  	v40 =	vmul.f32 v52, v34;
	v32 =	vmul.f32 v55, v34;
	(xrf2) =	vadd.scan.msk.f32 $0xffff, v0;
	v0 =	vadd.f32 v23, v33  }
0x33c: {  	v29 =	vld.idx.msk [tilespmem:v10+s18+$0xFFFFFFF0 ss:$0x1], $0xffff;
	v21 =	vadd.f32 v30, v31;
	v49 =	vperm.xlane v19, v51;
	v19 =	vmul.f32 v60, v1  }
0x33d: {  	v25 =	vld.idx.msk [tilespmem:v7+s18+$0xFFFFFFF0 ss:$0x1], $0xffff;
	v32 =	vadd.f32 v62, v32;
	v60 =	vmul.f32 v26, v28;
	v28 =	vmul.f32 v56, v28  }
0x33e: {  	v11 =	vld.idx.msk [tilespmem:v7+s18+$0xFFFFFFE0 ss:$0x1], $0xffff;
	v23 =	vadd.f32 v24, v20;
	v20 =	vmul.f32 v0, v0;
	v43 =	vmul.f32 v21, v21  }
0x33f: {  	v37 =	vld.idx.msk [tilespmem:v10+s18+$0x0 ss:$0x1], $0xffff;
	v44 =	vmul.f32 v32, v32;
	v27 =	vmul.f32 v27, v49  }
0x340: {  	v61 =	vld.idx.msk [tilespmem:v7+s18+$0xFFFFFFD0 ss:$0x1], $0xffff;
	v30 =	vadd.f32 v9, v40;
	v22 =	vmul.f32 v22, v49;
	v39 =	vmul.f32 v50, v49  }
0x341: {  	v36 =	vmul.f32 v54, v49;
	v24 =	vadd.f32 v29, v60;
	v29 =	vadd.f32 v58, v41  }
0x342: {  	v34 =	vmul.f32 v30, v30;
	v47 =	vmul.f32 $2.755731880e-06, v43;
	v26 =	vadd.f32 v63, v27  }
0x343: {  	v63 =	vld.idx.msk [tilespmem:v10+s18+$0xFFFFFFD0 ss:$0x1], $0xffff;
	v25 =	vadd.f32 v25, v22;
	v27 =	vadd.f32 v11, v39;
	v39 =	vmul.f32 v23, v23  }
0x344: {  	v22 =	vadd.f32 v37, v57;
	v38 =	vmul.f32 v24, v24;
	v35 =	vmul.f32 v29, v29  }
0x345: {  	p1 =	sne.s32 s20, $0x1E00;
	v31 =	vadd.f32 v61, v36;
	v42 =	vmul.f32 v26, v26;
	v41 =	vmul.f32 v25, v25  }
.Ltmp10:
0x346: {  	v40 =	vmul.f32 v22, v22;
	v36 =	vmul.f32 v27, v27;
	(pc) =	sbr.rel @p1 .LBB2_18-.Ltmp10, $4  }
0x347: {  	v37 =	vmul.f32 v31, v31;
	v49 =	vmul.f32 $2.755731880e-06, v39;
	v0, _, _ =	vpop (xrf2)  }
0x348: {  	v50 =	vmul.f32 $2.755731880e-06, v42;
	v33 =	vadd.f32 v63, v28;
	v0 =	vadd.f32 $0.0e+00, v0  }
0x349: {  	v59 =	vlaneseq.u32;
	v48 =	vmul.f32 $2.755731880e-06, v40;
	v28 =	vmul.f32 $2.755731880e-06, v41  }
0x34a: {  	s20 =	sadd.s32 $0x200, s20;
	vm0 =	veq.s32 v16, v59;
	v16 =	vmovc v51;
	v45 =	vmul.f32 v33, v33;
	v46 =	vbroadcast v0, $0xF  }
0x34b: {  	v0 =	vmul.f32 $2.755731880e-06, v36;
	v7 =	vmul.f32 $2.755731880e-06, v38  }
0x34c: {  	v8 =	vmul.f32 $2.755731880e-06, v34;
	v9 =	vmul.f32 $2.755731880e-06, v35;
	v10 =	vadd.f32 $-1.984127010e-04, v50  }
0x34d: {  	v11 =	vmul.f32 $2.755731880e-06, v37;
	v12 =	vadd.f32 $-1.984127010e-04, v47;
	v13 =	vadd.f32 $-1.984127010e-04, v48  }
0x34e: {  	v14 =	vmul.f32 $2.755731880e-06, v44;
	v15 =	vadd.f32 $-1.984127010e-04, v49;
	v28 =	vadd.f32 $-1.984127010e-04, v28  }
0x34f: {  	v52 =	vmul.f32 $2.755731880e-06, v45;
	v0 =	vadd.f32 $-1.984127010e-04, v0;
	v7 =	vadd.f32 $-1.984127010e-04, v7  }
0x350: {  	v8 =	vadd.f32 $-1.984127010e-04, v8;
	v9 =	vadd.f32 $-1.984127010e-04, v9;
	v10 =	vmul.f32 v10, v42  }
0x351: {  	v11 =	vadd.f32 $-1.984127010e-04, v11;
	v12 =	vmul.f32 v12, v43;
	v13 =	vmul.f32 v13, v40  }
0x352: {  	v14 =	vadd.f32 $-1.984127010e-04, v14;
	v15 =	vmul.f32 v15, v39;
	v28 =	vmul.f32 v28, v41  }
0x353: {  	v47 =	vadd.f32 $-1.984127010e-04, v52;
	v0 =	vmul.f32 v0, v36;
	v7 =	vmul.f32 v7, v38  }
0x354: {  	v8 =	vmul.f32 v8, v34;
	v9 =	vmul.f32 v9, v35;
	v10 =	vadd.f32 $8.333332840e-03, v10  }
0x355: {  	v11 =	vmul.f32 v11, v37;
	v12 =	vadd.f32 $8.333332840e-03, v12;
	v13 =	vadd.f32 $8.333332840e-03, v13  }
0x356: {  	v14 =	vmul.f32 v14, v44;
	v15 =	vadd.f32 $8.333332840e-03, v15;
	v28 =	vadd.f32 $8.333332840e-03, v28  }
0x357: {  	v47 =	vmul.f32 v47, v45;
	v0 =	vadd.f32 $8.333332840e-03, v0;
	v7 =	vadd.f32 $8.333332840e-03, v7  }
0x358: {  	v8 =	vadd.f32 $8.333332840e-03, v8;
	v9 =	vadd.f32 $8.333332840e-03, v9;
	v10 =	vmul.f32 v10, v42  }
0x359: {  	v11 =	vadd.f32 $8.333332840e-03, v11;
	v12 =	vmul.f32 v12, v43;
	v13 =	vmul.f32 v13, v40  }
0x35a: {  	v14 =	vadd.f32 $8.333332840e-03, v14;
	v15 =	vmul.f32 v15, v39;
	v28 =	vmul.f32 v28, v41  }
0x35b: {  	v47 =	vadd.f32 $8.333332840e-03, v47;
	v0 =	vmul.f32 v0, v36;
	v7 =	vmul.f32 v7, v38  }
0x35c: {  	v8 =	vmul.f32 v8, v34;
	v9 =	vmul.f32 v9, v35;
	v10 =	vadd.f32 $-1.666666720e-01, v10  }
0x35d: {  	v11 =	vmul.f32 v11, v37;
	v12 =	vadd.f32 $-1.666666720e-01, v12;
	v13 =	vadd.f32 $-1.666666720e-01, v13  }
0x35e: {  	v14 =	vmul.f32 v14, v44;
	v15 =	vadd.f32 $-1.666666720e-01, v15;
	v28 =	vadd.f32 $-1.666666720e-01, v28  }
0x35f: {  	v47 =	vmul.f32 v47, v45;
	v0 =	vadd.f32 $-1.666666720e-01, v0;
	v7 =	vadd.f32 $-1.666666720e-01, v7  }
0x360: {  	v14 =	vadd.f32 $-1.666666720e-01, v14;
	v12 =	vmul.f32 v12, v43;
	v10 =	vmul.f32 v10, v42  }
0x361: {  	v28 =	vmul.f32 v28, v41;
	v13 =	vmul.f32 v13, v40;
	v53 =	vadd.f32 $-1.666666720e-01, v47  }
0x362: {  	v54 =	vld.idx.msk [tilespmem:v6+s18+$0xFFFFFFD0 ss:$0x1], $0xffff;
	v11 =	vadd.f32 $-1.666666720e-01, v11;
	v15 =	vmul.f32 v15, v39;
	v7 =	vmul.f32 v7, v38  }
0x363: {  	v56 =	vld.idx.msk [tilespmem:v5+s18+$0xFFFFFFD0 ss:$0x1], $0xffff;
	v8 =	vadd.f32 $-1.666666720e-01, v8;
	v14 =	vmul.f32 v14, v44;
	v55 =	vmul.f32 v53, v45  }
0x364: {  	v57 =	vld.idx.msk [tilespmem:v6+s18+$0x0 ss:$0x1], $0xffff;
	v9 =	vadd.f32 $-1.666666720e-01, v9;
	v11 =	vmul.f32 v11, v37;
	v0 =	vmul.f32 v0, v36  }
0x365: {  	v60 =	vld.idx.msk [tilespmem:v4+s18+$0xFFFFFFD0 ss:$0x1], $0xffff;
	v8 =	vmul.f32 v8, v34;
	v14 =	vadd.f32 $1.000000000e+00, v14;
	v58 =	vadd.f32 $1.000000000e+00, v55  }
0x366: {  	v61 =	vld.idx.msk [tilespmem:v6+s18+$0xFFFFFFE0 ss:$0x1], $0xffff;
	v9 =	vmul.f32 v9, v35;
	v10 =	vadd.f32 $1.000000000e+00, v10;
	v11 =	vadd.f32 $1.000000000e+00, v11  }
0x367: {  	v63 =	vld.idx.msk [tilespmem:v5+s18+$0xFFFFFFE0 ss:$0x1], $0xffff;
	v28 =	vadd.f32 $1.000000000e+00, v28;
	v14 =	vmul.f32 v14, v32;
	v62 =	vmul.f32 v58, v33  }
0x368: {  	v48 =	vld.idx.msk [tilespmem:v2+s18+$0xFFFFFFE0 ss:$0x1], $0xffff;
	v15 =	vadd.f32 $1.000000000e+00, v15;
	v8 =	vadd.f32 $1.000000000e+00, v8;
	v11 =	vmul.f32 v11, v31  }
0x369: {  	v41 =	vld.idx.msk [tilespmem:v4+s18+$0xFFFFFFE0 ss:$0x1], $0xffff;
	v9 =	vadd.f32 $1.000000000e+00, v9;
	v14 =	vmul.f32 v14, v54;
	v39 =	vmul.f32 v62, v56  }
0x36a: {  	v42 =	vld.idx.msk [tilespmem:v5+s18+$0xFFFFFFF0 ss:$0x1], $0xffff;
	v0 =	vadd.f32 $1.000000000e+00, v0;
	v10 =	vmul.f32 v10, v26;
	v8 =	vmul.f32 v8, v30  }
0x36b: {  	v37 =	vld.idx.msk [tilespmem:v6+s18+$0xFFFFFFF0 ss:$0x1], $0xffff;
	v9 =	vmul.f32 v9, v29;
	v11 =	vmul.f32 v11, v60;
	v14 =	vadd.f32 v39, v14  }
0x36c: {  	v43 =	vld.idx.msk [tilespmem:v2+s18+$0xFFFFFFD0 ss:$0x1], $0xffff;
	v7 =	vadd.f32 $1.000000000e+00, v7;
	v25 =	vmul.f32 v28, v25;
	v0 =	vmul.f32 v0, v27  }
0x36d: {  	v44 =	vld.idx.msk [tilespmem:v4+s18+$0xFFFFFFF0 ss:$0x1], $0xffff;
	v8 =	vmul.f32 v8, v61;
	v9 =	vmul.f32 v9, v63;
	v11 =	vadd.f32 v11, v14  }
0x36e: {  	v12 =	vadd.f32 $1.000000000e+00, v12;
	v45 =	vld.idx.msk [tilespmem:v2+s18+$0xFFFFFFA0 ss:$0x1], $0xffff;
	v15 =	vmul.f32 v15, v23;
	v7 =	vmul.f32 v7, v24  }
0x36f: {  	v47 =	vld.idx.msk [tilespmem:v5+s18+$0x0 ss:$0x1], $0xffff;
	v0 =	vmul.f32 v0, v41;
	v8 =	vadd.f32 v9, v8;
	v11 =	vmul.f32 v11, v1  }
0x370: {  	v49 =	vld.idx.msk [tilespmem:v4+s18+$0x0 ss:$0x1], $0xffff;
	v13 =	vadd.f32 $1.000000000e+00, v13;
	v6 =	vmul.f32 v15, v37;
	v7 =	vmul.f32 v7, v42  }
0x371: {  	v40 =	vld.idx.msk [tilespmem:v2+s18+$0xFFFFFFB0 ss:$0x1], $0xffff;
	v50 =	vmul.f32 v12, v21;
	v0 =	vadd.f32 v0, v8;
	v11 =	vadd.f32 v11, v43  }
0x372: {  	v52 =	vmul.f32 v13, v22;
	v51 =	vmul.f32 v25, v44;
	v6 =	vadd.f32 v7, v6  }
0x373: {  	v3 =	vld.idx.msk [tilespmem:v3+s18+$0x10 ss:$0x1], $0xffff;
	v53 =	vadd.f32 v19, v45;
	v0 =	vmul.f32 v0, v1;
	v11 =	vmul.f32 v11, v11  }
0x374: {  	v55 =	vmul.f32 v50, v57;
	v5 =	vmul.f32 v52, v47;
	v54 =	vld.idx.msk [tilespmem:v2+s18+$0xFFFFFFF0 ss:$0x1], $0xffff;
	v6 =	vadd.f32 v51, v6  }
0x375: {  	v57 =	vmul.f32 v53, v53;
	v0 =	vadd.f32 v0, v48;
	v11 =	vadd.f32 v11, v20  }
0x376: {  	v4 =	vmul.f32 v10, v49;
	v58 =	vadd.f32 v18, v40;
	v5 =	vadd.f32 v5, v55;
	v56 =	vld.idx.msk [tilespmem:v2+s18+$0xFFFFFFC0 ss:$0x1], $0xffff  }
0x377: {  	v6 =	vmul.f32 v6, v1;
	v0 =	vmul.f32 v0, v0;
	v60 =	vadd.f32 v11, v57  }
0x378: {  	v3 =	vmul.f32 v3, v1;
	v2 =	vld.idx.msk [tilespmem:v2+s18+$0x0 ss:$0x1], $0xffff;
	v4 =	vadd.f32 v4, v5  }
0x379: {  	v61 =	vmul.f32 v58, v58;
	v6 =	vadd.f32 v6, v54;
	v0 =	vadd.f32 v0, v60  }
0x37a: {  	v4 =	vmul.f32 v4, v1  }
0x37b: {  	v3 =	vadd.f32 v3, v56;
	v62 =	vmul.f32 v6, v6;
	v0 =	vadd.f32 v0, v61;
	_ =	sdelay $0x1  }
0x37c: {  	v2 =	vadd.f32 v4, v2;
	v3 =	vmul.f32 v3, v3;
	v0 =	vadd.f32 v62, v0;
	_ =	sdelay $0x1  }
0x37d: {  	v2 =	vmul.f32 v2, v2;
	v0 =	vadd.f32 v0, v3;
	_ =	sdelay $0x1  }
0x37e: {  	v0 =	vadd.f32 v2, v0;
	_ =	sdelay $0x1  }
0x37f: {  	(xrf2) =	vadd.scan.msk.f32 $0xffff, v0;
	_ =	sdelay $0x9  }
0x380: {  	v0, _, _ =	vpop (xrf2)  }
0x381: {  	v0 =	vadd.f32 $0.0e+00, v0;
	_ =	sdelay $0x1  }
0x382: {  	v0 =	vbroadcast v0, $0xF  }
0x383: {  	vm15 =	veq.s32 v16, v59;
	v2 =	vsel vm0, v46, v17  }
0x384: {  	v0 =	vsel vm15, v0, v2  }
0x385: {  	v2 =	vshrl.u32 v0, $0x1;
	v3 =	vmul.f32 $5.000000000e-01, v0  }
0x386: {  	v2 =	vsub.s32 $0x5F3759DF, v2  }
0x387: {  	v63 =	vmul.f32 v2, v3;
	_ =	sdelay $0x1  }
0x388: {  	v4 =	vmul.f32 v2, v63;
	_ =	sdelay $0x1  }
0x389: {  	v4 =	vsub.f32 $1.500000000e+00, v4;
	_ =	sdelay $0x1  }
0x38a: {  	v2 =	vmul.f32 v2, v4;
	_ =	sdelay $0x1  }
0x38b: {  	v4 =	vmul.f32 v2, v3;
	_ =	sdelay $0x1  }
0x38c: {  	v4 =	vmul.f32 v4, v2;
	_ =	sdelay $0x1  }
0x38d: {  	v4 =	vsub.f32 $1.500000000e+00, v4;
	_ =	sdelay $0x1  }
0x38e: {  	v2 =	vmul.f32 v4, v2;
	_ =	sdelay $0x1  }
0x38f: {  	v3 =	vmul.f32 v2, v3;
	_ =	sdelay $0x1  }
0x390: {  	v3 =	vmul.f32 v3, v2;
	_ =	sdelay $0x1  }
0x391: {  	v3 =	vsub.f32 $1.500000000e+00, v3;
	_ =	sdelay $0x1  }
0x392: {  	v2 =	vmul.f32 v3, v2;
	_ =	sdelay $0x1  }
.Ltmp11:
0x393: {  	v0 =	vmul.f32 v2, v0;
	(pc) =	sbr.rel @p0 .LBB2_17-.Ltmp11, $3  }
0x394: {  	_ = 	snop  }
0x395: {  	v0 =	vsub.f32 $0.0e+00, v0;
	_ =	sdelay $0x1  }
0x396: {  	p1 =	por $0x0, $0x0;
	[tilespmem:s17+$0x880] =	vst v0;
	s17 =	simm.s32 $0x10  }
0x397: {  	s28 =	sadd.s32 $0x1, s28  }
0x398: {  	p0 =	sne.s32 s28, $0x8  }
.Ltmp12:
0x399: {  	_ = 	snop;
	(pc) =	sbr.rel @p0 .LBB2_4-.Ltmp12, $4  }
.Ltmp13:
0x39a: {  	_ = 	snop;
	(pc) =	sbr.rel @!p0 .LBB2_21-.Ltmp13, $4  }
0x39b: {  	_ = 	snop  }
0x39c: {  	_ = 	snop  }
0x39d: {  	_ = 	snop  }
0x39e: {  	_ = 	snop  }
.LBB2_5:
.Ltmp14:
0x39f: {  	(pc) =	sbr.rel .LBB2_8-.Ltmp14, $2  }
0x3a0: {  	_ =	sdelay $0x2  }
0x3a1: {  	s18 =	simm.s32 $0x0;
	s17 =	simm.s32 $0x0  }
.LBB2_22:
0x3a2: {  	_ =	sfence.sel $0x180000  }
0x3a3: {  	[bflag:$0x0] =	sbarrier.arrive $0xFFFF  }
0x3a4: {  	_ =	strace $0x9000004A  }
0x3a5: {  	s0 =	stileid.u32;
	[bflag:$0x2] =	sbarrier.arrive $0xFFFF  }
0x3a6: {  	p0 =	sne.s32 s0, $0x0;
	s0 =	rddreg [dreg:$0x7]  }
0x3a7: {  	s0 =	sadd.s32 @!p0 $0x100000, s0  }
0x3a8: {  	[sflag:s0] =	ssyncadd.tile.s32 @!p0 $0x1;
	_ =	shalt  }
.Lfunc_end2:
_tile_overlayer_lowered:
.L_overlay_start_2:
0x3a9: {  	(tag) =	ssettag $0x2  }
0x3aa: {  	s0 =	rddreg [dreg:$0x0];
	s2 =	stileid.u32  }
0x3ab: {  	s1 =	rddreg [dreg:$0x1];
	p0 =	sne.s32 s2, $0x0  }
0x3ac: {  	s3 =	rddreg [dreg:$0x2];
	[bflag:$0x3] =	sbarrier.arrive $0xFFFF;
	s2 =	simm.s32 @!p0 $0x1C05  }
0x3ad: {  	[timem:s3], [sflag:s2] =	dma.local @!p0 [hbm:s0], s1  }
0x3ae: {  	s0 =	simm.s32 @!p0 $0x5  }
0x3af: {  	_ =	swait.ge @!p0 [sflag:s0], s1  }
0x3b0: {  	s1 =	ssub.s32 @!p0 $0x0, s1;
	[sflag:s0] =	ssyncset.done @!p0 $0x0  }
0x3b1: {  	[sflag:s0] =	ssyncadd.s32 @!p0 s1  }
0x3b2: {  	[bflag:$0x3] =	sbarrier.arrive $0xFFFF  }
0x3b3: {  	_ =	shalt  }

</sc_bundles>
